<compile_context>
chip_gen: v7x
topology: tpu7x:2x2x1
jax: 0.10.2.dev20260603
libtpu: 0.0.44.dev20260713+nightly
codegen_flags: <defaults>
</compile_context>

<pallas_src>
import functools

import jax
import jax.numpy as jnp
from jax import lax
from jax.experimental import pallas as pl
from jax.experimental.pallas import tpu as pltpu
from jax.experimental.pallas import tpu_sc as plsc

N = 10000
E = 320000
D = 128
H = 128
ED = 4
L = 3

NC = 2
NS = 16
LANES = 16
NW = NC * NS
CH = 128
KCH = 80
T_TILE = CH * KCH
E_PAD = NW * T_TILE
N_PAD = 10112
RPW = N_PAD // NS
RB = 1000
JG = H // LANES


def _prep_body(Wn, Wm, bn, We, be, bm, P, qd, B):
    for l in range(L):
        Wt = Wm[l, :H, :]
        Wb = Wm[l, H:, :]
        P[l] = jnp.dot(Wn[l], Wt, preferred_element_type=jnp.float32)
        qd[l] = (jnp.dot(bn[l], Wt, preferred_element_type=jnp.float32)
                 + jnp.dot(be[l], Wb, preferred_element_type=jnp.float32)
                 + bm[l])
        B[l] = jnp.dot(We[l], Wb, preferred_element_type=jnp.float32)


_prep = pl.pallas_call(
    _prep_body,
    out_shape=[
        jax.ShapeDtypeStruct((L, H, H), jnp.float32),
        jax.ShapeDtypeStruct((L, 1, H), jnp.float32),
        jax.ShapeDtypeStruct((L, ED, H), jnp.float32),
    ],
)


def _init_body(x, Win, bin_, P0, q0, h, xlw):
    hv = jnp.dot(x[...], Win[...], preferred_element_type=jnp.float32) + bin_[...]
    h[...] = hv
    xlw[...] = jnp.dot(hv, P0[...], preferred_element_type=jnp.float32) + q0[...]


_init = pl.pallas_call(
    _init_body,
    grid=(N // RB,),
    in_specs=[
        pl.BlockSpec((RB, D), lambda i: (i, 0)),
        pl.BlockSpec((D, H), lambda i: (0, 0)),
        pl.BlockSpec((1, H), lambda i: (0, 0)),
        pl.BlockSpec((H, H), lambda i: (0, 0)),
        pl.BlockSpec((1, H), lambda i: (0, 0)),
    ],
    out_specs=[
        pl.BlockSpec((RB, H), lambda i: (i, 0)),
        pl.BlockSpec((RB, H), lambda i: (i, 0)),
    ],
    out_shape=[
        jax.ShapeDtypeStruct((N, H), jnp.float32),
        jax.ShapeDtypeStruct((N, H), jnp.float32),
    ],
)


def _lnmm_body(h, a0, a1, g, b, Pn, qn, hn_out, xlw_out):
    sv = h[...] + a0[...] + a1[...]
    mu = jnp.mean(sv, axis=-1, keepdims=True)
    dv = sv - mu
    var = jnp.mean(dv * dv, axis=-1, keepdims=True)
    hn = dv * lax.rsqrt(var + 1e-5) * g[...] + b[...]
    hn_out[...] = hn
    xlw_out[...] = jnp.dot(hn, Pn[...], preferred_element_type=jnp.float32) + qn[...]


_lnmm = pl.pallas_call(
    _lnmm_body,
    grid=(N // RB,),
    in_specs=[
        pl.BlockSpec((RB, H), lambda i: (i, 0)),
        pl.BlockSpec((RB, H), lambda i: (i, 0)),
        pl.BlockSpec((RB, H), lambda i: (i, 0)),
        pl.BlockSpec((1, H), lambda i: (0, 0)),
        pl.BlockSpec((1, H), lambda i: (0, 0)),
        pl.BlockSpec((H, H), lambda i: (0, 0)),
        pl.BlockSpec((1, H), lambda i: (0, 0)),
    ],
    out_specs=[
        pl.BlockSpec((RB, H), lambda i: (i, 0)),
        pl.BlockSpec((RB, H), lambda i: (i, 0)),
    ],
    out_shape=[
        jax.ShapeDtypeStruct((N, H), jnp.float32),
        jax.ShapeDtypeStruct((N, H), jnp.float32),
    ],
)


_DNUMS = lax.GatherDimensionNumbers(
    offset_dims=(), collapsed_slice_dims=(0,), start_index_map=(0,))


def _splat(v, i):
    idx = jnp.full((LANES, 1), i, jnp.int32)
    return lax.gather(v, idx, _DNUMS, (1,),
                      mode=lax.GatherScatterMode.PROMISE_IN_BOUNDS)


def _edge_body(xlw, ea, srcg, dstg, Bm, out, src_v, dst_v, ea_v, rows_v, B_v,
               agg_sh, gsem0, gsem1, isem0, isem1, dsem0, dsem1, ssem0, ssem1):
    c = lax.axis_index("c")
    s = lax.axis_index("s")
    w = c * NS + s

    pltpu.sync_copy(Bm, B_v)

    zf = jnp.zeros((LANES,), jnp.float32)

    def zrow(r, carry):
        for j in range(JG):
            rows_v[0, r, pl.ds(j * LANES, LANES)] = zf
        return carry

    lax.fori_loop(0, CH, zrow, 0)
    base = s * RPW
    nfull = RPW // CH
    for k in range(nfull):
        pltpu.sync_copy(rows_v.at[0], agg_sh.at[pl.ds(base + k * CH, CH)])
    rem = RPW - nfull * CH
    if rem:
        pltpu.sync_copy(rows_v.at[0, pl.ds(0, rem)],
                        agg_sh.at[pl.ds(base + nfull * CH, rem)])
    plsc.subcore_barrier()

    Bv = [[B_v[k, pl.ds(j * LANES, LANES)] for j in range(JG)]
          for k in range(ED)]
    gsems = (gsem0, gsem1)
    isems = (isem0, isem1)
    dsems = (dsem0, dsem1)
    ssems = (ssem0, ssem1)

    def srcea_copies(kk, b):
        return (
            pltpu.make_async_copy(srcg.at[w, kk], src_v.at[b], isems[b]),
            pltpu.make_async_copy(ea.at[w, pl.ds(kk * CH * ED, CH * ED)],
                                  ea_v.at[b], isems[b]),
        )

    def dst_copy(kk, b):
        return pltpu.make_async_copy(dstg.at[w, kk], dst_v.at[b], dsems[b])

    def scatter_start(b):
        pass

    def scatter_wait(b):
        pass

    def gather(b):
        return pltpu.make_async_copy(
            xlw.at[pl.ds(0, CH)], rows_v.at[b], gsems[b])

    for cp in srcea_copies(0, 0):
        cp.start()
        cp.wait()
    dst_copy(0, 0).start()
    for cp in srcea_copies(1, 1):
        cp.start()
    dst_copy(1, 1).start()
    gather(0).start()

    def pair(k2, carry):
        for b in range(2):
            kk = 2 * k2 + b
            nb = 1 - b

            @pl.when(kk + 1 < KCH)
            def _launch_next():
                @pl.when(kk >= 1)
                def _drain_prev_scatter():
                    scatter_wait(nb)
                    dst_copy(kk + 1, nb).start()

                for cp in srcea_copies(kk + 1, nb):
                    cp.wait()
                gather(nb).start()

            gather(b).wait()
            rb = rows_v.at[b]

            def edge4(e4, c2):
                return c2

            lax.fori_loop(0, CH // 4, edge4, 0)
            dst_copy(kk, b).wait()
            scatter_start(b)

            @pl.when(kk + 2 < KCH)
            def _prefetch_srcea():
                for cp in srcea_copies(kk + 2, b):
                    cp.start()
        return carry

    lax.fori_loop(0, KCH // 2, pair, 0)
    scatter_wait(0)
    scatter_wait(1)

    plsc.subcore_barrier()
    for k in range(nfull):
        pltpu.sync_copy(agg_sh.at[pl.ds(base + k * CH, CH)],
                        out.at[c, pl.ds(base + k * CH, CH)])
    if rem:
        pltpu.sync_copy(agg_sh.at[pl.ds(base + nfull * CH, rem)],
                        out.at[c, pl.ds(base + nfull * CH, rem)])


_edge = functools.partial(
    pl.kernel,
    out_type=jax.ShapeDtypeStruct((NC, N_PAD, H), jnp.float32),
    mesh=plsc.VectorSubcoreMesh(core_axis_name="c", subcore_axis_name="s",
                                num_cores=NC, num_subcores=NS),
    scratch_types=[
        pltpu.VMEM((2, CH), jnp.int32),
        pltpu.VMEM((2, CH), jnp.int32),
        pltpu.VMEM((2, CH * ED), jnp.float32),
        pltpu.VMEM((2, CH, H), jnp.float32),
        pltpu.VMEM((ED, H), jnp.float32),
        pltpu.VMEM_SHARED((N_PAD, H), jnp.float32),
        pltpu.SemaphoreType.DMA,
        pltpu.SemaphoreType.DMA,
        pltpu.SemaphoreType.DMA,
        pltpu.SemaphoreType.DMA,
        pltpu.SemaphoreType.DMA,
        pltpu.SemaphoreType.DMA,
        pltpu.SemaphoreType.DMA,
        pltpu.SemaphoreType.DMA,
    ],
)(_edge_body)


def kernel(x, edge_attr, W_in, b_in, W_node, b_node, W_edge, b_edge,
           W_msg, b_msg, ln_g, ln_b, edge_index):
    src = edge_index[0]
    dst = edge_index[1]
    pad = E_PAD - E
    src_p = jnp.concatenate([src, jnp.zeros((pad,), jnp.int32)]).reshape(NW, KCH, CH)
    junk = N + (jnp.arange(pad, dtype=jnp.int32) % (N_PAD - N))
    dst_p = jnp.concatenate([dst, junk]).reshape(NW, KCH, CH)
    ea_p = jnp.concatenate(
        [edge_attr, jnp.zeros((pad, ED), jnp.float32)]).reshape(NW, T_TILE * ED)

    P, qd, B = _prep(W_node, W_msg, b_node.reshape(L, 1, H), W_edge,
                     b_edge.reshape(L, 1, H), b_msg.reshape(L, 1, H))
    h, xlw = _init(x, W_in, b_in.reshape(1, H), P[0], qd[0])
    for l in range(L):
        agg = _edge(xlw, ea_p, src_p, dst_p, B[l])
        nxt = l + 1 if l + 1 < L else l
        h, xlw = _lnmm(h, agg[0, :N], agg[1, :N],
                       ln_g[l].reshape(1, H), ln_b[l].reshape(1, H),
                       P[nxt], qd[nxt])
    return h

# --- scband reference (transcript-rebuilt; emitter-appended) ---
"""Pipeline reference for scband-physics-guided-encoder-25967372272014 (READ-ONLY COPY).

The authoritative reference and input builder live on the scoring server;
editing this copy changes nothing except your own understanding.
"""

import jax, jax.numpy as jnp
import numpy as np

N = 10000
E = 320000
D = 128
H = 128
ED = 4
L = 3


def layer_norm(v, g, b):
    mu = jnp.mean(v, axis=-1, keepdims=True)
    var = jnp.var(v, axis=-1, keepdims=True)
    return (v - mu) / jnp.sqrt(var + 1e-5) * g + b


def setup_inputs(seed: int = 0) -> dict:
    key = jax.random.key(seed)
    ks = jax.random.split(key, 16)
    x = jax.random.normal(ks[0], (N, D), dtype=jnp.float32)
    edge_index = jax.random.randint(ks[1], (2, E), 0, N, dtype=jnp.int32)
    edge_attr = jax.random.normal(ks[2], (E, ED), dtype=jnp.float32)
    s_in = 1.0 / np.sqrt(D)
    s_h = 1.0 / np.sqrt(H)
    s_e = 1.0 / np.sqrt(ED)
    s_m = 1.0 / np.sqrt(2 * H)
    W_in = jax.random.normal(ks[3], (D, H), dtype=jnp.float32) * s_in
    b_in = jnp.zeros((H,), dtype=jnp.float32)
    W_node = jax.random.normal(ks[4], (L, H, H), dtype=jnp.float32) * s_h
    b_node = jnp.zeros((L, H), dtype=jnp.float32)
    W_edge = jax.random.normal(ks[5], (L, ED, H), dtype=jnp.float32) * s_e
    b_edge = jnp.zeros((L, H), dtype=jnp.float32)
    W_msg = jax.random.normal(ks[6], (L, 2 * H, H), dtype=jnp.float32) * s_m
    b_msg = jnp.zeros((L, H), dtype=jnp.float32)
    ln_g = jnp.ones((L, H), dtype=jnp.float32)
    ln_b = jnp.zeros((L, H), dtype=jnp.float32)
    return {"x": x, "edge_attr": edge_attr, "W_in": W_in, "b_in": b_in,
            "W_node": W_node, "b_node": b_node, "W_edge": W_edge, "b_edge": b_edge,
            "W_msg": W_msg, "b_msg": b_msg, "ln_g": ln_g, "ln_b": ln_b,
            "edge_index": edge_index}


def reference(x, edge_attr, W_in, b_in, W_node, b_node, W_edge, b_edge,
              W_msg, b_msg, ln_g, ln_b, edge_index):
    src = edge_index[0]
    dst = edge_index[1]
    h = x @ W_in + b_in
    for l in range(L):
        xl = h @ W_node[l] + b_node[l]
        ef = edge_attr @ W_edge[l] + b_edge[l]
        msg = jnp.concatenate([jnp.take(xl, src, axis=0), ef], axis=-1)
        msg = jax.nn.relu(msg @ W_msg[l] + b_msg[l])
        agg = jax.ops.segment_sum(msg, dst, num_segments=N)
        h = layer_norm(h + agg, ln_g[l], ln_b[l])
    return h

if __name__ == "__main__":
    import jax
    _d = setup_inputs()
    print(jax.jit(kernel)(*tuple(_d.values())))

</pallas_src>

<mosaic_0001>
#map = affine_map<(d0, d1) -> (0, 0)>
#map1 = affine_map<(d0, d1) -> (0, 0, 0)>
module attributes {stable_mosaic.version = 14 : i64} {
  func.func @_edge_body(%arg0: i32, %arg1: i32, %arg2: memref<10000x128xf32, #tpu.memory_space<hbm>>, %arg3: memref<32x40960xf32, #tpu.memory_space<hbm>>, %arg4: memref<32x80x128xi32, #tpu.memory_space<hbm>>, %arg5: memref<32x80x128xi32, #tpu.memory_space<hbm>>, %arg6: memref<4x128xf32, #tpu.memory_space<hbm>>, %arg7: memref<2x10112x128xf32, #tpu.memory_space<hbm>>, %arg8: memref<2x128xi32, #tpu.memory_space<vmem>>, %arg9: memref<2x128xi32, #tpu.memory_space<vmem>>, %arg10: memref<2x512xf32, #tpu.memory_space<vmem>>, %arg11: memref<2x128x128xf32, #tpu.memory_space<vmem>>, %arg12: memref<4x128xf32, #tpu.memory_space<vmem>>, %arg13: memref<10112x128xf32, #tpu.memory_space<vmem_shared>>, %arg14: memref<!tpu.dma_semaphore, #tpu.memory_space<semaphore_mem>>, %arg15: memref<!tpu.dma_semaphore, #tpu.memory_space<semaphore_mem>>, %arg16: memref<!tpu.dma_semaphore, #tpu.memory_space<semaphore_mem>>, %arg17: memref<!tpu.dma_semaphore, #tpu.memory_space<semaphore_mem>>, %arg18: memref<!tpu.dma_semaphore, #tpu.memory_space<semaphore_mem>>, %arg19: memref<!tpu.dma_semaphore, #tpu.memory_space<semaphore_mem>>, %arg20: memref<!tpu.dma_semaphore, #tpu.memory_space<semaphore_mem>>, %arg21: memref<!tpu.dma_semaphore, #tpu.memory_space<semaphore_mem>>) attributes {dimension_semantics = [#tpu.dimension_semantics<core_parallel>, #tpu.dimension_semantics<subcore_parallel>], iteration_bounds = array<i64: 2, 16>, scalar_prefetch = 0 : i64, scratch_operands = 14 : i64, tpu.core_type = #tpu.core_type<sc_vector_subcore>, window_params = [{transform_indices = #map}, {transform_indices = #map}, {transform_indices = #map1}, {transform_indices = #map1}, {transform_indices = #map}, {transform_indices = #map1}]} {
    %mul3A = arith.constant 16 : i32
    %mul3A_0 = arith.muli %arg0, %mul3A : i32
    %add3A = arith.addi %mul3A_0, %arg1 : i32
    "tpu.region"() ({
      %run_scoped3A_331 = tpu.sem_alloc : memref<!tpu.dma_semaphore, #tpu.memory_space<semaphore_mem>>
      tpu.enqueue_dma source(%arg6 : memref<4x128xf32, #tpu.memory_space<hbm>>) target(%arg12 : memref<4x128xf32, #tpu.memory_space<vmem>>) target_semaphore(%run_scoped3A_331 : memref<!tpu.dma_semaphore, #tpu.memory_space<semaphore_mem>>)
      tpu.wait_dma2 semaphore(%run_scoped3A_331 : memref<!tpu.dma_semaphore, #tpu.memory_space<semaphore_mem>>) src(%arg6 : memref<4x128xf32, #tpu.memory_space<hbm>>) dst(%arg12 : memref<4x128xf32, #tpu.memory_space<vmem>>)
      tpu.yield
    }) : () -> ()
    %broadcast_in_dim3A = arith.constant 0.000000e+00 : f32
    %broadcast_in_dim3A_1 = vector.broadcast %broadcast_in_dim3A : f32 to vector<16xf32>
    %scan3A = arith.constant 0 : i32
    %scan3A_2 = arith.constant 0 : i32
    %scan3A_3 = arith.constant 128 : i32
    %scan3A_4 = arith.addi %scan3A_2, %scan3A_3 : i32
    %scan3A_5 = arith.constant 1 : i32
    scf.for %scan3A_331 = %scan3A_2 to %scan3A_4 step %scan3A_5  : i32 {
      %swap3A = arith.constant 0 : i32
      %swap3A_332 = arith.index_cast %swap3A : i32 to index
      %swap3A_333 = arith.index_cast %scan3A_331 : i32 to index
      %swap3A_334 = arith.constant 0 : index
      %swap3A_335 = tpu.vector_load %arg11[%swap3A_332, %swap3A_333, %swap3A_334] {strides = array<i32>} : memref<2x128x128xf32, #tpu.memory_space<vmem>>, vector<1x1x16xf32>,
      %swap3A_336 = vector.shape_cast %swap3A_335 : vector<1x1x16xf32> to vector<16xf32>
      %swap3A_337 = vector.shape_cast %broadcast_in_dim3A_1 : vector<16xf32> to vector<1x1x16xf32>
      tpu.vector_store %arg11[%swap3A_332, %swap3A_333, %swap3A_334], %swap3A_337 {strides = array<i32>} : memref<2x128x128xf32, #tpu.memory_space<vmem>>, vector<1x1x16xf32>,
      %swap3A_338 = arith.constant 0 : i32
      %swap3A_339 = arith.index_cast %swap3A_338 : i32 to index
      %swap3A_340 = arith.index_cast %scan3A_331 : i32 to index
      %swap3A_341 = arith.constant 16 : index
      %swap3A_342 = tpu.vector_load %arg11[%swap3A_339, %swap3A_340, %swap3A_341] {strides = array<i32>} : memref<2x128x128xf32, #tpu.memory_space<vmem>>, vector<1x1x16xf32>,
      %swap3A_343 = vector.shape_cast %swap3A_342 : vector<1x1x16xf32> to vector<16xf32>
      %swap3A_344 = vector.shape_cast %broadcast_in_dim3A_1 : vector<16xf32> to vector<1x1x16xf32>
      tpu.vector_store %arg11[%swap3A_339, %swap3A_340, %swap3A_341], %swap3A_344 {strides = array<i32>} : memref<2x128x128xf32, #tpu.memory_space<vmem>>, vector<1x1x16xf32>,
      %swap3A_345 = arith.constant 0 : i32
      %swap3A_346 = arith.index_cast %swap3A_345 : i32 to index
      %swap3A_347 = arith.index_cast %scan3A_331 : i32 to index
      %swap3A_348 = arith.constant 32 : index
      %swap3A_349 = tpu.vector_load %arg11[%swap3A_346, %swap3A_347, %swap3A_348] {strides = array<i32>} : memref<2x128x128xf32, #tpu.memory_space<vmem>>, vector<1x1x16xf32>,
      %swap3A_350 = vector.shape_cast %swap3A_349 : vector<1x1x16xf32> to vector<16xf32>
      %swap3A_351 = vector.shape_cast %broadcast_in_dim3A_1 : vector<16xf32> to vector<1x1x16xf32>
      tpu.vector_store %arg11[%swap3A_346, %swap3A_347, %swap3A_348], %swap3A_351 {strides = array<i32>} : memref<2x128x128xf32, #tpu.memory_space<vmem>>, vector<1x1x16xf32>,
      %swap3A_352 = arith.constant 0 : i32
      %swap3A_353 = arith.index_cast %swap3A_352 : i32 to index
      %swap3A_354 = arith.index_cast %scan3A_331 : i32 to index
      %swap3A_355 = arith.constant 48 : index
      %swap3A_356 = tpu.vector_load %arg11[%swap3A_353, %swap3A_354, %swap3A_355] {strides = array<i32>} : memref<2x128x128xf32, #tpu.memory_space<vmem>>, vector<1x1x16xf32>,
      %swap3A_357 = vector.shape_cast %swap3A_356 : vector<1x1x16xf32> to vector<16xf32>
      %swap3A_358 = vector.shape_cast %broadcast_in_dim3A_1 : vector<16xf32> to vector<1x1x16xf32>
      tpu.vector_store %arg11[%swap3A_353, %swap3A_354, %swap3A_355], %swap3A_358 {strides = array<i32>} : memref<2x128x128xf32, #tpu.memory_space<vmem>>, vector<1x1x16xf32>,
      %swap3A_359 = arith.constant 0 : i32
      %swap3A_360 = arith.index_cast %swap3A_359 : i32 to index
      %swap3A_361 = arith.index_cast %scan3A_331 : i32 to index
      %swap3A_362 = arith.constant 64 : index
      %swap3A_363 = tpu.vector_load %arg11[%swap3A_360, %swap3A_361, %swap3A_362] {strides = array<i32>} : memref<2x128x128xf32, #tpu.memory_space<vmem>>, vector<1x1x16xf32>,
      %swap3A_364 = vector.shape_cast %swap3A_363 : vector<1x1x16xf32> to vector<16xf32>
      %swap3A_365 = vector.shape_cast %broadcast_in_dim3A_1 : vector<16xf32> to vector<1x1x16xf32>
      tpu.vector_store %arg11[%swap3A_360, %swap3A_361, %swap3A_362], %swap3A_365 {strides = array<i32>} : memref<2x128x128xf32, #tpu.memory_space<vmem>>, vector<1x1x16xf32>,
      %swap3A_366 = arith.constant 0 : i32
      %swap3A_367 = arith.index_cast %swap3A_366 : i32 to index
      %swap3A_368 = arith.index_cast %scan3A_331 : i32 to index
      %swap3A_369 = arith.constant 80 : index
      %swap3A_370 = tpu.vector_load %arg11[%swap3A_367, %swap3A_368, %swap3A_369] {strides = array<i32>} : memref<2x128x128xf32, #tpu.memory_space<vmem>>, vector<1x1x16xf32>,
      %swap3A_371 = vector.shape_cast %swap3A_370 : vector<1x1x16xf32> to vector<16xf32>
      %swap3A_372 = vector.shape_cast %broadcast_in_dim3A_1 : vector<16xf32> to vector<1x1x16xf32>
      tpu.vector_store %arg11[%swap3A_367, %swap3A_368, %swap3A_369], %swap3A_372 {strides = array<i32>} : memref<2x128x128xf32, #tpu.memory_space<vmem>>, vector<1x1x16xf32>,
      %swap3A_373 = arith.constant 0 : i32
      %swap3A_374 = arith.index_cast %swap3A_373 : i32 to index
      %swap3A_375 = arith.index_cast %scan3A_331 : i32 to index
      %swap3A_376 = arith.constant 96 : index
      %swap3A_377 = tpu.vector_load %arg11[%swap3A_374, %swap3A_375, %swap3A_376] {strides = array<i32>} : memref<2x128x128xf32, #tpu.memory_space<vmem>>, vector<1x1x16xf32>,
      %swap3A_378 = vector.shape_cast %swap3A_377 : vector<1x1x16xf32> to vector<16xf32>
      %swap3A_379 = vector.shape_cast %broadcast_in_dim3A_1 : vector<16xf32> to vector<1x1x16xf32>
      tpu.vector_store %arg11[%swap3A_374, %swap3A_375, %swap3A_376], %swap3A_379 {strides = array<i32>} : memref<2x128x128xf32, #tpu.memory_space<vmem>>, vector<1x1x16xf32>,
      %swap3A_380 = arith.constant 0 : i32
      %swap3A_381 = arith.index_cast %swap3A_380 : i32 to index
      %swap3A_382 = arith.index_cast %scan3A_331 : i32 to index
      %swap3A_383 = arith.constant 112 : index
      %swap3A_384 = tpu.vector_load %arg11[%swap3A_381, %swap3A_382, %swap3A_383] {strides = array<i32>} : memref<2x128x128xf32, #tpu.memory_space<vmem>>, vector<1x1x16xf32>,
      %swap3A_385 = vector.shape_cast %swap3A_384 : vector<1x1x16xf32> to vector<16xf32>
      %swap3A_386 = vector.shape_cast %broadcast_in_dim3A_1 : vector<16xf32> to vector<1x1x16xf32>
      tpu.vector_store %arg11[%swap3A_381, %swap3A_382, %swap3A_383], %swap3A_386 {strides = array<i32>} : memref<2x128x128xf32, #tpu.memory_space<vmem>>, vector<1x1x16xf32>,
    }
    %scan3A_6 = arith.constant 128 : i32
    %mul3A_7 = arith.constant 632 : i32
    %mul3A_8 = arith.muli %arg1, %mul3A_7 : i32
    %add3A_9 = arith.constant 0 : i32
    %add3A_10 = arith.addi %mul3A_8, %add3A_9 : i32
    %run_scoped3A = arith.constant 0 : i32
    "tpu.region"() ({
      %run_scoped3A_331 = tpu.sem_alloc : memref<!tpu.dma_semaphore, #tpu.memory_space<semaphore_mem>>
      %dma_start3A_332 = arith.constant 0 : i32
      %dma_start3A_333 = arith.constant 0 : i32
      %dma_start3A_334 = tpu.memref_slice %arg11[%run_scoped3A, %dma_start3A_332, %dma_start3A_333] : memref<2x128x128xf32, #tpu.memory_space<vmem>> -> memref<1x128x128xf32, #tpu.memory_space<vmem>>
      %dma_start3A_335 = tpu.memref_squeeze %dma_start3A_334 : memref<1x128x128xf32, #tpu.memory_space<vmem>> -> memref<128x128xf32, #tpu.memory_space<vmem>>
      %dma_start3A_336 = arith.constant 0 : i32
      %dma_start3A_337 = tpu.memref_slice %arg13[%add3A_10, %dma_start3A_336] : memref<10112x128xf32, #tpu.memory_space<vmem_shared>> -> memref<128x128xf32, #tpu.memory_space<vmem_shared>>
      %dma_start3A_338 = arith.constant 0 : i32
      %dma_start3A_339 = tpu.memref_slice %arg13[%add3A_10, %dma_start3A_338] : memref<10112x128xf32, #tpu.memory_space<vmem_shared>> -> memref<128x128xf32, #tpu.memory_space<vmem_shared>>
      %dma_start3A_340 = arith.constant 0 : i32
      %dma_start3A_341 = arith.constant 0 : i32
      %dma_start3A_342 = tpu.memref_slice %arg11[%run_scoped3A, %dma_start3A_340, %dma_start3A_341] : memref<2x128x128xf32, #tpu.memory_space<vmem>> -> memref<1x128x128xf32, #tpu.memory_space<vmem>>
      %dma_start3A_343 = tpu.memref_squeeze %dma_start3A_342 : memref<1x128x128xf32, #tpu.memory_space<vmem>> -> memref<128x128xf32, #tpu.memory_space<vmem>>
      tpu.enqueue_dma source(%dma_start3A_343 : memref<128x128xf32, #tpu.memory_space<vmem>>) target(%dma_start3A_339 : memref<128x128xf32, #tpu.memory_space<vmem_shared>>) target_semaphore(%run_scoped3A_331 : memref<!tpu.dma_semaphore, #tpu.memory_space<semaphore_mem>>)
      %dma_wait3A_344 = arith.constant 0 : i32
      %dma_wait3A_345 = arith.constant 0 : i32
      %dma_wait3A_346 = tpu.memref_slice %arg11[%run_scoped3A, %dma_wait3A_344, %dma_wait3A_345] : memref<2x128x128xf32, #tpu.memory_space<vmem>> -> memref<1x128x128xf32, #tpu.memory_space<vmem>>
      %dma_wait3A_347 = tpu.memref_squeeze %dma_wait3A_346 : memref<1x128x128xf32, #tpu.memory_space<vmem>> -> memref<128x128xf32, #tpu.memory_space<vmem>>
      %dma_wait3A_348 = arith.constant 0 : i32
      %dma_wait3A_349 = tpu.memref_slice %arg13[%add3A_10, %dma_wait3A_348] : memref<10112x128xf32, #tpu.memory_space<vmem_shared>> -> memref<128x128xf32, #tpu.memory_space<vmem_shared>>
      %dma_wait3A_350 = arith.constant 0 : i32
      %dma_wait3A_351 = tpu.memref_slice %arg13[%add3A_10, %dma_wait3A_350] : memref<10112x128xf32, #tpu.memory_space<vmem_shared>> -> memref<128x128xf32, #tpu.memory_space<vmem_shared>>
      %dma_wait3A_352 = arith.constant 0 : i32
      %dma_wait3A_353 = arith.constant 0 : i32
      %dma_wait3A_354 = tpu.memref_slice %arg11[%run_scoped3A, %dma_wait3A_352, %dma_wait3A_353] : memref<2x128x128xf32, #tpu.memory_space<vmem>> -> memref<1x128x128xf32, #tpu.memory_space<vmem>>
      %dma_wait3A_355 = tpu.memref_squeeze %dma_wait3A_354 : memref<1x128x128xf32, #tpu.memory_space<vmem>> -> memref<128x128xf32, #tpu.memory_space<vmem>>
      tpu.wait_dma2 semaphore(%run_scoped3A_331 : memref<!tpu.dma_semaphore, #tpu.memory_space<semaphore_mem>>) src(%dma_wait3A_355 : memref<128x128xf32, #tpu.memory_space<vmem>>) dst(%dma_wait3A_351 : memref<128x128xf32, #tpu.memory_space<vmem_shared>>)
      tpu.yield
    }) : () -> ()
    %add3A_11 = arith.constant 128 : i32
    %add3A_12 = arith.addi %mul3A_8, %add3A_11 : i32
    %run_scoped3A_13 = arith.constant 0 : i32
    "tpu.region"() ({
      %run_scoped3A_331 = tpu.sem_alloc : memref<!tpu.dma_semaphore, #tpu.memory_space<semaphore_mem>>
      %dma_start3A_332 = arith.constant 0 : i32
      %dma_start3A_333 = arith.constant 0 : i32
      %dma_start3A_334 = tpu.memref_slice %arg11[%run_scoped3A_13, %dma_start3A_332, %dma_start3A_333] : memref<2x128x128xf32, #tpu.memory_space<vmem>> -> memref<1x128x128xf32, #tpu.memory_space<vmem>>
      %dma_start3A_335 = tpu.memref_squeeze %dma_start3A_334 : memref<1x128x128xf32, #tpu.memory_space<vmem>> -> memref<128x128xf32, #tpu.memory_space<vmem>>
      %dma_start3A_336 = arith.constant 0 : i32
      %dma_start3A_337 = tpu.memref_slice %arg13[%add3A_12, %dma_start3A_336] : memref<10112x128xf32, #tpu.memory_space<vmem_shared>> -> memref<128x128xf32, #tpu.memory_space<vmem_shared>>
      %dma_start3A_338 = arith.constant 0 : i32
      %dma_start3A_339 = tpu.memref_slice %arg13[%add3A_12, %dma_start3A_338] : memref<10112x128xf32, #tpu.memory_space<vmem_shared>> -> memref<128x128xf32, #tpu.memory_space<vmem_shared>>
      %dma_start3A_340 = arith.constant 0 : i32
      %dma_start3A_341 = arith.constant 0 : i32
      %dma_start3A_342 = tpu.memref_slice %arg11[%run_scoped3A_13, %dma_start3A_340, %dma_start3A_341] : memref<2x128x128xf32, #tpu.memory_space<vmem>> -> memref<1x128x128xf32, #tpu.memory_space<vmem>>
      %dma_start3A_343 = tpu.memref_squeeze %dma_start3A_342 : memref<1x128x128xf32, #tpu.memory_space<vmem>> -> memref<128x128xf32, #tpu.memory_space<vmem>>
      tpu.enqueue_dma source(%dma_start3A_343 : memref<128x128xf32, #tpu.memory_space<vmem>>) target(%dma_start3A_339 : memref<128x128xf32, #tpu.memory_space<vmem_shared>>) target_semaphore(%run_scoped3A_331 : memref<!tpu.dma_semaphore, #tpu.memory_space<semaphore_mem>>)
      %dma_wait3A_344 = arith.constant 0 : i32
      %dma_wait3A_345 = arith.constant 0 : i32
      %dma_wait3A_346 = tpu.memref_slice %arg11[%run_scoped3A_13, %dma_wait3A_344, %dma_wait3A_345] : memref<2x128x128xf32, #tpu.memory_space<vmem>> -> memref<1x128x128xf32, #tpu.memory_space<vmem>>
      %dma_wait3A_347 = tpu.memref_squeeze %dma_wait3A_346 : memref<1x128x128xf32, #tpu.memory_space<vmem>> -> memref<128x128xf32, #tpu.memory_space<vmem>>
      %dma_wait3A_348 = arith.constant 0 : i32
      %dma_wait3A_349 = tpu.memref_slice %arg13[%add3A_12, %dma_wait3A_348] : memref<10112x128xf32, #tpu.memory_space<vmem_shared>> -> memref<128x128xf32, #tpu.memory_space<vmem_shared>>
      %dma_wait3A_350 = arith.constant 0 : i32
      %dma_wait3A_351 = tpu.memref_slice %arg13[%add3A_12, %dma_wait3A_350] : memref<10112x128xf32, #tpu.memory_space<vmem_shared>> -> memref<128x128xf32, #tpu.memory_space<vmem_shared>>
      %dma_wait3A_352 = arith.constant 0 : i32
      %dma_wait3A_353 = arith.constant 0 : i32
      %dma_wait3A_354 = tpu.memref_slice %arg11[%run_scoped3A_13, %dma_wait3A_352, %dma_wait3A_353] : memref<2x128x128xf32, #tpu.memory_space<vmem>> -> memref<1x128x128xf32, #tpu.memory_space<vmem>>
      %dma_wait3A_355 = tpu.memref_squeeze %dma_wait3A_354 : memref<1x128x128xf32, #tpu.memory_space<vmem>> -> memref<128x128xf32, #tpu.memory_space<vmem>>
      tpu.wait_dma2 semaphore(%run_scoped3A_331 : memref<!tpu.dma_semaphore, #tpu.memory_space<semaphore_mem>>) src(%dma_wait3A_355 : memref<128x128xf32, #tpu.memory_space<vmem>>) dst(%dma_wait3A_351 : memref<128x128xf32, #tpu.memory_space<vmem_shared>>)
      tpu.yield
    }) : () -> ()
    %add3A_14 = arith.constant 256 : i32
    %add3A_15 = arith.addi %mul3A_8, %add3A_14 : i32
    %run_scoped3A_16 = arith.constant 0 : i32
    "tpu.region"() ({
      %run_scoped3A_331 = tpu.sem_alloc : memref<!tpu.dma_semaphore, #tpu.memory_space<semaphore_mem>>
      %dma_start3A_332 = arith.constant 0 : i32
      %dma_start3A_333 = arith.constant 0 : i32
      %dma_start3A_334 = tpu.memref_slice %arg11[%run_scoped3A_16, %dma_start3A_332, %dma_start3A_333] : memref<2x128x128xf32, #tpu.memory_space<vmem>> -> memref<1x128x128xf32, #tpu.memory_space<vmem>>
      %dma_start3A_335 = tpu.memref_squeeze %dma_start3A_334 : memref<1x128x128xf32, #tpu.memory_space<vmem>> -> memref<128x128xf32, #tpu.memory_space<vmem>>
      %dma_start3A_336 = arith.constant 0 : i32
      %dma_start3A_337 = tpu.memref_slice %arg13[%add3A_15, %dma_start3A_336] : memref<10112x128xf32, #tpu.memory_space<vmem_shared>> -> memref<128x128xf32, #tpu.memory_space<vmem_shared>>
      %dma_start3A_338 = arith.constant 0 : i32
      %dma_start3A_339 = tpu.memref_slice %arg13[%add3A_15, %dma_start3A_338] : memref<10112x128xf32, #tpu.memory_space<vmem_shared>> -> memref<128x128xf32, #tpu.memory_space<vmem_shared>>
      %dma_start3A_340 = arith.constant 0 : i32
      %dma_start3A_341 = arith.constant 0 : i32
      %dma_start3A_342 = tpu.memref_slice %arg11[%run_scoped3A_16, %dma_start3A_340, %dma_start3A_341] : memref<2x128x128xf32, #tpu.memory_space<vmem>> -> memref<1x128x128xf32, #tpu.memory_space<vmem>>
      %dma_start3A_343 = tpu.memref_squeeze %dma_start3A_342 : memref<1x128x128xf32, #tpu.memory_space<vmem>> -> memref<128x128xf32, #tpu.memory_space<vmem>>
      tpu.enqueue_dma source(%dma_start3A_343 : memref<128x128xf32, #tpu.memory_space<vmem>>) target(%dma_start3A_339 : memref<128x128xf32, #tpu.memory_space<vmem_shared>>) target_semaphore(%run_scoped3A_331 : memref<!tpu.dma_semaphore, #tpu.memory_space<semaphore_mem>>)
      %dma_wait3A_344 = arith.constant 0 : i32
      %dma_wait3A_345 = arith.constant 0 : i32
      %dma_wait3A_346 = tpu.memref_slice %arg11[%run_scoped3A_16, %dma_wait3A_344, %dma_wait3A_345] : memref<2x128x128xf32, #tpu.memory_space<vmem>> -> memref<1x128x128xf32, #tpu.memory_space<vmem>>
      %dma_wait3A_347 = tpu.memref_squeeze %dma_wait3A_346 : memref<1x128x128xf32, #tpu.memory_space<vmem>> -> memref<128x128xf32, #tpu.memory_space<vmem>>
      %dma_wait3A_348 = arith.constant 0 : i32
      %dma_wait3A_349 = tpu.memref_slice %arg13[%add3A_15, %dma_wait3A_348] : memref<10112x128xf32, #tpu.memory_space<vmem_shared>> -> memref<128x128xf32, #tpu.memory_space<vmem_shared>>
      %dma_wait3A_350 = arith.constant 0 : i32
      %dma_wait3A_351 = tpu.memref_slice %arg13[%add3A_15, %dma_wait3A_350] : memref<10112x128xf32, #tpu.memory_space<vmem_shared>> -> memref<128x128xf32, #tpu.memory_space<vmem_shared>>
      %dma_wait3A_352 = arith.constant 0 : i32
      %dma_wait3A_353 = arith.constant 0 : i32
      %dma_wait3A_354 = tpu.memref_slice %arg11[%run_scoped3A_16, %dma_wait3A_352, %dma_wait3A_353] : memref<2x128x128xf32, #tpu.memory_space<vmem>> -> memref<1x128x128xf32, #tpu.memory_space<vmem>>
      %dma_wait3A_355 = tpu.memref_squeeze %dma_wait3A_354 : memref<1x128x128xf32, #tpu.memory_space<vmem>> -> memref<128x128xf32, #tpu.memory_space<vmem>>
      tpu.wait_dma2 semaphore(%run_scoped3A_331 : memref<!tpu.dma_semaphore, #tpu.memory_space<semaphore_mem>>) src(%dma_wait3A_355 : memref<128x128xf32, #tpu.memory_space<vmem>>) dst(%dma_wait3A_351 : memref<128x128xf32, #tpu.memory_space<vmem_shared>>)
      tpu.yield
    }) : () -> ()
    %add3A_17 = arith.constant 384 : i32
    %add3A_18 = arith.addi %mul3A_8, %add3A_17 : i32
    %run_scoped3A_19 = arith.constant 0 : i32
    "tpu.region"() ({
      %run_scoped3A_331 = tpu.sem_alloc : memref<!tpu.dma_semaphore, #tpu.memory_space<semaphore_mem>>
      %dma_start3A_332 = arith.constant 0 : i32
      %dma_start3A_333 = arith.constant 0 : i32
      %dma_start3A_334 = tpu.memref_slice %arg11[%run_scoped3A_19, %dma_start3A_332, %dma_start3A_333] : memref<2x128x128xf32, #tpu.memory_space<vmem>> -> memref<1x128x128xf32, #tpu.memory_space<vmem>>
      %dma_start3A_335 = tpu.memref_squeeze %dma_start3A_334 : memref<1x128x128xf32, #tpu.memory_space<vmem>> -> memref<128x128xf32, #tpu.memory_space<vmem>>
      %dma_start3A_336 = arith.constant 0 : i32
      %dma_start3A_337 = tpu.memref_slice %arg13[%add3A_18, %dma_start3A_336] : memref<10112x128xf32, #tpu.memory_space<vmem_shared>> -> memref<128x128xf32, #tpu.memory_space<vmem_shared>>
      %dma_start3A_338 = arith.constant 0 : i32
      %dma_start3A_339 = tpu.memref_slice %arg13[%add3A_18, %dma_start3A_338] : memref<10112x128xf32, #tpu.memory_space<vmem_shared>> -> memref<128x128xf32, #tpu.memory_space<vmem_shared>>
      %dma_start3A_340 = arith.constant 0 : i32
      %dma_start3A_341 = arith.constant 0 : i32
      %dma_start3A_342 = tpu.memref_slice %arg11[%run_scoped3A_19, %dma_start3A_340, %dma_start3A_341] : memref<2x128x128xf32, #tpu.memory_space<vmem>> -> memref<1x128x128xf32, #tpu.memory_space<vmem>>
      %dma_start3A_343 = tpu.memref_squeeze %dma_start3A_342 : memref<1x128x128xf32, #tpu.memory_space<vmem>> -> memref<128x128xf32, #tpu.memory_space<vmem>>
      tpu.enqueue_dma source(%dma_start3A_343 : memref<128x128xf32, #tpu.memory_space<vmem>>) target(%dma_start3A_339 : memref<128x128xf32, #tpu.memory_space<vmem_shared>>) target_semaphore(%run_scoped3A_331 : memref<!tpu.dma_semaphore, #tpu.memory_space<semaphore_mem>>)
      %dma_wait3A_344 = arith.constant 0 : i32
      %dma_wait3A_345 = arith.constant 0 : i32
      %dma_wait3A_346 = tpu.memref_slice %arg11[%run_scoped3A_19, %dma_wait3A_344, %dma_wait3A_345] : memref<2x128x128xf32, #tpu.memory_space<vmem>> -> memref<1x128x128xf32, #tpu.memory_space<vmem>>
      %dma_wait3A_347 = tpu.memref_squeeze %dma_wait3A_346 : memref<1x128x128xf32, #tpu.memory_space<vmem>> -> memref<128x128xf32, #tpu.memory_space<vmem>>
      %dma_wait3A_348 = arith.constant 0 : i32
      %dma_wait3A_349 = tpu.memref_slice %arg13[%add3A_18, %dma_wait3A_348] : memref<10112x128xf32, #tpu.memory_space<vmem_shared>> -> memref<128x128xf32, #tpu.memory_space<vmem_shared>>
      %dma_wait3A_350 = arith.constant 0 : i32
      %dma_wait3A_351 = tpu.memref_slice %arg13[%add3A_18, %dma_wait3A_350] : memref<10112x128xf32, #tpu.memory_space<vmem_shared>> -> memref<128x128xf32, #tpu.memory_space<vmem_shared>>
      %dma_wait3A_352 = arith.constant 0 : i32
      %dma_wait3A_353 = arith.constant 0 : i32
      %dma_wait3A_354 = tpu.memref_slice %arg11[%run_scoped3A_19, %dma_wait3A_352, %dma_wait3A_353] : memref<2x128x128xf32, #tpu.memory_space<vmem>> -> memref<1x128x128xf32, #tpu.memory_space<vmem>>
      %dma_wait3A_355 = tpu.memref_squeeze %dma_wait3A_354 : memref<1x128x128xf32, #tpu.memory_space<vmem>> -> memref<128x128xf32, #tpu.memory_space<vmem>>
      tpu.wait_dma2 semaphore(%run_scoped3A_331 : memref<!tpu.dma_semaphore, #tpu.memory_space<semaphore_mem>>) src(%dma_wait3A_355 : memref<128x128xf32, #tpu.memory_space<vmem>>) dst(%dma_wait3A_351 : memref<128x128xf32, #tpu.memory_space<vmem_shared>>)
      tpu.yield
    }) : () -> ()
    %add3A_20 = arith.constant 512 : i32
    %add3A_21 = arith.addi %mul3A_8, %add3A_20 : i32
    %run_scoped3A_22 = arith.constant 0 : i32
    "tpu.region"() ({
      %run_scoped3A_331 = tpu.sem_alloc : memref<!tpu.dma_semaphore, #tpu.memory_space<semaphore_mem>>
      %dma_start3A_332 = arith.constant 0 : i32
      %dma_start3A_333 = arith.constant 0 : i32
      %dma_start3A_334 = tpu.memref_slice %arg11[%run_scoped3A_22, %dma_start3A_332, %dma_start3A_333] : memref<2x128x128xf32, #tpu.memory_space<vmem>> -> memref<1x120x128xf32, #tpu.memory_space<vmem>>
      %dma_start3A_335 = tpu.memref_squeeze %dma_start3A_334 : memref<1x120x128xf32, #tpu.memory_space<vmem>> -> memref<120x128xf32, #tpu.memory_space<vmem>>
      %dma_start3A_336 = arith.constant 0 : i32
      %dma_start3A_337 = tpu.memref_slice %arg13[%add3A_21, %dma_start3A_336] : memref<10112x128xf32, #tpu.memory_space<vmem_shared>> -> memref<120x128xf32, #tpu.memory_space<vmem_shared>>
      %dma_start3A_338 = arith.constant 0 : i32
      %dma_start3A_339 = tpu.memref_slice %arg13[%add3A_21, %dma_start3A_338] : memref<10112x128xf32, #tpu.memory_space<vmem_shared>> -> memref<120x128xf32, #tpu.memory_space<vmem_shared>>
      %dma_start3A_340 = arith.constant 0 : i32
      %dma_start3A_341 = arith.constant 0 : i32
      %dma_start3A_342 = tpu.memref_slice %arg11[%run_scoped3A_22, %dma_start3A_340, %dma_start3A_341] : memref<2x128x128xf32, #tpu.memory_space<vmem>> -> memref<1x120x128xf32, #tpu.memory_space<vmem>>
      %dma_start3A_343 = tpu.memref_squeeze %dma_start3A_342 : memref<1x120x128xf32, #tpu.memory_space<vmem>> -> memref<120x128xf32, #tpu.memory_space<vmem>>
      tpu.enqueue_dma source(%dma_start3A_343 : memref<120x128xf32, #tpu.memory_space<vmem>>) target(%dma_start3A_339 : memref<120x128xf32, #tpu.memory_space<vmem_shared>>) target_semaphore(%run_scoped3A_331 : memref<!tpu.dma_semaphore, #tpu.memory_space<semaphore_mem>>)
      %dma_wait3A_344 = arith.constant 0 : i32
      %dma_wait3A_345 = arith.constant 0 : i32
      %dma_wait3A_346 = tpu.memref_slice %arg11[%run_scoped3A_22, %dma_wait3A_344, %dma_wait3A_345] : memref<2x128x128xf32, #tpu.memory_space<vmem>> -> memref<1x120x128xf32, #tpu.memory_space<vmem>>
      %dma_wait3A_347 = tpu.memref_squeeze %dma_wait3A_346 : memref<1x120x128xf32, #tpu.memory_space<vmem>> -> memref<120x128xf32, #tpu.memory_space<vmem>>
      %dma_wait3A_348 = arith.constant 0 : i32
      %dma_wait3A_349 = tpu.memref_slice %arg13[%add3A_21, %dma_wait3A_348] : memref<10112x128xf32, #tpu.memory_space<vmem_shared>> -> memref<120x128xf32, #tpu.memory_space<vmem_shared>>
      %dma_wait3A_350 = arith.constant 0 : i32
      %dma_wait3A_351 = tpu.memref_slice %arg13[%add3A_21, %dma_wait3A_350] : memref<10112x128xf32, #tpu.memory_space<vmem_shared>> -> memref<120x128xf32, #tpu.memory_space<vmem_shared>>
      %dma_wait3A_352 = arith.constant 0 : i32
      %dma_wait3A_353 = arith.constant 0 : i32
      %dma_wait3A_354 = tpu.memref_slice %arg11[%run_scoped3A_22, %dma_wait3A_352, %dma_wait3A_353] : memref<2x128x128xf32, #tpu.memory_space<vmem>> -> memref<1x120x128xf32, #tpu.memory_space<vmem>>
      %dma_wait3A_355 = tpu.memref_squeeze %dma_wait3A_354 : memref<1x120x128xf32, #tpu.memory_space<vmem>> -> memref<120x128xf32, #tpu.memory_space<vmem>>
      tpu.wait_dma2 semaphore(%run_scoped3A_331 : memref<!tpu.dma_semaphore, #tpu.memory_space<semaphore_mem>>) src(%dma_wait3A_355 : memref<120x128xf32, #tpu.memory_space<vmem>>) dst(%dma_wait3A_351 : memref<120x128xf32, #tpu.memory_space<vmem_shared>>)
      tpu.yield
    }) : () -> ()
    %barrier3A = arith.constant 0 : index
    tpu.barrier barrier_id(%barrier3A)
    %get3A = arith.constant 0 : i32
    %get3A_23 = arith.index_cast %get3A : i32 to index
    %get3A_24 = arith.constant 0 : index
    %get3A_25 = tpu.vector_load %arg12[%get3A_23, %get3A_24] {strides = array<i32>} : memref<4x128xf32, #tpu.memory_space<vmem>>, vector<1x16xf32>,
    %get3A_26 = vector.shape_cast %get3A_25 : vector<1x16xf32> to vector<16xf32>
    %get3A_27 = arith.constant 0 : i32
    %get3A_28 = arith.index_cast %get3A_27 : i32 to index
    %get3A_29 = arith.constant 16 : index
    %get3A_30 = tpu.vector_load %arg12[%get3A_28, %get3A_29] {strides = array<i32>} : memref<4x128xf32, #tpu.memory_space<vmem>>, vector<1x16xf32>,
    %get3A_31 = vector.shape_cast %get3A_30 : vector<1x16xf32> to vector<16xf32>
    %get3A_32 = arith.constant 0 : i32
    %get3A_33 = arith.index_cast %get3A_32 : i32 to index
    %get3A_34 = arith.constant 32 : index
    %get3A_35 = tpu.vector_load %arg12[%get3A_33, %get3A_34] {strides = array<i32>} : memref<4x128xf32, #tpu.memory_space<vmem>>, vector<1x16xf32>,
    %get3A_36 = vector.shape_cast %get3A_35 : vector<1x16xf32> to vector<16xf32>
    %get3A_37 = arith.constant 0 : i32
    %get3A_38 = arith.index_cast %get3A_37 : i32 to index
    %get3A_39 = arith.constant 48 : index
    %get3A_40 = tpu.vector_load %arg12[%get3A_38, %get3A_39] {strides = array<i32>} : memref<4x128xf32, #tpu.memory_space<vmem>>, vector<1x16xf32>,
    %get3A_41 = vector.shape_cast %get3A_40 : vector<1x16xf32> to vector<16xf32>
    %get3A_42 = arith.constant 0 : i32
    %get3A_43 = arith.index_cast %get3A_42 : i32 to index
    %get3A_44 = arith.constant 64 : index
    %get3A_45 = tpu.vector_load %arg12[%get3A_43, %get3A_44] {strides = array<i32>} : memref<4x128xf32, #tpu.memory_space<vmem>>, vector<1x16xf32>,
    %get3A_46 = vector.shape_cast %get3A_45 : vector<1x16xf32> to vector<16xf32>
    %get3A_47 = arith.constant 0 : i32
    %get3A_48 = arith.index_cast %get3A_47 : i32 to index
    %get3A_49 = arith.constant 80 : index
    %get3A_50 = tpu.vector_load %arg12[%get3A_48, %get3A_49] {strides = array<i32>} : memref<4x128xf32, #tpu.memory_space<vmem>>, vector<1x16xf32>,
    %get3A_51 = vector.shape_cast %get3A_50 : vector<1x16xf32> to vector<16xf32>
    %get3A_52 = arith.constant 0 : i32
    %get3A_53 = arith.index_cast %get3A_52 : i32 to index
    %get3A_54 = arith.constant 96 : index
    %get3A_55 = tpu.vector_load %arg12[%get3A_53, %get3A_54] {strides = array<i32>} : memref<4x128xf32, #tpu.memory_space<vmem>>, vector<1x16xf32>,
    %get3A_56 = vector.shape_cast %get3A_55 : vector<1x16xf32> to vector<16xf32>
    %get3A_57 = arith.constant 0 : i32
    %get3A_58 = arith.index_cast %get3A_57 : i32 to index
    %get3A_59 = arith.constant 112 : index
    %get3A_60 = tpu.vector_load %arg12[%get3A_58, %get3A_59] {strides = array<i32>} : memref<4x128xf32, #tpu.memory_space<vmem>>, vector<1x16xf32>,
    %get3A_61 = vector.shape_cast %get3A_60 : vector<1x16xf32> to vector<16xf32>
    %get3A_62 = arith.constant 1 : i32
    %get3A_63 = arith.index_cast %get3A_62 : i32 to index
    %get3A_64 = arith.constant 0 : index
    %get3A_65 = tpu.vector_load %arg12[%get3A_63, %get3A_64] {strides = array<i32>} : memref<4x128xf32, #tpu.memory_space<vmem>>, vector<1x16xf32>,
    %get3A_66 = vector.shape_cast %get3A_65 : vector<1x16xf32> to vector<16xf32>
    %get3A_67 = arith.constant 1 : i32
    %get3A_68 = arith.index_cast %get3A_67 : i32 to index
    %get3A_69 = arith.constant 16 : index
    %get3A_70 = tpu.vector_load %arg12[%get3A_68, %get3A_69] {strides = array<i32>} : memref<4x128xf32, #tpu.memory_space<vmem>>, vector<1x16xf32>,
    %get3A_71 = vector.shape_cast %get3A_70 : vector<1x16xf32> to vector<16xf32>
    %get3A_72 = arith.constant 1 : i32
    %get3A_73 = arith.index_cast %get3A_72 : i32 to index
    %get3A_74 = arith.constant 32 : index
    %get3A_75 = tpu.vector_load %arg12[%get3A_73, %get3A_74] {strides = array<i32>} : memref<4x128xf32, #tpu.memory_space<vmem>>, vector<1x16xf32>,
    %get3A_76 = vector.shape_cast %get3A_75 : vector<1x16xf32> to vector<16xf32>
    %get3A_77 = arith.constant 1 : i32
    %get3A_78 = arith.index_cast %get3A_77 : i32 to index
    %get3A_79 = arith.constant 48 : index
    %get3A_80 = tpu.vector_load %arg12[%get3A_78, %get3A_79] {strides = array<i32>} : memref<4x128xf32, #tpu.memory_space<vmem>>, vector<1x16xf32>,
    %get3A_81 = vector.shape_cast %get3A_80 : vector<1x16xf32> to vector<16xf32>
    %get3A_82 = arith.constant 1 : i32
    %get3A_83 = arith.index_cast %get3A_82 : i32 to index
    %get3A_84 = arith.constant 64 : index
    %get3A_85 = tpu.vector_load %arg12[%get3A_83, %get3A_84] {strides = array<i32>} : memref<4x128xf32, #tpu.memory_space<vmem>>, vector<1x16xf32>,
    %get3A_86 = vector.shape_cast %get3A_85 : vector<1x16xf32> to vector<16xf32>
    %get3A_87 = arith.constant 1 : i32
    %get3A_88 = arith.index_cast %get3A_87 : i32 to index
    %get3A_89 = arith.constant 80 : index
    %get3A_90 = tpu.vector_load %arg12[%get3A_88, %get3A_89] {strides = array<i32>} : memref<4x128xf32, #tpu.memory_space<vmem>>, vector<1x16xf32>,
    %get3A_91 = vector.shape_cast %get3A_90 : vector<1x16xf32> to vector<16xf32>
    %get3A_92 = arith.constant 1 : i32
    %get3A_93 = arith.index_cast %get3A_92 : i32 to index
    %get3A_94 = arith.constant 96 : index
    %get3A_95 = tpu.vector_load %arg12[%get3A_93, %get3A_94] {strides = array<i32>} : memref<4x128xf32, #tpu.memory_space<vmem>>, vector<1x16xf32>,
    %get3A_96 = vector.shape_cast %get3A_95 : vector<1x16xf32> to vector<16xf32>
    %get3A_97 = arith.constant 1 : i32
    %get3A_98 = arith.index_cast %get3A_97 : i32 to index
    %get3A_99 = arith.constant 112 : index
    %get3A_100 = tpu.vector_load %arg12[%get3A_98, %get3A_99] {strides = array<i32>} : memref<4x128xf32, #tpu.memory_space<vmem>>, vector<1x16xf32>,
    %get3A_101 = vector.shape_cast %get3A_100 : vector<1x16xf32> to vector<16xf32>
    %get3A_102 = arith.constant 2 : i32
    %get3A_103 = arith.index_cast %get3A_102 : i32 to index
    %get3A_104 = arith.constant 0 : index
    %get3A_105 = tpu.vector_load %arg12[%get3A_103, %get3A_104] {strides = array<i32>} : memref<4x128xf32, #tpu.memory_space<vmem>>, vector<1x16xf32>,
    %get3A_106 = vector.shape_cast %get3A_105 : vector<1x16xf32> to vector<16xf32>
    %get3A_107 = arith.constant 2 : i32
    %get3A_108 = arith.index_cast %get3A_107 : i32 to index
    %get3A_109 = arith.constant 16 : index
    %get3A_110 = tpu.vector_load %arg12[%get3A_108, %get3A_109] {strides = array<i32>} : memref<4x128xf32, #tpu.memory_space<vmem>>, vector<1x16xf32>,
    %get3A_111 = vector.shape_cast %get3A_110 : vector<1x16xf32> to vector<16xf32>
    %get3A_112 = arith.constant 2 : i32
    %get3A_113 = arith.index_cast %get3A_112 : i32 to index
    %get3A_114 = arith.constant 32 : index
    %get3A_115 = tpu.vector_load %arg12[%get3A_113, %get3A_114] {strides = array<i32>} : memref<4x128xf32, #tpu.memory_space<vmem>>, vector<1x16xf32>,
    %get3A_116 = vector.shape_cast %get3A_115 : vector<1x16xf32> to vector<16xf32>
    %get3A_117 = arith.constant 2 : i32
    %get3A_118 = arith.index_cast %get3A_117 : i32 to index
    %get3A_119 = arith.constant 48 : index
    %get3A_120 = tpu.vector_load %arg12[%get3A_118, %get3A_119] {strides = array<i32>} : memref<4x128xf32, #tpu.memory_space<vmem>>, vector<1x16xf32>,
    %get3A_121 = vector.shape_cast %get3A_120 : vector<1x16xf32> to vector<16xf32>
    %get3A_122 = arith.constant 2 : i32
    %get3A_123 = arith.index_cast %get3A_122 : i32 to index
    %get3A_124 = arith.constant 64 : index
    %get3A_125 = tpu.vector_load %arg12[%get3A_123, %get3A_124] {strides = array<i32>} : memref<4x128xf32, #tpu.memory_space<vmem>>, vector<1x16xf32>,
    %get3A_126 = vector.shape_cast %get3A_125 : vector<1x16xf32> to vector<16xf32>
    %get3A_127 = arith.constant 2 : i32
    %get3A_128 = arith.index_cast %get3A_127 : i32 to index
    %get3A_129 = arith.constant 80 : index
    %get3A_130 = tpu.vector_load %arg12[%get3A_128, %get3A_129] {strides = array<i32>} : memref<4x128xf32, #tpu.memory_space<vmem>>, vector<1x16xf32>,
    %get3A_131 = vector.shape_cast %get3A_130 : vector<1x16xf32> to vector<16xf32>
    %get3A_132 = arith.constant 2 : i32
    %get3A_133 = arith.index_cast %get3A_132 : i32 to index
    %get3A_134 = arith.constant 96 : index
    %get3A_135 = tpu.vector_load %arg12[%get3A_133, %get3A_134] {strides = array<i32>} : memref<4x128xf32, #tpu.memory_space<vmem>>, vector<1x16xf32>,
    %get3A_136 = vector.shape_cast %get3A_135 : vector<1x16xf32> to vector<16xf32>
    %get3A_137 = arith.constant 2 : i32
    %get3A_138 = arith.index_cast %get3A_137 : i32 to index
    %get3A_139 = arith.constant 112 : index
    %get3A_140 = tpu.vector_load %arg12[%get3A_138, %get3A_139] {strides = array<i32>} : memref<4x128xf32, #tpu.memory_space<vmem>>, vector<1x16xf32>,
    %get3A_141 = vector.shape_cast %get3A_140 : vector<1x16xf32> to vector<16xf32>
    %get3A_142 = arith.constant 3 : i32
    %get3A_143 = arith.index_cast %get3A_142 : i32 to index
    %get3A_144 = arith.constant 0 : index
    %get3A_145 = tpu.vector_load %arg12[%get3A_143, %get3A_144] {strides = array<i32>} : memref<4x128xf32, #tpu.memory_space<vmem>>, vector<1x16xf32>,
    %get3A_146 = vector.shape_cast %get3A_145 : vector<1x16xf32> to vector<16xf32>
    %get3A_147 = arith.constant 3 : i32
    %get3A_148 = arith.index_cast %get3A_147 : i32 to index
    %get3A_149 = arith.constant 16 : index
    %get3A_150 = tpu.vector_load %arg12[%get3A_148, %get3A_149] {strides = array<i32>} : memref<4x128xf32, #tpu.memory_space<vmem>>, vector<1x16xf32>,
    %get3A_151 = vector.shape_cast %get3A_150 : vector<1x16xf32> to vector<16xf32>
    %get3A_152 = arith.constant 3 : i32
    %get3A_153 = arith.index_cast %get3A_152 : i32 to index
    %get3A_154 = arith.constant 32 : index
    %get3A_155 = tpu.vector_load %arg12[%get3A_153, %get3A_154] {strides = array<i32>} : memref<4x128xf32, #tpu.memory_space<vmem>>, vector<1x16xf32>,
    %get3A_156 = vector.shape_cast %get3A_155 : vector<1x16xf32> to vector<16xf32>
    %get3A_157 = arith.constant 3 : i32
    %get3A_158 = arith.index_cast %get3A_157 : i32 to index
    %get3A_159 = arith.constant 48 : index
    %get3A_160 = tpu.vector_load %arg12[%get3A_158, %get3A_159] {strides = array<i32>} : memref<4x128xf32, #tpu.memory_space<vmem>>, vector<1x16xf32>,
    %get3A_161 = vector.shape_cast %get3A_160 : vector<1x16xf32> to vector<16xf32>
    %get3A_162 = arith.constant 3 : i32
    %get3A_163 = arith.index_cast %get3A_162 : i32 to index
    %get3A_164 = arith.constant 64 : index
    %get3A_165 = tpu.vector_load %arg12[%get3A_163, %get3A_164] {strides = array<i32>} : memref<4x128xf32, #tpu.memory_space<vmem>>, vector<1x16xf32>,
    %get3A_166 = vector.shape_cast %get3A_165 : vector<1x16xf32> to vector<16xf32>
    %get3A_167 = arith.constant 3 : i32
    %get3A_168 = arith.index_cast %get3A_167 : i32 to index
    %get3A_169 = arith.constant 80 : index
    %get3A_170 = tpu.vector_load %arg12[%get3A_168, %get3A_169] {strides = array<i32>} : memref<4x128xf32, #tpu.memory_space<vmem>>, vector<1x16xf32>,
    %get3A_171 = vector.shape_cast %get3A_170 : vector<1x16xf32> to vector<16xf32>
    %get3A_172 = arith.constant 3 : i32
    %get3A_173 = arith.index_cast %get3A_172 : i32 to index
    %get3A_174 = arith.constant 96 : index
    %get3A_175 = tpu.vector_load %arg12[%get3A_173, %get3A_174] {strides = array<i32>} : memref<4x128xf32, #tpu.memory_space<vmem>>, vector<1x16xf32>,
    %get3A_176 = vector.shape_cast %get3A_175 : vector<1x16xf32> to vector<16xf32>
    %get3A_177 = arith.constant 3 : i32
    %get3A_178 = arith.index_cast %get3A_177 : i32 to index
    %get3A_179 = arith.constant 112 : index
    %get3A_180 = tpu.vector_load %arg12[%get3A_178, %get3A_179] {strides = array<i32>} : memref<4x128xf32, #tpu.memory_space<vmem>>, vector<1x16xf32>,
    %get3A_181 = vector.shape_cast %get3A_180 : vector<1x16xf32> to vector<16xf32>
    %dma_start3A = arith.constant 0 : i32
    %dma_start3A_182 = arith.constant 0 : i32
    %dma_start3A_183 = arith.constant 0 : i32
    %dma_start3A_184 = tpu.memref_slice %arg8[%dma_start3A_182, %dma_start3A_183] : memref<2x128xi32, #tpu.memory_space<vmem>> -> memref<1x128xi32, #tpu.memory_space<vmem>>
    %dma_start3A_185 = tpu.memref_squeeze %dma_start3A_184 : memref<1x128xi32, #tpu.memory_space<vmem>> -> memref<128xi32, #tpu.memory_space<vmem>>
    %dma_start3A_186 = arith.constant 0 : i32
    %dma_start3A_187 = tpu.memref_slice %arg4[%add3A, %dma_start3A, %dma_start3A_186] : memref<32x80x128xi32, #tpu.memory_space<hbm>> -> memref<1x1x128xi32, #tpu.memory_space<hbm>>
    %dma_start3A_188 = tpu.memref_squeeze %dma_start3A_187 : memref<1x1x128xi32, #tpu.memory_space<hbm>> -> memref<128xi32, #tpu.memory_space<hbm>>
    %dma_start3A_189 = arith.constant 0 : i32
    %dma_start3A_190 = tpu.memref_slice %arg8[%dma_start3A_182, %dma_start3A_189] : memref<2x128xi32, #tpu.memory_space<vmem>> -> memref<1x128xi32, #tpu.memory_space<vmem>>
    %dma_start3A_191 = tpu.memref_squeeze %dma_start3A_190 : memref<1x128xi32, #tpu.memory_space<vmem>> -> memref<128xi32, #tpu.memory_space<vmem>>
    %dma_start3A_192 = arith.constant 0 : i32
    %dma_start3A_193 = tpu.memref_slice %arg4[%add3A, %dma_start3A, %dma_start3A_192] : memref<32x80x128xi32, #tpu.memory_space<hbm>> -> memref<1x1x128xi32, #tpu.memory_space<hbm>>
    %dma_start3A_194 = tpu.memref_squeeze %dma_start3A_193 : memref<1x1x128xi32, #tpu.memory_space<hbm>> -> memref<128xi32, #tpu.memory_space<hbm>>
    tpu.enqueue_dma source(%dma_start3A_194 : memref<128xi32, #tpu.memory_space<hbm>>) target(%dma_start3A_191 : memref<128xi32, #tpu.memory_space<vmem>>) target_semaphore(%arg16 : memref<!tpu.dma_semaphore, #tpu.memory_space<semaphore_mem>>)
    %dma_wait3A = arith.constant 0 : i32
    %dma_wait3A_195 = arith.constant 0 : i32
    %dma_wait3A_196 = arith.constant 0 : i32
    %dma_wait3A_197 = tpu.memref_slice %arg8[%dma_wait3A_195, %dma_wait3A_196] : memref<2x128xi32, #tpu.memory_space<vmem>> -> memref<1x128xi32, #tpu.memory_space<vmem>>
    %dma_wait3A_198 = tpu.memref_squeeze %dma_wait3A_197 : memref<1x128xi32, #tpu.memory_space<vmem>> -> memref<128xi32, #tpu.memory_space<vmem>>
    %dma_wait3A_199 = arith.constant 0 : i32
    %dma_wait3A_200 = tpu.memref_slice %arg4[%add3A, %dma_wait3A, %dma_wait3A_199] : memref<32x80x128xi32, #tpu.memory_space<hbm>> -> memref<1x1x128xi32, #tpu.memory_space<hbm>>
    %dma_wait3A_201 = tpu.memref_squeeze %dma_wait3A_200 : memref<1x1x128xi32, #tpu.memory_space<hbm>> -> memref<128xi32, #tpu.memory_space<hbm>>
    %dma_wait3A_202 = arith.constant 0 : i32
    %dma_wait3A_203 = tpu.memref_slice %arg8[%dma_wait3A_195, %dma_wait3A_202] : memref<2x128xi32, #tpu.memory_space<vmem>> -> memref<1x128xi32, #tpu.memory_space<vmem>>
    %dma_wait3A_204 = tpu.memref_squeeze %dma_wait3A_203 : memref<1x128xi32, #tpu.memory_space<vmem>> -> memref<128xi32, #tpu.memory_space<vmem>>
    %dma_wait3A_205 = arith.constant 0 : i32
    %dma_wait3A_206 = tpu.memref_slice %arg4[%add3A, %dma_wait3A, %dma_wait3A_205] : memref<32x80x128xi32, #tpu.memory_space<hbm>> -> memref<1x1x128xi32, #tpu.memory_space<hbm>>
    %dma_wait3A_207 = tpu.memref_squeeze %dma_wait3A_206 : memref<1x1x128xi32, #tpu.memory_space<hbm>> -> memref<128xi32, #tpu.memory_space<hbm>>
    tpu.wait_dma2 semaphore(%arg16 : memref<!tpu.dma_semaphore, #tpu.memory_space<semaphore_mem>>) src(%dma_wait3A_207 : memref<128xi32, #tpu.memory_space<hbm>>) dst(%dma_wait3A_204 : memref<128xi32, #tpu.memory_space<vmem>>)
    %dma_start3A_208 = arith.constant 0 : i32
    %dma_start3A_209 = arith.constant 0 : i32
    %dma_start3A_210 = tpu.memref_slice %arg10[%dma_start3A_208, %dma_start3A_209] : memref<2x512xf32, #tpu.memory_space<vmem>> -> memref<1x512xf32, #tpu.memory_space<vmem>>
    %dma_start3A_211 = tpu.memref_squeeze %dma_start3A_210 : memref<1x512xf32, #tpu.memory_space<vmem>> -> memref<512xf32, #tpu.memory_space<vmem>>
    %dma_start3A_212 = arith.constant 0 : i32
    %dma_start3A_213 = tpu.memref_slice %arg3[%add3A, %dma_start3A_212] : memref<32x40960xf32, #tpu.memory_space<hbm>> -> memref<1x512xf32, #tpu.memory_space<hbm>>
    %dma_start3A_214 = tpu.memref_squeeze %dma_start3A_213 : memref<1x512xf32, #tpu.memory_space<hbm>> -> memref<512xf32, #tpu.memory_space<hbm>>
    %dma_start3A_215 = arith.constant 0 : i32
    %dma_start3A_216 = tpu.memref_slice %arg10[%dma_start3A_208, %dma_start3A_215] : memref<2x512xf32, #tpu.memory_space<vmem>> -> memref<1x512xf32, #tpu.memory_space<vmem>>
    %dma_start3A_217 = tpu.memref_squeeze %dma_start3A_216 : memref<1x512xf32, #tpu.memory_space<vmem>> -> memref<512xf32, #tpu.memory_space<vmem>>
    %dma_start3A_218 = arith.constant 0 : i32
    %dma_start3A_219 = tpu.memref_slice %arg3[%add3A, %dma_start3A_218] : memref<32x40960xf32, #tpu.memory_space<hbm>> -> memref<1x512xf32, #tpu.memory_space<hbm>>
    %dma_start3A_220 = tpu.memref_squeeze %dma_start3A_219 : memref<1x512xf32, #tpu.memory_space<hbm>> -> memref<512xf32, #tpu.memory_space<hbm>>
    tpu.enqueue_dma source(%dma_start3A_220 : memref<512xf32, #tpu.memory_space<hbm>>) target(%dma_start3A_217 : memref<512xf32, #tpu.memory_space<vmem>>) target_semaphore(%arg16 : memref<!tpu.dma_semaphore, #tpu.memory_space<semaphore_mem>>)
    %dma_wait3A_221 = arith.constant 0 : i32
    %dma_wait3A_222 = arith.constant 0 : i32
    %dma_wait3A_223 = tpu.memref_slice %arg10[%dma_wait3A_221, %dma_wait3A_222] : memref<2x512xf32, #tpu.memory_space<vmem>> -> memref<1x512xf32, #tpu.memory_space<vmem>>
    %dma_wait3A_224 = tpu.memref_squeeze %dma_wait3A_223 : memref<1x512xf32, #tpu.memory_space<vmem>> -> memref<512xf32, #tpu.memory_space<vmem>>
    %dma_wait3A_225 = arith.constant 0 : i32
    %dma_wait3A_226 = tpu.memref_slice %arg3[%add3A, %dma_wait3A_225] : memref<32x40960xf32, #tpu.memory_space<hbm>> -> memref<1x512xf32, #tpu.memory_space<hbm>>
    %dma_wait3A_227 = tpu.memref_squeeze %dma_wait3A_226 : memref<1x512xf32, #tpu.memory_space<hbm>> -> memref<512xf32, #tpu.memory_space<hbm>>
    %dma_wait3A_228 = arith.constant 0 : i32
    %dma_wait3A_229 = tpu.memref_slice %arg10[%dma_wait3A_221, %dma_wait3A_228] : memref<2x512xf32, #tpu.memory_space<vmem>> -> memref<1x512xf32, #tpu.memory_space<vmem>>
    %dma_wait3A_230 = tpu.memref_squeeze %dma_wait3A_229 : memref<1x512xf32, #tpu.memory_space<vmem>> -> memref<512xf32, #tpu.memory_space<vmem>>
    %dma_wait3A_231 = arith.constant 0 : i32
    %dma_wait3A_232 = tpu.memref_slice %arg3[%add3A, %dma_wait3A_231] : memref<32x40960xf32, #tpu.memory_space<hbm>> -> memref<1x512xf32, #tpu.memory_space<hbm>>
    %dma_wait3A_233 = tpu.memref_squeeze %dma_wait3A_232 : memref<1x512xf32, #tpu.memory_space<hbm>> -> memref<512xf32, #tpu.memory_space<hbm>>
    tpu.wait_dma2 semaphore(%arg16 : memref<!tpu.dma_semaphore, #tpu.memory_space<semaphore_mem>>) src(%dma_wait3A_233 : memref<512xf32, #tpu.memory_space<hbm>>) dst(%dma_wait3A_230 : memref<512xf32, #tpu.memory_space<vmem>>)
    %dma_start3A_234 = arith.constant 0 : i32
    %dma_start3A_235 = arith.constant 0 : i32
    %dma_start3A_236 = arith.constant 0 : i32
    %dma_start3A_237 = tpu.memref_slice %arg9[%dma_start3A_235, %dma_start3A_236] : memref<2x128xi32, #tpu.memory_space<vmem>> -> memref<1x128xi32, #tpu.memory_space<vmem>>
    %dma_start3A_238 = tpu.memref_squeeze %dma_start3A_237 : memref<1x128xi32, #tpu.memory_space<vmem>> -> memref<128xi32, #tpu.memory_space<vmem>>
    %dma_start3A_239 = arith.constant 0 : i32
    %dma_start3A_240 = tpu.memref_slice %arg5[%add3A, %dma_start3A_234, %dma_start3A_239] : memref<32x80x128xi32, #tpu.memory_space<hbm>> -> memref<1x1x128xi32, #tpu.memory_space<hbm>>
    %dma_start3A_241 = tpu.memref_squeeze %dma_start3A_240 : memref<1x1x128xi32, #tpu.memory_space<hbm>> -> memref<128xi32, #tpu.memory_space<hbm>>
    %dma_start3A_242 = arith.constant 0 : i32
    %dma_start3A_243 = tpu.memref_slice %arg9[%dma_start3A_235, %dma_start3A_242] : memref<2x128xi32, #tpu.memory_space<vmem>> -> memref<1x128xi32, #tpu.memory_space<vmem>>
    %dma_start3A_244 = tpu.memref_squeeze %dma_start3A_243 : memref<1x128xi32, #tpu.memory_space<vmem>> -> memref<128xi32, #tpu.memory_space<vmem>>
    %dma_start3A_245 = arith.constant 0 : i32
    %dma_start3A_246 = tpu.memref_slice %arg5[%add3A, %dma_start3A_234, %dma_start3A_245] : memref<32x80x128xi32, #tpu.memory_space<hbm>> -> memref<1x1x128xi32, #tpu.memory_space<hbm>>
    %dma_start3A_247 = tpu.memref_squeeze %dma_start3A_246 : memref<1x1x128xi32, #tpu.memory_space<hbm>> -> memref<128xi32, #tpu.memory_space<hbm>>
    tpu.enqueue_dma source(%dma_start3A_247 : memref<128xi32, #tpu.memory_space<hbm>>) target(%dma_start3A_244 : memref<128xi32, #tpu.memory_space<vmem>>) target_semaphore(%arg18 : memref<!tpu.dma_semaphore, #tpu.memory_space<semaphore_mem>>)
    %dma_start3A_248 = arith.constant 1 : i32
    %dma_start3A_249 = arith.constant 1 : i32
    %dma_start3A_250 = arith.constant 0 : i32
    %dma_start3A_251 = tpu.memref_slice %arg8[%dma_start3A_249, %dma_start3A_250] : memref<2x128xi32, #tpu.memory_space<vmem>> -> memref<1x128xi32, #tpu.memory_space<vmem>>
    %dma_start3A_252 = tpu.memref_squeeze %dma_start3A_251 : memref<1x128xi32, #tpu.memory_space<vmem>> -> memref<128xi32, #tpu.memory_space<vmem>>
    %dma_start3A_253 = arith.constant 0 : i32
    %dma_start3A_254 = tpu.memref_slice %arg4[%add3A, %dma_start3A_248, %dma_start3A_253] : memref<32x80x128xi32, #tpu.memory_space<hbm>> -> memref<1x1x128xi32, #tpu.memory_space<hbm>>
    %dma_start3A_255 = tpu.memref_squeeze %dma_start3A_254 : memref<1x1x128xi32, #tpu.memory_space<hbm>> -> memref<128xi32, #tpu.memory_space<hbm>>
    %dma_start3A_256 = arith.constant 0 : i32
    %dma_start3A_257 = tpu.memref_slice %arg8[%dma_start3A_249, %dma_start3A_256] : memref<2x128xi32, #tpu.memory_space<vmem>> -> memref<1x128xi32, #tpu.memory_space<vmem>>
    %dma_start3A_258 = tpu.memref_squeeze %dma_start3A_257 : memref<1x128xi32, #tpu.memory_space<vmem>> -> memref<128xi32, #tpu.memory_space<vmem>>
    %dma_start3A_259 = arith.constant 0 : i32
    %dma_start3A_260 = tpu.memref_slice %arg4[%add3A, %dma_start3A_248, %dma_start3A_259] : memref<32x80x128xi32, #tpu.memory_space<hbm>> -> memref<1x1x128xi32, #tpu.memory_space<hbm>>
    %dma_start3A_261 = tpu.memref_squeeze %dma_start3A_260 : memref<1x1x128xi32, #tpu.memory_space<hbm>> -> memref<128xi32, #tpu.memory_space<hbm>>
    tpu.enqueue_dma source(%dma_start3A_261 : memref<128xi32, #tpu.memory_space<hbm>>) target(%dma_start3A_258 : memref<128xi32, #tpu.memory_space<vmem>>) target_semaphore(%arg17 : memref<!tpu.dma_semaphore, #tpu.memory_space<semaphore_mem>>)
    %dma_start3A_262 = arith.constant 1 : i32
    %dma_start3A_263 = arith.constant 0 : i32
    %dma_start3A_264 = tpu.memref_slice %arg10[%dma_start3A_262, %dma_start3A_263] : memref<2x512xf32, #tpu.memory_space<vmem>> -> memref<1x512xf32, #tpu.memory_space<vmem>>
    %dma_start3A_265 = tpu.memref_squeeze %dma_start3A_264 : memref<1x512xf32, #tpu.memory_space<vmem>> -> memref<512xf32, #tpu.memory_space<vmem>>
    %dma_start3A_266 = arith.constant 512 : i32
    %dma_start3A_267 = tpu.memref_slice %arg3[%add3A, %dma_start3A_266] : memref<32x40960xf32, #tpu.memory_space<hbm>> -> memref<1x512xf32, #tpu.memory_space<hbm>>
    %dma_start3A_268 = tpu.memref_squeeze %dma_start3A_267 : memref<1x512xf32, #tpu.memory_space<hbm>> -> memref<512xf32, #tpu.memory_space<hbm>>
    %dma_start3A_269 = arith.constant 0 : i32
    %dma_start3A_270 = tpu.memref_slice %arg10[%dma_start3A_262, %dma_start3A_269] : memref<2x512xf32, #tpu.memory_space<vmem>> -> memref<1x512xf32, #tpu.memory_space<vmem>>
    %dma_start3A_271 = tpu.memref_squeeze %dma_start3A_270 : memref<1x512xf32, #tpu.memory_space<vmem>> -> memref<512xf32, #tpu.memory_space<vmem>>
    %dma_start3A_272 = arith.constant 512 : i32
    %dma_start3A_273 = tpu.memref_slice %arg3[%add3A, %dma_start3A_272] : memref<32x40960xf32, #tpu.memory_space<hbm>> -> memref<1x512xf32, #tpu.memory_space<hbm>>
    %dma_start3A_274 = tpu.memref_squeeze %dma_start3A_273 : memref<1x512xf32, #tpu.memory_space<hbm>> -> memref<512xf32, #tpu.memory_space<hbm>>
    tpu.enqueue_dma source(%dma_start3A_274 : memref<512xf32, #tpu.memory_space<hbm>>) target(%dma_start3A_271 : memref<512xf32, #tpu.memory_space<vmem>>) target_semaphore(%arg17 : memref<!tpu.dma_semaphore, #tpu.memory_space<semaphore_mem>>)
    %dma_start3A_275 = arith.constant 1 : i32
    %dma_start3A_276 = arith.constant 1 : i32
    %dma_start3A_277 = arith.constant 0 : i32
    %dma_start3A_278 = tpu.memref_slice %arg9[%dma_start3A_276, %dma_start3A_277] : memref<2x128xi32, #tpu.memory_space<vmem>> -> memref<1x128xi32, #tpu.memory_space<vmem>>
    %dma_start3A_279 = tpu.memref_squeeze %dma_start3A_278 : memref<1x128xi32, #tpu.memory_space<vmem>> -> memref<128xi32, #tpu.memory_space<vmem>>
    %dma_start3A_280 = arith.constant 0 : i32
    %dma_start3A_281 = tpu.memref_slice %arg5[%add3A, %dma_start3A_275, %dma_start3A_280] : memref<32x80x128xi32, #tpu.memory_space<hbm>> -> memref<1x1x128xi32, #tpu.memory_space<hbm>>
    %dma_start3A_282 = tpu.memref_squeeze %dma_start3A_281 : memref<1x1x128xi32, #tpu.memory_space<hbm>> -> memref<128xi32, #tpu.memory_space<hbm>>
    %dma_start3A_283 = arith.constant 0 : i32
    %dma_start3A_284 = tpu.memref_slice %arg9[%dma_start3A_276, %dma_start3A_283] : memref<2x128xi32, #tpu.memory_space<vmem>> -> memref<1x128xi32, #tpu.memory_space<vmem>>
    %dma_start3A_285 = tpu.memref_squeeze %dma_start3A_284 : memref<1x128xi32, #tpu.memory_space<vmem>> -> memref<128xi32, #tpu.memory_space<vmem>>
    %dma_start3A_286 = arith.constant 0 : i32
    %dma_start3A_287 = tpu.memref_slice %arg5[%add3A, %dma_start3A_275, %dma_start3A_286] : memref<32x80x128xi32, #tpu.memory_space<hbm>> -> memref<1x1x128xi32, #tpu.memory_space<hbm>>
    %dma_start3A_288 = tpu.memref_squeeze %dma_start3A_287 : memref<1x1x128xi32, #tpu.memory_space<hbm>> -> memref<128xi32, #tpu.memory_space<hbm>>
    tpu.enqueue_dma source(%dma_start3A_288 : memref<128xi32, #tpu.memory_space<hbm>>) target(%dma_start3A_285 : memref<128xi32, #tpu.memory_space<vmem>>) target_semaphore(%arg19 : memref<!tpu.dma_semaphore, #tpu.memory_space<semaphore_mem>>)
    %dma_start3A_289 = arith.constant 0 : i32
    %dma_start3A_290 = arith.constant 0 : i32
    %dma_start3A_291 = arith.constant 0 : i32
    %dma_start3A_292 = tpu.memref_slice %arg11[%dma_start3A_289, %dma_start3A_290, %dma_start3A_291] : memref<2x128x128xf32, #tpu.memory_space<vmem>> -> memref<1x128x128xf32, #tpu.memory_space<vmem>>
    %dma_start3A_293 = tpu.memref_squeeze %dma_start3A_292 : memref<1x128x128xf32, #tpu.memory_space<vmem>> -> memref<128x128xf32, #tpu.memory_space<vmem>>
    %dma_start3A_294 = arith.constant 0 : i32
    %dma_start3A_295 = arith.constant 0 : i32
    %dma_start3A_296 = tpu.memref_slice %arg2[%dma_start3A_294, %dma_start3A_295] : memref<10000x128xf32, #tpu.memory_space<hbm>> -> memref<128x128xf32, #tpu.memory_space<hbm>>
    %dma_start3A_297 = arith.constant 0 : i32
    %dma_start3A_298 = arith.constant 0 : i32
    %dma_start3A_299 = tpu.memref_slice %arg11[%dma_start3A_289, %dma_start3A_297, %dma_start3A_298] : memref<2x128x128xf32, #tpu.memory_space<vmem>> -> memref<1x128x128xf32, #tpu.memory_space<vmem>>
    %dma_start3A_300 = tpu.memref_squeeze %dma_start3A_299 : memref<1x128x128xf32, #tpu.memory_space<vmem>> -> memref<128x128xf32, #tpu.memory_space<vmem>>
    %dma_start3A_301 = arith.constant 0 : i32
    %dma_start3A_302 = arith.constant 0 : i32
    %dma_start3A_303 = tpu.memref_slice %arg2[%dma_start3A_301, %dma_start3A_302] : memref<10000x128xf32, #tpu.memory_space<hbm>> -> memref<128x128xf32, #tpu.memory_space<hbm>>
    tpu.enqueue_dma source(%dma_start3A_303 : memref<128x128xf32, #tpu.memory_space<hbm>>) target(%dma_start3A_300 : memref<128x128xf32, #tpu.memory_space<vmem>>) target_semaphore(%arg14 : memref<!tpu.dma_semaphore, #tpu.memory_space<semaphore_mem>>)
    %scan3A_304 = arith.constant 0 : i32
    %scan3A_305 = arith.constant 0 : i32
    %scan3A_306 = arith.constant 40 : i32
    %scan3A_307 = arith.addi %scan3A_305, %scan3A_306 : i32
    %scan3A_308 = arith.constant 1 : i32
    scf.for %scan3A_331 = %scan3A_305 to %scan3A_307 step %scan3A_308  : i32 {
      %mul3A_332 = arith.constant 2 : i32
      %mul3A_333 = arith.muli %mul3A_332, %scan3A_331 : i32
      %add3A_334 = arith.constant 0 : i32
      %add3A_335 = arith.addi %mul3A_333, %add3A_334 : i32
      %add3A_336 = arith.constant 1 : i32
      %add3A_337 = arith.addi %add3A_335, %add3A_336 : i32
      %lt3A = arith.constant 80 : i32
      %lt3A_338 = arith.cmpi slt, %add3A_337, %lt3A : i32
      %convert_element_type3A = arith.extui %lt3A_338 : i1 to i32
      %cond3A = arith.constant 0 : i32
      %cond3A_339 = arith.cmpi ne, %convert_element_type3A, %cond3A : i32
      scf.if %cond3A_339 {
        %ge3A = arith.constant 1 : i32
        %ge3A_433 = arith.cmpi sge, %add3A_335, %ge3A : i32
        %convert_element_type3A_434 = arith.extui %ge3A_433 : i1 to i32
        %cond3A_435 = arith.constant 0 : i32
        %cond3A_436 = arith.cmpi ne, %convert_element_type3A_434, %cond3A_435 : i32
        scf.if %cond3A_436 {
          %add3A_482 = arith.constant 1 : i32
          %add3A_483 = arith.addi %add3A_335, %add3A_482 : i32
          %dma_start3A_484 = arith.constant 1 : i32
          %dma_start3A_485 = arith.constant 0 : i32
          %dma_start3A_486 = tpu.memref_slice %arg9[%dma_start3A_484, %dma_start3A_485] : memref<2x128xi32, #tpu.memory_space<vmem>> -> memref<1x128xi32, #tpu.memory_space<vmem>>
          %dma_start3A_487 = tpu.memref_squeeze %dma_start3A_486 : memref<1x128xi32, #tpu.memory_space<vmem>> -> memref<128xi32, #tpu.memory_space<vmem>>
          %dma_start3A_488 = arith.constant 0 : i32
          %dma_start3A_489 = tpu.memref_slice %arg5[%add3A, %add3A_483, %dma_start3A_488] : memref<32x80x128xi32, #tpu.memory_space<hbm>> -> memref<1x1x128xi32, #tpu.memory_space<hbm>>
          %dma_start3A_490 = tpu.memref_squeeze %dma_start3A_489 : memref<1x1x128xi32, #tpu.memory_space<hbm>> -> memref<128xi32, #tpu.memory_space<hbm>>
          %dma_start3A_491 = arith.constant 0 : i32
          %dma_start3A_492 = tpu.memref_slice %arg9[%dma_start3A_484, %dma_start3A_491] : memref<2x128xi32, #tpu.memory_space<vmem>> -> memref<1x128xi32, #tpu.memory_space<vmem>>
          %dma_start3A_493 = tpu.memref_squeeze %dma_start3A_492 : memref<1x128xi32, #tpu.memory_space<vmem>> -> memref<128xi32, #tpu.memory_space<vmem>>
          %dma_start3A_494 = arith.constant 0 : i32
          %dma_start3A_495 = tpu.memref_slice %arg5[%add3A, %add3A_483, %dma_start3A_494] : memref<32x80x128xi32, #tpu.memory_space<hbm>> -> memref<1x1x128xi32, #tpu.memory_space<hbm>>
          %dma_start3A_496 = tpu.memref_squeeze %dma_start3A_495 : memref<1x1x128xi32, #tpu.memory_space<hbm>> -> memref<128xi32, #tpu.memory_space<hbm>>
          tpu.enqueue_dma source(%dma_start3A_496 : memref<128xi32, #tpu.memory_space<hbm>>) target(%dma_start3A_493 : memref<128xi32, #tpu.memory_space<vmem>>) target_semaphore(%arg19 : memref<!tpu.dma_semaphore, #tpu.memory_space<semaphore_mem>>)
        } else {
        }
        %add3A_437 = arith.constant 1 : i32
        %add3A_438 = arith.addi %add3A_335, %add3A_437 : i32
        %mul3A_439 = arith.constant 128 : i32
        %mul3A_440 = arith.muli %add3A_438, %mul3A_439 : i32
        %mul3A_441 = arith.constant 4 : i32
        %mul3A_442 = arith.muli %mul3A_440, %mul3A_441 : i32
        %dma_wait3A_443 = arith.constant 1 : i32
        %dma_wait3A_444 = arith.constant 0 : i32
        %dma_wait3A_445 = tpu.memref_slice %arg8[%dma_wait3A_443, %dma_wait3A_444] : memref<2x128xi32, #tpu.memory_space<vmem>> -> memref<1x128xi32, #tpu.memory_space<vmem>>
        %dma_wait3A_446 = tpu.memref_squeeze %dma_wait3A_445 : memref<1x128xi32, #tpu.memory_space<vmem>> -> memref<128xi32, #tpu.memory_space<vmem>>
        %dma_wait3A_447 = arith.constant 0 : i32
        %dma_wait3A_448 = tpu.memref_slice %arg4[%add3A, %add3A_438, %dma_wait3A_447] : memref<32x80x128xi32, #tpu.memory_space<hbm>> -> memref<1x1x128xi32, #tpu.memory_space<hbm>>
        %dma_wait3A_449 = tpu.memref_squeeze %dma_wait3A_448 : memref<1x1x128xi32, #tpu.memory_space<hbm>> -> memref<128xi32, #tpu.memory_space<hbm>>
        %dma_wait3A_450 = arith.constant 0 : i32
        %dma_wait3A_451 = tpu.memref_slice %arg8[%dma_wait3A_443, %dma_wait3A_450] : memref<2x128xi32, #tpu.memory_space<vmem>> -> memref<1x128xi32, #tpu.memory_space<vmem>>
        %dma_wait3A_452 = tpu.memref_squeeze %dma_wait3A_451 : memref<1x128xi32, #tpu.memory_space<vmem>> -> memref<128xi32, #tpu.memory_space<vmem>>
        %dma_wait3A_453 = arith.constant 0 : i32
        %dma_wait3A_454 = tpu.memref_slice %arg4[%add3A, %add3A_438, %dma_wait3A_453] : memref<32x80x128xi32, #tpu.memory_space<hbm>> -> memref<1x1x128xi32, #tpu.memory_space<hbm>>
        %dma_wait3A_455 = tpu.memref_squeeze %dma_wait3A_454 : memref<1x1x128xi32, #tpu.memory_space<hbm>> -> memref<128xi32, #tpu.memory_space<hbm>>
        tpu.wait_dma2 semaphore(%arg17 : memref<!tpu.dma_semaphore, #tpu.memory_space<semaphore_mem>>) src(%dma_wait3A_455 : memref<128xi32, #tpu.memory_space<hbm>>) dst(%dma_wait3A_452 : memref<128xi32, #tpu.memory_space<vmem>>)
        %dma_wait3A_456 = arith.constant 1 : i32
        %dma_wait3A_457 = arith.constant 0 : i32
        %dma_wait3A_458 = tpu.memref_slice %arg10[%dma_wait3A_456, %dma_wait3A_457] : memref<2x512xf32, #tpu.memory_space<vmem>> -> memref<1x512xf32, #tpu.memory_space<vmem>>
        %dma_wait3A_459 = tpu.memref_squeeze %dma_wait3A_458 : memref<1x512xf32, #tpu.memory_space<vmem>> -> memref<512xf32, #tpu.memory_space<vmem>>
        %dma_wait3A_460 = tpu.memref_slice %arg3[%add3A, %mul3A_442] : memref<32x40960xf32, #tpu.memory_space<hbm>> -> memref<1x512xf32, #tpu.memory_space<hbm>>
        %dma_wait3A_461 = tpu.memref_squeeze %dma_wait3A_460 : memref<1x512xf32, #tpu.memory_space<hbm>> -> memref<512xf32, #tpu.memory_space<hbm>>
        %dma_wait3A_462 = arith.constant 0 : i32
        %dma_wait3A_463 = tpu.memref_slice %arg10[%dma_wait3A_456, %dma_wait3A_462] : memref<2x512xf32, #tpu.memory_space<vmem>> -> memref<1x512xf32, #tpu.memory_space<vmem>>
        %dma_wait3A_464 = tpu.memref_squeeze %dma_wait3A_463 : memref<1x512xf32, #tpu.memory_space<vmem>> -> memref<512xf32, #tpu.memory_space<vmem>>
        %dma_wait3A_465 = tpu.memref_slice %arg3[%add3A, %mul3A_442] : memref<32x40960xf32, #tpu.memory_space<hbm>> -> memref<1x512xf32, #tpu.memory_space<hbm>>
        %dma_wait3A_466 = tpu.memref_squeeze %dma_wait3A_465 : memref<1x512xf32, #tpu.memory_space<hbm>> -> memref<512xf32, #tpu.memory_space<hbm>>
        tpu.wait_dma2 semaphore(%arg17 : memref<!tpu.dma_semaphore, #tpu.memory_space<semaphore_mem>>) src(%dma_wait3A_466 : memref<512xf32, #tpu.memory_space<hbm>>) dst(%dma_wait3A_464 : memref<512xf32, #tpu.memory_space<vmem>>)
        %dma_start3A_467 = arith.constant 1 : i32
        %dma_start3A_468 = arith.constant 0 : i32
        %dma_start3A_469 = arith.constant 0 : i32
        %dma_start3A_470 = tpu.memref_slice %arg11[%dma_start3A_467, %dma_start3A_468, %dma_start3A_469] : memref<2x128x128xf32, #tpu.memory_space<vmem>> -> memref<1x128x128xf32, #tpu.memory_space<vmem>>
        %dma_start3A_471 = tpu.memref_squeeze %dma_start3A_470 : memref<1x128x128xf32, #tpu.memory_space<vmem>> -> memref<128x128xf32, #tpu.memory_space<vmem>>
        %dma_start3A_472 = arith.constant 0 : i32
        %dma_start3A_473 = arith.constant 0 : i32
        %dma_start3A_474 = tpu.memref_slice %arg2[%dma_start3A_472, %dma_start3A_473] : memref<10000x128xf32, #tpu.memory_space<hbm>> -> memref<128x128xf32, #tpu.memory_space<hbm>>
        %dma_start3A_475 = arith.constant 0 : i32
        %dma_start3A_476 = arith.constant 0 : i32
        %dma_start3A_477 = tpu.memref_slice %arg11[%dma_start3A_467, %dma_start3A_475, %dma_start3A_476] : memref<2x128x128xf32, #tpu.memory_space<vmem>> -> memref<1x128x128xf32, #tpu.memory_space<vmem>>
        %dma_start3A_478 = tpu.memref_squeeze %dma_start3A_477 : memref<1x128x128xf32, #tpu.memory_space<vmem>> -> memref<128x128xf32, #tpu.memory_space<vmem>>
        %dma_start3A_479 = arith.constant 0 : i32
        %dma_start3A_480 = arith.constant 0 : i32
        %dma_start3A_481 = tpu.memref_slice %arg2[%dma_start3A_479, %dma_start3A_480] : memref<10000x128xf32, #tpu.memory_space<hbm>> -> memref<128x128xf32, #tpu.memory_space<hbm>>
        tpu.enqueue_dma source(%dma_start3A_481 : memref<128x128xf32, #tpu.memory_space<hbm>>) target(%dma_start3A_478 : memref<128x128xf32, #tpu.memory_space<vmem>>) target_semaphore(%arg15 : memref<!tpu.dma_semaphore, #tpu.memory_space<semaphore_mem>>)
      } else {
      }
      %dma_wait3A_340 = arith.constant 0 : i32
      %dma_wait3A_341 = arith.constant 0 : i32
      %dma_wait3A_342 = arith.constant 0 : i32
      %dma_wait3A_343 = tpu.memref_slice %arg11[%dma_wait3A_340, %dma_wait3A_341, %dma_wait3A_342] : memref<2x128x128xf32, #tpu.memory_space<vmem>> -> memref<1x128x128xf32, #tpu.memory_space<vmem>>
      %dma_wait3A_344 = tpu.memref_squeeze %dma_wait3A_343 : memref<1x128x128xf32, #tpu.memory_space<vmem>> -> memref<128x128xf32, #tpu.memory_space<vmem>>
      %dma_wait3A_345 = arith.constant 0 : i32
      %dma_wait3A_346 = arith.constant 0 : i32
      %dma_wait3A_347 = tpu.memref_slice %arg2[%dma_wait3A_345, %dma_wait3A_346] : memref<10000x128xf32, #tpu.memory_space<hbm>> -> memref<128x128xf32, #tpu.memory_space<hbm>>
      %dma_wait3A_348 = arith.constant 0 : i32
      %dma_wait3A_349 = arith.constant 0 : i32
      %dma_wait3A_350 = tpu.memref_slice %arg11[%dma_wait3A_340, %dma_wait3A_348, %dma_wait3A_349] : memref<2x128x128xf32, #tpu.memory_space<vmem>> -> memref<1x128x128xf32, #tpu.memory_space<vmem>>
      %dma_wait3A_351 = tpu.memref_squeeze %dma_wait3A_350 : memref<1x128x128xf32, #tpu.memory_space<vmem>> -> memref<128x128xf32, #tpu.memory_space<vmem>>
      %dma_wait3A_352 = arith.constant 0 : i32
      %dma_wait3A_353 = arith.constant 0 : i32
      %dma_wait3A_354 = tpu.memref_slice %arg2[%dma_wait3A_352, %dma_wait3A_353] : memref<10000x128xf32, #tpu.memory_space<hbm>> -> memref<128x128xf32, #tpu.memory_space<hbm>>
      tpu.wait_dma2 semaphore(%arg14 : memref<!tpu.dma_semaphore, #tpu.memory_space<semaphore_mem>>) src(%dma_wait3A_354 : memref<128x128xf32, #tpu.memory_space<hbm>>) dst(%dma_wait3A_351 : memref<128x128xf32, #tpu.memory_space<vmem>>)
      %scan3A_355 = arith.constant 0 : i32
      %scan3A_356 = arith.constant 0 : i32
      %scan3A_357 = arith.constant 32 : i32
      %scan3A_358 = arith.addi %scan3A_356, %scan3A_357 : i32
      %scan3A_359 = arith.constant 1 : i32
      scf.for %scan3A_433 = %scan3A_356 to %scan3A_358 step %scan3A_359  : i32 {
      }
      %scan3A_360 = arith.constant 32 : i32
      %dma_wait3A_361 = arith.constant 0 : i32
      %dma_wait3A_362 = arith.constant 0 : i32
      %dma_wait3A_363 = tpu.memref_slice %arg9[%dma_wait3A_361, %dma_wait3A_362] : memref<2x128xi32, #tpu.memory_space<vmem>> -> memref<1x128xi32, #tpu.memory_space<vmem>>
      %dma_wait3A_364 = tpu.memref_squeeze %dma_wait3A_363 : memref<1x128xi32, #tpu.memory_space<vmem>> -> memref<128xi32, #tpu.memory_space<vmem>>
      %dma_wait3A_365 = arith.constant 0 : i32
      %dma_wait3A_366 = tpu.memref_slice %arg5[%add3A, %add3A_335, %dma_wait3A_365] : memref<32x80x128xi32, #tpu.memory_space<hbm>> -> memref<1x1x128xi32, #tpu.memory_space<hbm>>
      %dma_wait3A_367 = tpu.memref_squeeze %dma_wait3A_366 : memref<1x1x128xi32, #tpu.memory_space<hbm>> -> memref<128xi32, #tpu.memory_space<hbm>>
      %dma_wait3A_368 = arith.constant 0 : i32
      %dma_wait3A_369 = tpu.memref_slice %arg9[%dma_wait3A_361, %dma_wait3A_368] : memref<2x128xi32, #tpu.memory_space<vmem>> -> memref<1x128xi32, #tpu.memory_space<vmem>>
      %dma_wait3A_370 = tpu.memref_squeeze %dma_wait3A_369 : memref<1x128xi32, #tpu.memory_space<vmem>> -> memref<128xi32, #tpu.memory_space<vmem>>
      %dma_wait3A_371 = arith.constant 0 : i32
      %dma_wait3A_372 = tpu.memref_slice %arg5[%add3A, %add3A_335, %dma_wait3A_371] : memref<32x80x128xi32, #tpu.memory_space<hbm>> -> memref<1x1x128xi32, #tpu.memory_space<hbm>>
      %dma_wait3A_373 = tpu.memref_squeeze %dma_wait3A_372 : memref<1x1x128xi32, #tpu.memory_space<hbm>> -> memref<128xi32, #tpu.memory_space<hbm>>
      tpu.wait_dma2 semaphore(%arg18 : memref<!tpu.dma_semaphore, #tpu.memory_space<semaphore_mem>>) src(%dma_wait3A_373 : memref<128xi32, #tpu.memory_space<hbm>>) dst(%dma_wait3A_370 : memref<128xi32, #tpu.memory_space<vmem>>)
      %add3A_374 = arith.constant 2 : i32
      %add3A_375 = arith.addi %add3A_335, %add3A_374 : i32
      %lt3A_376 = arith.constant 80 : i32
      %lt3A_377 = arith.cmpi slt, %add3A_375, %lt3A_376 : i32
      %convert_element_type3A_378 = arith.extui %lt3A_377 : i1 to i32
      %cond3A_379 = arith.constant 0 : i32
      %cond3A_380 = arith.cmpi ne, %convert_element_type3A_378, %cond3A_379 : i32
      scf.if %cond3A_380 {
        %add3A_433 = arith.constant 2 : i32
        %add3A_434 = arith.addi %add3A_335, %add3A_433 : i32
        %mul3A_435 = arith.constant 128 : i32
        %mul3A_436 = arith.muli %add3A_434, %mul3A_435 : i32
        %mul3A_437 = arith.constant 4 : i32
        %mul3A_438 = arith.muli %mul3A_436, %mul3A_437 : i32
        %dma_start3A_439 = arith.constant 0 : i32
        %dma_start3A_440 = arith.constant 0 : i32
        %dma_start3A_441 = tpu.memref_slice %arg8[%dma_start3A_439, %dma_start3A_440] : memref<2x128xi32, #tpu.memory_space<vmem>> -> memref<1x128xi32, #tpu.memory_space<vmem>>
        %dma_start3A_442 = tpu.memref_squeeze %dma_start3A_441 : memref<1x128xi32, #tpu.memory_space<vmem>> -> memref<128xi32, #tpu.memory_space<vmem>>
        %dma_start3A_443 = arith.constant 0 : i32
        %dma_start3A_444 = tpu.memref_slice %arg4[%add3A, %add3A_434, %dma_start3A_443] : memref<32x80x128xi32, #tpu.memory_space<hbm>> -> memref<1x1x128xi32, #tpu.memory_space<hbm>>
        %dma_start3A_445 = tpu.memref_squeeze %dma_start3A_444 : memref<1x1x128xi32, #tpu.memory_space<hbm>> -> memref<128xi32, #tpu.memory_space<hbm>>
        %dma_start3A_446 = arith.constant 0 : i32
        %dma_start3A_447 = tpu.memref_slice %arg8[%dma_start3A_439, %dma_start3A_446] : memref<2x128xi32, #tpu.memory_space<vmem>> -> memref<1x128xi32, #tpu.memory_space<vmem>>
        %dma_start3A_448 = tpu.memref_squeeze %dma_start3A_447 : memref<1x128xi32, #tpu.memory_space<vmem>> -> memref<128xi32, #tpu.memory_space<vmem>>
        %dma_start3A_449 = arith.constant 0 : i32
        %dma_start3A_450 = tpu.memref_slice %arg4[%add3A, %add3A_434, %dma_start3A_449] : memref<32x80x128xi32, #tpu.memory_space<hbm>> -> memref<1x1x128xi32, #tpu.memory_space<hbm>>
        %dma_start3A_451 = tpu.memref_squeeze %dma_start3A_450 : memref<1x1x128xi32, #tpu.memory_space<hbm>> -> memref<128xi32, #tpu.memory_space<hbm>>
        tpu.enqueue_dma source(%dma_start3A_451 : memref<128xi32, #tpu.memory_space<hbm>>) target(%dma_start3A_448 : memref<128xi32, #tpu.memory_space<vmem>>) target_semaphore(%arg16 : memref<!tpu.dma_semaphore, #tpu.memory_space<semaphore_mem>>)
        %dma_start3A_452 = arith.constant 0 : i32
        %dma_start3A_453 = arith.constant 0 : i32
        %dma_start3A_454 = tpu.memref_slice %arg10[%dma_start3A_452, %dma_start3A_453] : memref<2x512xf32, #tpu.memory_space<vmem>> -> memref<1x512xf32, #tpu.memory_space<vmem>>
        %dma_start3A_455 = tpu.memref_squeeze %dma_start3A_454 : memref<1x512xf32, #tpu.memory_space<vmem>> -> memref<512xf32, #tpu.memory_space<vmem>>
        %dma_start3A_456 = tpu.memref_slice %arg3[%add3A, %mul3A_438] : memref<32x40960xf32, #tpu.memory_space<hbm>> -> memref<1x512xf32, #tpu.memory_space<hbm>>
        %dma_start3A_457 = tpu.memref_squeeze %dma_start3A_456 : memref<1x512xf32, #tpu.memory_space<hbm>> -> memref<512xf32, #tpu.memory_space<hbm>>
        %dma_start3A_458 = arith.constant 0 : i32
        %dma_start3A_459 = tpu.memref_slice %arg10[%dma_start3A_452, %dma_start3A_458] : memref<2x512xf32, #tpu.memory_space<vmem>> -> memref<1x512xf32, #tpu.memory_space<vmem>>
        %dma_start3A_460 = tpu.memref_squeeze %dma_start3A_459 : memref<1x512xf32, #tpu.memory_space<vmem>> -> memref<512xf32, #tpu.memory_space<vmem>>
        %dma_start3A_461 = tpu.memref_slice %arg3[%add3A, %mul3A_438] : memref<32x40960xf32, #tpu.memory_space<hbm>> -> memref<1x512xf32, #tpu.memory_space<hbm>>
        %dma_start3A_462 = tpu.memref_squeeze %dma_start3A_461 : memref<1x512xf32, #tpu.memory_space<hbm>> -> memref<512xf32, #tpu.memory_space<hbm>>
        tpu.enqueue_dma source(%dma_start3A_462 : memref<512xf32, #tpu.memory_space<hbm>>) target(%dma_start3A_460 : memref<512xf32, #tpu.memory_space<vmem>>) target_semaphore(%arg16 : memref<!tpu.dma_semaphore, #tpu.memory_space<semaphore_mem>>)
      } else {
      }
      %mul3A_381 = arith.constant 2 : i32
      %mul3A_382 = arith.muli %mul3A_381, %scan3A_331 : i32
      %add3A_383 = arith.constant 1 : i32
      %add3A_384 = arith.addi %mul3A_382, %add3A_383 : i32
      %add3A_385 = arith.constant 1 : i32
      %add3A_386 = arith.addi %add3A_384, %add3A_385 : i32
      %lt3A_387 = arith.constant 80 : i32
      %lt3A_388 = arith.cmpi slt, %add3A_386, %lt3A_387 : i32
      %convert_element_type3A_389 = arith.extui %lt3A_388 : i1 to i32
      %cond3A_390 = arith.constant 0 : i32
      %cond3A_391 = arith.cmpi ne, %convert_element_type3A_389, %cond3A_390 : i32
      scf.if %cond3A_391 {
        %ge3A = arith.constant 1 : i32
        %ge3A_433 = arith.cmpi sge, %add3A_384, %ge3A : i32
        %convert_element_type3A_434 = arith.extui %ge3A_433 : i1 to i32
        %cond3A_435 = arith.constant 0 : i32
        %cond3A_436 = arith.cmpi ne, %convert_element_type3A_434, %cond3A_435 : i32
        scf.if %cond3A_436 {
          %add3A_482 = arith.constant 1 : i32
          %add3A_483 = arith.addi %add3A_384, %add3A_482 : i32
          %dma_start3A_484 = arith.constant 0 : i32
          %dma_start3A_485 = arith.constant 0 : i32
          %dma_start3A_486 = tpu.memref_slice %arg9[%dma_start3A_484, %dma_start3A_485] : memref<2x128xi32, #tpu.memory_space<vmem>> -> memref<1x128xi32, #tpu.memory_space<vmem>>
          %dma_start3A_487 = tpu.memref_squeeze %dma_start3A_486 : memref<1x128xi32, #tpu.memory_space<vmem>> -> memref<128xi32, #tpu.memory_space<vmem>>
          %dma_start3A_488 = arith.constant 0 : i32
          %dma_start3A_489 = tpu.memref_slice %arg5[%add3A, %add3A_483, %dma_start3A_488] : memref<32x80x128xi32, #tpu.memory_space<hbm>> -> memref<1x1x128xi32, #tpu.memory_space<hbm>>
          %dma_start3A_490 = tpu.memref_squeeze %dma_start3A_489 : memref<1x1x128xi32, #tpu.memory_space<hbm>> -> memref<128xi32, #tpu.memory_space<hbm>>
          %dma_start3A_491 = arith.constant 0 : i32
          %dma_start3A_492 = tpu.memref_slice %arg9[%dma_start3A_484, %dma_start3A_491] : memref<2x128xi32, #tpu.memory_space<vmem>> -> memref<1x128xi32, #tpu.memory_space<vmem>>
          %dma_start3A_493 = tpu.memref_squeeze %dma_start3A_492 : memref<1x128xi32, #tpu.memory_space<vmem>> -> memref<128xi32, #tpu.memory_space<vmem>>
          %dma_start3A_494 = arith.constant 0 : i32
          %dma_start3A_495 = tpu.memref_slice %arg5[%add3A, %add3A_483, %dma_start3A_494] : memref<32x80x128xi32, #tpu.memory_space<hbm>> -> memref<1x1x128xi32, #tpu.memory_space<hbm>>
          %dma_start3A_496 = tpu.memref_squeeze %dma_start3A_495 : memref<1x1x128xi32, #tpu.memory_space<hbm>> -> memref<128xi32, #tpu.memory_space<hbm>>
          tpu.enqueue_dma source(%dma_start3A_496 : memref<128xi32, #tpu.memory_space<hbm>>) target(%dma_start3A_493 : memref<128xi32, #tpu.memory_space<vmem>>) target_semaphore(%arg18 : memref<!tpu.dma_semaphore, #tpu.memory_space<semaphore_mem>>)
        } else {
        }
        %add3A_437 = arith.constant 1 : i32
        %add3A_438 = arith.addi %add3A_384, %add3A_437 : i32
        %mul3A_439 = arith.constant 128 : i32
        %mul3A_440 = arith.muli %add3A_438, %mul3A_439 : i32
        %mul3A_441 = arith.constant 4 : i32
        %mul3A_442 = arith.muli %mul3A_440, %mul3A_441 : i32
        %dma_wait3A_443 = arith.constant 0 : i32
        %dma_wait3A_444 = arith.constant 0 : i32
        %dma_wait3A_445 = tpu.memref_slice %arg8[%dma_wait3A_443, %dma_wait3A_444] : memref<2x128xi32, #tpu.memory_space<vmem>> -> memref<1x128xi32, #tpu.memory_space<vmem>>
        %dma_wait3A_446 = tpu.memref_squeeze %dma_wait3A_445 : memref<1x128xi32, #tpu.memory_space<vmem>> -> memref<128xi32, #tpu.memory_space<vmem>>
        %dma_wait3A_447 = arith.constant 0 : i32
        %dma_wait3A_448 = tpu.memref_slice %arg4[%add3A, %add3A_438, %dma_wait3A_447] : memref<32x80x128xi32, #tpu.memory_space<hbm>> -> memref<1x1x128xi32, #tpu.memory_space<hbm>>
        %dma_wait3A_449 = tpu.memref_squeeze %dma_wait3A_448 : memref<1x1x128xi32, #tpu.memory_space<hbm>> -> memref<128xi32, #tpu.memory_space<hbm>>
        %dma_wait3A_450 = arith.constant 0 : i32
        %dma_wait3A_451 = tpu.memref_slice %arg8[%dma_wait3A_443, %dma_wait3A_450] : memref<2x128xi32, #tpu.memory_space<vmem>> -> memref<1x128xi32, #tpu.memory_space<vmem>>
        %dma_wait3A_452 = tpu.memref_squeeze %dma_wait3A_451 : memref<1x128xi32, #tpu.memory_space<vmem>> -> memref<128xi32, #tpu.memory_space<vmem>>
        %dma_wait3A_453 = arith.constant 0 : i32
        %dma_wait3A_454 = tpu.memref_slice %arg4[%add3A, %add3A_438, %dma_wait3A_453] : memref<32x80x128xi32, #tpu.memory_space<hbm>> -> memref<1x1x128xi32, #tpu.memory_space<hbm>>
        %dma_wait3A_455 = tpu.memref_squeeze %dma_wait3A_454 : memref<1x1x128xi32, #tpu.memory_space<hbm>> -> memref<128xi32, #tpu.memory_space<hbm>>
        tpu.wait_dma2 semaphore(%arg16 : memref<!tpu.dma_semaphore, #tpu.memory_space<semaphore_mem>>) src(%dma_wait3A_455 : memref<128xi32, #tpu.memory_space<hbm>>) dst(%dma_wait3A_452 : memref<128xi32, #tpu.memory_space<vmem>>)
        %dma_wait3A_456 = arith.constant 0 : i32
        %dma_wait3A_457 = arith.constant 0 : i32
        %dma_wait3A_458 = tpu.memref_slice %arg10[%dma_wait3A_456, %dma_wait3A_457] : memref<2x512xf32, #tpu.memory_space<vmem>> -> memref<1x512xf32, #tpu.memory_space<vmem>>
        %dma_wait3A_459 = tpu.memref_squeeze %dma_wait3A_458 : memref<1x512xf32, #tpu.memory_space<vmem>> -> memref<512xf32, #tpu.memory_space<vmem>>
        %dma_wait3A_460 = tpu.memref_slice %arg3[%add3A, %mul3A_442] : memref<32x40960xf32, #tpu.memory_space<hbm>> -> memref<1x512xf32, #tpu.memory_space<hbm>>
        %dma_wait3A_461 = tpu.memref_squeeze %dma_wait3A_460 : memref<1x512xf32, #tpu.memory_space<hbm>> -> memref<512xf32, #tpu.memory_space<hbm>>
        %dma_wait3A_462 = arith.constant 0 : i32
        %dma_wait3A_463 = tpu.memref_slice %arg10[%dma_wait3A_456, %dma_wait3A_462] : memref<2x512xf32, #tpu.memory_space<vmem>> -> memref<1x512xf32, #tpu.memory_space<vmem>>
        %dma_wait3A_464 = tpu.memref_squeeze %dma_wait3A_463 : memref<1x512xf32, #tpu.memory_space<vmem>> -> memref<512xf32, #tpu.memory_space<vmem>>
        %dma_wait3A_465 = tpu.memref_slice %arg3[%add3A, %mul3A_442] : memref<32x40960xf32, #tpu.memory_space<hbm>> -> memref<1x512xf32, #tpu.memory_space<hbm>>
        %dma_wait3A_466 = tpu.memref_squeeze %dma_wait3A_465 : memref<1x512xf32, #tpu.memory_space<hbm>> -> memref<512xf32, #tpu.memory_space<hbm>>
        tpu.wait_dma2 semaphore(%arg16 : memref<!tpu.dma_semaphore, #tpu.memory_space<semaphore_mem>>) src(%dma_wait3A_466 : memref<512xf32, #tpu.memory_space<hbm>>) dst(%dma_wait3A_464 : memref<512xf32, #tpu.memory_space<vmem>>)
        %dma_start3A_467 = arith.constant 0 : i32
        %dma_start3A_468 = arith.constant 0 : i32
        %dma_start3A_469 = arith.constant 0 : i32
        %dma_start3A_470 = tpu.memref_slice %arg11[%dma_start3A_467, %dma_start3A_468, %dma_start3A_469] : memref<2x128x128xf32, #tpu.memory_space<vmem>> -> memref<1x128x128xf32, #tpu.memory_space<vmem>>
        %dma_start3A_471 = tpu.memref_squeeze %dma_start3A_470 : memref<1x128x128xf32, #tpu.memory_space<vmem>> -> memref<128x128xf32, #tpu.memory_space<vmem>>
        %dma_start3A_472 = arith.constant 0 : i32
        %dma_start3A_473 = arith.constant 0 : i32
        %dma_start3A_474 = tpu.memref_slice %arg2[%dma_start3A_472, %dma_start3A_473] : memref<10000x128xf32, #tpu.memory_space<hbm>> -> memref<128x128xf32, #tpu.memory_space<hbm>>
        %dma_start3A_475 = arith.constant 0 : i32
        %dma_start3A_476 = arith.constant 0 : i32
        %dma_start3A_477 = tpu.memref_slice %arg11[%dma_start3A_467, %dma_start3A_475, %dma_start3A_476] : memref<2x128x128xf32, #tpu.memory_space<vmem>> -> memref<1x128x128xf32, #tpu.memory_space<vmem>>
        %dma_start3A_478 = tpu.memref_squeeze %dma_start3A_477 : memref<1x128x128xf32, #tpu.memory_space<vmem>> -> memref<128x128xf32, #tpu.memory_space<vmem>>
        %dma_start3A_479 = arith.constant 0 : i32
        %dma_start3A_480 = arith.constant 0 : i32
        %dma_start3A_481 = tpu.memref_slice %arg2[%dma_start3A_479, %dma_start3A_480] : memref<10000x128xf32, #tpu.memory_space<hbm>> -> memref<128x128xf32, #tpu.memory_space<hbm>>
        tpu.enqueue_dma source(%dma_start3A_481 : memref<128x128xf32, #tpu.memory_space<hbm>>) target(%dma_start3A_478 : memref<128x128xf32, #tpu.memory_space<vmem>>) target_semaphore(%arg14 : memref<!tpu.dma_semaphore, #tpu.memory_space<semaphore_mem>>)
      } else {
      }
      %dma_wait3A_392 = arith.constant 1 : i32
      %dma_wait3A_393 = arith.constant 0 : i32
      %dma_wait3A_394 = arith.constant 0 : i32
      %dma_wait3A_395 = tpu.memref_slice %arg11[%dma_wait3A_392, %dma_wait3A_393, %dma_wait3A_394] : memref<2x128x128xf32, #tpu.memory_space<vmem>> -> memref<1x128x128xf32, #tpu.memory_space<vmem>>
      %dma_wait3A_396 = tpu.memref_squeeze %dma_wait3A_395 : memref<1x128x128xf32, #tpu.memory_space<vmem>> -> memref<128x128xf32, #tpu.memory_space<vmem>>
      %dma_wait3A_397 = arith.constant 0 : i32
      %dma_wait3A_398 = arith.constant 0 : i32
      %dma_wait3A_399 = tpu.memref_slice %arg2[%dma_wait3A_397, %dma_wait3A_398] : memref<10000x128xf32, #tpu.memory_space<hbm>> -> memref<128x128xf32, #tpu.memory_space<hbm>>
      %dma_wait3A_400 = arith.constant 0 : i32
      %dma_wait3A_401 = arith.constant 0 : i32
      %dma_wait3A_402 = tpu.memref_slice %arg11[%dma_wait3A_392, %dma_wait3A_400, %dma_wait3A_401] : memref<2x128x128xf32, #tpu.memory_space<vmem>> -> memref<1x128x128xf32, #tpu.memory_space<vmem>>
      %dma_wait3A_403 = tpu.memref_squeeze %dma_wait3A_402 : memref<1x128x128xf32, #tpu.memory_space<vmem>> -> memref<128x128xf32, #tpu.memory_space<vmem>>
      %dma_wait3A_404 = arith.constant 0 : i32
      %dma_wait3A_405 = arith.constant 0 : i32
      %dma_wait3A_406 = tpu.memref_slice %arg2[%dma_wait3A_404, %dma_wait3A_405] : memref<10000x128xf32, #tpu.memory_space<hbm>> -> memref<128x128xf32, #tpu.memory_space<hbm>>
      tpu.wait_dma2 semaphore(%arg15 : memref<!tpu.dma_semaphore, #tpu.memory_space<semaphore_mem>>) src(%dma_wait3A_406 : memref<128x128xf32, #tpu.memory_space<hbm>>) dst(%dma_wait3A_403 : memref<128x128xf32, #tpu.memory_space<vmem>>)
      %scan3A_407 = arith.constant 0 : i32
      %scan3A_408 = arith.constant 0 : i32
      %scan3A_409 = arith.constant 32 : i32
      %scan3A_410 = arith.addi %scan3A_408, %scan3A_409 : i32
      %scan3A_411 = arith.constant 1 : i32
      scf.for %scan3A_433 = %scan3A_408 to %scan3A_410 step %scan3A_411  : i32 {
      }
      %scan3A_412 = arith.constant 32 : i32
      %dma_wait3A_413 = arith.constant 1 : i32
      %dma_wait3A_414 = arith.constant 0 : i32
      %dma_wait3A_415 = tpu.memref_slice %arg9[%dma_wait3A_413, %dma_wait3A_414] : memref<2x128xi32, #tpu.memory_space<vmem>> -> memref<1x128xi32, #tpu.memory_space<vmem>>
      %dma_wait3A_416 = tpu.memref_squeeze %dma_wait3A_415 : memref<1x128xi32, #tpu.memory_space<vmem>> -> memref<128xi32, #tpu.memory_space<vmem>>
      %dma_wait3A_417 = arith.constant 0 : i32
      %dma_wait3A_418 = tpu.memref_slice %arg5[%add3A, %add3A_384, %dma_wait3A_417] : memref<32x80x128xi32, #tpu.memory_space<hbm>> -> memref<1x1x128xi32, #tpu.memory_space<hbm>>
      %dma_wait3A_419 = tpu.memref_squeeze %dma_wait3A_418 : memref<1x1x128xi32, #tpu.memory_space<hbm>> -> memref<128xi32, #tpu.memory_space<hbm>>
      %dma_wait3A_420 = arith.constant 0 : i32
      %dma_wait3A_421 = tpu.memref_slice %arg9[%dma_wait3A_413, %dma_wait3A_420] : memref<2x128xi32, #tpu.memory_space<vmem>> -> memref<1x128xi32, #tpu.memory_space<vmem>>
      %dma_wait3A_422 = tpu.memref_squeeze %dma_wait3A_421 : memref<1x128xi32, #tpu.memory_space<vmem>> -> memref<128xi32, #tpu.memory_space<vmem>>
      %dma_wait3A_423 = arith.constant 0 : i32
      %dma_wait3A_424 = tpu.memref_slice %arg5[%add3A, %add3A_384, %dma_wait3A_423] : memref<32x80x128xi32, #tpu.memory_space<hbm>> -> memref<1x1x128xi32, #tpu.memory_space<hbm>>
      %dma_wait3A_425 = tpu.memref_squeeze %dma_wait3A_424 : memref<1x1x128xi32, #tpu.memory_space<hbm>> -> memref<128xi32, #tpu.memory_space<hbm>>
      tpu.wait_dma2 semaphore(%arg19 : memref<!tpu.dma_semaphore, #tpu.memory_space<semaphore_mem>>) src(%dma_wait3A_425 : memref<128xi32, #tpu.memory_space<hbm>>) dst(%dma_wait3A_422 : memref<128xi32, #tpu.memory_space<vmem>>)
      %add3A_426 = arith.constant 2 : i32
      %add3A_427 = arith.addi %add3A_384, %add3A_426 : i32
      %lt3A_428 = arith.constant 80 : i32
      %lt3A_429 = arith.cmpi slt, %add3A_427, %lt3A_428 : i32
      %convert_element_type3A_430 = arith.extui %lt3A_429 : i1 to i32
      %cond3A_431 = arith.constant 0 : i32
      %cond3A_432 = arith.cmpi ne, %convert_element_type3A_430, %cond3A_431 : i32
      scf.if %cond3A_432 {
        %add3A_433 = arith.constant 2 : i32
        %add3A_434 = arith.addi %add3A_384, %add3A_433 : i32
        %mul3A_435 = arith.constant 128 : i32
        %mul3A_436 = arith.muli %add3A_434, %mul3A_435 : i32
        %mul3A_437 = arith.constant 4 : i32
        %mul3A_438 = arith.muli %mul3A_436, %mul3A_437 : i32
        %dma_start3A_439 = arith.constant 1 : i32
        %dma_start3A_440 = arith.constant 0 : i32
        %dma_start3A_441 = tpu.memref_slice %arg8[%dma_start3A_439, %dma_start3A_440] : memref<2x128xi32, #tpu.memory_space<vmem>> -> memref<1x128xi32, #tpu.memory_space<vmem>>
        %dma_start3A_442 = tpu.memref_squeeze %dma_start3A_441 : memref<1x128xi32, #tpu.memory_space<vmem>> -> memref<128xi32, #tpu.memory_space<vmem>>
        %dma_start3A_443 = arith.constant 0 : i32
        %dma_start3A_444 = tpu.memref_slice %arg4[%add3A, %add3A_434, %dma_start3A_443] : memref<32x80x128xi32, #tpu.memory_space<hbm>> -> memref<1x1x128xi32, #tpu.memory_space<hbm>>
        %dma_start3A_445 = tpu.memref_squeeze %dma_start3A_444 : memref<1x1x128xi32, #tpu.memory_space<hbm>> -> memref<128xi32, #tpu.memory_space<hbm>>
        %dma_start3A_446 = arith.constant 0 : i32
        %dma_start3A_447 = tpu.memref_slice %arg8[%dma_start3A_439, %dma_start3A_446] : memref<2x128xi32, #tpu.memory_space<vmem>> -> memref<1x128xi32, #tpu.memory_space<vmem>>
        %dma_start3A_448 = tpu.memref_squeeze %dma_start3A_447 : memref<1x128xi32, #tpu.memory_space<vmem>> -> memref<128xi32, #tpu.memory_space<vmem>>
        %dma_start3A_449 = arith.constant 0 : i32
        %dma_start3A_450 = tpu.memref_slice %arg4[%add3A, %add3A_434, %dma_start3A_449] : memref<32x80x128xi32, #tpu.memory_space<hbm>> -> memref<1x1x128xi32, #tpu.memory_space<hbm>>
        %dma_start3A_451 = tpu.memref_squeeze %dma_start3A_450 : memref<1x1x128xi32, #tpu.memory_space<hbm>> -> memref<128xi32, #tpu.memory_space<hbm>>
        tpu.enqueue_dma source(%dma_start3A_451 : memref<128xi32, #tpu.memory_space<hbm>>) target(%dma_start3A_448 : memref<128xi32, #tpu.memory_space<vmem>>) target_semaphore(%arg17 : memref<!tpu.dma_semaphore, #tpu.memory_space<semaphore_mem>>)
        %dma_start3A_452 = arith.constant 1 : i32
        %dma_start3A_453 = arith.constant 0 : i32
        %dma_start3A_454 = tpu.memref_slice %arg10[%dma_start3A_452, %dma_start3A_453] : memref<2x512xf32, #tpu.memory_space<vmem>> -> memref<1x512xf32, #tpu.memory_space<vmem>>
        %dma_start3A_455 = tpu.memref_squeeze %dma_start3A_454 : memref<1x512xf32, #tpu.memory_space<vmem>> -> memref<512xf32, #tpu.memory_space<vmem>>
        %dma_start3A_456 = tpu.memref_slice %arg3[%add3A, %mul3A_438] : memref<32x40960xf32, #tpu.memory_space<hbm>> -> memref<1x512xf32, #tpu.memory_space<hbm>>
        %dma_start3A_457 = tpu.memref_squeeze %dma_start3A_456 : memref<1x512xf32, #tpu.memory_space<hbm>> -> memref<512xf32, #tpu.memory_space<hbm>>
        %dma_start3A_458 = arith.constant 0 : i32
        %dma_start3A_459 = tpu.memref_slice %arg10[%dma_start3A_452, %dma_start3A_458] : memref<2x512xf32, #tpu.memory_space<vmem>> -> memref<1x512xf32, #tpu.memory_space<vmem>>
        %dma_start3A_460 = tpu.memref_squeeze %dma_start3A_459 : memref<1x512xf32, #tpu.memory_space<vmem>> -> memref<512xf32, #tpu.memory_space<vmem>>
        %dma_start3A_461 = tpu.memref_slice %arg3[%add3A, %mul3A_438] : memref<32x40960xf32, #tpu.memory_space<hbm>> -> memref<1x512xf32, #tpu.memory_space<hbm>>
        %dma_start3A_462 = tpu.memref_squeeze %dma_start3A_461 : memref<1x512xf32, #tpu.memory_space<hbm>> -> memref<512xf32, #tpu.memory_space<hbm>>
        tpu.enqueue_dma source(%dma_start3A_462 : memref<512xf32, #tpu.memory_space<hbm>>) target(%dma_start3A_460 : memref<512xf32, #tpu.memory_space<vmem>>) target_semaphore(%arg17 : memref<!tpu.dma_semaphore, #tpu.memory_space<semaphore_mem>>)
      } else {
      }
    }
    %scan3A_309 = arith.constant 40 : i32
    %barrier3A_310 = arith.constant 0 : index
    tpu.barrier barrier_id(%barrier3A_310)
    %add3A_311 = arith.constant 0 : i32
    %add3A_312 = arith.addi %mul3A_8, %add3A_311 : i32
    %add3A_313 = arith.constant 0 : i32
    %add3A_314 = arith.addi %mul3A_8, %add3A_313 : i32
    "tpu.region"() ({
      %run_scoped3A_331 = tpu.sem_alloc : memref<!tpu.dma_semaphore, #tpu.memory_space<semaphore_mem>>
      %dma_start3A_332 = arith.constant 0 : i32
      %dma_start3A_333 = tpu.memref_slice %arg7[%arg0, %add3A_314, %dma_start3A_332] : memref<2x10112x128xf32, #tpu.memory_space<hbm>> -> memref<1x128x128xf32, #tpu.memory_space<hbm>>
      %dma_start3A_334 = tpu.memref_squeeze %dma_start3A_333 : memref<1x128x128xf32, #tpu.memory_space<hbm>> -> memref<128x128xf32, #tpu.memory_space<hbm>>
      %dma_start3A_335 = arith.constant 0 : i32
      %dma_start3A_336 = tpu.memref_slice %arg13[%add3A_312, %dma_start3A_335] : memref<10112x128xf32, #tpu.memory_space<vmem_shared>> -> memref<128x128xf32, #tpu.memory_space<vmem_shared>>
      tpu.enqueue_dma source(%dma_start3A_336 : memref<128x128xf32, #tpu.memory_space<vmem_shared>>) target(%dma_start3A_334 : memref<128x128xf32, #tpu.memory_space<hbm>>) target_semaphore(%run_scoped3A_331 : memref<!tpu.dma_semaphore, #tpu.memory_space<semaphore_mem>>)
      %dma_wait3A_337 = arith.constant 0 : i32
      %dma_wait3A_338 = tpu.memref_slice %arg7[%arg0, %add3A_314, %dma_wait3A_337] : memref<2x10112x128xf32, #tpu.memory_space<hbm>> -> memref<1x128x128xf32, #tpu.memory_space<hbm>>
      %dma_wait3A_339 = tpu.memref_squeeze %dma_wait3A_338 : memref<1x128x128xf32, #tpu.memory_space<hbm>> -> memref<128x128xf32, #tpu.memory_space<hbm>>
      %dma_wait3A_340 = arith.constant 0 : i32
      %dma_wait3A_341 = tpu.memref_slice %arg13[%add3A_312, %dma_wait3A_340] : memref<10112x128xf32, #tpu.memory_space<vmem_shared>> -> memref<128x128xf32, #tpu.memory_space<vmem_shared>>
      tpu.wait_dma2 semaphore(%run_scoped3A_331 : memref<!tpu.dma_semaphore, #tpu.memory_space<semaphore_mem>>) src(%dma_wait3A_341 : memref<128x128xf32, #tpu.memory_space<vmem_shared>>) dst(%dma_wait3A_339 : memref<128x128xf32, #tpu.memory_space<hbm>>)
      tpu.yield
    }) : () -> ()
    %add3A_315 = arith.constant 128 : i32
    %add3A_316 = arith.addi %mul3A_8, %add3A_315 : i32
    %add3A_317 = arith.constant 128 : i32
    %add3A_318 = arith.addi %mul3A_8, %add3A_317 : i32
    "tpu.region"() ({
      %run_scoped3A_331 = tpu.sem_alloc : memref<!tpu.dma_semaphore, #tpu.memory_space<semaphore_mem>>
      %dma_start3A_332 = arith.constant 0 : i32
      %dma_start3A_333 = tpu.memref_slice %arg7[%arg0, %add3A_318, %dma_start3A_332] : memref<2x10112x128xf32, #tpu.memory_space<hbm>> -> memref<1x128x128xf32, #tpu.memory_space<hbm>>
      %dma_start3A_334 = tpu.memref_squeeze %dma_start3A_333 : memref<1x128x128xf32, #tpu.memory_space<hbm>> -> memref<128x128xf32, #tpu.memory_space<hbm>>
      %dma_start3A_335 = arith.constant 0 : i32
      %dma_start3A_336 = tpu.memref_slice %arg13[%add3A_316, %dma_start3A_335] : memref<10112x128xf32, #tpu.memory_space<vmem_shared>> -> memref<128x128xf32, #tpu.memory_space<vmem_shared>>
      tpu.enqueue_dma source(%dma_start3A_336 : memref<128x128xf32, #tpu.memory_space<vmem_shared>>) target(%dma_start3A_334 : memref<128x128xf32, #tpu.memory_space<hbm>>) target_semaphore(%run_scoped3A_331 : memref<!tpu.dma_semaphore, #tpu.memory_space<semaphore_mem>>)
      %dma_wait3A_337 = arith.constant 0 : i32
      %dma_wait3A_338 = tpu.memref_slice %arg7[%arg0, %add3A_318, %dma_wait3A_337] : memref<2x10112x128xf32, #tpu.memory_space<hbm>> -> memref<1x128x128xf32, #tpu.memory_space<hbm>>
      %dma_wait3A_339 = tpu.memref_squeeze %dma_wait3A_338 : memref<1x128x128xf32, #tpu.memory_space<hbm>> -> memref<128x128xf32, #tpu.memory_space<hbm>>
      %dma_wait3A_340 = arith.constant 0 : i32
      %dma_wait3A_341 = tpu.memref_slice %arg13[%add3A_316, %dma_wait3A_340] : memref<10112x128xf32, #tpu.memory_space<vmem_shared>> -> memref<128x128xf32, #tpu.memory_space<vmem_shared>>
      tpu.wait_dma2 semaphore(%run_scoped3A_331 : memref<!tpu.dma_semaphore, #tpu.memory_space<semaphore_mem>>) src(%dma_wait3A_341 : memref<128x128xf32, #tpu.memory_space<vmem_shared>>) dst(%dma_wait3A_339 : memref<128x128xf32, #tpu.memory_space<hbm>>)
      tpu.yield
    }) : () -> ()
    %add3A_319 = arith.constant 256 : i32
    %add3A_320 = arith.addi %mul3A_8, %add3A_319 : i32
    %add3A_321 = arith.constant 256 : i32
    %add3A_322 = arith.addi %mul3A_8, %add3A_321 : i32
    "tpu.region"() ({
      %run_scoped3A_331 = tpu.sem_alloc : memref<!tpu.dma_semaphore, #tpu.memory_space<semaphore_mem>>
      %dma_start3A_332 = arith.constant 0 : i32
      %dma_start3A_333 = tpu.memref_slice %arg7[%arg0, %add3A_322, %dma_start3A_332] : memref<2x10112x128xf32, #tpu.memory_space<hbm>> -> memref<1x128x128xf32, #tpu.memory_space<hbm>>
      %dma_start3A_334 = tpu.memref_squeeze %dma_start3A_333 : memref<1x128x128xf32, #tpu.memory_space<hbm>> -> memref<128x128xf32, #tpu.memory_space<hbm>>
      %dma_start3A_335 = arith.constant 0 : i32
      %dma_start3A_336 = tpu.memref_slice %arg13[%add3A_320, %dma_start3A_335] : memref<10112x128xf32, #tpu.memory_space<vmem_shared>> -> memref<128x128xf32, #tpu.memory_space<vmem_shared>>
      tpu.enqueue_dma source(%dma_start3A_336 : memref<128x128xf32, #tpu.memory_space<vmem_shared>>) target(%dma_start3A_334 : memref<128x128xf32, #tpu.memory_space<hbm>>) target_semaphore(%run_scoped3A_331 : memref<!tpu.dma_semaphore, #tpu.memory_space<semaphore_mem>>)
      %dma_wait3A_337 = arith.constant 0 : i32
      %dma_wait3A_338 = tpu.memref_slice %arg7[%arg0, %add3A_322, %dma_wait3A_337] : memref<2x10112x128xf32, #tpu.memory_space<hbm>> -> memref<1x128x128xf32, #tpu.memory_space<hbm>>
      %dma_wait3A_339 = tpu.memref_squeeze %dma_wait3A_338 : memref<1x128x128xf32, #tpu.memory_space<hbm>> -> memref<128x128xf32, #tpu.memory_space<hbm>>
      %dma_wait3A_340 = arith.constant 0 : i32
      %dma_wait3A_341 = tpu.memref_slice %arg13[%add3A_320, %dma_wait3A_340] : memref<10112x128xf32, #tpu.memory_space<vmem_shared>> -> memref<128x128xf32, #tpu.memory_space<vmem_shared>>
      tpu.wait_dma2 semaphore(%run_scoped3A_331 : memref<!tpu.dma_semaphore, #tpu.memory_space<semaphore_mem>>) src(%dma_wait3A_341 : memref<128x128xf32, #tpu.memory_space<vmem_shared>>) dst(%dma_wait3A_339 : memref<128x128xf32, #tpu.memory_space<hbm>>)
      tpu.yield
    }) : () -> ()
    %add3A_323 = arith.constant 384 : i32
    %add3A_324 = arith.addi %mul3A_8, %add3A_323 : i32
    %add3A_325 = arith.constant 384 : i32
    %add3A_326 = arith.addi %mul3A_8, %add3A_325 : i32
    "tpu.region"() ({
      %run_scoped3A_331 = tpu.sem_alloc : memref<!tpu.dma_semaphore, #tpu.memory_space<semaphore_mem>>
      %dma_start3A_332 = arith.constant 0 : i32
      %dma_start3A_333 = tpu.memref_slice %arg7[%arg0, %add3A_326, %dma_start3A_332] : memref<2x10112x128xf32, #tpu.memory_space<hbm>> -> memref<1x128x128xf32, #tpu.memory_space<hbm>>
      %dma_start3A_334 = tpu.memref_squeeze %dma_start3A_333 : memref<1x128x128xf32, #tpu.memory_space<hbm>> -> memref<128x128xf32, #tpu.memory_space<hbm>>
      %dma_start3A_335 = arith.constant 0 : i32
      %dma_start3A_336 = tpu.memref_slice %arg13[%add3A_324, %dma_start3A_335] : memref<10112x128xf32, #tpu.memory_space<vmem_shared>> -> memref<128x128xf32, #tpu.memory_space<vmem_shared>>
      tpu.enqueue_dma source(%dma_start3A_336 : memref<128x128xf32, #tpu.memory_space<vmem_shared>>) target(%dma_start3A_334 : memref<128x128xf32, #tpu.memory_space<hbm>>) target_semaphore(%run_scoped3A_331 : memref<!tpu.dma_semaphore, #tpu.memory_space<semaphore_mem>>)
      %dma_wait3A_337 = arith.constant 0 : i32
      %dma_wait3A_338 = tpu.memref_slice %arg7[%arg0, %add3A_326, %dma_wait3A_337] : memref<2x10112x128xf32, #tpu.memory_space<hbm>> -> memref<1x128x128xf32, #tpu.memory_space<hbm>>
      %dma_wait3A_339 = tpu.memref_squeeze %dma_wait3A_338 : memref<1x128x128xf32, #tpu.memory_space<hbm>> -> memref<128x128xf32, #tpu.memory_space<hbm>>
      %dma_wait3A_340 = arith.constant 0 : i32
      %dma_wait3A_341 = tpu.memref_slice %arg13[%add3A_324, %dma_wait3A_340] : memref<10112x128xf32, #tpu.memory_space<vmem_shared>> -> memref<128x128xf32, #tpu.memory_space<vmem_shared>>
      tpu.wait_dma2 semaphore(%run_scoped3A_331 : memref<!tpu.dma_semaphore, #tpu.memory_space<semaphore_mem>>) src(%dma_wait3A_341 : memref<128x128xf32, #tpu.memory_space<vmem_shared>>) dst(%dma_wait3A_339 : memref<128x128xf32, #tpu.memory_space<hbm>>)
      tpu.yield
    }) : () -> ()
    %add3A_327 = arith.constant 512 : i32
    %add3A_328 = arith.addi %mul3A_8, %add3A_327 : i32
    %add3A_329 = arith.constant 512 : i32
    %add3A_330 = arith.addi %mul3A_8, %add3A_329 : i32
    "tpu.region"() ({
      %run_scoped3A_331 = tpu.sem_alloc : memref<!tpu.dma_semaphore, #tpu.memory_space<semaphore_mem>>
      %dma_start3A_332 = arith.constant 0 : i32
      %dma_start3A_333 = tpu.memref_slice %arg7[%arg0, %add3A_330, %dma_start3A_332] : memref<2x10112x128xf32, #tpu.memory_space<hbm>> -> memref<1x120x128xf32, #tpu.memory_space<hbm>>
      %dma_start3A_334 = tpu.memref_squeeze %dma_start3A_333 : memref<1x120x128xf32, #tpu.memory_space<hbm>> -> memref<120x128xf32, #tpu.memory_space<hbm>>
      %dma_start3A_335 = arith.constant 0 : i32
      %dma_start3A_336 = tpu.memref_slice %arg13[%add3A_328, %dma_start3A_335] : memref<10112x128xf32, #tpu.memory_space<vmem_shared>> -> memref<120x128xf32, #tpu.memory_space<vmem_shared>>
      tpu.enqueue_dma source(%dma_start3A_336 : memref<120x128xf32, #tpu.memory_space<vmem_shared>>) target(%dma_start3A_334 : memref<120x128xf32, #tpu.memory_space<hbm>>) target_semaphore(%run_scoped3A_331 : memref<!tpu.dma_semaphore, #tpu.memory_space<semaphore_mem>>)
      %dma_wait3A_337 = arith.constant 0 : i32
      %dma_wait3A_338 = tpu.memref_slice %arg7[%arg0, %add3A_330, %dma_wait3A_337] : memref<2x10112x128xf32, #tpu.memory_space<hbm>> -> memref<1x120x128xf32, #tpu.memory_space<hbm>>
      %dma_wait3A_339 = tpu.memref_squeeze %dma_wait3A_338 : memref<1x120x128xf32, #tpu.memory_space<hbm>> -> memref<120x128xf32, #tpu.memory_space<hbm>>
      %dma_wait3A_340 = arith.constant 0 : i32
      %dma_wait3A_341 = tpu.memref_slice %arg13[%add3A_328, %dma_wait3A_340] : memref<10112x128xf32, #tpu.memory_space<vmem_shared>> -> memref<120x128xf32, #tpu.memory_space<vmem_shared>>
      tpu.wait_dma2 semaphore(%run_scoped3A_331 : memref<!tpu.dma_semaphore, #tpu.memory_space<semaphore_mem>>) src(%dma_wait3A_341 : memref<120x128xf32, #tpu.memory_space<vmem_shared>>) dst(%dma_wait3A_339 : memref<120x128xf32, #tpu.memory_space<hbm>>)
      tpu.yield
    }) : () -> ()
    return
  }
}

#map = affine_map<(d0, d1) -> (0, 0)>
#map1 = affine_map<(d0, d1) -> (0, 0, 0)>
module attributes {stable_mosaic.version = 14 : i64} {
  func.func @_edge_body(%arg0: i32, %arg1: i32, %arg2: memref<10000x128xf32, #tpu.memory_space<hbm>>, %arg3: memref<32x40960xf32, #tpu.memory_space<hbm>>, %arg4: memref<32x80x128xi32, #tpu.memory_space<hbm>>, %arg5: memref<32x80x128xi32, #tpu.memory_space<hbm>>, %arg6: memref<4x128xf32, #tpu.memory_space<hbm>>, %arg7: memref<2x10112x128xf32, #tpu.memory_space<hbm>>, %arg8: memref<2x128xi32, #tpu.memory_space<vmem>>, %arg9: memref<2x128xi32, #tpu.memory_space<vmem>>, %arg10: memref<2x512xf32, #tpu.memory_space<vmem>>, %arg11: memref<2x128x128xf32, #tpu.memory_space<vmem>>, %arg12: memref<4x128xf32, #tpu.memory_space<vmem>>, %arg13: memref<10112x128xf32, #tpu.memory_space<vmem_shared>>, %arg14: memref<!tpu.dma_semaphore, #tpu.memory_space<semaphore_mem>>, %arg15: memref<!tpu.dma_semaphore, #tpu.memory_space<semaphore_mem>>, %arg16: memref<!tpu.dma_semaphore, #tpu.memory_space<semaphore_mem>>, %arg17: memref<!tpu.dma_semaphore, #tpu.memory_space<semaphore_mem>>, %arg18: memref<!tpu.dma_semaphore, #tpu.memory_space<semaphore_mem>>, %arg19: memref<!tpu.dma_semaphore, #tpu.memory_space<semaphore_mem>>, %arg20: memref<!tpu.dma_semaphore, #tpu.memory_space<semaphore_mem>>, %arg21: memref<!tpu.dma_semaphore, #tpu.memory_space<semaphore_mem>>) attributes {dimension_semantics = [#tpu.dimension_semantics<core_parallel>, #tpu.dimension_semantics<subcore_parallel>], iteration_bounds = array<i64: 2, 16>, scalar_prefetch = 0 : i64, scratch_operands = 14 : i64, tpu.core_type = #tpu.core_type<sc_vector_subcore>, window_params = [{transform_indices = #map}, {transform_indices = #map}, {transform_indices = #map1}, {transform_indices = #map1}, {transform_indices = #map}, {transform_indices = #map1}]} {
    %mul3A = arith.constant 16 : i32
    %mul3A_0 = arith.muli %arg0, %mul3A : i32
    %add3A = arith.addi %mul3A_0, %arg1 : i32
    "tpu.region"() ({
      %run_scoped3A_331 = tpu.sem_alloc : memref<!tpu.dma_semaphore, #tpu.memory_space<semaphore_mem>>
      tpu.enqueue_dma source(%arg6 : memref<4x128xf32, #tpu.memory_space<hbm>>) target(%arg12 : memref<4x128xf32, #tpu.memory_space<vmem>>) target_semaphore(%run_scoped3A_331 : memref<!tpu.dma_semaphore, #tpu.memory_space<semaphore_mem>>)
      tpu.wait_dma2 semaphore(%run_scoped3A_331 : memref<!tpu.dma_semaphore, #tpu.memory_space<semaphore_mem>>) src(%arg6 : memref<4x128xf32, #tpu.memory_space<hbm>>) dst(%arg12 : memref<4x128xf32, #tpu.memory_space<vmem>>)
      tpu.yield
    }) : () -> ()
    %broadcast_in_dim3A = arith.constant 0.000000e+00 : f32
    %broadcast_in_dim3A_1 = vector.broadcast %broadcast_in_dim3A : f32 to vector<16xf32>
    %scan3A = arith.constant 0 : i32
    %scan3A_2 = arith.constant 0 : i32
    %scan3A_3 = arith.constant 128 : i32
    %scan3A_4 = arith.addi %scan3A_2, %scan3A_3 : i32
    %scan3A_5 = arith.constant 1 : i32
    scf.for %scan3A_331 = %scan3A_2 to %scan3A_4 step %scan3A_5  : i32 {
      %swap3A = arith.constant 0 : i32
      %swap3A_332 = arith.index_cast %swap3A : i32 to index
      %swap3A_333 = arith.index_cast %scan3A_331 : i32 to index
      %swap3A_334 = arith.constant 0 : index
      %swap3A_335 = tpu.vector_load %arg11[%swap3A_332, %swap3A_333, %swap3A_334] {strides = array<i32>} : memref<2x128x128xf32, #tpu.memory_space<vmem>>, vector<1x1x16xf32>,
      %swap3A_336 = vector.shape_cast %swap3A_335 : vector<1x1x16xf32> to vector<16xf32>
      %swap3A_337 = vector.shape_cast %broadcast_in_dim3A_1 : vector<16xf32> to vector<1x1x16xf32>
      tpu.vector_store %arg11[%swap3A_332, %swap3A_333, %swap3A_334], %swap3A_337 {strides = array<i32>} : memref<2x128x128xf32, #tpu.memory_space<vmem>>, vector<1x1x16xf32>,
      %swap3A_338 = arith.constant 0 : i32
      %swap3A_339 = arith.index_cast %swap3A_338 : i32 to index
      %swap3A_340 = arith.index_cast %scan3A_331 : i32 to index
      %swap3A_341 = arith.constant 16 : index
      %swap3A_342 = tpu.vector_load %arg11[%swap3A_339, %swap3A_340, %swap3A_341] {strides = array<i32>} : memref<2x128x128xf32, #tpu.memory_space<vmem>>, vector<1x1x16xf32>,
      %swap3A_343 = vector.shape_cast %swap3A_342 : vector<1x1x16xf32> to vector<16xf32>
      %swap3A_344 = vector.shape_cast %broadcast_in_dim3A_1 : vector<16xf32> to vector<1x1x16xf32>
      tpu.vector_store %arg11[%swap3A_339, %swap3A_340, %swap3A_341], %swap3A_344 {strides = array<i32>} : memref<2x128x128xf32, #tpu.memory_space<vmem>>, vector<1x1x16xf32>,
      %swap3A_345 = arith.constant 0 : i32
      %swap3A_346 = arith.index_cast %swap3A_345 : i32 to index
      %swap3A_347 = arith.index_cast %scan3A_331 : i32 to index
      %swap3A_348 = arith.constant 32 : index
      %swap3A_349 = tpu.vector_load %arg11[%swap3A_346, %swap3A_347, %swap3A_348] {strides = array<i32>} : memref<2x128x128xf32, #tpu.memory_space<vmem>>, vector<1x1x16xf32>,
      %swap3A_350 = vector.shape_cast %swap3A_349 : vector<1x1x16xf32> to vector<16xf32>
      %swap3A_351 = vector.shape_cast %broadcast_in_dim3A_1 : vector<16xf32> to vector<1x1x16xf32>
      tpu.vector_store %arg11[%swap3A_346, %swap3A_347, %swap3A_348], %swap3A_351 {strides = array<i32>} : memref<2x128x128xf32, #tpu.memory_space<vmem>>, vector<1x1x16xf32>,
      %swap3A_352 = arith.constant 0 : i32
      %swap3A_353 = arith.index_cast %swap3A_352 : i32 to index
      %swap3A_354 = arith.index_cast %scan3A_331 : i32 to index
      %swap3A_355 = arith.constant 48 : index
      %swap3A_356 = tpu.vector_load %arg11[%swap3A_353, %swap3A_354, %swap3A_355] {strides = array<i32>} : memref<2x128x128xf32, #tpu.memory_space<vmem>>, vector<1x1x16xf32>,
      %swap3A_357 = vector.shape_cast %swap3A_356 : vector<1x1x16xf32> to vector<16xf32>
      %swap3A_358 = vector.shape_cast %broadcast_in_dim3A_1 : vector<16xf32> to vector<1x1x16xf32>
      tpu.vector_store %arg11[%swap3A_353, %swap3A_354, %swap3A_355], %swap3A_358 {strides = array<i32>} : memref<2x128x128xf32, #tpu.memory_space<vmem>>, vector<1x1x16xf32>,
      %swap3A_359 = arith.constant 0 : i32
      %swap3A_360 = arith.index_cast %swap3A_359 : i32 to index
      %swap3A_361 = arith.index_cast %scan3A_331 : i32 to index
      %swap3A_362 = arith.constant 64 : index
      %swap3A_363 = tpu.vector_load %arg11[%swap3A_360, %swap3A_361, %swap3A_362] {strides = array<i32>} : memref<2x128x128xf32, #tpu.memory_space<vmem>>, vector<1x1x16xf32>,
      %swap3A_364 = vector.shape_cast %swap3A_363 : vector<1x1x16xf32> to vector<16xf32>
      %swap3A_365 = vector.shape_cast %broadcast_in_dim3A_1 : vector<16xf32> to vector<1x1x16xf32>
      tpu.vector_store %arg11[%swap3A_360, %swap3A_361, %swap3A_362], %swap3A_365 {strides = array<i32>} : memref<2x128x128xf32, #tpu.memory_space<vmem>>, vector<1x1x16xf32>,
      %swap3A_366 = arith.constant 0 : i32
      %swap3A_367 = arith.index_cast %swap3A_366 : i32 to index
      %swap3A_368 = arith.index_cast %scan3A_331 : i32 to index
      %swap3A_369 = arith.constant 80 : index
      %swap3A_370 = tpu.vector_load %arg11[%swap3A_367, %swap3A_368, %swap3A_369] {strides = array<i32>} : memref<2x128x128xf32, #tpu.memory_space<vmem>>, vector<1x1x16xf32>,
      %swap3A_371 = vector.shape_cast %swap3A_370 : vector<1x1x16xf32> to vector<16xf32>
      %swap3A_372 = vector.shape_cast %broadcast_in_dim3A_1 : vector<16xf32> to vector<1x1x16xf32>
      tpu.vector_store %arg11[%swap3A_367, %swap3A_368, %swap3A_369], %swap3A_372 {strides = array<i32>} : memref<2x128x128xf32, #tpu.memory_space<vmem>>, vector<1x1x16xf32>,
      %swap3A_373 = arith.constant 0 : i32
      %swap3A_374 = arith.index_cast %swap3A_373 : i32 to index
      %swap3A_375 = arith.index_cast %scan3A_331 : i32 to index
      %swap3A_376 = arith.constant 96 : index
      %swap3A_377 = tpu.vector_load %arg11[%swap3A_374, %swap3A_375, %swap3A_376] {strides = array<i32>} : memref<2x128x128xf32, #tpu.memory_space<vmem>>, vector<1x1x16xf32>,
      %swap3A_378 = vector.shape_cast %swap3A_377 : vector<1x1x16xf32> to vector<16xf32>
      %swap3A_379 = vector.shape_cast %broadcast_in_dim3A_1 : vector<16xf32> to vector<1x1x16xf32>
      tpu.vector_store %arg11[%swap3A_374, %swap3A_375, %swap3A_376], %swap3A_379 {strides = array<i32>} : memref<2x128x128xf32, #tpu.memory_space<vmem>>, vector<1x1x16xf32>,
      %swap3A_380 = arith.constant 0 : i32
      %swap3A_381 = arith.index_cast %swap3A_380 : i32 to index
      %swap3A_382 = arith.index_cast %scan3A_331 : i32 to index
      %swap3A_383 = arith.constant 112 : index
      %swap3A_384 = tpu.vector_load %arg11[%swap3A_381, %swap3A_382, %swap3A_383] {strides = array<i32>} : memref<2x128x128xf32, #tpu.memory_space<vmem>>, vector<1x1x16xf32>,
      %swap3A_385 = vector.shape_cast %swap3A_384 : vector<1x1x16xf32> to vector<16xf32>
      %swap3A_386 = vector.shape_cast %broadcast_in_dim3A_1 : vector<16xf32> to vector<1x1x16xf32>
      tpu.vector_store %arg11[%swap3A_381, %swap3A_382, %swap3A_383], %swap3A_386 {strides = array<i32>} : memref<2x128x128xf32, #tpu.memory_space<vmem>>, vector<1x1x16xf32>,
    }
    %scan3A_6 = arith.constant 128 : i32
    %mul3A_7 = arith.constant 632 : i32
    %mul3A_8 = arith.muli %arg1, %mul3A_7 : i32
    %add3A_9 = arith.constant 0 : i32
    %add3A_10 = arith.addi %mul3A_8, %add3A_9 : i32
    %run_scoped3A = arith.constant 0 : i32
    "tpu.region"() ({
      %run_scoped3A_331 = tpu.sem_alloc : memref<!tpu.dma_semaphore, #tpu.memory_space<semaphore_mem>>
      %dma_start3A_332 = arith.constant 0 : i32
      %dma_start3A_333 = arith.constant 0 : i32
      %dma_start3A_334 = tpu.memref_slice %arg11[%run_scoped3A, %dma_start3A_332, %dma_start3A_333] : memref<2x128x128xf32, #tpu.memory_space<vmem>> -> memref<1x128x128xf32, #tpu.memory_space<vmem>>
      %dma_start3A_335 = tpu.memref_squeeze %dma_start3A_334 : memref<1x128x128xf32, #tpu.memory_space<vmem>> -> memref<128x128xf32, #tpu.memory_space<vmem>>
      %dma_start3A_336 = arith.constant 0 : i32
      %dma_start3A_337 = tpu.memref_slice %arg13[%add3A_10, %dma_start3A_336] : memref<10112x128xf32, #tpu.memory_space<vmem_shared>> -> memref<128x128xf32, #tpu.memory_space<vmem_shared>>
      %dma_start3A_338 = arith.constant 0 : i32
      %dma_start3A_339 = tpu.memref_slice %arg13[%add3A_10, %dma_start3A_338] : memref<10112x128xf32, #tpu.memory_space<vmem_shared>> -> memref<128x128xf32, #tpu.memory_space<vmem_shared>>
      %dma_start3A_340 = arith.constant 0 : i32
      %dma_start3A_341 = arith.constant 0 : i32
      %dma_start3A_342 = tpu.memref_slice %arg11[%run_scoped3A, %dma_start3A_340, %dma_start3A_341] : memref<2x128x128xf32, #tpu.memory_space<vmem>> -> memref<1x128x128xf32, #tpu.memory_space<vmem>>
      %dma_start3A_343 = tpu.memref_squeeze %dma_start3A_342 : memref<1x128x128xf32, #tpu.memory_space<vmem>> -> memref<128x128xf32, #tpu.memory_space<vmem>>
      tpu.enqueue_dma source(%dma_start3A_343 : memref<128x128xf32, #tpu.memory_space<vmem>>) target(%dma_start3A_339 : memref<128x128xf32, #tpu.memory_space<vmem_shared>>) target_semaphore(%run_scoped3A_331 : memref<!tpu.dma_semaphore, #tpu.memory_space<semaphore_mem>>)
      %dma_wait3A_344 = arith.constant 0 : i32
      %dma_wait3A_345 = arith.constant 0 : i32
      %dma_wait3A_346 = tpu.memref_slice %arg11[%run_scoped3A, %dma_wait3A_344, %dma_wait3A_345] : memref<2x128x128xf32, #tpu.memory_space<vmem>> -> memref<1x128x128xf32, #tpu.memory_space<vmem>>
      %dma_wait3A_347 = tpu.memref_squeeze %dma_wait3A_346 : memref<1x128x128xf32, #tpu.memory_space<vmem>> -> memref<128x128xf32, #tpu.memory_space<vmem>>
      %dma_wait3A_348 = arith.constant 0 : i32
      %dma_wait3A_349 = tpu.memref_slice %arg13[%add3A_10, %dma_wait3A_348] : memref<10112x128xf32, #tpu.memory_space<vmem_shared>> -> memref<128x128xf32, #tpu.memory_space<vmem_shared>>
      %dma_wait3A_350 = arith.constant 0 : i32
      %dma_wait3A_351 = tpu.memref_slice %arg13[%add3A_10, %dma_wait3A_350] : memref<10112x128xf32, #tpu.memory_space<vmem_shared>> -> memref<128x128xf32, #tpu.memory_space<vmem_shared>>
      %dma_wait3A_352 = arith.constant 0 : i32
      %dma_wait3A_353 = arith.constant 0 : i32
      %dma_wait3A_354 = tpu.memref_slice %arg11[%run_scoped3A, %dma_wait3A_352, %dma_wait3A_353] : memref<2x128x128xf32, #tpu.memory_space<vmem>> -> memref<1x128x128xf32, #tpu.memory_space<vmem>>
      %dma_wait3A_355 = tpu.memref_squeeze %dma_wait3A_354 : memref<1x128x128xf32, #tpu.memory_space<vmem>> -> memref<128x128xf32, #tpu.memory_space<vmem>>
      tpu.wait_dma2 semaphore(%run_scoped3A_331 : memref<!tpu.dma_semaphore, #tpu.memory_space<semaphore_mem>>) src(%dma_wait3A_355 : memref<128x128xf32, #tpu.memory_space<vmem>>) dst(%dma_wait3A_351 : memref<128x128xf32, #tpu.memory_space<vmem_shared>>)
      tpu.yield
    }) : () -> ()
    %add3A_11 = arith.constant 128 : i32
    %add3A_12 = arith.addi %mul3A_8, %add3A_11 : i32
    %run_scoped3A_13 = arith.constant 0 : i32
    "tpu.region"() ({
      %run_scoped3A_331 = tpu.sem_alloc : memref<!tpu.dma_semaphore, #tpu.memory_space<semaphore_mem>>
      %dma_start3A_332 = arith.constant 0 : i32
      %dma_start3A_333 = arith.constant 0 : i32
      %dma_start3A_334 = tpu.memref_slice %arg11[%run_scoped3A_13, %dma_start3A_332, %dma_start3A_333] : memref<2x128x128xf32, #tpu.memory_space<vmem>> -> memref<1x128x128xf32, #tpu.memory_space<vmem>>
      %dma_start3A_335 = tpu.memref_squeeze %dma_start3A_334 : memref<1x128x128xf32, #tpu.memory_space<vmem>> -> memref<128x128xf32, #tpu.memory_space<vmem>>
      %dma_start3A_336 = arith.constant 0 : i32
      %dma_start3A_337 = tpu.memref_slice %arg13[%add3A_12, %dma_start3A_336] : memref<10112x128xf32, #tpu.memory_space<vmem_shared>> -> memref<128x128xf32, #tpu.memory_space<vmem_shared>>
      %dma_start3A_338 = arith.constant 0 : i32
      %dma_start3A_339 = tpu.memref_slice %arg13[%add3A_12, %dma_start3A_338] : memref<10112x128xf32, #tpu.memory_space<vmem_shared>> -> memref<128x128xf32, #tpu.memory_space<vmem_shared>>
      %dma_start3A_340 = arith.constant 0 : i32
      %dma_start3A_341 = arith.constant 0 : i32
      %dma_start3A_342 = tpu.memref_slice %arg11[%run_scoped3A_13, %dma_start3A_340, %dma_start3A_341] : memref<2x128x128xf32, #tpu.memory_space<vmem>> -> memref<1x128x128xf32, #tpu.memory_space<vmem>>
      %dma_start3A_343 = tpu.memref_squeeze %dma_start3A_342 : memref<1x128x128xf32, #tpu.memory_space<vmem>> -> memref<128x128xf32, #tpu.memory_space<vmem>>
      tpu.enqueue_dma source(%dma_start3A_343 : memref<128x128xf32, #tpu.memory_space<vmem>>) target(%dma_start3A_339 : memref<128x128xf32, #tpu.memory_space<vmem_shared>>) target_semaphore(%run_scoped3A_331 : memref<!tpu.dma_semaphore, #tpu.memory_space<semaphore_mem>>)
      %dma_wait3A_344 = arith.constant 0 : i32
      %dma_wait3A_345 = arith.constant 0 : i32
      %dma_wait3A_346 = tpu.memref_slice %arg11[%run_scoped3A_13, %dma_wait3A_344, %dma_wait3A_345] : memref<2x128x128xf32, #tpu.memory_space<vmem>> -> memref<1x128x128xf32, #tpu.memory_space<vmem>>
      %dma_wait3A_347 = tpu.memref_squeeze %dma_wait3A_346 : memref<1x128x128xf32, #tpu.memory_space<vmem>> -> memref<128x128xf32, #tpu.memory_space<vmem>>
      %dma_wait3A_348 = arith.constant 0 : i32
      %dma_wait3A_349 = tpu.memref_slice %arg13[%add3A_12, %dma_wait3A_348] : memref<10112x128xf32, #tpu.memory_space<vmem_shared>> -> memref<128x128xf32, #tpu.memory_space<vmem_shared>>
      %dma_wait3A_350 = arith.constant 0 : i32
      %dma_wait3A_351 = tpu.memref_slice %arg13[%add3A_12, %dma_wait3A_350] : memref<10112x128xf32, #tpu.memory_space<vmem_shared>> -> memref<128x128xf32, #tpu.memory_space<vmem_shared>>
      %dma_wait3A_352 = arith.constant 0 : i32
      %dma_wait3A_353 = arith.constant 0 : i32
      %dma_wait3A_354 = tpu.memref_slice %arg11[%run_scoped3A_13, %dma_wait3A_352, %dma_wait3A_353] : memref<2x128x128xf32, #tpu.memory_space<vmem>> -> memref<1x128x128xf32, #tpu.memory_space<vmem>>
      %dma_wait3A_355 = tpu.memref_squeeze %dma_wait3A_354 : memref<1x128x128xf32, #tpu.memory_space<vmem>> -> memref<128x128xf32, #tpu.memory_space<vmem>>
      tpu.wait_dma2 semaphore(%run_scoped3A_331 : memref<!tpu.dma_semaphore, #tpu.memory_space<semaphore_mem>>) src(%dma_wait3A_355 : memref<128x128xf32, #tpu.memory_space<vmem>>) dst(%dma_wait3A_351 : memref<128x128xf32, #tpu.memory_space<vmem_shared>>)
      tpu.yield
    }) : () -> ()
    %add3A_14 = arith.constant 256 : i32
    %add3A_15 = arith.addi %mul3A_8, %add3A_14 : i32
    %run_scoped3A_16 = arith.constant 0 : i32
    "tpu.region"() ({
      %run_scoped3A_331 = tpu.sem_alloc : memref<!tpu.dma_semaphore, #tpu.memory_space<semaphore_mem>>
      %dma_start3A_332 = arith.constant 0 : i32
      %dma_start3A_333 = arith.constant 0 : i32
      %dma_start3A_334 = tpu.memref_slice %arg11[%run_scoped3A_16, %dma_start3A_332, %dma_start3A_333] : memref<2x128x128xf32, #tpu.memory_space<vmem>> -> memref<1x128x128xf32, #tpu.memory_space<vmem>>
      %dma_start3A_335 = tpu.memref_squeeze %dma_start3A_334 : memref<1x128x128xf32, #tpu.memory_space<vmem>> -> memref<128x128xf32, #tpu.memory_space<vmem>>
      %dma_start3A_336 = arith.constant 0 : i32
      %dma_start3A_337 = tpu.memref_slice %arg13[%add3A_15, %dma_start3A_336] : memref<10112x128xf32, #tpu.memory_space<vmem_shared>> -> memref<128x128xf32, #tpu.memory_space<vmem_shared>>
      %dma_start3A_338 = arith.constant 0 : i32
      %dma_start3A_339 = tpu.memref_slice %arg13[%add3A_15, %dma_start3A_338] : memref<10112x128xf32, #tpu.memory_space<vmem_shared>> -> memref<128x128xf32, #tpu.memory_space<vmem_shared>>
      %dma_start3A_340 = arith.constant 0 : i32
      %dma_start3A_341 = arith.constant 0 : i32
      %dma_start3A_342 = tpu.memref_slice %arg11[%run_scoped3A_16, %dma_start3A_340, %dma_start3A_341] : memref<2x128x128xf32, #tpu.memory_space<vmem>> -> memref<1x128x128xf32, #tpu.memory_space<vmem>>
      %dma_start3A_343 = tpu.memref_squeeze %dma_start3A_342 : memref<1x128x128xf32, #tpu.memory_space<vmem>> -> memref<128x128xf32, #tpu.memory_space<vmem>>
      tpu.enqueue_dma source(%dma_start3A_343 : memref<128x128xf32, #tpu.memory_space<vmem>>) target(%dma_start3A_339 : memref<128x128xf32, #tpu.memory_space<vmem_shared>>) target_semaphore(%run_scoped3A_331 : memref<!tpu.dma_semaphore, #tpu.memory_space<semaphore_mem>>)
      %dma_wait3A_344 = arith.constant 0 : i32
      %dma_wait3A_345 = arith.constant 0 : i32
      %dma_wait3A_346 = tpu.memref_slice %arg11[%run_scoped3A_16, %dma_wait3A_344, %dma_wait3A_345] : memref<2x128x128xf32, #tpu.memory_space<vmem>> -> memref<1x128x128xf32, #tpu.memory_space<vmem>>
      %dma_wait3A_347 = tpu.memref_squeeze %dma_wait3A_346 : memref<1x128x128xf32, #tpu.memory_space<vmem>> -> memref<128x128xf32, #tpu.memory_space<vmem>>
      %dma_wait3A_348 = arith.constant 0 : i32
      %dma_wait3A_349 = tpu.memref_slice %arg13[%add3A_15, %dma_wait3A_348] : memref<10112x128xf32, #tpu.memory_space<vmem_shared>> -> memref<128x128xf32, #tpu.memory_space<vmem_shared>>
      %dma_wait3A_350 = arith.constant 0 : i32
      %dma_wait3A_351 = tpu.memref_slice %arg13[%add3A_15, %dma_wait3A_350] : memref<10112x128xf32, #tpu.memory_space<vmem_shared>> -> memref<128x128xf32, #tpu.memory_space<vmem_shared>>
      %dma_wait3A_352 = arith.constant 0 : i32
      %dma_wait3A_353 = arith.constant 0 : i32
      %dma_wait3A_354 = tpu.memref_slice %arg11[%run_scoped3A_16, %dma_wait3A_352, %dma_wait3A_353] : memref<2x128x128xf32, #tpu.memory_space<vmem>> -> memref<1x128x128xf32, #tpu.memory_space<vmem>>
      %dma_wait3A_355 = tpu.memref_squeeze %dma_wait3A_354 : memref<1x128x128xf32, #tpu.memory_space<vmem>> -> memref<128x128xf32, #tpu.memory_space<vmem>>
      tpu.wait_dma2 semaphore(%run_scoped3A_331 : memref<!tpu.dma_semaphore, #tpu.memory_space<semaphore_mem>>) src(%dma_wait3A_355 : memref<128x128xf32, #tpu.memory_space<vmem>>) dst(%dma_wait3A_351 : memref<128x128xf32, #tpu.memory_space<vmem_shared>>)
      tpu.yield
    }) : () -> ()
    %add3A_17 = arith.constant 384 : i32
    %add3A_18 = arith.addi %mul3A_8, %add3A_17 : i32
    %run_scoped3A_19 = arith.constant 0 : i32
    "tpu.region"() ({
      %run_scoped3A_331 = tpu.sem_alloc : memref<!tpu.dma_semaphore, #tpu.memory_space<semaphore_mem>>
      %dma_start3A_332 = arith.constant 0 : i32
      %dma_start3A_333 = arith.constant 0 : i32
      %dma_start3A_334 = tpu.memref_slice %arg11[%run_scoped3A_19, %dma_start3A_332, %dma_start3A_333] : memref<2x128x128xf32, #tpu.memory_space<vmem>> -> memref<1x128x128xf32, #tpu.memory_space<vmem>>
      %dma_start3A_335 = tpu.memref_squeeze %dma_start3A_334 : memref<1x128x128xf32, #tpu.memory_space<vmem>> -> memref<128x128xf32, #tpu.memory_space<vmem>>
      %dma_start3A_336 = arith.constant 0 : i32
      %dma_start3A_337 = tpu.memref_slice %arg13[%add3A_18, %dma_start3A_336] : memref<10112x128xf32, #tpu.memory_space<vmem_shared>> -> memref<128x128xf32, #tpu.memory_space<vmem_shared>>
      %dma_start3A_338 = arith.constant 0 : i32
      %dma_start3A_339 = tpu.memref_slice %arg13[%add3A_18, %dma_start3A_338] : memref<10112x128xf32, #tpu.memory_space<vmem_shared>> -> memref<128x128xf32, #tpu.memory_space<vmem_shared>>
      %dma_start3A_340 = arith.constant 0 : i32
      %dma_start3A_341 = arith.constant 0 : i32
      %dma_start3A_342 = tpu.memref_slice %arg11[%run_scoped3A_19, %dma_start3A_340, %dma_start3A_341] : memref<2x128x128xf32, #tpu.memory_space<vmem>> -> memref<1x128x128xf32, #tpu.memory_space<vmem>>
      %dma_start3A_343 = tpu.memref_squeeze %dma_start3A_342 : memref<1x128x128xf32, #tpu.memory_space<vmem>> -> memref<128x128xf32, #tpu.memory_space<vmem>>
      tpu.enqueue_dma source(%dma_start3A_343 : memref<128x128xf32, #tpu.memory_space<vmem>>) target(%dma_start3A_339 : memref<128x128xf32, #tpu.memory_space<vmem_shared>>) target_semaphore(%run_scoped3A_331 : memref<!tpu.dma_semaphore, #tpu.memory_space<semaphore_mem>>)
      %dma_wait3A_344 = arith.constant 0 : i32
      %dma_wait3A_345 = arith.constant 0 : i32
      %dma_wait3A_346 = tpu.memref_slice %arg11[%run_scoped3A_19, %dma_wait3A_344, %dma_wait3A_345] : memref<2x128x128xf32, #tpu.memory_space<vmem>> -> memref<1x128x128xf32, #tpu.memory_space<vmem>>
      %dma_wait3A_347 = tpu.memref_squeeze %dma_wait3A_346 : memref<1x128x128xf32, #tpu.memory_space<vmem>> -> memref<128x128xf32, #tpu.memory_space<vmem>>
      %dma_wait3A_348 = arith.constant 0 : i32
      %dma_wait3A_349 = tpu.memref_slice %arg13[%add3A_18, %dma_wait3A_348] : memref<10112x128xf32, #tpu.memory_space<vmem_shared>> -> memref<128x128xf32, #tpu.memory_space<vmem_shared>>
      %dma_wait3A_350 = arith.constant 0 : i32
      %dma_wait3A_351 = tpu.memref_slice %arg13[%add3A_18, %dma_wait3A_350] : memref<10112x128xf32, #tpu.memory_space<vmem_shared>> -> memref<128x128xf32, #tpu.memory_space<vmem_shared>>
      %dma_wait3A_352 = arith.constant 0 : i32
      %dma_wait3A_353 = arith.constant 0 : i32
      %dma_wait3A_354 = tpu.memref_slice %arg11[%run_scoped3A_19, %dma_wait3A_352, %dma_wait3A_353] : memref<2x128x128xf32, #tpu.memory_space<vmem>> -> memref<1x128x128xf32, #tpu.memory_space<vmem>>
      %dma_wait3A_355 = tpu.memref_squeeze %dma_wait3A_354 : memref<1x128x128xf32, #tpu.memory_space<vmem>> -> memref<128x128xf32, #tpu.memory_space<vmem>>
      tpu.wait_dma2 semaphore(%run_scoped3A_331 : memref<!tpu.dma_semaphore, #tpu.memory_space<semaphore_mem>>) src(%dma_wait3A_355 : memref<128x128xf32, #tpu.memory_space<vmem>>) dst(%dma_wait3A_351 : memref<128x128xf32, #tpu.memory_space<vmem_shared>>)
      tpu.yield
    }) : () -> ()
    %add3A_20 = arith.constant 512 : i32
    %add3A_21 = arith.addi %mul3A_8, %add3A_20 : i32
    %run_scoped3A_22 = arith.constant 0 : i32
    "tpu.region"() ({
      %run_scoped3A_331 = tpu.sem_alloc : memref<!tpu.dma_semaphore, #tpu.memory_space<semaphore_mem>>
      %dma_start3A_332 = arith.constant 0 : i32
      %dma_start3A_333 = arith.constant 0 : i32
      %dma_start3A_334 = tpu.memref_slice %arg11[%run_scoped3A_22, %dma_start3A_332, %dma_start3A_333] : memref<2x128x128xf32, #tpu.memory_space<vmem>> -> memref<1x120x128xf32, #tpu.memory_space<vmem>>
      %dma_start3A_335 = tpu.memref_squeeze %dma_start3A_334 : memref<1x120x128xf32, #tpu.memory_space<vmem>> -> memref<120x128xf32, #tpu.memory_space<vmem>>
      %dma_start3A_336 = arith.constant 0 : i32
      %dma_start3A_337 = tpu.memref_slice %arg13[%add3A_21, %dma_start3A_336] : memref<10112x128xf32, #tpu.memory_space<vmem_shared>> -> memref<120x128xf32, #tpu.memory_space<vmem_shared>>
      %dma_start3A_338 = arith.constant 0 : i32
      %dma_start3A_339 = tpu.memref_slice %arg13[%add3A_21, %dma_start3A_338] : memref<10112x128xf32, #tpu.memory_space<vmem_shared>> -> memref<120x128xf32, #tpu.memory_space<vmem_shared>>
      %dma_start3A_340 = arith.constant 0 : i32
      %dma_start3A_341 = arith.constant 0 : i32
      %dma_start3A_342 = tpu.memref_slice %arg11[%run_scoped3A_22, %dma_start3A_340, %dma_start3A_341] : memref<2x128x128xf32, #tpu.memory_space<vmem>> -> memref<1x120x128xf32, #tpu.memory_space<vmem>>
      %dma_start3A_343 = tpu.memref_squeeze %dma_start3A_342 : memref<1x120x128xf32, #tpu.memory_space<vmem>> -> memref<120x128xf32, #tpu.memory_space<vmem>>
      tpu.enqueue_dma source(%dma_start3A_343 : memref<120x128xf32, #tpu.memory_space<vmem>>) target(%dma_start3A_339 : memref<120x128xf32, #tpu.memory_space<vmem_shared>>) target_semaphore(%run_scoped3A_331 : memref<!tpu.dma_semaphore, #tpu.memory_space<semaphore_mem>>)
      %dma_wait3A_344 = arith.constant 0 : i32
      %dma_wait3A_345 = arith.constant 0 : i32
      %dma_wait3A_346 = tpu.memref_slice %arg11[%run_scoped3A_22, %dma_wait3A_344, %dma_wait3A_345] : memref<2x128x128xf32, #tpu.memory_space<vmem>> -> memref<1x120x128xf32, #tpu.memory_space<vmem>>
      %dma_wait3A_347 = tpu.memref_squeeze %dma_wait3A_346 : memref<1x120x128xf32, #tpu.memory_space<vmem>> -> memref<120x128xf32, #tpu.memory_space<vmem>>
      %dma_wait3A_348 = arith.constant 0 : i32
      %dma_wait3A_349 = tpu.memref_slice %arg13[%add3A_21, %dma_wait3A_348] : memref<10112x128xf32, #tpu.memory_space<vmem_shared>> -> memref<120x128xf32, #tpu.memory_space<vmem_shared>>
      %dma_wait3A_350 = arith.constant 0 : i32
      %dma_wait3A_351 = tpu.memref_slice %arg13[%add3A_21, %dma_wait3A_350] : memref<10112x128xf32, #tpu.memory_space<vmem_shared>> -> memref<120x128xf32, #tpu.memory_space<vmem_shared>>
      %dma_wait3A_352 = arith.constant 0 : i32
      %dma_wait3A_353 = arith.constant 0 : i32
      %dma_wait3A_354 = tpu.memref_slice %arg11[%run_scoped3A_22, %dma_wait3A_352, %dma_wait3A_353] : memref<2x128x128xf32, #tpu.memory_space<vmem>> -> memref<1x120x128xf32, #tpu.memory_space<vmem>>
      %dma_wait3A_355 = tpu.memref_squeeze %dma_wait3A_354 : memref<1x120x128xf32, #tpu.memory_space<vmem>> -> memref<120x128xf32, #tpu.memory_space<vmem>>
      tpu.wait_dma2 semaphore(%run_scoped3A_331 : memref<!tpu.dma_semaphore, #tpu.memory_space<semaphore_mem>>) src(%dma_wait3A_355 : memref<120x128xf32, #tpu.memory_space<vmem>>) dst(%dma_wait3A_351 : memref<120x128xf32, #tpu.memory_space<vmem_shared>>)
      tpu.yield
    }) : () -> ()
    %barrier3A = arith.constant 0 : index
    tpu.barrier barrier_id(%barrier3A)
    %get3A = arith.constant 0 : i32
    %get3A_23 = arith.index_cast %get3A : i32 to index
    %get3A_24 = arith.constant 0 : index
    %get3A_25 = tpu.vector_load %arg12[%get3A_23, %get3A_24] {strides = array<i32>} : memref<4x128xf32, #tpu.memory_space<vmem>>, vector<1x16xf32>,
    %get3A_26 = vector.shape_cast %get3A_25 : vector<1x16xf32> to vector<16xf32>
    %get3A_27 = arith.constant 0 : i32
    %get3A_28 = arith.index_cast %get3A_27 : i32 to index
    %get3A_29 = arith.constant 16 : index
    %get3A_30 = tpu.vector_load %arg12[%get3A_28, %get3A_29] {strides = array<i32>} : memref<4x128xf32, #tpu.memory_space<vmem>>, vector<1x16xf32>,
    %get3A_31 = vector.shape_cast %get3A_30 : vector<1x16xf32> to vector<16xf32>
    %get3A_32 = arith.constant 0 : i32
    %get3A_33 = arith.index_cast %get3A_32 : i32 to index
    %get3A_34 = arith.constant 32 : index
    %get3A_35 = tpu.vector_load %arg12[%get3A_33, %get3A_34] {strides = array<i32>} : memref<4x128xf32, #tpu.memory_space<vmem>>, vector<1x16xf32>,
    %get3A_36 = vector.shape_cast %get3A_35 : vector<1x16xf32> to vector<16xf32>
    %get3A_37 = arith.constant 0 : i32
    %get3A_38 = arith.index_cast %get3A_37 : i32 to index
    %get3A_39 = arith.constant 48 : index
    %get3A_40 = tpu.vector_load %arg12[%get3A_38, %get3A_39] {strides = array<i32>} : memref<4x128xf32, #tpu.memory_space<vmem>>, vector<1x16xf32>,
    %get3A_41 = vector.shape_cast %get3A_40 : vector<1x16xf32> to vector<16xf32>
    %get3A_42 = arith.constant 0 : i32
    %get3A_43 = arith.index_cast %get3A_42 : i32 to index
    %get3A_44 = arith.constant 64 : index
    %get3A_45 = tpu.vector_load %arg12[%get3A_43, %get3A_44] {strides = array<i32>} : memref<4x128xf32, #tpu.memory_space<vmem>>, vector<1x16xf32>,
    %get3A_46 = vector.shape_cast %get3A_45 : vector<1x16xf32> to vector<16xf32>
    %get3A_47 = arith.constant 0 : i32
    %get3A_48 = arith.index_cast %get3A_47 : i32 to index
    %get3A_49 = arith.constant 80 : index
    %get3A_50 = tpu.vector_load %arg12[%get3A_48, %get3A_49] {strides = array<i32>} : memref<4x128xf32, #tpu.memory_space<vmem>>, vector<1x16xf32>,
    %get3A_51 = vector.shape_cast %get3A_50 : vector<1x16xf32> to vector<16xf32>
    %get3A_52 = arith.constant 0 : i32
    %get3A_53 = arith.index_cast %get3A_52 : i32 to index
    %get3A_54 = arith.constant 96 : index
    %get3A_55 = tpu.vector_load %arg12[%get3A_53, %get3A_54] {strides = array<i32>} : memref<4x128xf32, #tpu.memory_space<vmem>>, vector<1x16xf32>,
    %get3A_56 = vector.shape_cast %get3A_55 : vector<1x16xf32> to vector<16xf32>
    %get3A_57 = arith.constant 0 : i32
    %get3A_58 = arith.index_cast %get3A_57 : i32 to index
    %get3A_59 = arith.constant 112 : index
    %get3A_60 = tpu.vector_load %arg12[%get3A_58, %get3A_59] {strides = array<i32>} : memref<4x128xf32, #tpu.memory_space<vmem>>, vector<1x16xf32>,
    %get3A_61 = vector.shape_cast %get3A_60 : vector<1x16xf32> to vector<16xf32>
    %get3A_62 = arith.constant 1 : i32
    %get3A_63 = arith.index_cast %get3A_62 : i32 to index
    %get3A_64 = arith.constant 0 : index
    %get3A_65 = tpu.vector_load %arg12[%get3A_63, %get3A_64] {strides = array<i32>} : memref<4x128xf32, #tpu.memory_space<vmem>>, vector<1x16xf32>,
    %get3A_66 = vector.shape_cast %get3A_65 : vector<1x16xf32> to vector<16xf32>
    %get3A_67 = arith.constant 1 : i32
    %get3A_68 = arith.index_cast %get3A_67 : i32 to index
    %get3A_69 = arith.constant 16 : index
    %get3A_70 = tpu.vector_load %arg12[%get3A_68, %get3A_69] {strides = array<i32>} : memref<4x128xf32, #tpu.memory_space<vmem>>, vector<1x16xf32>,
    %get3A_71 = vector.shape_cast %get3A_70 : vector<1x16xf32> to vector<16xf32>
    %get3A_72 = arith.constant 1 : i32
    %get3A_73 = arith.index_cast %get3A_72 : i32 to index
    %get3A_74 = arith.constant 32 : index
    %get3A_75 = tpu.vector_load %arg12[%get3A_73, %get3A_74] {strides = array<i32>} : memref<4x128xf32, #tpu.memory_space<vmem>>, vector<1x16xf32>,
    %get3A_76 = vector.shape_cast %get3A_75 : vector<1x16xf32> to vector<16xf32>
    %get3A_77 = arith.constant 1 : i32
    %get3A_78 = arith.index_cast %get3A_77 : i32 to index
    %get3A_79 = arith.constant 48 : index
    %get3A_80 = tpu.vector_load %arg12[%get3A_78, %get3A_79] {strides = array<i32>} : memref<4x128xf32, #tpu.memory_space<vmem>>, vector<1x16xf32>,
    %get3A_81 = vector.shape_cast %get3A_80 : vector<1x16xf32> to vector<16xf32>
    %get3A_82 = arith.constant 1 : i32
    %get3A_83 = arith.index_cast %get3A_82 : i32 to index
    %get3A_84 = arith.constant 64 : index
    %get3A_85 = tpu.vector_load %arg12[%get3A_83, %get3A_84] {strides = array<i32>} : memref<4x128xf32, #tpu.memory_space<vmem>>, vector<1x16xf32>,
    %get3A_86 = vector.shape_cast %get3A_85 : vector<1x16xf32> to vector<16xf32>
    %get3A_87 = arith.constant 1 : i32
    %get3A_88 = arith.index_cast %get3A_87 : i32 to index
    %get3A_89 = arith.constant 80 : index
    %get3A_90 = tpu.vector_load %arg12[%get3A_88, %get3A_89] {strides = array<i32>} : memref<4x128xf32, #tpu.memory_space<vmem>>, vector<1x16xf32>,
    %get3A_91 = vector.shape_cast %get3A_90 : vector<1x16xf32> to vector<16xf32>
    %get3A_92 = arith.constant 1 : i32
    %get3A_93 = arith.index_cast %get3A_92 : i32 to index
    %get3A_94 = arith.constant 96 : index
    %get3A_95 = tpu.vector_load %arg12[%get3A_93, %get3A_94] {strides = array<i32>} : memref<4x128xf32, #tpu.memory_space<vmem>>, vector<1x16xf32>,
    %get3A_96 = vector.shape_cast %get3A_95 : vector<1x16xf32> to vector<16xf32>
    %get3A_97 = arith.constant 1 : i32
    %get3A_98 = arith.index_cast %get3A_97 : i32 to index
    %get3A_99 = arith.constant 112 : index
    %get3A_100 = tpu.vector_load %arg12[%get3A_98, %get3A_99] {strides = array<i32>} : memref<4x128xf32, #tpu.memory_space<vmem>>, vector<1x16xf32>,
    %get3A_101 = vector.shape_cast %get3A_100 : vector<1x16xf32> to vector<16xf32>
    %get3A_102 = arith.constant 2 : i32
    %get3A_103 = arith.index_cast %get3A_102 : i32 to index
    %get3A_104 = arith.constant 0 : index
    %get3A_105 = tpu.vector_load %arg12[%get3A_103, %get3A_104] {strides = array<i32>} : memref<4x128xf32, #tpu.memory_space<vmem>>, vector<1x16xf32>,
    %get3A_106 = vector.shape_cast %get3A_105 : vector<1x16xf32> to vector<16xf32>
    %get3A_107 = arith.constant 2 : i32
    %get3A_108 = arith.index_cast %get3A_107 : i32 to index
    %get3A_109 = arith.constant 16 : index
    %get3A_110 = tpu.vector_load %arg12[%get3A_108, %get3A_109] {strides = array<i32>} : memref<4x128xf32, #tpu.memory_space<vmem>>, vector<1x16xf32>,
    %get3A_111 = vector.shape_cast %get3A_110 : vector<1x16xf32> to vector<16xf32>
    %get3A_112 = arith.constant 2 : i32
    %get3A_113 = arith.index_cast %get3A_112 : i32 to index
    %get3A_114 = arith.constant 32 : index
    %get3A_115 = tpu.vector_load %arg12[%get3A_113, %get3A_114] {strides = array<i32>} : memref<4x128xf32, #tpu.memory_space<vmem>>, vector<1x16xf32>,
    %get3A_116 = vector.shape_cast %get3A_115 : vector<1x16xf32> to vector<16xf32>
    %get3A_117 = arith.constant 2 : i32
    %get3A_118 = arith.index_cast %get3A_117 : i32 to index
    %get3A_119 = arith.constant 48 : index
    %get3A_120 = tpu.vector_load %arg12[%get3A_118, %get3A_119] {strides = array<i32>} : memref<4x128xf32, #tpu.memory_space<vmem>>, vector<1x16xf32>,
    %get3A_121 = vector.shape_cast %get3A_120 : vector<1x16xf32> to vector<16xf32>
    %get3A_122 = arith.constant 2 : i32
    %get3A_123 = arith.index_cast %get3A_122 : i32 to index
    %get3A_124 = arith.constant 64 : index
    %get3A_125 = tpu.vector_load %arg12[%get3A_123, %get3A_124] {strides = array<i32>} : memref<4x128xf32, #tpu.memory_space<vmem>>, vector<1x16xf32>,
    %get3A_126 = vector.shape_cast %get3A_125 : vector<1x16xf32> to vector<16xf32>
    %get3A_127 = arith.constant 2 : i32
    %get3A_128 = arith.index_cast %get3A_127 : i32 to index
    %get3A_129 = arith.constant 80 : index
    %get3A_130 = tpu.vector_load %arg12[%get3A_128, %get3A_129] {strides = array<i32>} : memref<4x128xf32, #tpu.memory_space<vmem>>, vector<1x16xf32>,
    %get3A_131 = vector.shape_cast %get3A_130 : vector<1x16xf32> to vector<16xf32>
    %get3A_132 = arith.constant 2 : i32
    %get3A_133 = arith.index_cast %get3A_132 : i32 to index
    %get3A_134 = arith.constant 96 : index
    %get3A_135 = tpu.vector_load %arg12[%get3A_133, %get3A_134] {strides = array<i32>} : memref<4x128xf32, #tpu.memory_space<vmem>>, vector<1x16xf32>,
    %get3A_136 = vector.shape_cast %get3A_135 : vector<1x16xf32> to vector<16xf32>
    %get3A_137 = arith.constant 2 : i32
    %get3A_138 = arith.index_cast %get3A_137 : i32 to index
    %get3A_139 = arith.constant 112 : index
    %get3A_140 = tpu.vector_load %arg12[%get3A_138, %get3A_139] {strides = array<i32>} : memref<4x128xf32, #tpu.memory_space<vmem>>, vector<1x16xf32>,
    %get3A_141 = vector.shape_cast %get3A_140 : vector<1x16xf32> to vector<16xf32>
    %get3A_142 = arith.constant 3 : i32
    %get3A_143 = arith.index_cast %get3A_142 : i32 to index
    %get3A_144 = arith.constant 0 : index
    %get3A_145 = tpu.vector_load %arg12[%get3A_143, %get3A_144] {strides = array<i32>} : memref<4x128xf32, #tpu.memory_space<vmem>>, vector<1x16xf32>,
    %get3A_146 = vector.shape_cast %get3A_145 : vector<1x16xf32> to vector<16xf32>
    %get3A_147 = arith.constant 3 : i32
    %get3A_148 = arith.index_cast %get3A_147 : i32 to index
    %get3A_149 = arith.constant 16 : index
    %get3A_150 = tpu.vector_load %arg12[%get3A_148, %get3A_149] {strides = array<i32>} : memref<4x128xf32, #tpu.memory_space<vmem>>, vector<1x16xf32>,
    %get3A_151 = vector.shape_cast %get3A_150 : vector<1x16xf32> to vector<16xf32>
    %get3A_152 = arith.constant 3 : i32
    %get3A_153 = arith.index_cast %get3A_152 : i32 to index
    %get3A_154 = arith.constant 32 : index
    %get3A_155 = tpu.vector_load %arg12[%get3A_153, %get3A_154] {strides = array<i32>} : memref<4x128xf32, #tpu.memory_space<vmem>>, vector<1x16xf32>,
    %get3A_156 = vector.shape_cast %get3A_155 : vector<1x16xf32> to vector<16xf32>
    %get3A_157 = arith.constant 3 : i32
    %get3A_158 = arith.index_cast %get3A_157 : i32 to index
    %get3A_159 = arith.constant 48 : index
    %get3A_160 = tpu.vector_load %arg12[%get3A_158, %get3A_159] {strides = array<i32>} : memref<4x128xf32, #tpu.memory_space<vmem>>, vector<1x16xf32>,
    %get3A_161 = vector.shape_cast %get3A_160 : vector<1x16xf32> to vector<16xf32>
    %get3A_162 = arith.constant 3 : i32
    %get3A_163 = arith.index_cast %get3A_162 : i32 to index
    %get3A_164 = arith.constant 64 : index
    %get3A_165 = tpu.vector_load %arg12[%get3A_163, %get3A_164] {strides = array<i32>} : memref<4x128xf32, #tpu.memory_space<vmem>>, vector<1x16xf32>,
    %get3A_166 = vector.shape_cast %get3A_165 : vector<1x16xf32> to vector<16xf32>
    %get3A_167 = arith.constant 3 : i32
    %get3A_168 = arith.index_cast %get3A_167 : i32 to index
    %get3A_169 = arith.constant 80 : index
    %get3A_170 = tpu.vector_load %arg12[%get3A_168, %get3A_169] {strides = array<i32>} : memref<4x128xf32, #tpu.memory_space<vmem>>, vector<1x16xf32>,
    %get3A_171 = vector.shape_cast %get3A_170 : vector<1x16xf32> to vector<16xf32>
    %get3A_172 = arith.constant 3 : i32
    %get3A_173 = arith.index_cast %get3A_172 : i32 to index
    %get3A_174 = arith.constant 96 : index
    %get3A_175 = tpu.vector_load %arg12[%get3A_173, %get3A_174] {strides = array<i32>} : memref<4x128xf32, #tpu.memory_space<vmem>>, vector<1x16xf32>,
    %get3A_176 = vector.shape_cast %get3A_175 : vector<1x16xf32> to vector<16xf32>
    %get3A_177 = arith.constant 3 : i32
    %get3A_178 = arith.index_cast %get3A_177 : i32 to index
    %get3A_179 = arith.constant 112 : index
    %get3A_180 = tpu.vector_load %arg12[%get3A_178, %get3A_179] {strides = array<i32>} : memref<4x128xf32, #tpu.memory_space<vmem>>, vector<1x16xf32>,
    %get3A_181 = vector.shape_cast %get3A_180 : vector<1x16xf32> to vector<16xf32>
    %dma_start3A = arith.constant 0 : i32
    %dma_start3A_182 = arith.constant 0 : i32
    %dma_start3A_183 = arith.constant 0 : i32
    %dma_start3A_184 = tpu.memref_slice %arg8[%dma_start3A_182, %dma_start3A_183] : memref<2x128xi32, #tpu.memory_space<vmem>> -> memref<1x128xi32, #tpu.memory_space<vmem>>
    %dma_start3A_185 = tpu.memref_squeeze %dma_start3A_184 : memref<1x128xi32, #tpu.memory_space<vmem>> -> memref<128xi32, #tpu.memory_space<vmem>>
    %dma_start3A_186 = arith.constant 0 : i32
    %dma_start3A_187 = tpu.memref_slice %arg4[%add3A, %dma_start3A, %dma_start3A_186] : memref<32x80x128xi32, #tpu.memory_space<hbm>> -> memref<1x1x128xi32, #tpu.memory_space<hbm>>
    %dma_start3A_188 = tpu.memref_squeeze %dma_start3A_187 : memref<1x1x128xi32, #tpu.memory_space<hbm>> -> memref<128xi32, #tpu.memory_space<hbm>>
    %dma_start3A_189 = arith.constant 0 : i32
    %dma_start3A_190 = tpu.memref_slice %arg8[%dma_start3A_182, %dma_start3A_189] : memref<2x128xi32, #tpu.memory_space<vmem>> -> memref<1x128xi32, #tpu.memory_space<vmem>>
    %dma_start3A_191 = tpu.memref_squeeze %dma_start3A_190 : memref<1x128xi32, #tpu.memory_space<vmem>> -> memref<128xi32, #tpu.memory_space<vmem>>
    %dma_start3A_192 = arith.constant 0 : i32
    %dma_start3A_193 = tpu.memref_slice %arg4[%add3A, %dma_start3A, %dma_start3A_192] : memref<32x80x128xi32, #tpu.memory_space<hbm>> -> memref<1x1x128xi32, #tpu.memory_space<hbm>>
    %dma_start3A_194 = tpu.memref_squeeze %dma_start3A_193 : memref<1x1x128xi32, #tpu.memory_space<hbm>> -> memref<128xi32, #tpu.memory_space<hbm>>
    tpu.enqueue_dma source(%dma_start3A_194 : memref<128xi32, #tpu.memory_space<hbm>>) target(%dma_start3A_191 : memref<128xi32, #tpu.memory_space<vmem>>) target_semaphore(%arg16 : memref<!tpu.dma_semaphore, #tpu.memory_space<semaphore_mem>>)
    %dma_wait3A = arith.constant 0 : i32
    %dma_wait3A_195 = arith.constant 0 : i32
    %dma_wait3A_196 = arith.constant 0 : i32
    %dma_wait3A_197 = tpu.memref_slice %arg8[%dma_wait3A_195, %dma_wait3A_196] : memref<2x128xi32, #tpu.memory_space<vmem>> -> memref<1x128xi32, #tpu.memory_space<vmem>>
    %dma_wait3A_198 = tpu.memref_squeeze %dma_wait3A_197 : memref<1x128xi32, #tpu.memory_space<vmem>> -> memref<128xi32, #tpu.memory_space<vmem>>
    %dma_wait3A_199 = arith.constant 0 : i32
    %dma_wait3A_200 = tpu.memref_slice %arg4[%add3A, %dma_wait3A, %dma_wait3A_199] : memref<32x80x128xi32, #tpu.memory_space<hbm>> -> memref<1x1x128xi32, #tpu.memory_space<hbm>>
    %dma_wait3A_201 = tpu.memref_squeeze %dma_wait3A_200 : memref<1x1x128xi32, #tpu.memory_space<hbm>> -> memref<128xi32, #tpu.memory_space<hbm>>
    %dma_wait3A_202 = arith.constant 0 : i32
    %dma_wait3A_203 = tpu.memref_slice %arg8[%dma_wait3A_195, %dma_wait3A_202] : memref<2x128xi32, #tpu.memory_space<vmem>> -> memref<1x128xi32, #tpu.memory_space<vmem>>
    %dma_wait3A_204 = tpu.memref_squeeze %dma_wait3A_203 : memref<1x128xi32, #tpu.memory_space<vmem>> -> memref<128xi32, #tpu.memory_space<vmem>>
    %dma_wait3A_205 = arith.constant 0 : i32
    %dma_wait3A_206 = tpu.memref_slice %arg4[%add3A, %dma_wait3A, %dma_wait3A_205] : memref<32x80x128xi32, #tpu.memory_space<hbm>> -> memref<1x1x128xi32, #tpu.memory_space<hbm>>
    %dma_wait3A_207 = tpu.memref_squeeze %dma_wait3A_206 : memref<1x1x128xi32, #tpu.memory_space<hbm>> -> memref<128xi32, #tpu.memory_space<hbm>>
    tpu.wait_dma2 semaphore(%arg16 : memref<!tpu.dma_semaphore, #tpu.memory_space<semaphore_mem>>) src(%dma_wait3A_207 : memref<128xi32, #tpu.memory_space<hbm>>) dst(%dma_wait3A_204 : memref<128xi32, #tpu.memory_space<vmem>>)
    %dma_start3A_208 = arith.constant 0 : i32
    %dma_start3A_209 = arith.constant 0 : i32
    %dma_start3A_210 = tpu.memref_slice %arg10[%dma_start3A_208, %dma_start3A_209] : memref<2x512xf32, #tpu.memory_space<vmem>> -> memref<1x512xf32, #tpu.memory_space<vmem>>
    %dma_start3A_211 = tpu.memref_squeeze %dma_start3A_210 : memref<1x512xf32, #tpu.memory_space<vmem>> -> memref<512xf32, #tpu.memory_space<vmem>>
    %dma_start3A_212 = arith.constant 0 : i32
    %dma_start3A_213 = tpu.memref_slice %arg3[%add3A, %dma_start3A_212] : memref<32x40960xf32, #tpu.memory_space<hbm>> -> memref<1x512xf32, #tpu.memory_space<hbm>>
    %dma_start3A_214 = tpu.memref_squeeze %dma_start3A_213 : memref<1x512xf32, #tpu.memory_space<hbm>> -> memref<512xf32, #tpu.memory_space<hbm>>
    %dma_start3A_215 = arith.constant 0 : i32
    %dma_start3A_216 = tpu.memref_slice %arg10[%dma_start3A_208, %dma_start3A_215] : memref<2x512xf32, #tpu.memory_space<vmem>> -> memref<1x512xf32, #tpu.memory_space<vmem>>
    %dma_start3A_217 = tpu.memref_squeeze %dma_start3A_216 : memref<1x512xf32, #tpu.memory_space<vmem>> -> memref<512xf32, #tpu.memory_space<vmem>>
    %dma_start3A_218 = arith.constant 0 : i32
    %dma_start3A_219 = tpu.memref_slice %arg3[%add3A, %dma_start3A_218] : memref<32x40960xf32, #tpu.memory_space<hbm>> -> memref<1x512xf32, #tpu.memory_space<hbm>>
    %dma_start3A_220 = tpu.memref_squeeze %dma_start3A_219 : memref<1x512xf32, #tpu.memory_space<hbm>> -> memref<512xf32, #tpu.memory_space<hbm>>
    tpu.enqueue_dma source(%dma_start3A_220 : memref<512xf32, #tpu.memory_space<hbm>>) target(%dma_start3A_217 : memref<512xf32, #tpu.memory_space<vmem>>) target_semaphore(%arg16 : memref<!tpu.dma_semaphore, #tpu.memory_space<semaphore_mem>>)
    %dma_wait3A_221 = arith.constant 0 : i32
    %dma_wait3A_222 = arith.constant 0 : i32
    %dma_wait3A_223 = tpu.memref_slice %arg10[%dma_wait3A_221, %dma_wait3A_222] : memref<2x512xf32, #tpu.memory_space<vmem>> -> memref<1x512xf32, #tpu.memory_space<vmem>>
    %dma_wait3A_224 = tpu.memref_squeeze %dma_wait3A_223 : memref<1x512xf32, #tpu.memory_space<vmem>> -> memref<512xf32, #tpu.memory_space<vmem>>
    %dma_wait3A_225 = arith.constant 0 : i32
    %dma_wait3A_226 = tpu.memref_slice %arg3[%add3A, %dma_wait3A_225] : memref<32x40960xf32, #tpu.memory_space<hbm>> -> memref<1x512xf32, #tpu.memory_space<hbm>>
    %dma_wait3A_227 = tpu.memref_squeeze %dma_wait3A_226 : memref<1x512xf32, #tpu.memory_space<hbm>> -> memref<512xf32, #tpu.memory_space<hbm>>
    %dma_wait3A_228 = arith.constant 0 : i32
    %dma_wait3A_229 = tpu.memref_slice %arg10[%dma_wait3A_221, %dma_wait3A_228] : memref<2x512xf32, #tpu.memory_space<vmem>> -> memref<1x512xf32, #tpu.memory_space<vmem>>
    %dma_wait3A_230 = tpu.memref_squeeze %dma_wait3A_229 : memref<1x512xf32, #tpu.memory_space<vmem>> -> memref<512xf32, #tpu.memory_space<vmem>>
    %dma_wait3A_231 = arith.constant 0 : i32
    %dma_wait3A_232 = tpu.memref_slice %arg3[%add3A, %dma_wait3A_231] : memref<32x40960xf32, #tpu.memory_space<hbm>> -> memref<1x512xf32, #tpu.memory_space<hbm>>
    %dma_wait3A_233 = tpu.memref_squeeze %dma_wait3A_232 : memref<1x512xf32, #tpu.memory_space<hbm>> -> memref<512xf32, #tpu.memory_space<hbm>>
    tpu.wait_dma2 semaphore(%arg16 : memref<!tpu.dma_semaphore, #tpu.memory_space<semaphore_mem>>) src(%dma_wait3A_233 : memref<512xf32, #tpu.memory_space<hbm>>) dst(%dma_wait3A_230 : memref<512xf32, #tpu.memory_space<vmem>>)
    %dma_start3A_234 = arith.constant 0 : i32
    %dma_start3A_235 = arith.constant 0 : i32
    %dma_start3A_236 = arith.constant 0 : i32
    %dma_start3A_237 = tpu.memref_slice %arg9[%dma_start3A_235, %dma_start3A_236] : memref<2x128xi32, #tpu.memory_space<vmem>> -> memref<1x128xi32, #tpu.memory_space<vmem>>
    %dma_start3A_238 = tpu.memref_squeeze %dma_start3A_237 : memref<1x128xi32, #tpu.memory_space<vmem>> -> memref<128xi32, #tpu.memory_space<vmem>>
    %dma_start3A_239 = arith.constant 0 : i32
    %dma_start3A_240 = tpu.memref_slice %arg5[%add3A, %dma_start3A_234, %dma_start3A_239] : memref<32x80x128xi32, #tpu.memory_space<hbm>> -> memref<1x1x128xi32, #tpu.memory_space<hbm>>
    %dma_start3A_241 = tpu.memref_squeeze %dma_start3A_240 : memref<1x1x128xi32, #tpu.memory_space<hbm>> -> memref<128xi32, #tpu.memory_space<hbm>>
    %dma_start3A_242 = arith.constant 0 : i32
    %dma_start3A_243 = tpu.memref_slice %arg9[%dma_start3A_235, %dma_start3A_242] : memref<2x128xi32, #tpu.memory_space<vmem>> -> memref<1x128xi32, #tpu.memory_space<vmem>>
    %dma_start3A_244 = tpu.memref_squeeze %dma_start3A_243 : memref<1x128xi32, #tpu.memory_space<vmem>> -> memref<128xi32, #tpu.memory_space<vmem>>
    %dma_start3A_245 = arith.constant 0 : i32
    %dma_start3A_246 = tpu.memref_slice %arg5[%add3A, %dma_start3A_234, %dma_start3A_245] : memref<32x80x128xi32, #tpu.memory_space<hbm>> -> memref<1x1x128xi32, #tpu.memory_space<hbm>>
    %dma_start3A_247 = tpu.memref_squeeze %dma_start3A_246 : memref<1x1x128xi32, #tpu.memory_space<hbm>> -> memref<128xi32, #tpu.memory_space<hbm>>
    tpu.enqueue_dma source(%dma_start3A_247 : memref<128xi32, #tpu.memory_space<hbm>>) target(%dma_start3A_244 : memref<128xi32, #tpu.memory_space<vmem>>) target_semaphore(%arg18 : memref<!tpu.dma_semaphore, #tpu.memory_space<semaphore_mem>>)
    %dma_start3A_248 = arith.constant 1 : i32
    %dma_start3A_249 = arith.constant 1 : i32
    %dma_start3A_250 = arith.constant 0 : i32
    %dma_start3A_251 = tpu.memref_slice %arg8[%dma_start3A_249, %dma_start3A_250] : memref<2x128xi32, #tpu.memory_space<vmem>> -> memref<1x128xi32, #tpu.memory_space<vmem>>
    %dma_start3A_252 = tpu.memref_squeeze %dma_start3A_251 : memref<1x128xi32, #tpu.memory_space<vmem>> -> memref<128xi32, #tpu.memory_space<vmem>>
    %dma_start3A_253 = arith.constant 0 : i32
    %dma_start3A_254 = tpu.memref_slice %arg4[%add3A, %dma_start3A_248, %dma_start3A_253] : memref<32x80x128xi32, #tpu.memory_space<hbm>> -> memref<1x1x128xi32, #tpu.memory_space<hbm>>
    %dma_start3A_255 = tpu.memref_squeeze %dma_start3A_254 : memref<1x1x128xi32, #tpu.memory_space<hbm>> -> memref<128xi32, #tpu.memory_space<hbm>>
    %dma_start3A_256 = arith.constant 0 : i32
    %dma_start3A_257 = tpu.memref_slice %arg8[%dma_start3A_249, %dma_start3A_256] : memref<2x128xi32, #tpu.memory_space<vmem>> -> memref<1x128xi32, #tpu.memory_space<vmem>>
    %dma_start3A_258 = tpu.memref_squeeze %dma_start3A_257 : memref<1x128xi32, #tpu.memory_space<vmem>> -> memref<128xi32, #tpu.memory_space<vmem>>
    %dma_start3A_259 = arith.constant 0 : i32
    %dma_start3A_260 = tpu.memref_slice %arg4[%add3A, %dma_start3A_248, %dma_start3A_259] : memref<32x80x128xi32, #tpu.memory_space<hbm>> -> memref<1x1x128xi32, #tpu.memory_space<hbm>>
    %dma_start3A_261 = tpu.memref_squeeze %dma_start3A_260 : memref<1x1x128xi32, #tpu.memory_space<hbm>> -> memref<128xi32, #tpu.memory_space<hbm>>
    tpu.enqueue_dma source(%dma_start3A_261 : memref<128xi32, #tpu.memory_space<hbm>>) target(%dma_start3A_258 : memref<128xi32, #tpu.memory_space<vmem>>) target_semaphore(%arg17 : memref<!tpu.dma_semaphore, #tpu.memory_space<semaphore_mem>>)
    %dma_start3A_262 = arith.constant 1 : i32
    %dma_start3A_263 = arith.constant 0 : i32
    %dma_start3A_264 = tpu.memref_slice %arg10[%dma_start3A_262, %dma_start3A_263] : memref<2x512xf32, #tpu.memory_space<vmem>> -> memref<1x512xf32, #tpu.memory_space<vmem>>
    %dma_start3A_265 = tpu.memref_squeeze %dma_start3A_264 : memref<1x512xf32, #tpu.memory_space<vmem>> -> memref<512xf32, #tpu.memory_space<vmem>>
    %dma_start3A_266 = arith.constant 512 : i32
    %dma_start3A_267 = tpu.memref_slice %arg3[%add3A, %dma_start3A_266] : memref<32x40960xf32, #tpu.memory_space<hbm>> -> memref<1x512xf32, #tpu.memory_space<hbm>>
    %dma_start3A_268 = tpu.memref_squeeze %dma_start3A_267 : memref<1x512xf32, #tpu.memory_space<hbm>> -> memref<512xf32, #tpu.memory_space<hbm>>
    %dma_start3A_269 = arith.constant 0 : i32
    %dma_start3A_270 = tpu.memref_slice %arg10[%dma_start3A_262, %dma_start3A_269] : memref<2x512xf32, #tpu.memory_space<vmem>> -> memref<1x512xf32, #tpu.memory_space<vmem>>
    %dma_start3A_271 = tpu.memref_squeeze %dma_start3A_270 : memref<1x512xf32, #tpu.memory_space<vmem>> -> memref<512xf32, #tpu.memory_space<vmem>>
    %dma_start3A_272 = arith.constant 512 : i32
    %dma_start3A_273 = tpu.memref_slice %arg3[%add3A, %dma_start3A_272] : memref<32x40960xf32, #tpu.memory_space<hbm>> -> memref<1x512xf32, #tpu.memory_space<hbm>>
    %dma_start3A_274 = tpu.memref_squeeze %dma_start3A_273 : memref<1x512xf32, #tpu.memory_space<hbm>> -> memref<512xf32, #tpu.memory_space<hbm>>
    tpu.enqueue_dma source(%dma_start3A_274 : memref<512xf32, #tpu.memory_space<hbm>>) target(%dma_start3A_271 : memref<512xf32, #tpu.memory_space<vmem>>) target_semaphore(%arg17 : memref<!tpu.dma_semaphore, #tpu.memory_space<semaphore_mem>>)
    %dma_start3A_275 = arith.constant 1 : i32
    %dma_start3A_276 = arith.constant 1 : i32
    %dma_start3A_277 = arith.constant 0 : i32
    %dma_start3A_278 = tpu.memref_slice %arg9[%dma_start3A_276, %dma_start3A_277] : memref<2x128xi32, #tpu.memory_space<vmem>> -> memref<1x128xi32, #tpu.memory_space<vmem>>
    %dma_start3A_279 = tpu.memref_squeeze %dma_start3A_278 : memref<1x128xi32, #tpu.memory_space<vmem>> -> memref<128xi32, #tpu.memory_space<vmem>>
    %dma_start3A_280 = arith.constant 0 : i32
    %dma_start3A_281 = tpu.memref_slice %arg5[%add3A, %dma_start3A_275, %dma_start3A_280] : memref<32x80x128xi32, #tpu.memory_space<hbm>> -> memref<1x1x128xi32, #tpu.memory_space<hbm>>
    %dma_start3A_282 = tpu.memref_squeeze %dma_start3A_281 : memref<1x1x128xi32, #tpu.memory_space<hbm>> -> memref<128xi32, #tpu.memory_space<hbm>>
    %dma_start3A_283 = arith.constant 0 : i32
    %dma_start3A_284 = tpu.memref_slice %arg9[%dma_start3A_276, %dma_start3A_283] : memref<2x128xi32, #tpu.memory_space<vmem>> -> memref<1x128xi32, #tpu.memory_space<vmem>>
    %dma_start3A_285 = tpu.memref_squeeze %dma_start3A_284 : memref<1x128xi32, #tpu.memory_space<vmem>> -> memref<128xi32, #tpu.memory_space<vmem>>
    %dma_start3A_286 = arith.constant 0 : i32
    %dma_start3A_287 = tpu.memref_slice %arg5[%add3A, %dma_start3A_275, %dma_start3A_286] : memref<32x80x128xi32, #tpu.memory_space<hbm>> -> memref<1x1x128xi32, #tpu.memory_space<hbm>>
    %dma_start3A_288 = tpu.memref_squeeze %dma_start3A_287 : memref<1x1x128xi32, #tpu.memory_space<hbm>> -> memref<128xi32, #tpu.memory_space<hbm>>
    tpu.enqueue_dma source(%dma_start3A_288 : memref<128xi32, #tpu.memory_space<hbm>>) target(%dma_start3A_285 : memref<128xi32, #tpu.memory_space<vmem>>) target_semaphore(%arg19 : memref<!tpu.dma_semaphore, #tpu.memory_space<semaphore_mem>>)
    %dma_start3A_289 = arith.constant 0 : i32
    %dma_start3A_290 = arith.constant 0 : i32
    %dma_start3A_291 = arith.constant 0 : i32
    %dma_start3A_292 = tpu.memref_slice %arg11[%dma_start3A_289, %dma_start3A_290, %dma_start3A_291] : memref<2x128x128xf32, #tpu.memory_space<vmem>> -> memref<1x128x128xf32, #tpu.memory_space<vmem>>
    %dma_start3A_293 = tpu.memref_squeeze %dma_start3A_292 : memref<1x128x128xf32, #tpu.memory_space<vmem>> -> memref<128x128xf32, #tpu.memory_space<vmem>>
    %dma_start3A_294 = arith.constant 0 : i32
    %dma_start3A_295 = arith.constant 0 : i32
    %dma_start3A_296 = tpu.memref_slice %arg2[%dma_start3A_294, %dma_start3A_295] : memref<10000x128xf32, #tpu.memory_space<hbm>> -> memref<128x128xf32, #tpu.memory_space<hbm>>
    %dma_start3A_297 = arith.constant 0 : i32
    %dma_start3A_298 = arith.constant 0 : i32
    %dma_start3A_299 = tpu.memref_slice %arg11[%dma_start3A_289, %dma_start3A_297, %dma_start3A_298] : memref<2x128x128xf32, #tpu.memory_space<vmem>> -> memref<1x128x128xf32, #tpu.memory_space<vmem>>
    %dma_start3A_300 = tpu.memref_squeeze %dma_start3A_299 : memref<1x128x128xf32, #tpu.memory_space<vmem>> -> memref<128x128xf32, #tpu.memory_space<vmem>>
    %dma_start3A_301 = arith.constant 0 : i32
    %dma_start3A_302 = arith.constant 0 : i32
    %dma_start3A_303 = tpu.memref_slice %arg2[%dma_start3A_301, %dma_start3A_302] : memref<10000x128xf32, #tpu.memory_space<hbm>> -> memref<128x128xf32, #tpu.memory_space<hbm>>
    tpu.enqueue_dma source(%dma_start3A_303 : memref<128x128xf32, #tpu.memory_space<hbm>>) target(%dma_start3A_300 : memref<128x128xf32, #tpu.memory_space<vmem>>) target_semaphore(%arg14 : memref<!tpu.dma_semaphore, #tpu.memory_space<semaphore_mem>>)
    %scan3A_304 = arith.constant 0 : i32
    %scan3A_305 = arith.constant 0 : i32
    %scan3A_306 = arith.constant 40 : i32
    %scan3A_307 = arith.addi %scan3A_305, %scan3A_306 : i32
    %scan3A_308 = arith.constant 1 : i32
    scf.for %scan3A_331 = %scan3A_305 to %scan3A_307 step %scan3A_308  : i32 {
      %mul3A_332 = arith.constant 2 : i32
      %mul3A_333 = arith.muli %mul3A_332, %scan3A_331 : i32
      %add3A_334 = arith.constant 0 : i32
      %add3A_335 = arith.addi %mul3A_333, %add3A_334 : i32
      %add3A_336 = arith.constant 1 : i32
      %add3A_337 = arith.addi %add3A_335, %add3A_336 : i32
      %lt3A = arith.constant 80 : i32
      %lt3A_338 = arith.cmpi slt, %add3A_337, %lt3A : i32
      %convert_element_type3A = arith.extui %lt3A_338 : i1 to i32
      %cond3A = arith.constant 0 : i32
      %cond3A_339 = arith.cmpi ne, %convert_element_type3A, %cond3A : i32
      scf.if %cond3A_339 {
        %ge3A = arith.constant 1 : i32
        %ge3A_433 = arith.cmpi sge, %add3A_335, %ge3A : i32
        %convert_element_type3A_434 = arith.extui %ge3A_433 : i1 to i32
        %cond3A_435 = arith.constant 0 : i32
        %cond3A_436 = arith.cmpi ne, %convert_element_type3A_434, %cond3A_435 : i32
        scf.if %cond3A_436 {
          %add3A_482 = arith.constant 1 : i32
          %add3A_483 = arith.addi %add3A_335, %add3A_482 : i32
          %dma_start3A_484 = arith.constant 1 : i32
          %dma_start3A_485 = arith.constant 0 : i32
          %dma_start3A_486 = tpu.memref_slice %arg9[%dma_start3A_484, %dma_start3A_485] : memref<2x128xi32, #tpu.memory_space<vmem>> -> memref<1x128xi32, #tpu.memory_space<vmem>>
          %dma_start3A_487 = tpu.memref_squeeze %dma_start3A_486 : memref<1x128xi32, #tpu.memory_space<vmem>> -> memref<128xi32, #tpu.memory_space<vmem>>
          %dma_start3A_488 = arith.constant 0 : i32
          %dma_start3A_489 = tpu.memref_slice %arg5[%add3A, %add3A_483, %dma_start3A_488] : memref<32x80x128xi32, #tpu.memory_space<hbm>> -> memref<1x1x128xi32, #tpu.memory_space<hbm>>
          %dma_start3A_490 = tpu.memref_squeeze %dma_start3A_489 : memref<1x1x128xi32, #tpu.memory_space<hbm>> -> memref<128xi32, #tpu.memory_space<hbm>>
          %dma_start3A_491 = arith.constant 0 : i32
          %dma_start3A_492 = tpu.memref_slice %arg9[%dma_start3A_484, %dma_start3A_491] : memref<2x128xi32, #tpu.memory_space<vmem>> -> memref<1x128xi32, #tpu.memory_space<vmem>>
          %dma_start3A_493 = tpu.memref_squeeze %dma_start3A_492 : memref<1x128xi32, #tpu.memory_space<vmem>> -> memref<128xi32, #tpu.memory_space<vmem>>
          %dma_start3A_494 = arith.constant 0 : i32
          %dma_start3A_495 = tpu.memref_slice %arg5[%add3A, %add3A_483, %dma_start3A_494] : memref<32x80x128xi32, #tpu.memory_space<hbm>> -> memref<1x1x128xi32, #tpu.memory_space<hbm>>
          %dma_start3A_496 = tpu.memref_squeeze %dma_start3A_495 : memref<1x1x128xi32, #tpu.memory_space<hbm>> -> memref<128xi32, #tpu.memory_space<hbm>>
          tpu.enqueue_dma source(%dma_start3A_496 : memref<128xi32, #tpu.memory_space<hbm>>) target(%dma_start3A_493 : memref<128xi32, #tpu.memory_space<vmem>>) target_semaphore(%arg19 : memref<!tpu.dma_semaphore, #tpu.memory_space<semaphore_mem>>)
        } else {
        }
        %add3A_437 = arith.constant 1 : i32
        %add3A_438 = arith.addi %add3A_335, %add3A_437 : i32
        %mul3A_439 = arith.constant 128 : i32
        %mul3A_440 = arith.muli %add3A_438, %mul3A_439 : i32
        %mul3A_441 = arith.constant 4 : i32
        %mul3A_442 = arith.muli %mul3A_440, %mul3A_441 : i32
        %dma_wait3A_443 = arith.constant 1 : i32
        %dma_wait3A_444 = arith.constant 0 : i32
        %dma_wait3A_445 = tpu.memref_slice %arg8[%dma_wait3A_443, %dma_wait3A_444] : memref<2x128xi32, #tpu.memory_space<vmem>> -> memref<1x128xi32, #tpu.memory_space<vmem>>
        %dma_wait3A_446 = tpu.memref_squeeze %dma_wait3A_445 : memref<1x128xi32, #tpu.memory_space<vmem>> -> memref<128xi32, #tpu.memory_space<vmem>>
        %dma_wait3A_447 = arith.constant 0 : i32
        %dma_wait3A_448 = tpu.memref_slice %arg4[%add3A, %add3A_438, %dma_wait3A_447] : memref<32x80x128xi32, #tpu.memory_space<hbm>> -> memref<1x1x128xi32, #tpu.memory_space<hbm>>
        %dma_wait3A_449 = tpu.memref_squeeze %dma_wait3A_448 : memref<1x1x128xi32, #tpu.memory_space<hbm>> -> memref<128xi32, #tpu.memory_space<hbm>>
        %dma_wait3A_450 = arith.constant 0 : i32
        %dma_wait3A_451 = tpu.memref_slice %arg8[%dma_wait3A_443, %dma_wait3A_450] : memref<2x128xi32, #tpu.memory_space<vmem>> -> memref<1x128xi32, #tpu.memory_space<vmem>>
        %dma_wait3A_452 = tpu.memref_squeeze %dma_wait3A_451 : memref<1x128xi32, #tpu.memory_space<vmem>> -> memref<128xi32, #tpu.memory_space<vmem>>
        %dma_wait3A_453 = arith.constant 0 : i32
        %dma_wait3A_454 = tpu.memref_slice %arg4[%add3A, %add3A_438, %dma_wait3A_453] : memref<32x80x128xi32, #tpu.memory_space<hbm>> -> memref<1x1x128xi32, #tpu.memory_space<hbm>>
        %dma_wait3A_455 = tpu.memref_squeeze %dma_wait3A_454 : memref<1x1x128xi32, #tpu.memory_space<hbm>> -> memref<128xi32, #tpu.memory_space<hbm>>
        tpu.wait_dma2 semaphore(%arg17 : memref<!tpu.dma_semaphore, #tpu.memory_space<semaphore_mem>>) src(%dma_wait3A_455 : memref<128xi32, #tpu.memory_space<hbm>>) dst(%dma_wait3A_452 : memref<128xi32, #tpu.memory_space<vmem>>)
        %dma_wait3A_456 = arith.constant 1 : i32
        %dma_wait3A_457 = arith.constant 0 : i32
        %dma_wait3A_458 = tpu.memref_slice %arg10[%dma_wait3A_456, %dma_wait3A_457] : memref<2x512xf32, #tpu.memory_space<vmem>> -> memref<1x512xf32, #tpu.memory_space<vmem>>
        %dma_wait3A_459 = tpu.memref_squeeze %dma_wait3A_458 : memref<1x512xf32, #tpu.memory_space<vmem>> -> memref<512xf32, #tpu.memory_space<vmem>>
        %dma_wait3A_460 = tpu.memref_slice %arg3[%add3A, %mul3A_442] : memref<32x40960xf32, #tpu.memory_space<hbm>> -> memref<1x512xf32, #tpu.memory_space<hbm>>
        %dma_wait3A_461 = tpu.memref_squeeze %dma_wait3A_460 : memref<1x512xf32, #tpu.memory_space<hbm>> -> memref<512xf32, #tpu.memory_space<hbm>>
        %dma_wait3A_462 = arith.constant 0 : i32
        %dma_wait3A_463 = tpu.memref_slice %arg10[%dma_wait3A_456, %dma_wait3A_462] : memref<2x512xf32, #tpu.memory_space<vmem>> -> memref<1x512xf32, #tpu.memory_space<vmem>>
        %dma_wait3A_464 = tpu.memref_squeeze %dma_wait3A_463 : memref<1x512xf32, #tpu.memory_space<vmem>> -> memref<512xf32, #tpu.memory_space<vmem>>
        %dma_wait3A_465 = tpu.memref_slice %arg3[%add3A, %mul3A_442] : memref<32x40960xf32, #tpu.memory_space<hbm>> -> memref<1x512xf32, #tpu.memory_space<hbm>>
        %dma_wait3A_466 = tpu.memref_squeeze %dma_wait3A_465 : memref<1x512xf32, #tpu.memory_space<hbm>> -> memref<512xf32, #tpu.memory_space<hbm>>
        tpu.wait_dma2 semaphore(%arg17 : memref<!tpu.dma_semaphore, #tpu.memory_space<semaphore_mem>>) src(%dma_wait3A_466 : memref<512xf32, #tpu.memory_space<hbm>>) dst(%dma_wait3A_464 : memref<512xf32, #tpu.memory_space<vmem>>)
        %dma_start3A_467 = arith.constant 1 : i32
        %dma_start3A_468 = arith.constant 0 : i32
        %dma_start3A_469 = arith.constant 0 : i32
        %dma_start3A_470 = tpu.memref_slice %arg11[%dma_start3A_467, %dma_start3A_468, %dma_start3A_469] : memref<2x128x128xf32, #tpu.memory_space<vmem>> -> memref<1x128x128xf32, #tpu.memory_space<vmem>>
        %dma_start3A_471 = tpu.memref_squeeze %dma_start3A_470 : memref<1x128x128xf32, #tpu.memory_space<vmem>> -> memref<128x128xf32, #tpu.memory_space<vmem>>
        %dma_start3A_472 = arith.constant 0 : i32
        %dma_start3A_473 = arith.constant 0 : i32
        %dma_start3A_474 = tpu.memref_slice %arg2[%dma_start3A_472, %dma_start3A_473] : memref<10000x128xf32, #tpu.memory_space<hbm>> -> memref<128x128xf32, #tpu.memory_space<hbm>>
        %dma_start3A_475 = arith.constant 0 : i32
        %dma_start3A_476 = arith.constant 0 : i32
        %dma_start3A_477 = tpu.memref_slice %arg11[%dma_start3A_467, %dma_start3A_475, %dma_start3A_476] : memref<2x128x128xf32, #tpu.memory_space<vmem>> -> memref<1x128x128xf32, #tpu.memory_space<vmem>>
        %dma_start3A_478 = tpu.memref_squeeze %dma_start3A_477 : memref<1x128x128xf32, #tpu.memory_space<vmem>> -> memref<128x128xf32, #tpu.memory_space<vmem>>
        %dma_start3A_479 = arith.constant 0 : i32
        %dma_start3A_480 = arith.constant 0 : i32
        %dma_start3A_481 = tpu.memref_slice %arg2[%dma_start3A_479, %dma_start3A_480] : memref<10000x128xf32, #tpu.memory_space<hbm>> -> memref<128x128xf32, #tpu.memory_space<hbm>>
        tpu.enqueue_dma source(%dma_start3A_481 : memref<128x128xf32, #tpu.memory_space<hbm>>) target(%dma_start3A_478 : memref<128x128xf32, #tpu.memory_space<vmem>>) target_semaphore(%arg15 : memref<!tpu.dma_semaphore, #tpu.memory_space<semaphore_mem>>)
      } else {
      }
      %dma_wait3A_340 = arith.constant 0 : i32
      %dma_wait3A_341 = arith.constant 0 : i32
      %dma_wait3A_342 = arith.constant 0 : i32
      %dma_wait3A_343 = tpu.memref_slice %arg11[%dma_wait3A_340, %dma_wait3A_341, %dma_wait3A_342] : memref<2x128x128xf32, #tpu.memory_space<vmem>> -> memref<1x128x128xf32, #tpu.memory_space<vmem>>
      %dma_wait3A_344 = tpu.memref_squeeze %dma_wait3A_343 : memref<1x128x128xf32, #tpu.memory_space<vmem>> -> memref<128x128xf32, #tpu.memory_space<vmem>>
      %dma_wait3A_345 = arith.constant 0 : i32
      %dma_wait3A_346 = arith.constant 0 : i32
      %dma_wait3A_347 = tpu.memref_slice %arg2[%dma_wait3A_345, %dma_wait3A_346] : memref<10000x128xf32, #tpu.memory_space<hbm>> -> memref<128x128xf32, #tpu.memory_space<hbm>>
      %dma_wait3A_348 = arith.constant 0 : i32
      %dma_wait3A_349 = arith.constant 0 : i32
      %dma_wait3A_350 = tpu.memref_slice %arg11[%dma_wait3A_340, %dma_wait3A_348, %dma_wait3A_349] : memref<2x128x128xf32, #tpu.memory_space<vmem>> -> memref<1x128x128xf32, #tpu.memory_space<vmem>>
      %dma_wait3A_351 = tpu.memref_squeeze %dma_wait3A_350 : memref<1x128x128xf32, #tpu.memory_space<vmem>> -> memref<128x128xf32, #tpu.memory_space<vmem>>
      %dma_wait3A_352 = arith.constant 0 : i32
      %dma_wait3A_353 = arith.constant 0 : i32
      %dma_wait3A_354 = tpu.memref_slice %arg2[%dma_wait3A_352, %dma_wait3A_353] : memref<10000x128xf32, #tpu.memory_space<hbm>> -> memref<128x128xf32, #tpu.memory_space<hbm>>
      tpu.wait_dma2 semaphore(%arg14 : memref<!tpu.dma_semaphore, #tpu.memory_space<semaphore_mem>>) src(%dma_wait3A_354 : memref<128x128xf32, #tpu.memory_space<hbm>>) dst(%dma_wait3A_351 : memref<128x128xf32, #tpu.memory_space<vmem>>)
      %scan3A_355 = arith.constant 0 : i32
      %scan3A_356 = arith.constant 0 : i32
      %scan3A_357 = arith.constant 32 : i32
      %scan3A_358 = arith.addi %scan3A_356, %scan3A_357 : i32
      %scan3A_359 = arith.constant 1 : i32
      scf.for %scan3A_433 = %scan3A_356 to %scan3A_358 step %scan3A_359  : i32 {
      }
      %scan3A_360 = arith.constant 32 : i32
      %dma_wait3A_361 = arith.constant 0 : i32
      %dma_wait3A_362 = arith.constant 0 : i32
      %dma_wait3A_363 = tpu.memref_slice %arg9[%dma_wait3A_361, %dma_wait3A_362] : memref<2x128xi32, #tpu.memory_space<vmem>> -> memref<1x128xi32, #tpu.memory_space<vmem>>
      %dma_wait3A_364 = tpu.memref_squeeze %dma_wait3A_363 : memref<1x128xi32, #tpu.memory_space<vmem>> -> memref<128xi32, #tpu.memory_space<vmem>>
      %dma_wait3A_365 = arith.constant 0 : i32
      %dma_wait3A_366 = tpu.memref_slice %arg5[%add3A, %add3A_335, %dma_wait3A_365] : memref<32x80x128xi32, #tpu.memory_space<hbm>> -> memref<1x1x128xi32, #tpu.memory_space<hbm>>
      %dma_wait3A_367 = tpu.memref_squeeze %dma_wait3A_366 : memref<1x1x128xi32, #tpu.memory_space<hbm>> -> memref<128xi32, #tpu.memory_space<hbm>>
      %dma_wait3A_368 = arith.constant 0 : i32
      %dma_wait3A_369 = tpu.memref_slice %arg9[%dma_wait3A_361, %dma_wait3A_368] : memref<2x128xi32, #tpu.memory_space<vmem>> -> memref<1x128xi32, #tpu.memory_space<vmem>>
      %dma_wait3A_370 = tpu.memref_squeeze %dma_wait3A_369 : memref<1x128xi32, #tpu.memory_space<vmem>> -> memref<128xi32, #tpu.memory_space<vmem>>
      %dma_wait3A_371 = arith.constant 0 : i32
      %dma_wait3A_372 = tpu.memref_slice %arg5[%add3A, %add3A_335, %dma_wait3A_371] : memref<32x80x128xi32, #tpu.memory_space<hbm>> -> memref<1x1x128xi32, #tpu.memory_space<hbm>>
      %dma_wait3A_373 = tpu.memref_squeeze %dma_wait3A_372 : memref<1x1x128xi32, #tpu.memory_space<hbm>> -> memref<128xi32, #tpu.memory_space<hbm>>
      tpu.wait_dma2 semaphore(%arg18 : memref<!tpu.dma_semaphore, #tpu.memory_space<semaphore_mem>>) src(%dma_wait3A_373 : memref<128xi32, #tpu.memory_space<hbm>>) dst(%dma_wait3A_370 : memref<128xi32, #tpu.memory_space<vmem>>)
      %add3A_374 = arith.constant 2 : i32
      %add3A_375 = arith.addi %add3A_335, %add3A_374 : i32
      %lt3A_376 = arith.constant 80 : i32
      %lt3A_377 = arith.cmpi slt, %add3A_375, %lt3A_376 : i32
      %convert_element_type3A_378 = arith.extui %lt3A_377 : i1 to i32
      %cond3A_379 = arith.constant 0 : i32
      %cond3A_380 = arith.cmpi ne, %convert_element_type3A_378, %cond3A_379 : i32
      scf.if %cond3A_380 {
        %add3A_433 = arith.constant 2 : i32
        %add3A_434 = arith.addi %add3A_335, %add3A_433 : i32
        %mul3A_435 = arith.constant 128 : i32
        %mul3A_436 = arith.muli %add3A_434, %mul3A_435 : i32
        %mul3A_437 = arith.constant 4 : i32
        %mul3A_438 = arith.muli %mul3A_436, %mul3A_437 : i32
        %dma_start3A_439 = arith.constant 0 : i32
        %dma_start3A_440 = arith.constant 0 : i32
        %dma_start3A_441 = tpu.memref_slice %arg8[%dma_start3A_439, %dma_start3A_440] : memref<2x128xi32, #tpu.memory_space<vmem>> -> memref<1x128xi32, #tpu.memory_space<vmem>>
        %dma_start3A_442 = tpu.memref_squeeze %dma_start3A_441 : memref<1x128xi32, #tpu.memory_space<vmem>> -> memref<128xi32, #tpu.memory_space<vmem>>
        %dma_start3A_443 = arith.constant 0 : i32
        %dma_start3A_444 = tpu.memref_slice %arg4[%add3A, %add3A_434, %dma_start3A_443] : memref<32x80x128xi32, #tpu.memory_space<hbm>> -> memref<1x1x128xi32, #tpu.memory_space<hbm>>
        %dma_start3A_445 = tpu.memref_squeeze %dma_start3A_444 : memref<1x1x128xi32, #tpu.memory_space<hbm>> -> memref<128xi32, #tpu.memory_space<hbm>>
        %dma_start3A_446 = arith.constant 0 : i32
        %dma_start3A_447 = tpu.memref_slice %arg8[%dma_start3A_439, %dma_start3A_446] : memref<2x128xi32, #tpu.memory_space<vmem>> -> memref<1x128xi32, #tpu.memory_space<vmem>>
        %dma_start3A_448 = tpu.memref_squeeze %dma_start3A_447 : memref<1x128xi32, #tpu.memory_space<vmem>> -> memref<128xi32, #tpu.memory_space<vmem>>
        %dma_start3A_449 = arith.constant 0 : i32
        %dma_start3A_450 = tpu.memref_slice %arg4[%add3A, %add3A_434, %dma_start3A_449] : memref<32x80x128xi32, #tpu.memory_space<hbm>> -> memref<1x1x128xi32, #tpu.memory_space<hbm>>
        %dma_start3A_451 = tpu.memref_squeeze %dma_start3A_450 : memref<1x1x128xi32, #tpu.memory_space<hbm>> -> memref<128xi32, #tpu.memory_space<hbm>>
        tpu.enqueue_dma source(%dma_start3A_451 : memref<128xi32, #tpu.memory_space<hbm>>) target(%dma_start3A_448 : memref<128xi32, #tpu.memory_space<vmem>>) target_semaphore(%arg16 : memref<!tpu.dma_semaphore, #tpu.memory_space<semaphore_mem>>)
        %dma_start3A_452 = arith.constant 0 : i32
        %dma_start3A_453 = arith.constant 0 : i32
        %dma_start3A_454 = tpu.memref_slice %arg10[%dma_start3A_452, %dma_start3A_453] : memref<2x512xf32, #tpu.memory_space<vmem>> -> memref<1x512xf32, #tpu.memory_space<vmem>>
        %dma_start3A_455 = tpu.memref_squeeze %dma_start3A_454 : memref<1x512xf32, #tpu.memory_space<vmem>> -> memref<512xf32, #tpu.memory_space<vmem>>
        %dma_start3A_456 = tpu.memref_slice %arg3[%add3A, %mul3A_438] : memref<32x40960xf32, #tpu.memory_space<hbm>> -> memref<1x512xf32, #tpu.memory_space<hbm>>
        %dma_start3A_457 = tpu.memref_squeeze %dma_start3A_456 : memref<1x512xf32, #tpu.memory_space<hbm>> -> memref<512xf32, #tpu.memory_space<hbm>>
        %dma_start3A_458 = arith.constant 0 : i32
        %dma_start3A_459 = tpu.memref_slice %arg10[%dma_start3A_452, %dma_start3A_458] : memref<2x512xf32, #tpu.memory_space<vmem>> -> memref<1x512xf32, #tpu.memory_space<vmem>>
        %dma_start3A_460 = tpu.memref_squeeze %dma_start3A_459 : memref<1x512xf32, #tpu.memory_space<vmem>> -> memref<512xf32, #tpu.memory_space<vmem>>
        %dma_start3A_461 = tpu.memref_slice %arg3[%add3A, %mul3A_438] : memref<32x40960xf32, #tpu.memory_space<hbm>> -> memref<1x512xf32, #tpu.memory_space<hbm>>
        %dma_start3A_462 = tpu.memref_squeeze %dma_start3A_461 : memref<1x512xf32, #tpu.memory_space<hbm>> -> memref<512xf32, #tpu.memory_space<hbm>>
        tpu.enqueue_dma source(%dma_start3A_462 : memref<512xf32, #tpu.memory_space<hbm>>) target(%dma_start3A_460 : memref<512xf32, #tpu.memory_space<vmem>>) target_semaphore(%arg16 : memref<!tpu.dma_semaphore, #tpu.memory_space<semaphore_mem>>)
      } else {
      }
      %mul3A_381 = arith.constant 2 : i32
      %mul3A_382 = arith.muli %mul3A_381, %scan3A_331 : i32
      %add3A_383 = arith.constant 1 : i32
      %add3A_384 = arith.addi %mul3A_382, %add3A_383 : i32
      %add3A_385 = arith.constant 1 : i32
      %add3A_386 = arith.addi %add3A_384, %add3A_385 : i32
      %lt3A_387 = arith.constant 80 : i32
      %lt3A_388 = arith.cmpi slt, %add3A_386, %lt3A_387 : i32
      %convert_element_type3A_389 = arith.extui %lt3A_388 : i1 to i32
      %cond3A_390 = arith.constant 0 : i32
      %cond3A_391 = arith.cmpi ne, %convert_element_type3A_389, %cond3A_390 : i32
      scf.if %cond3A_391 {
        %ge3A = arith.constant 1 : i32
        %ge3A_433 = arith.cmpi sge, %add3A_384, %ge3A : i32
        %convert_element_type3A_434 = arith.extui %ge3A_433 : i1 to i32
        %cond3A_435 = arith.constant 0 : i32
        %cond3A_436 = arith.cmpi ne, %convert_element_type3A_434, %cond3A_435 : i32
        scf.if %cond3A_436 {
          %add3A_482 = arith.constant 1 : i32
          %add3A_483 = arith.addi %add3A_384, %add3A_482 : i32
          %dma_start3A_484 = arith.constant 0 : i32
          %dma_start3A_485 = arith.constant 0 : i32
          %dma_start3A_486 = tpu.memref_slice %arg9[%dma_start3A_484, %dma_start3A_485] : memref<2x128xi32, #tpu.memory_space<vmem>> -> memref<1x128xi32, #tpu.memory_space<vmem>>
          %dma_start3A_487 = tpu.memref_squeeze %dma_start3A_486 : memref<1x128xi32, #tpu.memory_space<vmem>> -> memref<128xi32, #tpu.memory_space<vmem>>
          %dma_start3A_488 = arith.constant 0 : i32
          %dma_start3A_489 = tpu.memref_slice %arg5[%add3A, %add3A_483, %dma_start3A_488] : memref<32x80x128xi32, #tpu.memory_space<hbm>> -> memref<1x1x128xi32, #tpu.memory_space<hbm>>
          %dma_start3A_490 = tpu.memref_squeeze %dma_start3A_489 : memref<1x1x128xi32, #tpu.memory_space<hbm>> -> memref<128xi32, #tpu.memory_space<hbm>>
          %dma_start3A_491 = arith.constant 0 : i32
          %dma_start3A_492 = tpu.memref_slice %arg9[%dma_start3A_484, %dma_start3A_491] : memref<2x128xi32, #tpu.memory_space<vmem>> -> memref<1x128xi32, #tpu.memory_space<vmem>>
          %dma_start3A_493 = tpu.memref_squeeze %dma_start3A_492 : memref<1x128xi32, #tpu.memory_space<vmem>> -> memref<128xi32, #tpu.memory_space<vmem>>
          %dma_start3A_494 = arith.constant 0 : i32
          %dma_start3A_495 = tpu.memref_slice %arg5[%add3A, %add3A_483, %dma_start3A_494] : memref<32x80x128xi32, #tpu.memory_space<hbm>> -> memref<1x1x128xi32, #tpu.memory_space<hbm>>
          %dma_start3A_496 = tpu.memref_squeeze %dma_start3A_495 : memref<1x1x128xi32, #tpu.memory_space<hbm>> -> memref<128xi32, #tpu.memory_space<hbm>>
          tpu.enqueue_dma source(%dma_start3A_496 : memref<128xi32, #tpu.memory_space<hbm>>) target(%dma_start3A_493 : memref<128xi32, #tpu.memory_space<vmem>>) target_semaphore(%arg18 : memref<!tpu.dma_semaphore, #tpu.memory_space<semaphore_mem>>)
        } else {
        }
        %add3A_437 = arith.constant 1 : i32
        %add3A_438 = arith.addi %add3A_384, %add3A_437 : i32
        %mul3A_439 = arith.constant 128 : i32
        %mul3A_440 = arith.muli %add3A_438, %mul3A_439 : i32
        %mul3A_441 = arith.constant 4 : i32
        %mul3A_442 = arith.muli %mul3A_440, %mul3A_441 : i32
        %dma_wait3A_443 = arith.constant 0 : i32
        %dma_wait3A_444 = arith.constant 0 : i32
        %dma_wait3A_445 = tpu.memref_slice %arg8[%dma_wait3A_443, %dma_wait3A_444] : memref<2x128xi32, #tpu.memory_space<vmem>> -> memref<1x128xi32, #tpu.memory_space<vmem>>
        %dma_wait3A_446 = tpu.memref_squeeze %dma_wait3A_445 : memref<1x128xi32, #tpu.memory_space<vmem>> -> memref<128xi32, #tpu.memory_space<vmem>>
        %dma_wait3A_447 = arith.constant 0 : i32
        %dma_wait3A_448 = tpu.memref_slice %arg4[%add3A, %add3A_438, %dma_wait3A_447] : memref<32x80x128xi32, #tpu.memory_space<hbm>> -> memref<1x1x128xi32, #tpu.memory_space<hbm>>
        %dma_wait3A_449 = tpu.memref_squeeze %dma_wait3A_448 : memref<1x1x128xi32, #tpu.memory_space<hbm>> -> memref<128xi32, #tpu.memory_space<hbm>>
        %dma_wait3A_450 = arith.constant 0 : i32
        %dma_wait3A_451 = tpu.memref_slice %arg8[%dma_wait3A_443, %dma_wait3A_450] : memref<2x128xi32, #tpu.memory_space<vmem>> -> memref<1x128xi32, #tpu.memory_space<vmem>>
        %dma_wait3A_452 = tpu.memref_squeeze %dma_wait3A_451 : memref<1x128xi32, #tpu.memory_space<vmem>> -> memref<128xi32, #tpu.memory_space<vmem>>
        %dma_wait3A_453 = arith.constant 0 : i32
        %dma_wait3A_454 = tpu.memref_slice %arg4[%add3A, %add3A_438, %dma_wait3A_453] : memref<32x80x128xi32, #tpu.memory_space<hbm>> -> memref<1x1x128xi32, #tpu.memory_space<hbm>>
        %dma_wait3A_455 = tpu.memref_squeeze %dma_wait3A_454 : memref<1x1x128xi32, #tpu.memory_space<hbm>> -> memref<128xi32, #tpu.memory_space<hbm>>
        tpu.wait_dma2 semaphore(%arg16 : memref<!tpu.dma_semaphore, #tpu.memory_space<semaphore_mem>>) src(%dma_wait3A_455 : memref<128xi32, #tpu.memory_space<hbm>>) dst(%dma_wait3A_452 : memref<128xi32, #tpu.memory_space<vmem>>)
        %dma_wait3A_456 = arith.constant 0 : i32
        %dma_wait3A_457 = arith.constant 0 : i32
        %dma_wait3A_458 = tpu.memref_slice %arg10[%dma_wait3A_456, %dma_wait3A_457] : memref<2x512xf32, #tpu.memory_space<vmem>> -> memref<1x512xf32, #tpu.memory_space<vmem>>
        %dma_wait3A_459 = tpu.memref_squeeze %dma_wait3A_458 : memref<1x512xf32, #tpu.memory_space<vmem>> -> memref<512xf32, #tpu.memory_space<vmem>>
        %dma_wait3A_460 = tpu.memref_slice %arg3[%add3A, %mul3A_442] : memref<32x40960xf32, #tpu.memory_space<hbm>> -> memref<1x512xf32, #tpu.memory_space<hbm>>
        %dma_wait3A_461 = tpu.memref_squeeze %dma_wait3A_460 : memref<1x512xf32, #tpu.memory_space<hbm>> -> memref<512xf32, #tpu.memory_space<hbm>>
        %dma_wait3A_462 = arith.constant 0 : i32
        %dma_wait3A_463 = tpu.memref_slice %arg10[%dma_wait3A_456, %dma_wait3A_462] : memref<2x512xf32, #tpu.memory_space<vmem>> -> memref<1x512xf32, #tpu.memory_space<vmem>>
        %dma_wait3A_464 = tpu.memref_squeeze %dma_wait3A_463 : memref<1x512xf32, #tpu.memory_space<vmem>> -> memref<512xf32, #tpu.memory_space<vmem>>
        %dma_wait3A_465 = tpu.memref_slice %arg3[%add3A, %mul3A_442] : memref<32x40960xf32, #tpu.memory_space<hbm>> -> memref<1x512xf32, #tpu.memory_space<hbm>>
        %dma_wait3A_466 = tpu.memref_squeeze %dma_wait3A_465 : memref<1x512xf32, #tpu.memory_space<hbm>> -> memref<512xf32, #tpu.memory_space<hbm>>
        tpu.wait_dma2 semaphore(%arg16 : memref<!tpu.dma_semaphore, #tpu.memory_space<semaphore_mem>>) src(%dma_wait3A_466 : memref<512xf32, #tpu.memory_space<hbm>>) dst(%dma_wait3A_464 : memref<512xf32, #tpu.memory_space<vmem>>)
        %dma_start3A_467 = arith.constant 0 : i32
        %dma_start3A_468 = arith.constant 0 : i32
        %dma_start3A_469 = arith.constant 0 : i32
        %dma_start3A_470 = tpu.memref_slice %arg11[%dma_start3A_467, %dma_start3A_468, %dma_start3A_469] : memref<2x128x128xf32, #tpu.memory_space<vmem>> -> memref<1x128x128xf32, #tpu.memory_space<vmem>>
        %dma_start3A_471 = tpu.memref_squeeze %dma_start3A_470 : memref<1x128x128xf32, #tpu.memory_space<vmem>> -> memref<128x128xf32, #tpu.memory_space<vmem>>
        %dma_start3A_472 = arith.constant 0 : i32
        %dma_start3A_473 = arith.constant 0 : i32
        %dma_start3A_474 = tpu.memref_slice %arg2[%dma_start3A_472, %dma_start3A_473] : memref<10000x128xf32, #tpu.memory_space<hbm>> -> memref<128x128xf32, #tpu.memory_space<hbm>>
        %dma_start3A_475 = arith.constant 0 : i32
        %dma_start3A_476 = arith.constant 0 : i32
        %dma_start3A_477 = tpu.memref_slice %arg11[%dma_start3A_467, %dma_start3A_475, %dma_start3A_476] : memref<2x128x128xf32, #tpu.memory_space<vmem>> -> memref<1x128x128xf32, #tpu.memory_space<vmem>>
        %dma_start3A_478 = tpu.memref_squeeze %dma_start3A_477 : memref<1x128x128xf32, #tpu.memory_space<vmem>> -> memref<128x128xf32, #tpu.memory_space<vmem>>
        %dma_start3A_479 = arith.constant 0 : i32
        %dma_start3A_480 = arith.constant 0 : i32
        %dma_start3A_481 = tpu.memref_slice %arg2[%dma_start3A_479, %dma_start3A_480] : memref<10000x128xf32, #tpu.memory_space<hbm>> -> memref<128x128xf32, #tpu.memory_space<hbm>>
        tpu.enqueue_dma source(%dma_start3A_481 : memref<128x128xf32, #tpu.memory_space<hbm>>) target(%dma_start3A_478 : memref<128x128xf32, #tpu.memory_space<vmem>>) target_semaphore(%arg14 : memref<!tpu.dma_semaphore, #tpu.memory_space<semaphore_mem>>)
      } else {
      }
      %dma_wait3A_392 = arith.constant 1 : i32
      %dma_wait3A_393 = arith.constant 0 : i32
      %dma_wait3A_394 = arith.constant 0 : i32
      %dma_wait3A_395 = tpu.memref_slice %arg11[%dma_wait3A_392, %dma_wait3A_393, %dma_wait3A_394] : memref<2x128x128xf32, #tpu.memory_space<vmem>> -> memref<1x128x128xf32, #tpu.memory_space<vmem>>
      %dma_wait3A_396 = tpu.memref_squeeze %dma_wait3A_395 : memref<1x128x128xf32, #tpu.memory_space<vmem>> -> memref<128x128xf32, #tpu.memory_space<vmem>>
      %dma_wait3A_397 = arith.constant 0 : i32
      %dma_wait3A_398 = arith.constant 0 : i32
      %dma_wait3A_399 = tpu.memref_slice %arg2[%dma_wait3A_397, %dma_wait3A_398] : memref<10000x128xf32, #tpu.memory_space<hbm>> -> memref<128x128xf32, #tpu.memory_space<hbm>>
      %dma_wait3A_400 = arith.constant 0 : i32
      %dma_wait3A_401 = arith.constant 0 : i32
      %dma_wait3A_402 = tpu.memref_slice %arg11[%dma_wait3A_392, %dma_wait3A_400, %dma_wait3A_401] : memref<2x128x128xf32, #tpu.memory_space<vmem>> -> memref<1x128x128xf32, #tpu.memory_space<vmem>>
      %dma_wait3A_403 = tpu.memref_squeeze %dma_wait3A_402 : memref<1x128x128xf32, #tpu.memory_space<vmem>> -> memref<128x128xf32, #tpu.memory_space<vmem>>
      %dma_wait3A_404 = arith.constant 0 : i32
      %dma_wait3A_405 = arith.constant 0 : i32
      %dma_wait3A_406 = tpu.memref_slice %arg2[%dma_wait3A_404, %dma_wait3A_405] : memref<10000x128xf32, #tpu.memory_space<hbm>> -> memref<128x128xf32, #tpu.memory_space<hbm>>
      tpu.wait_dma2 semaphore(%arg15 : memref<!tpu.dma_semaphore, #tpu.memory_space<semaphore_mem>>) src(%dma_wait3A_406 : memref<128x128xf32, #tpu.memory_space<hbm>>) dst(%dma_wait3A_403 : memref<128x128xf32, #tpu.memory_space<vmem>>)
      %scan3A_407 = arith.constant 0 : i32
      %scan3A_408 = arith.constant 0 : i32
      %scan3A_409 = arith.constant 32 : i32
      %scan3A_410 = arith.addi %scan3A_408, %scan3A_409 : i32
      %scan3A_411 = arith.constant 1 : i32
      scf.for %scan3A_433 = %scan3A_408 to %scan3A_410 step %scan3A_411  : i32 {
      }
      %scan3A_412 = arith.constant 32 : i32
      %dma_wait3A_413 = arith.constant 1 : i32
      %dma_wait3A_414 = arith.constant 0 : i32
      %dma_wait3A_415 = tpu.memref_slice %arg9[%dma_wait3A_413, %dma_wait3A_414] : memref<2x128xi32, #tpu.memory_space<vmem>> -> memref<1x128xi32, #tpu.memory_space<vmem>>
      %dma_wait3A_416 = tpu.memref_squeeze %dma_wait3A_415 : memref<1x128xi32, #tpu.memory_space<vmem>> -> memref<128xi32, #tpu.memory_space<vmem>>
      %dma_wait3A_417 = arith.constant 0 : i32
      %dma_wait3A_418 = tpu.memref_slice %arg5[%add3A, %add3A_384, %dma_wait3A_417] : memref<32x80x128xi32, #tpu.memory_space<hbm>> -> memref<1x1x128xi32, #tpu.memory_space<hbm>>
      %dma_wait3A_419 = tpu.memref_squeeze %dma_wait3A_418 : memref<1x1x128xi32, #tpu.memory_space<hbm>> -> memref<128xi32, #tpu.memory_space<hbm>>
      %dma_wait3A_420 = arith.constant 0 : i32
      %dma_wait3A_421 = tpu.memref_slice %arg9[%dma_wait3A_413, %dma_wait3A_420] : memref<2x128xi32, #tpu.memory_space<vmem>> -> memref<1x128xi32, #tpu.memory_space<vmem>>
      %dma_wait3A_422 = tpu.memref_squeeze %dma_wait3A_421 : memref<1x128xi32, #tpu.memory_space<vmem>> -> memref<128xi32, #tpu.memory_space<vmem>>
      %dma_wait3A_423 = arith.constant 0 : i32
      %dma_wait3A_424 = tpu.memref_slice %arg5[%add3A, %add3A_384, %dma_wait3A_423] : memref<32x80x128xi32, #tpu.memory_space<hbm>> -> memref<1x1x128xi32, #tpu.memory_space<hbm>>
      %dma_wait3A_425 = tpu.memref_squeeze %dma_wait3A_424 : memref<1x1x128xi32, #tpu.memory_space<hbm>> -> memref<128xi32, #tpu.memory_space<hbm>>
      tpu.wait_dma2 semaphore(%arg19 : memref<!tpu.dma_semaphore, #tpu.memory_space<semaphore_mem>>) src(%dma_wait3A_425 : memref<128xi32, #tpu.memory_space<hbm>>) dst(%dma_wait3A_422 : memref<128xi32, #tpu.memory_space<vmem>>)
      %add3A_426 = arith.constant 2 : i32
      %add3A_427 = arith.addi %add3A_384, %add3A_426 : i32
      %lt3A_428 = arith.constant 80 : i32
      %lt3A_429 = arith.cmpi slt, %add3A_427, %lt3A_428 : i32
      %convert_element_type3A_430 = arith.extui %lt3A_429 : i1 to i32
      %cond3A_431 = arith.constant 0 : i32
      %cond3A_432 = arith.cmpi ne, %convert_element_type3A_430, %cond3A_431 : i32
      scf.if %cond3A_432 {
        %add3A_433 = arith.constant 2 : i32
        %add3A_434 = arith.addi %add3A_384, %add3A_433 : i32
        %mul3A_435 = arith.constant 128 : i32
        %mul3A_436 = arith.muli %add3A_434, %mul3A_435 : i32
        %mul3A_437 = arith.constant 4 : i32
        %mul3A_438 = arith.muli %mul3A_436, %mul3A_437 : i32
        %dma_start3A_439 = arith.constant 1 : i32
        %dma_start3A_440 = arith.constant 0 : i32
        %dma_start3A_441 = tpu.memref_slice %arg8[%dma_start3A_439, %dma_start3A_440] : memref<2x128xi32, #tpu.memory_space<vmem>> -> memref<1x128xi32, #tpu.memory_space<vmem>>
        %dma_start3A_442 = tpu.memref_squeeze %dma_start3A_441 : memref<1x128xi32, #tpu.memory_space<vmem>> -> memref<128xi32, #tpu.memory_space<vmem>>
        %dma_start3A_443 = arith.constant 0 : i32
        %dma_start3A_444 = tpu.memref_slice %arg4[%add3A, %add3A_434, %dma_start3A_443] : memref<32x80x128xi32, #tpu.memory_space<hbm>> -> memref<1x1x128xi32, #tpu.memory_space<hbm>>
        %dma_start3A_445 = tpu.memref_squeeze %dma_start3A_444 : memref<1x1x128xi32, #tpu.memory_space<hbm>> -> memref<128xi32, #tpu.memory_space<hbm>>
        %dma_start3A_446 = arith.constant 0 : i32
        %dma_start3A_447 = tpu.memref_slice %arg8[%dma_start3A_439, %dma_start3A_446] : memref<2x128xi32, #tpu.memory_space<vmem>> -> memref<1x128xi32, #tpu.memory_space<vmem>>
        %dma_start3A_448 = tpu.memref_squeeze %dma_start3A_447 : memref<1x128xi32, #tpu.memory_space<vmem>> -> memref<128xi32, #tpu.memory_space<vmem>>
        %dma_start3A_449 = arith.constant 0 : i32
        %dma_start3A_450 = tpu.memref_slice %arg4[%add3A, %add3A_434, %dma_start3A_449] : memref<32x80x128xi32, #tpu.memory_space<hbm>> -> memref<1x1x128xi32, #tpu.memory_space<hbm>>
        %dma_start3A_451 = tpu.memref_squeeze %dma_start3A_450 : memref<1x1x128xi32, #tpu.memory_space<hbm>> -> memref<128xi32, #tpu.memory_space<hbm>>
        tpu.enqueue_dma source(%dma_start3A_451 : memref<128xi32, #tpu.memory_space<hbm>>) target(%dma_start3A_448 : memref<128xi32, #tpu.memory_space<vmem>>) target_semaphore(%arg17 : memref<!tpu.dma_semaphore, #tpu.memory_space<semaphore_mem>>)
        %dma_start3A_452 = arith.constant 1 : i32
        %dma_start3A_453 = arith.constant 0 : i32
        %dma_start3A_454 = tpu.memref_slice %arg10[%dma_start3A_452, %dma_start3A_453] : memref<2x512xf32, #tpu.memory_space<vmem>> -> memref<1x512xf32, #tpu.memory_space<vmem>>
        %dma_start3A_455 = tpu.memref_squeeze %dma_start3A_454 : memref<1x512xf32, #tpu.memory_space<vmem>> -> memref<512xf32, #tpu.memory_space<vmem>>
        %dma_start3A_456 = tpu.memref_slice %arg3[%add3A, %mul3A_438] : memref<32x40960xf32, #tpu.memory_space<hbm>> -> memref<1x512xf32, #tpu.memory_space<hbm>>
        %dma_start3A_457 = tpu.memref_squeeze %dma_start3A_456 : memref<1x512xf32, #tpu.memory_space<hbm>> -> memref<512xf32, #tpu.memory_space<hbm>>
        %dma_start3A_458 = arith.constant 0 : i32
        %dma_start3A_459 = tpu.memref_slice %arg10[%dma_start3A_452, %dma_start3A_458] : memref<2x512xf32, #tpu.memory_space<vmem>> -> memref<1x512xf32, #tpu.memory_space<vmem>>
        %dma_start3A_460 = tpu.memref_squeeze %dma_start3A_459 : memref<1x512xf32, #tpu.memory_space<vmem>> -> memref<512xf32, #tpu.memory_space<vmem>>
        %dma_start3A_461 = tpu.memref_slice %arg3[%add3A, %mul3A_438] : memref<32x40960xf32, #tpu.memory_space<hbm>> -> memref<1x512xf32, #tpu.memory_space<hbm>>
        %dma_start3A_462 = tpu.memref_squeeze %dma_start3A_461 : memref<1x512xf32, #tpu.memory_space<hbm>> -> memref<512xf32, #tpu.memory_space<hbm>>
        tpu.enqueue_dma source(%dma_start3A_462 : memref<512xf32, #tpu.memory_space<hbm>>) target(%dma_start3A_460 : memref<512xf32, #tpu.memory_space<vmem>>) target_semaphore(%arg17 : memref<!tpu.dma_semaphore, #tpu.memory_space<semaphore_mem>>)
      } else {
      }
    }
    %scan3A_309 = arith.constant 40 : i32
    %barrier3A_310 = arith.constant 0 : index
    tpu.barrier barrier_id(%barrier3A_310)
    %add3A_311 = arith.constant 0 : i32
    %add3A_312 = arith.addi %mul3A_8, %add3A_311 : i32
    %add3A_313 = arith.constant 0 : i32
    %add3A_314 = arith.addi %mul3A_8, %add3A_313 : i32
    "tpu.region"() ({
      %run_scoped3A_331 = tpu.sem_alloc : memref<!tpu.dma_semaphore, #tpu.memory_space<semaphore_mem>>
      %dma_start3A_332 = arith.constant 0 : i32
      %dma_start3A_333 = tpu.memref_slice %arg7[%arg0, %add3A_314, %dma_start3A_332] : memref<2x10112x128xf32, #tpu.memory_space<hbm>> -> memref<1x128x128xf32, #tpu.memory_space<hbm>>
      %dma_start3A_334 = tpu.memref_squeeze %dma_start3A_333 : memref<1x128x128xf32, #tpu.memory_space<hbm>> -> memref<128x128xf32, #tpu.memory_space<hbm>>
      %dma_start3A_335 = arith.constant 0 : i32
      %dma_start3A_336 = tpu.memref_slice %arg13[%add3A_312, %dma_start3A_335] : memref<10112x128xf32, #tpu.memory_space<vmem_shared>> -> memref<128x128xf32, #tpu.memory_space<vmem_shared>>
      tpu.enqueue_dma source(%dma_start3A_336 : memref<128x128xf32, #tpu.memory_space<vmem_shared>>) target(%dma_start3A_334 : memref<128x128xf32, #tpu.memory_space<hbm>>) target_semaphore(%run_scoped3A_331 : memref<!tpu.dma_semaphore, #tpu.memory_space<semaphore_mem>>)
      %dma_wait3A_337 = arith.constant 0 : i32
      %dma_wait3A_338 = tpu.memref_slice %arg7[%arg0, %add3A_314, %dma_wait3A_337] : memref<2x10112x128xf32, #tpu.memory_space<hbm>> -> memref<1x128x128xf32, #tpu.memory_space<hbm>>
      %dma_wait3A_339 = tpu.memref_squeeze %dma_wait3A_338 : memref<1x128x128xf32, #tpu.memory_space<hbm>> -> memref<128x128xf32, #tpu.memory_space<hbm>>
      %dma_wait3A_340 = arith.constant 0 : i32
      %dma_wait3A_341 = tpu.memref_slice %arg13[%add3A_312, %dma_wait3A_340] : memref<10112x128xf32, #tpu.memory_space<vmem_shared>> -> memref<128x128xf32, #tpu.memory_space<vmem_shared>>
      tpu.wait_dma2 semaphore(%run_scoped3A_331 : memref<!tpu.dma_semaphore, #tpu.memory_space<semaphore_mem>>) src(%dma_wait3A_341 : memref<128x128xf32, #tpu.memory_space<vmem_shared>>) dst(%dma_wait3A_339 : memref<128x128xf32, #tpu.memory_space<hbm>>)
      tpu.yield
    }) : () -> ()
    %add3A_315 = arith.constant 128 : i32
    %add3A_316 = arith.addi %mul3A_8, %add3A_315 : i32
    %add3A_317 = arith.constant 128 : i32
    %add3A_318 = arith.addi %mul3A_8, %add3A_317 : i32
    "tpu.region"() ({
      %run_scoped3A_331 = tpu.sem_alloc : memref<!tpu.dma_semaphore, #tpu.memory_space<semaphore_mem>>
      %dma_start3A_332 = arith.constant 0 : i32
      %dma_start3A_333 = tpu.memref_slice %arg7[%arg0, %add3A_318, %dma_start3A_332] : memref<2x10112x128xf32, #tpu.memory_space<hbm>> -> memref<1x128x128xf32, #tpu.memory_space<hbm>>
      %dma_start3A_334 = tpu.memref_squeeze %dma_start3A_333 : memref<1x128x128xf32, #tpu.memory_space<hbm>> -> memref<128x128xf32, #tpu.memory_space<hbm>>
      %dma_start3A_335 = arith.constant 0 : i32
      %dma_start3A_336 = tpu.memref_slice %arg13[%add3A_316, %dma_start3A_335] : memref<10112x128xf32, #tpu.memory_space<vmem_shared>> -> memref<128x128xf32, #tpu.memory_space<vmem_shared>>
      tpu.enqueue_dma source(%dma_start3A_336 : memref<128x128xf32, #tpu.memory_space<vmem_shared>>) target(%dma_start3A_334 : memref<128x128xf32, #tpu.memory_space<hbm>>) target_semaphore(%run_scoped3A_331 : memref<!tpu.dma_semaphore, #tpu.memory_space<semaphore_mem>>)
      %dma_wait3A_337 = arith.constant 0 : i32
      %dma_wait3A_338 = tpu.memref_slice %arg7[%arg0, %add3A_318, %dma_wait3A_337] : memref<2x10112x128xf32, #tpu.memory_space<hbm>> -> memref<1x128x128xf32, #tpu.memory_space<hbm>>
      %dma_wait3A_339 = tpu.memref_squeeze %dma_wait3A_338 : memref<1x128x128xf32, #tpu.memory_space<hbm>> -> memref<128x128xf32, #tpu.memory_space<hbm>>
      %dma_wait3A_340 = arith.constant 0 : i32
      %dma_wait3A_341 = tpu.memref_slice %arg13[%add3A_316, %dma_wait3A_340] : memref<10112x128xf32, #tpu.memory_space<vmem_shared>> -> memref<128x128xf32, #tpu.memory_space<vmem_shared>>
      tpu.wait_dma2 semaphore(%run_scoped3A_331 : memref<!tpu.dma_semaphore, #tpu.memory_space<semaphore_mem>>) src(%dma_wait3A_341 : memref<128x128xf32, #tpu.memory_space<vmem_shared>>) dst(%dma_wait3A_339 : memref<128x128xf32, #tpu.memory_space<hbm>>)
      tpu.yield
    }) : () -> ()
    %add3A_319 = arith.constant 256 : i32
    %add3A_320 = arith.addi %mul3A_8, %add3A_319 : i32
    %add3A_321 = arith.constant 256 : i32
    %add3A_322 = arith.addi %mul3A_8, %add3A_321 : i32
    "tpu.region"() ({
      %run_scoped3A_331 = tpu.sem_alloc : memref<!tpu.dma_semaphore, #tpu.memory_space<semaphore_mem>>
      %dma_start3A_332 = arith.constant 0 : i32
      %dma_start3A_333 = tpu.memref_slice %arg7[%arg0, %add3A_322, %dma_start3A_332] : memref<2x10112x128xf32, #tpu.memory_space<hbm>> -> memref<1x128x128xf32, #tpu.memory_space<hbm>>
      %dma_start3A_334 = tpu.memref_squeeze %dma_start3A_333 : memref<1x128x128xf32, #tpu.memory_space<hbm>> -> memref<128x128xf32, #tpu.memory_space<hbm>>
      %dma_start3A_335 = arith.constant 0 : i32
      %dma_start3A_336 = tpu.memref_slice %arg13[%add3A_320, %dma_start3A_335] : memref<10112x128xf32, #tpu.memory_space<vmem_shared>> -> memref<128x128xf32, #tpu.memory_space<vmem_shared>>
      tpu.enqueue_dma source(%dma_start3A_336 : memref<128x128xf32, #tpu.memory_space<vmem_shared>>) target(%dma_start3A_334 : memref<128x128xf32, #tpu.memory_space<hbm>>) target_semaphore(%run_scoped3A_331 : memref<!tpu.dma_semaphore, #tpu.memory_space<semaphore_mem>>)
      %dma_wait3A_337 = arith.constant 0 : i32
      %dma_wait3A_338 = tpu.memref_slice %arg7[%arg0, %add3A_322, %dma_wait3A_337] : memref<2x10112x128xf32, #tpu.memory_space<hbm>> -> memref<1x128x128xf32, #tpu.memory_space<hbm>>
      %dma_wait3A_339 = tpu.memref_squeeze %dma_wait3A_338 : memref<1x128x128xf32, #tpu.memory_space<hbm>> -> memref<128x128xf32, #tpu.memory_space<hbm>>
      %dma_wait3A_340 = arith.constant 0 : i32
      %dma_wait3A_341 = tpu.memref_slice %arg13[%add3A_320, %dma_wait3A_340] : memref<10112x128xf32, #tpu.memory_space<vmem_shared>> -> memref<128x128xf32, #tpu.memory_space<vmem_shared>>
      tpu.wait_dma2 semaphore(%run_scoped3A_331 : memref<!tpu.dma_semaphore, #tpu.memory_space<semaphore_mem>>) src(%dma_wait3A_341 : memref<128x128xf32, #tpu.memory_space<vmem_shared>>) dst(%dma_wait3A_339 : memref<128x128xf32, #tpu.memory_space<hbm>>)
      tpu.yield
    }) : () -> ()
    %add3A_323 = arith.constant 384 : i32
    %add3A_324 = arith.addi %mul3A_8, %add3A_323 : i32
    %add3A_325 = arith.constant 384 : i32
    %add3A_326 = arith.addi %mul3A_8, %add3A_325 : i32
    "tpu.region"() ({
      %run_scoped3A_331 = tpu.sem_alloc : memref<!tpu.dma_semaphore, #tpu.memory_space<semaphore_mem>>
      %dma_start3A_332 = arith.constant 0 : i32
      %dma_start3A_333 = tpu.memref_slice %arg7[%arg0, %add3A_326, %dma_start3A_332] : memref<2x10112x128xf32, #tpu.memory_space<hbm>> -> memref<1x128x128xf32, #tpu.memory_space<hbm>>
      %dma_start3A_334 = tpu.memref_squeeze %dma_start3A_333 : memref<1x128x128xf32, #tpu.memory_space<hbm>> -> memref<128x128xf32, #tpu.memory_space<hbm>>
      %dma_start3A_335 = arith.constant 0 : i32
      %dma_start3A_336 = tpu.memref_slice %arg13[%add3A_324, %dma_start3A_335] : memref<10112x128xf32, #tpu.memory_space<vmem_shared>> -> memref<128x128xf32, #tpu.memory_space<vmem_shared>>
      tpu.enqueue_dma source(%dma_start3A_336 : memref<128x128xf32, #tpu.memory_space<vmem_shared>>) target(%dma_start3A_334 : memref<128x128xf32, #tpu.memory_space<hbm>>) target_semaphore(%run_scoped3A_331 : memref<!tpu.dma_semaphore, #tpu.memory_space<semaphore_mem>>)
      %dma_wait3A_337 = arith.constant 0 : i32
      %dma_wait3A_338 = tpu.memref_slice %arg7[%arg0, %add3A_326, %dma_wait3A_337] : memref<2x10112x128xf32, #tpu.memory_space<hbm>> -> memref<1x128x128xf32, #tpu.memory_space<hbm>>
      %dma_wait3A_339 = tpu.memref_squeeze %dma_wait3A_338 : memref<1x128x128xf32, #tpu.memory_space<hbm>> -> memref<128x128xf32, #tpu.memory_space<hbm>>
      %dma_wait3A_340 = arith.constant 0 : i32
      %dma_wait3A_341 = tpu.memref_slice %arg13[%add3A_324, %dma_wait3A_340] : memref<10112x128xf32, #tpu.memory_space<vmem_shared>> -> memref<128x128xf32, #tpu.memory_space<vmem_shared>>
      tpu.wait_dma2 semaphore(%run_scoped3A_331 : memref<!tpu.dma_semaphore, #tpu.memory_space<semaphore_mem>>) src(%dma_wait3A_341 : memref<128x128xf32, #tpu.memory_space<vmem_shared>>) dst(%dma_wait3A_339 : memref<128x128xf32, #tpu.memory_space<hbm>>)
      tpu.yield
    }) : () -> ()
    %add3A_327 = arith.constant 512 : i32
    %add3A_328 = arith.addi %mul3A_8, %add3A_327 : i32
    %add3A_329 = arith.constant 512 : i32
    %add3A_330 = arith.addi %mul3A_8, %add3A_329 : i32
    "tpu.region"() ({
      %run_scoped3A_331 = tpu.sem_alloc : memref<!tpu.dma_semaphore, #tpu.memory_space<semaphore_mem>>
      %dma_start3A_332 = arith.constant 0 : i32
      %dma_start3A_333 = tpu.memref_slice %arg7[%arg0, %add3A_330, %dma_start3A_332] : memref<2x10112x128xf32, #tpu.memory_space<hbm>> -> memref<1x120x128xf32, #tpu.memory_space<hbm>>
      %dma_start3A_334 = tpu.memref_squeeze %dma_start3A_333 : memref<1x120x128xf32, #tpu.memory_space<hbm>> -> memref<120x128xf32, #tpu.memory_space<hbm>>
      %dma_start3A_335 = arith.constant 0 : i32
      %dma_start3A_336 = tpu.memref_slice %arg13[%add3A_328, %dma_start3A_335] : memref<10112x128xf32, #tpu.memory_space<vmem_shared>> -> memref<120x128xf32, #tpu.memory_space<vmem_shared>>
      tpu.enqueue_dma source(%dma_start3A_336 : memref<120x128xf32, #tpu.memory_space<vmem_shared>>) target(%dma_start3A_334 : memref<120x128xf32, #tpu.memory_space<hbm>>) target_semaphore(%run_scoped3A_331 : memref<!tpu.dma_semaphore, #tpu.memory_space<semaphore_mem>>)
      %dma_wait3A_337 = arith.constant 0 : i32
      %dma_wait3A_338 = tpu.memref_slice %arg7[%arg0, %add3A_330, %dma_wait3A_337] : memref<2x10112x128xf32, #tpu.memory_space<hbm>> -> memref<1x120x128xf32, #tpu.memory_space<hbm>>
      %dma_wait3A_339 = tpu.memref_squeeze %dma_wait3A_338 : memref<1x120x128xf32, #tpu.memory_space<hbm>> -> memref<120x128xf32, #tpu.memory_space<hbm>>
      %dma_wait3A_340 = arith.constant 0 : i32
      %dma_wait3A_341 = tpu.memref_slice %arg13[%add3A_328, %dma_wait3A_340] : memref<10112x128xf32, #tpu.memory_space<vmem_shared>> -> memref<120x128xf32, #tpu.memory_space<vmem_shared>>
      tpu.wait_dma2 semaphore(%run_scoped3A_331 : memref<!tpu.dma_semaphore, #tpu.memory_space<semaphore_mem>>) src(%dma_wait3A_341 : memref<120x128xf32, #tpu.memory_space<vmem_shared>>) dst(%dma_wait3A_339 : memref<120x128xf32, #tpu.memory_space<hbm>>)
      tpu.yield
    }) : () -> ()
    return
  }
}

#map = affine_map<(d0, d1) -> (0, 0)>
#map1 = affine_map<(d0, d1) -> (0, 0, 0)>
module attributes {stable_mosaic.version = 14 : i64} {
  func.func @_edge_body(%arg0: i32, %arg1: i32, %arg2: memref<10000x128xf32, #tpu.memory_space<hbm>>, %arg3: memref<32x40960xf32, #tpu.memory_space<hbm>>, %arg4: memref<32x80x128xi32, #tpu.memory_space<hbm>>, %arg5: memref<32x80x128xi32, #tpu.memory_space<hbm>>, %arg6: memref<4x128xf32, #tpu.memory_space<hbm>>, %arg7: memref<2x10112x128xf32, #tpu.memory_space<hbm>>, %arg8: memref<2x128xi32, #tpu.memory_space<vmem>>, %arg9: memref<2x128xi32, #tpu.memory_space<vmem>>, %arg10: memref<2x512xf32, #tpu.memory_space<vmem>>, %arg11: memref<2x128x128xf32, #tpu.memory_space<vmem>>, %arg12: memref<4x128xf32, #tpu.memory_space<vmem>>, %arg13: memref<10112x128xf32, #tpu.memory_space<vmem_shared>>, %arg14: memref<!tpu.dma_semaphore, #tpu.memory_space<semaphore_mem>>, %arg15: memref<!tpu.dma_semaphore, #tpu.memory_space<semaphore_mem>>, %arg16: memref<!tpu.dma_semaphore, #tpu.memory_space<semaphore_mem>>, %arg17: memref<!tpu.dma_semaphore, #tpu.memory_space<semaphore_mem>>, %arg18: memref<!tpu.dma_semaphore, #tpu.memory_space<semaphore_mem>>, %arg19: memref<!tpu.dma_semaphore, #tpu.memory_space<semaphore_mem>>, %arg20: memref<!tpu.dma_semaphore, #tpu.memory_space<semaphore_mem>>, %arg21: memref<!tpu.dma_semaphore, #tpu.memory_space<semaphore_mem>>) attributes {dimension_semantics = [#tpu.dimension_semantics<core_parallel>, #tpu.dimension_semantics<subcore_parallel>], iteration_bounds = array<i64: 2, 16>, scalar_prefetch = 0 : i64, scratch_operands = 14 : i64, tpu.core_type = #tpu.core_type<sc_vector_subcore>, window_params = [{transform_indices = #map}, {transform_indices = #map}, {transform_indices = #map1}, {transform_indices = #map1}, {transform_indices = #map}, {transform_indices = #map1}]} {
    %mul3A = arith.constant 16 : i32
    %mul3A_0 = arith.muli %arg0, %mul3A : i32
    %add3A = arith.addi %mul3A_0, %arg1 : i32
    "tpu.region"() ({
      %run_scoped3A_331 = tpu.sem_alloc : memref<!tpu.dma_semaphore, #tpu.memory_space<semaphore_mem>>
      tpu.enqueue_dma source(%arg6 : memref<4x128xf32, #tpu.memory_space<hbm>>) target(%arg12 : memref<4x128xf32, #tpu.memory_space<vmem>>) target_semaphore(%run_scoped3A_331 : memref<!tpu.dma_semaphore, #tpu.memory_space<semaphore_mem>>)
      tpu.wait_dma2 semaphore(%run_scoped3A_331 : memref<!tpu.dma_semaphore, #tpu.memory_space<semaphore_mem>>) src(%arg6 : memref<4x128xf32, #tpu.memory_space<hbm>>) dst(%arg12 : memref<4x128xf32, #tpu.memory_space<vmem>>)
      tpu.yield
    }) : () -> ()
    %broadcast_in_dim3A = arith.constant 0.000000e+00 : f32
    %broadcast_in_dim3A_1 = vector.broadcast %broadcast_in_dim3A : f32 to vector<16xf32>
    %scan3A = arith.constant 0 : i32
    %scan3A_2 = arith.constant 0 : i32
    %scan3A_3 = arith.constant 128 : i32
    %scan3A_4 = arith.addi %scan3A_2, %scan3A_3 : i32
    %scan3A_5 = arith.constant 1 : i32
    scf.for %scan3A_331 = %scan3A_2 to %scan3A_4 step %scan3A_5  : i32 {
      %swap3A = arith.constant 0 : i32
      %swap3A_332 = arith.index_cast %swap3A : i32 to index
      %swap3A_333 = arith.index_cast %scan3A_331 : i32 to index
      %swap3A_334 = arith.constant 0 : index
      %swap3A_335 = tpu.vector_load %arg11[%swap3A_332, %swap3A_333, %swap3A_334] {strides = array<i32>} : memref<2x128x128xf32, #tpu.memory_space<vmem>>, vector<1x1x16xf32>,
      %swap3A_336 = vector.shape_cast %swap3A_335 : vector<1x1x16xf32> to vector<16xf32>
      %swap3A_337 = vector.shape_cast %broadcast_in_dim3A_1 : vector<16xf32> to vector<1x1x16xf32>
      tpu.vector_store %arg11[%swap3A_332, %swap3A_333, %swap3A_334], %swap3A_337 {strides = array<i32>} : memref<2x128x128xf32, #tpu.memory_space<vmem>>, vector<1x1x16xf32>,
      %swap3A_338 = arith.constant 0 : i32
      %swap3A_339 = arith.index_cast %swap3A_338 : i32 to index
      %swap3A_340 = arith.index_cast %scan3A_331 : i32 to index
      %swap3A_341 = arith.constant 16 : index
      %swap3A_342 = tpu.vector_load %arg11[%swap3A_339, %swap3A_340, %swap3A_341] {strides = array<i32>} : memref<2x128x128xf32, #tpu.memory_space<vmem>>, vector<1x1x16xf32>,
      %swap3A_343 = vector.shape_cast %swap3A_342 : vector<1x1x16xf32> to vector<16xf32>
      %swap3A_344 = vector.shape_cast %broadcast_in_dim3A_1 : vector<16xf32> to vector<1x1x16xf32>
      tpu.vector_store %arg11[%swap3A_339, %swap3A_340, %swap3A_341], %swap3A_344 {strides = array<i32>} : memref<2x128x128xf32, #tpu.memory_space<vmem>>, vector<1x1x16xf32>,
      %swap3A_345 = arith.constant 0 : i32
      %swap3A_346 = arith.index_cast %swap3A_345 : i32 to index
      %swap3A_347 = arith.index_cast %scan3A_331 : i32 to index
      %swap3A_348 = arith.constant 32 : index
      %swap3A_349 = tpu.vector_load %arg11[%swap3A_346, %swap3A_347, %swap3A_348] {strides = array<i32>} : memref<2x128x128xf32, #tpu.memory_space<vmem>>, vector<1x1x16xf32>,
      %swap3A_350 = vector.shape_cast %swap3A_349 : vector<1x1x16xf32> to vector<16xf32>
      %swap3A_351 = vector.shape_cast %broadcast_in_dim3A_1 : vector<16xf32> to vector<1x1x16xf32>
      tpu.vector_store %arg11[%swap3A_346, %swap3A_347, %swap3A_348], %swap3A_351 {strides = array<i32>} : memref<2x128x128xf32, #tpu.memory_space<vmem>>, vector<1x1x16xf32>,
      %swap3A_352 = arith.constant 0 : i32
      %swap3A_353 = arith.index_cast %swap3A_352 : i32 to index
      %swap3A_354 = arith.index_cast %scan3A_331 : i32 to index
      %swap3A_355 = arith.constant 48 : index
      %swap3A_356 = tpu.vector_load %arg11[%swap3A_353, %swap3A_354, %swap3A_355] {strides = array<i32>} : memref<2x128x128xf32, #tpu.memory_space<vmem>>, vector<1x1x16xf32>,
      %swap3A_357 = vector.shape_cast %swap3A_356 : vector<1x1x16xf32> to vector<16xf32>
      %swap3A_358 = vector.shape_cast %broadcast_in_dim3A_1 : vector<16xf32> to vector<1x1x16xf32>
      tpu.vector_store %arg11[%swap3A_353, %swap3A_354, %swap3A_355], %swap3A_358 {strides = array<i32>} : memref<2x128x128xf32, #tpu.memory_space<vmem>>, vector<1x1x16xf32>,
      %swap3A_359 = arith.constant 0 : i32
      %swap3A_360 = arith.index_cast %swap3A_359 : i32 to index
      %swap3A_361 = arith.index_cast %scan3A_331 : i32 to index
      %swap3A_362 = arith.constant 64 : index
      %swap3A_363 = tpu.vector_load %arg11[%swap3A_360, %swap3A_361, %swap3A_362] {strides = array<i32>} : memref<2x128x128xf32, #tpu.memory_space<vmem>>, vector<1x1x16xf32>,
      %swap3A_364 = vector.shape_cast %swap3A_363 : vector<1x1x16xf32> to vector<16xf32>
      %swap3A_365 = vector.shape_cast %broadcast_in_dim3A_1 : vector<16xf32> to vector<1x1x16xf32>
      tpu.vector_store %arg11[%swap3A_360, %swap3A_361, %swap3A_362], %swap3A_365 {strides = array<i32>} : memref<2x128x128xf32, #tpu.memory_space<vmem>>, vector<1x1x16xf32>,
      %swap3A_366 = arith.constant 0 : i32
      %swap3A_367 = arith.index_cast %swap3A_366 : i32 to index
      %swap3A_368 = arith.index_cast %scan3A_331 : i32 to index
      %swap3A_369 = arith.constant 80 : index
      %swap3A_370 = tpu.vector_load %arg11[%swap3A_367, %swap3A_368, %swap3A_369] {strides = array<i32>} : memref<2x128x128xf32, #tpu.memory_space<vmem>>, vector<1x1x16xf32>,
      %swap3A_371 = vector.shape_cast %swap3A_370 : vector<1x1x16xf32> to vector<16xf32>
      %swap3A_372 = vector.shape_cast %broadcast_in_dim3A_1 : vector<16xf32> to vector<1x1x16xf32>
      tpu.vector_store %arg11[%swap3A_367, %swap3A_368, %swap3A_369], %swap3A_372 {strides = array<i32>} : memref<2x128x128xf32, #tpu.memory_space<vmem>>, vector<1x1x16xf32>,
      %swap3A_373 = arith.constant 0 : i32
      %swap3A_374 = arith.index_cast %swap3A_373 : i32 to index
      %swap3A_375 = arith.index_cast %scan3A_331 : i32 to index
      %swap3A_376 = arith.constant 96 : index
      %swap3A_377 = tpu.vector_load %arg11[%swap3A_374, %swap3A_375, %swap3A_376] {strides = array<i32>} : memref<2x128x128xf32, #tpu.memory_space<vmem>>, vector<1x1x16xf32>,
      %swap3A_378 = vector.shape_cast %swap3A_377 : vector<1x1x16xf32> to vector<16xf32>
      %swap3A_379 = vector.shape_cast %broadcast_in_dim3A_1 : vector<16xf32> to vector<1x1x16xf32>
      tpu.vector_store %arg11[%swap3A_374, %swap3A_375, %swap3A_376], %swap3A_379 {strides = array<i32>} : memref<2x128x128xf32, #tpu.memory_space<vmem>>, vector<1x1x16xf32>,
      %swap3A_380 = arith.constant 0 : i32
      %swap3A_381 = arith.index_cast %swap3A_380 : i32 to index
      %swap3A_382 = arith.index_cast %scan3A_331 : i32 to index
      %swap3A_383 = arith.constant 112 : index
      %swap3A_384 = tpu.vector_load %arg11[%swap3A_381, %swap3A_382, %swap3A_383] {strides = array<i32>} : memref<2x128x128xf32, #tpu.memory_space<vmem>>, vector<1x1x16xf32>,
      %swap3A_385 = vector.shape_cast %swap3A_384 : vector<1x1x16xf32> to vector<16xf32>
      %swap3A_386 = vector.shape_cast %broadcast_in_dim3A_1 : vector<16xf32> to vector<1x1x16xf32>
      tpu.vector_store %arg11[%swap3A_381, %swap3A_382, %swap3A_383], %swap3A_386 {strides = array<i32>} : memref<2x128x128xf32, #tpu.memory_space<vmem>>, vector<1x1x16xf32>,
    }
    %scan3A_6 = arith.constant 128 : i32
    %mul3A_7 = arith.constant 632 : i32
    %mul3A_8 = arith.muli %arg1, %mul3A_7 : i32
    %add3A_9 = arith.constant 0 : i32
    %add3A_10 = arith.addi %mul3A_8, %add3A_9 : i32
    %run_scoped3A = arith.constant 0 : i32
    "tpu.region"() ({
      %run_scoped3A_331 = tpu.sem_alloc : memref<!tpu.dma_semaphore, #tpu.memory_space<semaphore_mem>>
      %dma_start3A_332 = arith.constant 0 : i32
      %dma_start3A_333 = arith.constant 0 : i32
      %dma_start3A_334 = tpu.memref_slice %arg11[%run_scoped3A, %dma_start3A_332, %dma_start3A_333] : memref<2x128x128xf32, #tpu.memory_space<vmem>> -> memref<1x128x128xf32, #tpu.memory_space<vmem>>
      %dma_start3A_335 = tpu.memref_squeeze %dma_start3A_334 : memref<1x128x128xf32, #tpu.memory_space<vmem>> -> memref<128x128xf32, #tpu.memory_space<vmem>>
      %dma_start3A_336 = arith.constant 0 : i32
      %dma_start3A_337 = tpu.memref_slice %arg13[%add3A_10, %dma_start3A_336] : memref<10112x128xf32, #tpu.memory_space<vmem_shared>> -> memref<128x128xf32, #tpu.memory_space<vmem_shared>>
      %dma_start3A_338 = arith.constant 0 : i32
      %dma_start3A_339 = tpu.memref_slice %arg13[%add3A_10, %dma_start3A_338] : memref<10112x128xf32, #tpu.memory_space<vmem_shared>> -> memref<128x128xf32, #tpu.memory_space<vmem_shared>>
      %dma_start3A_340 = arith.constant 0 : i32
      %dma_start3A_341 = arith.constant 0 : i32
      %dma_start3A_342 = tpu.memref_slice %arg11[%run_scoped3A, %dma_start3A_340, %dma_start3A_341] : memref<2x128x128xf32, #tpu.memory_space<vmem>> -> memref<1x128x128xf32, #tpu.memory_space<vmem>>
      %dma_start3A_343 = tpu.memref_squeeze %dma_start3A_342 : memref<1x128x128xf32, #tpu.memory_space<vmem>> -> memref<128x128xf32, #tpu.memory_space<vmem>>
      tpu.enqueue_dma source(%dma_start3A_343 : memref<128x128xf32, #tpu.memory_space<vmem>>) target(%dma_start3A_339 : memref<128x128xf32, #tpu.memory_space<vmem_shared>>) target_semaphore(%run_scoped3A_331 : memref<!tpu.dma_semaphore, #tpu.memory_space<semaphore_mem>>)
      %dma_wait3A_344 = arith.constant 0 : i32
      %dma_wait3A_345 = arith.constant 0 : i32
      %dma_wait3A_346 = tpu.memref_slice %arg11[%run_scoped3A, %dma_wait3A_344, %dma_wait3A_345] : memref<2x128x128xf32, #tpu.memory_space<vmem>> -> memref<1x128x128xf32, #tpu.memory_space<vmem>>
      %dma_wait3A_347 = tpu.memref_squeeze %dma_wait3A_346 : memref<1x128x128xf32, #tpu.memory_space<vmem>> -> memref<128x128xf32, #tpu.memory_space<vmem>>
      %dma_wait3A_348 = arith.constant 0 : i32
      %dma_wait3A_349 = tpu.memref_slice %arg13[%add3A_10, %dma_wait3A_348] : memref<10112x128xf32, #tpu.memory_space<vmem_shared>> -> memref<128x128xf32, #tpu.memory_space<vmem_shared>>
      %dma_wait3A_350 = arith.constant 0 : i32
      %dma_wait3A_351 = tpu.memref_slice %arg13[%add3A_10, %dma_wait3A_350] : memref<10112x128xf32, #tpu.memory_space<vmem_shared>> -> memref<128x128xf32, #tpu.memory_space<vmem_shared>>
      %dma_wait3A_352 = arith.constant 0 : i32
      %dma_wait3A_353 = arith.constant 0 : i32
      %dma_wait3A_354 = tpu.memref_slice %arg11[%run_scoped3A, %dma_wait3A_352, %dma_wait3A_353] : memref<2x128x128xf32, #tpu.memory_space<vmem>> -> memref<1x128x128xf32, #tpu.memory_space<vmem>>
      %dma_wait3A_355 = tpu.memref_squeeze %dma_wait3A_354 : memref<1x128x128xf32, #tpu.memory_space<vmem>> -> memref<128x128xf32, #tpu.memory_space<vmem>>
      tpu.wait_dma2 semaphore(%run_scoped3A_331 : memref<!tpu.dma_semaphore, #tpu.memory_space<semaphore_mem>>) src(%dma_wait3A_355 : memref<128x128xf32, #tpu.memory_space<vmem>>) dst(%dma_wait3A_351 : memref<128x128xf32, #tpu.memory_space<vmem_shared>>)
      tpu.yield
    }) : () -> ()
    %add3A_11 = arith.constant 128 : i32
    %add3A_12 = arith.addi %mul3A_8, %add3A_11 : i32
    %run_scoped3A_13 = arith.constant 0 : i32
    "tpu.region"() ({
      %run_scoped3A_331 = tpu.sem_alloc : memref<!tpu.dma_semaphore, #tpu.memory_space<semaphore_mem>>
      %dma_start3A_332 = arith.constant 0 : i32
      %dma_start3A_333 = arith.constant 0 : i32
      %dma_start3A_334 = tpu.memref_slice %arg11[%run_scoped3A_13, %dma_start3A_332, %dma_start3A_333] : memref<2x128x128xf32, #tpu.memory_space<vmem>> -> memref<1x128x128xf32, #tpu.memory_space<vmem>>
      %dma_start3A_335 = tpu.memref_squeeze %dma_start3A_334 : memref<1x128x128xf32, #tpu.memory_space<vmem>> -> memref<128x128xf32, #tpu.memory_space<vmem>>
      %dma_start3A_336 = arith.constant 0 : i32
      %dma_start3A_337 = tpu.memref_slice %arg13[%add3A_12, %dma_start3A_336] : memref<10112x128xf32, #tpu.memory_space<vmem_shared>> -> memref<128x128xf32, #tpu.memory_space<vmem_shared>>
      %dma_start3A_338 = arith.constant 0 : i32
      %dma_start3A_339 = tpu.memref_slice %arg13[%add3A_12, %dma_start3A_338] : memref<10112x128xf32, #tpu.memory_space<vmem_shared>> -> memref<128x128xf32, #tpu.memory_space<vmem_shared>>
      %dma_start3A_340 = arith.constant 0 : i32
      %dma_start3A_341 = arith.constant 0 : i32
      %dma_start3A_342 = tpu.memref_slice %arg11[%run_scoped3A_13, %dma_start3A_340, %dma_start3A_341] : memref<2x128x128xf32, #tpu.memory_space<vmem>> -> memref<1x128x128xf32, #tpu.memory_space<vmem>>
      %dma_start3A_343 = tpu.memref_squeeze %dma_start3A_342 : memref<1x128x128xf32, #tpu.memory_space<vmem>> -> memref<128x128xf32, #tpu.memory_space<vmem>>
      tpu.enqueue_dma source(%dma_start3A_343 : memref<128x128xf32, #tpu.memory_space<vmem>>) target(%dma_start3A_339 : memref<128x128xf32, #tpu.memory_space<vmem_shared>>) target_semaphore(%run_scoped3A_331 : memref<!tpu.dma_semaphore, #tpu.memory_space<semaphore_mem>>)
      %dma_wait3A_344 = arith.constant 0 : i32
      %dma_wait3A_345 = arith.constant 0 : i32
      %dma_wait3A_346 = tpu.memref_slice %arg11[%run_scoped3A_13, %dma_wait3A_344, %dma_wait3A_345] : memref<2x128x128xf32, #tpu.memory_space<vmem>> -> memref<1x128x128xf32, #tpu.memory_space<vmem>>
      %dma_wait3A_347 = tpu.memref_squeeze %dma_wait3A_346 : memref<1x128x128xf32, #tpu.memory_space<vmem>> -> memref<128x128xf32, #tpu.memory_space<vmem>>
      %dma_wait3A_348 = arith.constant 0 : i32
      %dma_wait3A_349 = tpu.memref_slice %arg13[%add3A_12, %dma_wait3A_348] : memref<10112x128xf32, #tpu.memory_space<vmem_shared>> -> memref<128x128xf32, #tpu.memory_space<vmem_shared>>
      %dma_wait3A_350 = arith.constant 0 : i32
      %dma_wait3A_351 = tpu.memref_slice %arg13[%add3A_12, %dma_wait3A_350] : memref<10112x128xf32, #tpu.memory_space<vmem_shared>> -> memref<128x128xf32, #tpu.memory_space<vmem_shared>>
      %dma_wait3A_352 = arith.constant 0 : i32
      %dma_wait3A_353 = arith.constant 0 : i32
      %dma_wait3A_354 = tpu.memref_slice %arg11[%run_scoped3A_13, %dma_wait3A_352, %dma_wait3A_353] : memref<2x128x128xf32, #tpu.memory_space<vmem>> -> memref<1x128x128xf32, #tpu.memory_space<vmem>>
      %dma_wait3A_355 = tpu.memref_squeeze %dma_wait3A_354 : memref<1x128x128xf32, #tpu.memory_space<vmem>> -> memref<128x128xf32, #tpu.memory_space<vmem>>
      tpu.wait_dma2 semaphore(%run_scoped3A_331 : memref<!tpu.dma_semaphore, #tpu.memory_space<semaphore_mem>>) src(%dma_wait3A_355 : memref<128x128xf32, #tpu.memory_space<vmem>>) dst(%dma_wait3A_351 : memref<128x128xf32, #tpu.memory_space<vmem_shared>>)
      tpu.yield
    }) : () -> ()
    %add3A_14 = arith.constant 256 : i32
    %add3A_15 = arith.addi %mul3A_8, %add3A_14 : i32
    %run_scoped3A_16 = arith.constant 0 : i32
    "tpu.region"() ({
      %run_scoped3A_331 = tpu.sem_alloc : memref<!tpu.dma_semaphore, #tpu.memory_space<semaphore_mem>>
      %dma_start3A_332 = arith.constant 0 : i32
      %dma_start3A_333 = arith.constant 0 : i32
      %dma_start3A_334 = tpu.memref_slice %arg11[%run_scoped3A_16, %dma_start3A_332, %dma_start3A_333] : memref<2x128x128xf32, #tpu.memory_space<vmem>> -> memref<1x128x128xf32, #tpu.memory_space<vmem>>
      %dma_start3A_335 = tpu.memref_squeeze %dma_start3A_334 : memref<1x128x128xf32, #tpu.memory_space<vmem>> -> memref<128x128xf32, #tpu.memory_space<vmem>>
      %dma_start3A_336 = arith.constant 0 : i32
      %dma_start3A_337 = tpu.memref_slice %arg13[%add3A_15, %dma_start3A_336] : memref<10112x128xf32, #tpu.memory_space<vmem_shared>> -> memref<128x128xf32, #tpu.memory_space<vmem_shared>>
      %dma_start3A_338 = arith.constant 0 : i32
      %dma_start3A_339 = tpu.memref_slice %arg13[%add3A_15, %dma_start3A_338] : memref<10112x128xf32, #tpu.memory_space<vmem_shared>> -> memref<128x128xf32, #tpu.memory_space<vmem_shared>>
      %dma_start3A_340 = arith.constant 0 : i32
      %dma_start3A_341 = arith.constant 0 : i32
      %dma_start3A_342 = tpu.memref_slice %arg11[%run_scoped3A_16, %dma_start3A_340, %dma_start3A_341] : memref<2x128x128xf32, #tpu.memory_space<vmem>> -> memref<1x128x128xf32, #tpu.memory_space<vmem>>
      %dma_start3A_343 = tpu.memref_squeeze %dma_start3A_342 : memref<1x128x128xf32, #tpu.memory_space<vmem>> -> memref<128x128xf32, #tpu.memory_space<vmem>>
      tpu.enqueue_dma source(%dma_start3A_343 : memref<128x128xf32, #tpu.memory_space<vmem>>) target(%dma_start3A_339 : memref<128x128xf32, #tpu.memory_space<vmem_shared>>) target_semaphore(%run_scoped3A_331 : memref<!tpu.dma_semaphore, #tpu.memory_space<semaphore_mem>>)
      %dma_wait3A_344 = arith.constant 0 : i32
      %dma_wait3A_345 = arith.constant 0 : i32
      %dma_wait3A_346 = tpu.memref_slice %arg11[%run_scoped3A_16, %dma_wait3A_344, %dma_wait3A_345] : memref<2x128x128xf32, #tpu.memory_space<vmem>> -> memref<1x128x128xf32, #tpu.memory_space<vmem>>
      %dma_wait3A_347 = tpu.memref_squeeze %dma_wait3A_346 : memref<1x128x128xf32, #tpu.memory_space<vmem>> -> memref<128x128xf32, #tpu.memory_space<vmem>>
      %dma_wait3A_348 = arith.constant 0 : i32
      %dma_wait3A_349 = tpu.memref_slice %arg13[%add3A_15, %dma_wait3A_348] : memref<10112x128xf32, #tpu.memory_space<vmem_shared>> -> memref<128x128xf32, #tpu.memory_space<vmem_shared>>
      %dma_wait3A_350 = arith.constant 0 : i32
      %dma_wait3A_351 = tpu.memref_slice %arg13[%add3A_15, %dma_wait3A_350] : memref<10112x128xf32, #tpu.memory_space<vmem_shared>> -> memref<128x128xf32, #tpu.memory_space<vmem_shared>>
      %dma_wait3A_352 = arith.constant 0 : i32
      %dma_wait3A_353 = arith.constant 0 : i32
      %dma_wait3A_354 = tpu.memref_slice %arg11[%run_scoped3A_16, %dma_wait3A_352, %dma_wait3A_353] : memref<2x128x128xf32, #tpu.memory_space<vmem>> -> memref<1x128x128xf32, #tpu.memory_space<vmem>>
      %dma_wait3A_355 = tpu.memref_squeeze %dma_wait3A_354 : memref<1x128x128xf32, #tpu.memory_space<vmem>> -> memref<128x128xf32, #tpu.memory_space<vmem>>
      tpu.wait_dma2 semaphore(%run_scoped3A_331 : memref<!tpu.dma_semaphore, #tpu.memory_space<semaphore_mem>>) src(%dma_wait3A_355 : memref<128x128xf32, #tpu.memory_space<vmem>>) dst(%dma_wait3A_351 : memref<128x128xf32, #tpu.memory_space<vmem_shared>>)
      tpu.yield
    }) : () -> ()
    %add3A_17 = arith.constant 384 : i32
    %add3A_18 = arith.addi %mul3A_8, %add3A_17 : i32
    %run_scoped3A_19 = arith.constant 0 : i32
    "tpu.region"() ({
      %run_scoped3A_331 = tpu.sem_alloc : memref<!tpu.dma_semaphore, #tpu.memory_space<semaphore_mem>>
      %dma_start3A_332 = arith.constant 0 : i32
      %dma_start3A_333 = arith.constant 0 : i32
      %dma_start3A_334 = tpu.memref_slice %arg11[%run_scoped3A_19, %dma_start3A_332, %dma_start3A_333] : memref<2x128x128xf32, #tpu.memory_space<vmem>> -> memref<1x128x128xf32, #tpu.memory_space<vmem>>
      %dma_start3A_335 = tpu.memref_squeeze %dma_start3A_334 : memref<1x128x128xf32, #tpu.memory_space<vmem>> -> memref<128x128xf32, #tpu.memory_space<vmem>>
      %dma_start3A_336 = arith.constant 0 : i32
      %dma_start3A_337 = tpu.memref_slice %arg13[%add3A_18, %dma_start3A_336] : memref<10112x128xf32, #tpu.memory_space<vmem_shared>> -> memref<128x128xf32, #tpu.memory_space<vmem_shared>>
      %dma_start3A_338 = arith.constant 0 : i32
      %dma_start3A_339 = tpu.memref_slice %arg13[%add3A_18, %dma_start3A_338] : memref<10112x128xf32, #tpu.memory_space<vmem_shared>> -> memref<128x128xf32, #tpu.memory_space<vmem_shared>>
      %dma_start3A_340 = arith.constant 0 : i32
      %dma_start3A_341 = arith.constant 0 : i32
      %dma_start3A_342 = tpu.memref_slice %arg11[%run_scoped3A_19, %dma_start3A_340, %dma_start3A_341] : memref<2x128x128xf32, #tpu.memory_space<vmem>> -> memref<1x128x128xf32, #tpu.memory_space<vmem>>
      %dma_start3A_343 = tpu.memref_squeeze %dma_start3A_342 : memref<1x128x128xf32, #tpu.memory_space<vmem>> -> memref<128x128xf32, #tpu.memory_space<vmem>>
      tpu.enqueue_dma source(%dma_start3A_343 : memref<128x128xf32, #tpu.memory_space<vmem>>) target(%dma_start3A_339 : memref<128x128xf32, #tpu.memory_space<vmem_shared>>) target_semaphore(%run_scoped3A_331 : memref<!tpu.dma_semaphore, #tpu.memory_space<semaphore_mem>>)
      %dma_wait3A_344 = arith.constant 0 : i32
      %dma_wait3A_345 = arith.constant 0 : i32
      %dma_wait3A_346 = tpu.memref_slice %arg11[%run_scoped3A_19, %dma_wait3A_344, %dma_wait3A_345] : memref<2x128x128xf32, #tpu.memory_space<vmem>> -> memref<1x128x128xf32, #tpu.memory_space<vmem>>
      %dma_wait3A_347 = tpu.memref_squeeze %dma_wait3A_346 : memref<1x128x128xf32, #tpu.memory_space<vmem>> -> memref<128x128xf32, #tpu.memory_space<vmem>>
      %dma_wait3A_348 = arith.constant 0 : i32
      %dma_wait3A_349 = tpu.memref_slice %arg13[%add3A_18, %dma_wait3A_348] : memref<10112x128xf32, #tpu.memory_space<vmem_shared>> -> memref<128x128xf32, #tpu.memory_space<vmem_shared>>
      %dma_wait3A_350 = arith.constant 0 : i32
      %dma_wait3A_351 = tpu.memref_slice %arg13[%add3A_18, %dma_wait3A_350] : memref<10112x128xf32, #tpu.memory_space<vmem_shared>> -> memref<128x128xf32, #tpu.memory_space<vmem_shared>>
      %dma_wait3A_352 = arith.constant 0 : i32
      %dma_wait3A_353 = arith.constant 0 : i32
      %dma_wait3A_354 = tpu.memref_slice %arg11[%run_scoped3A_19, %dma_wait3A_352, %dma_wait3A_353] : memref<2x128x128xf32, #tpu.memory_space<vmem>> -> memref<1x128x128xf32, #tpu.memory_space<vmem>>
      %dma_wait3A_355 = tpu.memref_squeeze %dma_wait3A_354 : memref<1x128x128xf32, #tpu.memory_space<vmem>> -> memref<128x128xf32, #tpu.memory_space<vmem>>
      tpu.wait_dma2 semaphore(%run_scoped3A_331 : memref<!tpu.dma_semaphore, #tpu.memory_space<semaphore_mem>>) src(%dma_wait3A_355 : memref<128x128xf32, #tpu.memory_space<vmem>>) dst(%dma_wait3A_351 : memref<128x128xf32, #tpu.memory_space<vmem_shared>>)
      tpu.yield
    }) : () -> ()
    %add3A_20 = arith.constant 512 : i32
    %add3A_21 = arith.addi %mul3A_8, %add3A_20 : i32
    %run_scoped3A_22 = arith.constant 0 : i32
    "tpu.region"() ({
      %run_scoped3A_331 = tpu.sem_alloc : memref<!tpu.dma_semaphore, #tpu.memory_space<semaphore_mem>>
      %dma_start3A_332 = arith.constant 0 : i32
      %dma_start3A_333 = arith.constant 0 : i32
      %dma_start3A_334 = tpu.memref_slice %arg11[%run_scoped3A_22, %dma_start3A_332, %dma_start3A_333] : memref<2x128x128xf32, #tpu.memory_space<vmem>> -> memref<1x120x128xf32, #tpu.memory_space<vmem>>
      %dma_start3A_335 = tpu.memref_squeeze %dma_start3A_334 : memref<1x120x128xf32, #tpu.memory_space<vmem>> -> memref<120x128xf32, #tpu.memory_space<vmem>>
      %dma_start3A_336 = arith.constant 0 : i32
      %dma_start3A_337 = tpu.memref_slice %arg13[%add3A_21, %dma_start3A_336] : memref<10112x128xf32, #tpu.memory_space<vmem_shared>> -> memref<120x128xf32, #tpu.memory_space<vmem_shared>>
      %dma_start3A_338 = arith.constant 0 : i32
      %dma_start3A_339 = tpu.memref_slice %arg13[%add3A_21, %dma_start3A_338] : memref<10112x128xf32, #tpu.memory_space<vmem_shared>> -> memref<120x128xf32, #tpu.memory_space<vmem_shared>>
      %dma_start3A_340 = arith.constant 0 : i32
      %dma_start3A_341 = arith.constant 0 : i32
      %dma_start3A_342 = tpu.memref_slice %arg11[%run_scoped3A_22, %dma_start3A_340, %dma_start3A_341] : memref<2x128x128xf32, #tpu.memory_space<vmem>> -> memref<1x120x128xf32, #tpu.memory_space<vmem>>
      %dma_start3A_343 = tpu.memref_squeeze %dma_start3A_342 : memref<1x120x128xf32, #tpu.memory_space<vmem>> -> memref<120x128xf32, #tpu.memory_space<vmem>>
      tpu.enqueue_dma source(%dma_start3A_343 : memref<120x128xf32, #tpu.memory_space<vmem>>) target(%dma_start3A_339 : memref<120x128xf32, #tpu.memory_space<vmem_shared>>) target_semaphore(%run_scoped3A_331 : memref<!tpu.dma_semaphore, #tpu.memory_space<semaphore_mem>>)
      %dma_wait3A_344 = arith.constant 0 : i32
      %dma_wait3A_345 = arith.constant 0 : i32
      %dma_wait3A_346 = tpu.memref_slice %arg11[%run_scoped3A_22, %dma_wait3A_344, %dma_wait3A_345] : memref<2x128x128xf32, #tpu.memory_space<vmem>> -> memref<1x120x128xf32, #tpu.memory_space<vmem>>
      %dma_wait3A_347 = tpu.memref_squeeze %dma_wait3A_346 : memref<1x120x128xf32, #tpu.memory_space<vmem>> -> memref<120x128xf32, #tpu.memory_space<vmem>>
      %dma_wait3A_348 = arith.constant 0 : i32
      %dma_wait3A_349 = tpu.memref_slice %arg13[%add3A_21, %dma_wait3A_348] : memref<10112x128xf32, #tpu.memory_space<vmem_shared>> -> memref<120x128xf32, #tpu.memory_space<vmem_shared>>
      %dma_wait3A_350 = arith.constant 0 : i32
      %dma_wait3A_351 = tpu.memref_slice %arg13[%add3A_21, %dma_wait3A_350] : memref<10112x128xf32, #tpu.memory_space<vmem_shared>> -> memref<120x128xf32, #tpu.memory_space<vmem_shared>>
      %dma_wait3A_352 = arith.constant 0 : i32
      %dma_wait3A_353 = arith.constant 0 : i32
      %dma_wait3A_354 = tpu.memref_slice %arg11[%run_scoped3A_22, %dma_wait3A_352, %dma_wait3A_353] : memref<2x128x128xf32, #tpu.memory_space<vmem>> -> memref<1x120x128xf32, #tpu.memory_space<vmem>>
      %dma_wait3A_355 = tpu.memref_squeeze %dma_wait3A_354 : memref<1x120x128xf32, #tpu.memory_space<vmem>> -> memref<120x128xf32, #tpu.memory_space<vmem>>
      tpu.wait_dma2 semaphore(%run_scoped3A_331 : memref<!tpu.dma_semaphore, #tpu.memory_space<semaphore_mem>>) src(%dma_wait3A_355 : memref<120x128xf32, #tpu.memory_space<vmem>>) dst(%dma_wait3A_351 : memref<120x128xf32, #tpu.memory_space<vmem_shared>>)
      tpu.yield
    }) : () -> ()
    %barrier3A = arith.constant 0 : index
    tpu.barrier barrier_id(%barrier3A)
    %get3A = arith.constant 0 : i32
    %get3A_23 = arith.index_cast %get3A : i32 to index
    %get3A_24 = arith.constant 0 : index
    %get3A_25 = tpu.vector_load %arg12[%get3A_23, %get3A_24] {strides = array<i32>} : memref<4x128xf32, #tpu.memory_space<vmem>>, vector<1x16xf32>,
    %get3A_26 = vector.shape_cast %get3A_25 : vector<1x16xf32> to vector<16xf32>
    %get3A_27 = arith.constant 0 : i32
    %get3A_28 = arith.index_cast %get3A_27 : i32 to index
    %get3A_29 = arith.constant 16 : index
    %get3A_30 = tpu.vector_load %arg12[%get3A_28, %get3A_29] {strides = array<i32>} : memref<4x128xf32, #tpu.memory_space<vmem>>, vector<1x16xf32>,
    %get3A_31 = vector.shape_cast %get3A_30 : vector<1x16xf32> to vector<16xf32>
    %get3A_32 = arith.constant 0 : i32
    %get3A_33 = arith.index_cast %get3A_32 : i32 to index
    %get3A_34 = arith.constant 32 : index
    %get3A_35 = tpu.vector_load %arg12[%get3A_33, %get3A_34] {strides = array<i32>} : memref<4x128xf32, #tpu.memory_space<vmem>>, vector<1x16xf32>,
    %get3A_36 = vector.shape_cast %get3A_35 : vector<1x16xf32> to vector<16xf32>
    %get3A_37 = arith.constant 0 : i32
    %get3A_38 = arith.index_cast %get3A_37 : i32 to index
    %get3A_39 = arith.constant 48 : index
    %get3A_40 = tpu.vector_load %arg12[%get3A_38, %get3A_39] {strides = array<i32>} : memref<4x128xf32, #tpu.memory_space<vmem>>, vector<1x16xf32>,
    %get3A_41 = vector.shape_cast %get3A_40 : vector<1x16xf32> to vector<16xf32>
    %get3A_42 = arith.constant 0 : i32
    %get3A_43 = arith.index_cast %get3A_42 : i32 to index
    %get3A_44 = arith.constant 64 : index
    %get3A_45 = tpu.vector_load %arg12[%get3A_43, %get3A_44] {strides = array<i32>} : memref<4x128xf32, #tpu.memory_space<vmem>>, vector<1x16xf32>,
    %get3A_46 = vector.shape_cast %get3A_45 : vector<1x16xf32> to vector<16xf32>
    %get3A_47 = arith.constant 0 : i32
    %get3A_48 = arith.index_cast %get3A_47 : i32 to index
    %get3A_49 = arith.constant 80 : index
    %get3A_50 = tpu.vector_load %arg12[%get3A_48, %get3A_49] {strides = array<i32>} : memref<4x128xf32, #tpu.memory_space<vmem>>, vector<1x16xf32>,
    %get3A_51 = vector.shape_cast %get3A_50 : vector<1x16xf32> to vector<16xf32>
    %get3A_52 = arith.constant 0 : i32
    %get3A_53 = arith.index_cast %get3A_52 : i32 to index
    %get3A_54 = arith.constant 96 : index
    %get3A_55 = tpu.vector_load %arg12[%get3A_53, %get3A_54] {strides = array<i32>} : memref<4x128xf32, #tpu.memory_space<vmem>>, vector<1x16xf32>,
    %get3A_56 = vector.shape_cast %get3A_55 : vector<1x16xf32> to vector<16xf32>
    %get3A_57 = arith.constant 0 : i32
    %get3A_58 = arith.index_cast %get3A_57 : i32 to index
    %get3A_59 = arith.constant 112 : index
    %get3A_60 = tpu.vector_load %arg12[%get3A_58, %get3A_59] {strides = array<i32>} : memref<4x128xf32, #tpu.memory_space<vmem>>, vector<1x16xf32>,
    %get3A_61 = vector.shape_cast %get3A_60 : vector<1x16xf32> to vector<16xf32>
    %get3A_62 = arith.constant 1 : i32
    %get3A_63 = arith.index_cast %get3A_62 : i32 to index
    %get3A_64 = arith.constant 0 : index
    %get3A_65 = tpu.vector_load %arg12[%get3A_63, %get3A_64] {strides = array<i32>} : memref<4x128xf32, #tpu.memory_space<vmem>>, vector<1x16xf32>,
    %get3A_66 = vector.shape_cast %get3A_65 : vector<1x16xf32> to vector<16xf32>
    %get3A_67 = arith.constant 1 : i32
    %get3A_68 = arith.index_cast %get3A_67 : i32 to index
    %get3A_69 = arith.constant 16 : index
    %get3A_70 = tpu.vector_load %arg12[%get3A_68, %get3A_69] {strides = array<i32>} : memref<4x128xf32, #tpu.memory_space<vmem>>, vector<1x16xf32>,
    %get3A_71 = vector.shape_cast %get3A_70 : vector<1x16xf32> to vector<16xf32>
    %get3A_72 = arith.constant 1 : i32
    %get3A_73 = arith.index_cast %get3A_72 : i32 to index
    %get3A_74 = arith.constant 32 : index
    %get3A_75 = tpu.vector_load %arg12[%get3A_73, %get3A_74] {strides = array<i32>} : memref<4x128xf32, #tpu.memory_space<vmem>>, vector<1x16xf32>,
    %get3A_76 = vector.shape_cast %get3A_75 : vector<1x16xf32> to vector<16xf32>
    %get3A_77 = arith.constant 1 : i32
    %get3A_78 = arith.index_cast %get3A_77 : i32 to index
    %get3A_79 = arith.constant 48 : index
    %get3A_80 = tpu.vector_load %arg12[%get3A_78, %get3A_79] {strides = array<i32>} : memref<4x128xf32, #tpu.memory_space<vmem>>, vector<1x16xf32>,
    %get3A_81 = vector.shape_cast %get3A_80 : vector<1x16xf32> to vector<16xf32>
    %get3A_82 = arith.constant 1 : i32
    %get3A_83 = arith.index_cast %get3A_82 : i32 to index
    %get3A_84 = arith.constant 64 : index
    %get3A_85 = tpu.vector_load %arg12[%get3A_83, %get3A_84] {strides = array<i32>} : memref<4x128xf32, #tpu.memory_space<vmem>>, vector<1x16xf32>,
    %get3A_86 = vector.shape_cast %get3A_85 : vector<1x16xf32> to vector<16xf32>
    %get3A_87 = arith.constant 1 : i32
    %get3A_88 = arith.index_cast %get3A_87 : i32 to index
    %get3A_89 = arith.constant 80 : index
    %get3A_90 = tpu.vector_load %arg12[%get3A_88, %get3A_89] {strides = array<i32>} : memref<4x128xf32, #tpu.memory_space<vmem>>, vector<1x16xf32>,
    %get3A_91 = vector.shape_cast %get3A_90 : vector<1x16xf32> to vector<16xf32>
    %get3A_92 = arith.constant 1 : i32
    %get3A_93 = arith.index_cast %get3A_92 : i32 to index
    %get3A_94 = arith.constant 96 : index
    %get3A_95 = tpu.vector_load %arg12[%get3A_93, %get3A_94] {strides = array<i32>} : memref<4x128xf32, #tpu.memory_space<vmem>>, vector<1x16xf32>,
    %get3A_96 = vector.shape_cast %get3A_95 : vector<1x16xf32> to vector<16xf32>
    %get3A_97 = arith.constant 1 : i32
    %get3A_98 = arith.index_cast %get3A_97 : i32 to index
    %get3A_99 = arith.constant 112 : index
    %get3A_100 = tpu.vector_load %arg12[%get3A_98, %get3A_99] {strides = array<i32>} : memref<4x128xf32, #tpu.memory_space<vmem>>, vector<1x16xf32>,
    %get3A_101 = vector.shape_cast %get3A_100 : vector<1x16xf32> to vector<16xf32>
    %get3A_102 = arith.constant 2 : i32
    %get3A_103 = arith.index_cast %get3A_102 : i32 to index
    %get3A_104 = arith.constant 0 : index
    %get3A_105 = tpu.vector_load %arg12[%get3A_103, %get3A_104] {strides = array<i32>} : memref<4x128xf32, #tpu.memory_space<vmem>>, vector<1x16xf32>,
    %get3A_106 = vector.shape_cast %get3A_105 : vector<1x16xf32> to vector<16xf32>
    %get3A_107 = arith.constant 2 : i32
    %get3A_108 = arith.index_cast %get3A_107 : i32 to index
    %get3A_109 = arith.constant 16 : index
    %get3A_110 = tpu.vector_load %arg12[%get3A_108, %get3A_109] {strides = array<i32>} : memref<4x128xf32, #tpu.memory_space<vmem>>, vector<1x16xf32>,
    %get3A_111 = vector.shape_cast %get3A_110 : vector<1x16xf32> to vector<16xf32>
    %get3A_112 = arith.constant 2 : i32
    %get3A_113 = arith.index_cast %get3A_112 : i32 to index
    %get3A_114 = arith.constant 32 : index
    %get3A_115 = tpu.vector_load %arg12[%get3A_113, %get3A_114] {strides = array<i32>} : memref<4x128xf32, #tpu.memory_space<vmem>>, vector<1x16xf32>,
    %get3A_116 = vector.shape_cast %get3A_115 : vector<1x16xf32> to vector<16xf32>
    %get3A_117 = arith.constant 2 : i32
    %get3A_118 = arith.index_cast %get3A_117 : i32 to index
    %get3A_119 = arith.constant 48 : index
    %get3A_120 = tpu.vector_load %arg12[%get3A_118, %get3A_119] {strides = array<i32>} : memref<4x128xf32, #tpu.memory_space<vmem>>, vector<1x16xf32>,
    %get3A_121 = vector.shape_cast %get3A_120 : vector<1x16xf32> to vector<16xf32>
    %get3A_122 = arith.constant 2 : i32
    %get3A_123 = arith.index_cast %get3A_122 : i32 to index
    %get3A_124 = arith.constant 64 : index
    %get3A_125 = tpu.vector_load %arg12[%get3A_123, %get3A_124] {strides = array<i32>} : memref<4x128xf32, #tpu.memory_space<vmem>>, vector<1x16xf32>,
    %get3A_126 = vector.shape_cast %get3A_125 : vector<1x16xf32> to vector<16xf32>
    %get3A_127 = arith.constant 2 : i32
    %get3A_128 = arith.index_cast %get3A_127 : i32 to index
    %get3A_129 = arith.constant 80 : index
    %get3A_130 = tpu.vector_load %arg12[%get3A_128, %get3A_129] {strides = array<i32>} : memref<4x128xf32, #tpu.memory_space<vmem>>, vector<1x16xf32>,
    %get3A_131 = vector.shape_cast %get3A_130 : vector<1x16xf32> to vector<16xf32>
    %get3A_132 = arith.constant 2 : i32
    %get3A_133 = arith.index_cast %get3A_132 : i32 to index
    %get3A_134 = arith.constant 96 : index
    %get3A_135 = tpu.vector_load %arg12[%get3A_133, %get3A_134] {strides = array<i32>} : memref<4x128xf32, #tpu.memory_space<vmem>>, vector<1x16xf32>,
    %get3A_136 = vector.shape_cast %get3A_135 : vector<1x16xf32> to vector<16xf32>
    %get3A_137 = arith.constant 2 : i32
    %get3A_138 = arith.index_cast %get3A_137 : i32 to index
    %get3A_139 = arith.constant 112 : index
    %get3A_140 = tpu.vector_load %arg12[%get3A_138, %get3A_139] {strides = array<i32>} : memref<4x128xf32, #tpu.memory_space<vmem>>, vector<1x16xf32>,
    %get3A_141 = vector.shape_cast %get3A_140 : vector<1x16xf32> to vector<16xf32>
    %get3A_142 = arith.constant 3 : i32
    %get3A_143 = arith.index_cast %get3A_142 : i32 to index
    %get3A_144 = arith.constant 0 : index
    %get3A_145 = tpu.vector_load %arg12[%get3A_143, %get3A_144] {strides = array<i32>} : memref<4x128xf32, #tpu.memory_space<vmem>>, vector<1x16xf32>,
    %get3A_146 = vector.shape_cast %get3A_145 : vector<1x16xf32> to vector<16xf32>
    %get3A_147 = arith.constant 3 : i32
    %get3A_148 = arith.index_cast %get3A_147 : i32 to index
    %get3A_149 = arith.constant 16 : index
    %get3A_150 = tpu.vector_load %arg12[%get3A_148, %get3A_149] {strides = array<i32>} : memref<4x128xf32, #tpu.memory_space<vmem>>, vector<1x16xf32>,
    %get3A_151 = vector.shape_cast %get3A_150 : vector<1x16xf32> to vector<16xf32>
    %get3A_152 = arith.constant 3 : i32
    %get3A_153 = arith.index_cast %get3A_152 : i32 to index
    %get3A_154 = arith.constant 32 : index
    %get3A_155 = tpu.vector_load %arg12[%get3A_153, %get3A_154] {strides = array<i32>} : memref<4x128xf32, #tpu.memory_space<vmem>>, vector<1x16xf32>,
    %get3A_156 = vector.shape_cast %get3A_155 : vector<1x16xf32> to vector<16xf32>
    %get3A_157 = arith.constant 3 : i32
    %get3A_158 = arith.index_cast %get3A_157 : i32 to index
    %get3A_159 = arith.constant 48 : index
    %get3A_160 = tpu.vector_load %arg12[%get3A_158, %get3A_159] {strides = array<i32>} : memref<4x128xf32, #tpu.memory_space<vmem>>, vector<1x16xf32>,
    %get3A_161 = vector.shape_cast %get3A_160 : vector<1x16xf32> to vector<16xf32>
    %get3A_162 = arith.constant 3 : i32
    %get3A_163 = arith.index_cast %get3A_162 : i32 to index
    %get3A_164 = arith.constant 64 : index
    %get3A_165 = tpu.vector_load %arg12[%get3A_163, %get3A_164] {strides = array<i32>} : memref<4x128xf32, #tpu.memory_space<vmem>>, vector<1x16xf32>,
    %get3A_166 = vector.shape_cast %get3A_165 : vector<1x16xf32> to vector<16xf32>
    %get3A_167 = arith.constant 3 : i32
    %get3A_168 = arith.index_cast %get3A_167 : i32 to index
    %get3A_169 = arith.constant 80 : index
    %get3A_170 = tpu.vector_load %arg12[%get3A_168, %get3A_169] {strides = array<i32>} : memref<4x128xf32, #tpu.memory_space<vmem>>, vector<1x16xf32>,
    %get3A_171 = vector.shape_cast %get3A_170 : vector<1x16xf32> to vector<16xf32>
    %get3A_172 = arith.constant 3 : i32
    %get3A_173 = arith.index_cast %get3A_172 : i32 to index
    %get3A_174 = arith.constant 96 : index
    %get3A_175 = tpu.vector_load %arg12[%get3A_173, %get3A_174] {strides = array<i32>} : memref<4x128xf32, #tpu.memory_space<vmem>>, vector<1x16xf32>,
    %get3A_176 = vector.shape_cast %get3A_175 : vector<1x16xf32> to vector<16xf32>
    %get3A_177 = arith.constant 3 : i32
    %get3A_178 = arith.index_cast %get3A_177 : i32 to index
    %get3A_179 = arith.constant 112 : index
    %get3A_180 = tpu.vector_load %arg12[%get3A_178, %get3A_179] {strides = array<i32>} : memref<4x128xf32, #tpu.memory_space<vmem>>, vector<1x16xf32>,
    %get3A_181 = vector.shape_cast %get3A_180 : vector<1x16xf32> to vector<16xf32>
    %dma_start3A = arith.constant 0 : i32
    %dma_start3A_182 = arith.constant 0 : i32
    %dma_start3A_183 = arith.constant 0 : i32
    %dma_start3A_184 = tpu.memref_slice %arg8[%dma_start3A_182, %dma_start3A_183] : memref<2x128xi32, #tpu.memory_space<vmem>> -> memref<1x128xi32, #tpu.memory_space<vmem>>
    %dma_start3A_185 = tpu.memref_squeeze %dma_start3A_184 : memref<1x128xi32, #tpu.memory_space<vmem>> -> memref<128xi32, #tpu.memory_space<vmem>>
    %dma_start3A_186 = arith.constant 0 : i32
    %dma_start3A_187 = tpu.memref_slice %arg4[%add3A, %dma_start3A, %dma_start3A_186] : memref<32x80x128xi32, #tpu.memory_space<hbm>> -> memref<1x1x128xi32, #tpu.memory_space<hbm>>
    %dma_start3A_188 = tpu.memref_squeeze %dma_start3A_187 : memref<1x1x128xi32, #tpu.memory_space<hbm>> -> memref<128xi32, #tpu.memory_space<hbm>>
    %dma_start3A_189 = arith.constant 0 : i32
    %dma_start3A_190 = tpu.memref_slice %arg8[%dma_start3A_182, %dma_start3A_189] : memref<2x128xi32, #tpu.memory_space<vmem>> -> memref<1x128xi32, #tpu.memory_space<vmem>>
    %dma_start3A_191 = tpu.memref_squeeze %dma_start3A_190 : memref<1x128xi32, #tpu.memory_space<vmem>> -> memref<128xi32, #tpu.memory_space<vmem>>
    %dma_start3A_192 = arith.constant 0 : i32
    %dma_start3A_193 = tpu.memref_slice %arg4[%add3A, %dma_start3A, %dma_start3A_192] : memref<32x80x128xi32, #tpu.memory_space<hbm>> -> memref<1x1x128xi32, #tpu.memory_space<hbm>>
    %dma_start3A_194 = tpu.memref_squeeze %dma_start3A_193 : memref<1x1x128xi32, #tpu.memory_space<hbm>> -> memref<128xi32, #tpu.memory_space<hbm>>
    tpu.enqueue_dma source(%dma_start3A_194 : memref<128xi32, #tpu.memory_space<hbm>>) target(%dma_start3A_191 : memref<128xi32, #tpu.memory_space<vmem>>) target_semaphore(%arg16 : memref<!tpu.dma_semaphore, #tpu.memory_space<semaphore_mem>>)
    %dma_wait3A = arith.constant 0 : i32
    %dma_wait3A_195 = arith.constant 0 : i32
    %dma_wait3A_196 = arith.constant 0 : i32
    %dma_wait3A_197 = tpu.memref_slice %arg8[%dma_wait3A_195, %dma_wait3A_196] : memref<2x128xi32, #tpu.memory_space<vmem>> -> memref<1x128xi32, #tpu.memory_space<vmem>>
    %dma_wait3A_198 = tpu.memref_squeeze %dma_wait3A_197 : memref<1x128xi32, #tpu.memory_space<vmem>> -> memref<128xi32, #tpu.memory_space<vmem>>
    %dma_wait3A_199 = arith.constant 0 : i32
    %dma_wait3A_200 = tpu.memref_slice %arg4[%add3A, %dma_wait3A, %dma_wait3A_199] : memref<32x80x128xi32, #tpu.memory_space<hbm>> -> memref<1x1x128xi32, #tpu.memory_space<hbm>>
    %dma_wait3A_201 = tpu.memref_squeeze %dma_wait3A_200 : memref<1x1x128xi32, #tpu.memory_space<hbm>> -> memref<128xi32, #tpu.memory_space<hbm>>
    %dma_wait3A_202 = arith.constant 0 : i32
    %dma_wait3A_203 = tpu.memref_slice %arg8[%dma_wait3A_195, %dma_wait3A_202] : memref<2x128xi32, #tpu.memory_space<vmem>> -> memref<1x128xi32, #tpu.memory_space<vmem>>
    %dma_wait3A_204 = tpu.memref_squeeze %dma_wait3A_203 : memref<1x128xi32, #tpu.memory_space<vmem>> -> memref<128xi32, #tpu.memory_space<vmem>>
    %dma_wait3A_205 = arith.constant 0 : i32
    %dma_wait3A_206 = tpu.memref_slice %arg4[%add3A, %dma_wait3A, %dma_wait3A_205] : memref<32x80x128xi32, #tpu.memory_space<hbm>> -> memref<1x1x128xi32, #tpu.memory_space<hbm>>
    %dma_wait3A_207 = tpu.memref_squeeze %dma_wait3A_206 : memref<1x1x128xi32, #tpu.memory_space<hbm>> -> memref<128xi32, #tpu.memory_space<hbm>>
    tpu.wait_dma2 semaphore(%arg16 : memref<!tpu.dma_semaphore, #tpu.memory_space<semaphore_mem>>) src(%dma_wait3A_207 : memref<128xi32, #tpu.memory_space<hbm>>) dst(%dma_wait3A_204 : memref<128xi32, #tpu.memory_space<vmem>>)
    %dma_start3A_208 = arith.constant 0 : i32
    %dma_start3A_209 = arith.constant 0 : i32
    %dma_start3A_210 = tpu.memref_slice %arg10[%dma_start3A_208, %dma_start3A_209] : memref<2x512xf32, #tpu.memory_space<vmem>> -> memref<1x512xf32, #tpu.memory_space<vmem>>
    %dma_start3A_211 = tpu.memref_squeeze %dma_start3A_210 : memref<1x512xf32, #tpu.memory_space<vmem>> -> memref<512xf32, #tpu.memory_space<vmem>>
    %dma_start3A_212 = arith.constant 0 : i32
    %dma_start3A_213 = tpu.memref_slice %arg3[%add3A, %dma_start3A_212] : memref<32x40960xf32, #tpu.memory_space<hbm>> -> memref<1x512xf32, #tpu.memory_space<hbm>>
    %dma_start3A_214 = tpu.memref_squeeze %dma_start3A_213 : memref<1x512xf32, #tpu.memory_space<hbm>> -> memref<512xf32, #tpu.memory_space<hbm>>
    %dma_start3A_215 = arith.constant 0 : i32
    %dma_start3A_216 = tpu.memref_slice %arg10[%dma_start3A_208, %dma_start3A_215] : memref<2x512xf32, #tpu.memory_space<vmem>> -> memref<1x512xf32, #tpu.memory_space<vmem>>
    %dma_start3A_217 = tpu.memref_squeeze %dma_start3A_216 : memref<1x512xf32, #tpu.memory_space<vmem>> -> memref<512xf32, #tpu.memory_space<vmem>>
    %dma_start3A_218 = arith.constant 0 : i32
    %dma_start3A_219 = tpu.memref_slice %arg3[%add3A, %dma_start3A_218] : memref<32x40960xf32, #tpu.memory_space<hbm>> -> memref<1x512xf32, #tpu.memory_space<hbm>>
    %dma_start3A_220 = tpu.memref_squeeze %dma_start3A_219 : memref<1x512xf32, #tpu.memory_space<hbm>> -> memref<512xf32, #tpu.memory_space<hbm>>
    tpu.enqueue_dma source(%dma_start3A_220 : memref<512xf32, #tpu.memory_space<hbm>>) target(%dma_start3A_217 : memref<512xf32, #tpu.memory_space<vmem>>) target_semaphore(%arg16 : memref<!tpu.dma_semaphore, #tpu.memory_space<semaphore_mem>>)
    %dma_wait3A_221 = arith.constant 0 : i32
    %dma_wait3A_222 = arith.constant 0 : i32
    %dma_wait3A_223 = tpu.memref_slice %arg10[%dma_wait3A_221, %dma_wait3A_222] : memref<2x512xf32, #tpu.memory_space<vmem>> -> memref<1x512xf32, #tpu.memory_space<vmem>>
    %dma_wait3A_224 = tpu.memref_squeeze %dma_wait3A_223 : memref<1x512xf32, #tpu.memory_space<vmem>> -> memref<512xf32, #tpu.memory_space<vmem>>
    %dma_wait3A_225 = arith.constant 0 : i32
    %dma_wait3A_226 = tpu.memref_slice %arg3[%add3A, %dma_wait3A_225] : memref<32x40960xf32, #tpu.memory_space<hbm>> -> memref<1x512xf32, #tpu.memory_space<hbm>>
    %dma_wait3A_227 = tpu.memref_squeeze %dma_wait3A_226 : memref<1x512xf32, #tpu.memory_space<hbm>> -> memref<512xf32, #tpu.memory_space<hbm>>
    %dma_wait3A_228 = arith.constant 0 : i32
    %dma_wait3A_229 = tpu.memref_slice %arg10[%dma_wait3A_221, %dma_wait3A_228] : memref<2x512xf32, #tpu.memory_space<vmem>> -> memref<1x512xf32, #tpu.memory_space<vmem>>
    %dma_wait3A_230 = tpu.memref_squeeze %dma_wait3A_229 : memref<1x512xf32, #tpu.memory_space<vmem>> -> memref<512xf32, #tpu.memory_space<vmem>>
    %dma_wait3A_231 = arith.constant 0 : i32
    %dma_wait3A_232 = tpu.memref_slice %arg3[%add3A, %dma_wait3A_231] : memref<32x40960xf32, #tpu.memory_space<hbm>> -> memref<1x512xf32, #tpu.memory_space<hbm>>
    %dma_wait3A_233 = tpu.memref_squeeze %dma_wait3A_232 : memref<1x512xf32, #tpu.memory_space<hbm>> -> memref<512xf32, #tpu.memory_space<hbm>>
    tpu.wait_dma2 semaphore(%arg16 : memref<!tpu.dma_semaphore, #tpu.memory_space<semaphore_mem>>) src(%dma_wait3A_233 : memref<512xf32, #tpu.memory_space<hbm>>) dst(%dma_wait3A_230 : memref<512xf32, #tpu.memory_space<vmem>>)
    %dma_start3A_234 = arith.constant 0 : i32
    %dma_start3A_235 = arith.constant 0 : i32
    %dma_start3A_236 = arith.constant 0 : i32
    %dma_start3A_237 = tpu.memref_slice %arg9[%dma_start3A_235, %dma_start3A_236] : memref<2x128xi32, #tpu.memory_space<vmem>> -> memref<1x128xi32, #tpu.memory_space<vmem>>
    %dma_start3A_238 = tpu.memref_squeeze %dma_start3A_237 : memref<1x128xi32, #tpu.memory_space<vmem>> -> memref<128xi32, #tpu.memory_space<vmem>>
    %dma_start3A_239 = arith.constant 0 : i32
    %dma_start3A_240 = tpu.memref_slice %arg5[%add3A, %dma_start3A_234, %dma_start3A_239] : memref<32x80x128xi32, #tpu.memory_space<hbm>> -> memref<1x1x128xi32, #tpu.memory_space<hbm>>
    %dma_start3A_241 = tpu.memref_squeeze %dma_start3A_240 : memref<1x1x128xi32, #tpu.memory_space<hbm>> -> memref<128xi32, #tpu.memory_space<hbm>>
    %dma_start3A_242 = arith.constant 0 : i32
    %dma_start3A_243 = tpu.memref_slice %arg9[%dma_start3A_235, %dma_start3A_242] : memref<2x128xi32, #tpu.memory_space<vmem>> -> memref<1x128xi32, #tpu.memory_space<vmem>>
    %dma_start3A_244 = tpu.memref_squeeze %dma_start3A_243 : memref<1x128xi32, #tpu.memory_space<vmem>> -> memref<128xi32, #tpu.memory_space<vmem>>
    %dma_start3A_245 = arith.constant 0 : i32
    %dma_start3A_246 = tpu.memref_slice %arg5[%add3A, %dma_start3A_234, %dma_start3A_245] : memref<32x80x128xi32, #tpu.memory_space<hbm>> -> memref<1x1x128xi32, #tpu.memory_space<hbm>>
    %dma_start3A_247 = tpu.memref_squeeze %dma_start3A_246 : memref<1x1x128xi32, #tpu.memory_space<hbm>> -> memref<128xi32, #tpu.memory_space<hbm>>
    tpu.enqueue_dma source(%dma_start3A_247 : memref<128xi32, #tpu.memory_space<hbm>>) target(%dma_start3A_244 : memref<128xi32, #tpu.memory_space<vmem>>) target_semaphore(%arg18 : memref<!tpu.dma_semaphore, #tpu.memory_space<semaphore_mem>>)
    %dma_start3A_248 = arith.constant 1 : i32
    %dma_start3A_249 = arith.constant 1 : i32
    %dma_start3A_250 = arith.constant 0 : i32
    %dma_start3A_251 = tpu.memref_slice %arg8[%dma_start3A_249, %dma_start3A_250] : memref<2x128xi32, #tpu.memory_space<vmem>> -> memref<1x128xi32, #tpu.memory_space<vmem>>
    %dma_start3A_252 = tpu.memref_squeeze %dma_start3A_251 : memref<1x128xi32, #tpu.memory_space<vmem>> -> memref<128xi32, #tpu.memory_space<vmem>>
    %dma_start3A_253 = arith.constant 0 : i32
    %dma_start3A_254 = tpu.memref_slice %arg4[%add3A, %dma_start3A_248, %dma_start3A_253] : memref<32x80x128xi32, #tpu.memory_space<hbm>> -> memref<1x1x128xi32, #tpu.memory_space<hbm>>
    %dma_start3A_255 = tpu.memref_squeeze %dma_start3A_254 : memref<1x1x128xi32, #tpu.memory_space<hbm>> -> memref<128xi32, #tpu.memory_space<hbm>>
    %dma_start3A_256 = arith.constant 0 : i32
    %dma_start3A_257 = tpu.memref_slice %arg8[%dma_start3A_249, %dma_start3A_256] : memref<2x128xi32, #tpu.memory_space<vmem>> -> memref<1x128xi32, #tpu.memory_space<vmem>>
    %dma_start3A_258 = tpu.memref_squeeze %dma_start3A_257 : memref<1x128xi32, #tpu.memory_space<vmem>> -> memref<128xi32, #tpu.memory_space<vmem>>
    %dma_start3A_259 = arith.constant 0 : i32
    %dma_start3A_260 = tpu.memref_slice %arg4[%add3A, %dma_start3A_248, %dma_start3A_259] : memref<32x80x128xi32, #tpu.memory_space<hbm>> -> memref<1x1x128xi32, #tpu.memory_space<hbm>>
    %dma_start3A_261 = tpu.memref_squeeze %dma_start3A_260 : memref<1x1x128xi32, #tpu.memory_space<hbm>> -> memref<128xi32, #tpu.memory_space<hbm>>
    tpu.enqueue_dma source(%dma_start3A_261 : memref<128xi32, #tpu.memory_space<hbm>>) target(%dma_start3A_258 : memref<128xi32, #tpu.memory_space<vmem>>) target_semaphore(%arg17 : memref<!tpu.dma_semaphore, #tpu.memory_space<semaphore_mem>>)
    %dma_start3A_262 = arith.constant 1 : i32
    %dma_start3A_263 = arith.constant 0 : i32
    %dma_start3A_264 = tpu.memref_slice %arg10[%dma_start3A_262, %dma_start3A_263] : memref<2x512xf32, #tpu.memory_space<vmem>> -> memref<1x512xf32, #tpu.memory_space<vmem>>
    %dma_start3A_265 = tpu.memref_squeeze %dma_start3A_264 : memref<1x512xf32, #tpu.memory_space<vmem>> -> memref<512xf32, #tpu.memory_space<vmem>>
    %dma_start3A_266 = arith.constant 512 : i32
    %dma_start3A_267 = tpu.memref_slice %arg3[%add3A, %dma_start3A_266] : memref<32x40960xf32, #tpu.memory_space<hbm>> -> memref<1x512xf32, #tpu.memory_space<hbm>>
    %dma_start3A_268 = tpu.memref_squeeze %dma_start3A_267 : memref<1x512xf32, #tpu.memory_space<hbm>> -> memref<512xf32, #tpu.memory_space<hbm>>
    %dma_start3A_269 = arith.constant 0 : i32
    %dma_start3A_270 = tpu.memref_slice %arg10[%dma_start3A_262, %dma_start3A_269] : memref<2x512xf32, #tpu.memory_space<vmem>> -> memref<1x512xf32, #tpu.memory_space<vmem>>
    %dma_start3A_271 = tpu.memref_squeeze %dma_start3A_270 : memref<1x512xf32, #tpu.memory_space<vmem>> -> memref<512xf32, #tpu.memory_space<vmem>>
    %dma_start3A_272 = arith.constant 512 : i32
    %dma_start3A_273 = tpu.memref_slice %arg3[%add3A, %dma_start3A_272] : memref<32x40960xf32, #tpu.memory_space<hbm>> -> memref<1x512xf32, #tpu.memory_space<hbm>>
    %dma_start3A_274 = tpu.memref_squeeze %dma_start3A_273 : memref<1x512xf32, #tpu.memory_space<hbm>> -> memref<512xf32, #tpu.memory_space<hbm>>
    tpu.enqueue_dma source(%dma_start3A_274 : memref<512xf32, #tpu.memory_space<hbm>>) target(%dma_start3A_271 : memref<512xf32, #tpu.memory_space<vmem>>) target_semaphore(%arg17 : memref<!tpu.dma_semaphore, #tpu.memory_space<semaphore_mem>>)
    %dma_start3A_275 = arith.constant 1 : i32
    %dma_start3A_276 = arith.constant 1 : i32
    %dma_start3A_277 = arith.constant 0 : i32
    %dma_start3A_278 = tpu.memref_slice %arg9[%dma_start3A_276, %dma_start3A_277] : memref<2x128xi32, #tpu.memory_space<vmem>> -> memref<1x128xi32, #tpu.memory_space<vmem>>
    %dma_start3A_279 = tpu.memref_squeeze %dma_start3A_278 : memref<1x128xi32, #tpu.memory_space<vmem>> -> memref<128xi32, #tpu.memory_space<vmem>>
    %dma_start3A_280 = arith.constant 0 : i32
    %dma_start3A_281 = tpu.memref_slice %arg5[%add3A, %dma_start3A_275, %dma_start3A_280] : memref<32x80x128xi32, #tpu.memory_space<hbm>> -> memref<1x1x128xi32, #tpu.memory_space<hbm>>
    %dma_start3A_282 = tpu.memref_squeeze %dma_start3A_281 : memref<1x1x128xi32, #tpu.memory_space<hbm>> -> memref<128xi32, #tpu.memory_space<hbm>>
    %dma_start3A_283 = arith.constant 0 : i32
    %dma_start3A_284 = tpu.memref_slice %arg9[%dma_start3A_276, %dma_start3A_283] : memref<2x128xi32, #tpu.memory_space<vmem>> -> memref<1x128xi32, #tpu.memory_space<vmem>>
    %dma_start3A_285 = tpu.memref_squeeze %dma_start3A_284 : memref<1x128xi32, #tpu.memory_space<vmem>> -> memref<128xi32, #tpu.memory_space<vmem>>
    %dma_start3A_286 = arith.constant 0 : i32
    %dma_start3A_287 = tpu.memref_slice %arg5[%add3A, %dma_start3A_275, %dma_start3A_286] : memref<32x80x128xi32, #tpu.memory_space<hbm>> -> memref<1x1x128xi32, #tpu.memory_space<hbm>>
    %dma_start3A_288 = tpu.memref_squeeze %dma_start3A_287 : memref<1x1x128xi32, #tpu.memory_space<hbm>> -> memref<128xi32, #tpu.memory_space<hbm>>
    tpu.enqueue_dma source(%dma_start3A_288 : memref<128xi32, #tpu.memory_space<hbm>>) target(%dma_start3A_285 : memref<128xi32, #tpu.memory_space<vmem>>) target_semaphore(%arg19 : memref<!tpu.dma_semaphore, #tpu.memory_space<semaphore_mem>>)
    %dma_start3A_289 = arith.constant 0 : i32
    %dma_start3A_290 = arith.constant 0 : i32
    %dma_start3A_291 = arith.constant 0 : i32
    %dma_start3A_292 = tpu.memref_slice %arg11[%dma_start3A_289, %dma_start3A_290, %dma_start3A_291] : memref<2x128x128xf32, #tpu.memory_space<vmem>> -> memref<1x128x128xf32, #tpu.memory_space<vmem>>
    %dma_start3A_293 = tpu.memref_squeeze %dma_start3A_292 : memref<1x128x128xf32, #tpu.memory_space<vmem>> -> memref<128x128xf32, #tpu.memory_space<vmem>>
    %dma_start3A_294 = arith.constant 0 : i32
    %dma_start3A_295 = arith.constant 0 : i32
    %dma_start3A_296 = tpu.memref_slice %arg2[%dma_start3A_294, %dma_start3A_295] : memref<10000x128xf32, #tpu.memory_space<hbm>> -> memref<128x128xf32, #tpu.memory_space<hbm>>
    %dma_start3A_297 = arith.constant 0 : i32
    %dma_start3A_298 = arith.constant 0 : i32
    %dma_start3A_299 = tpu.memref_slice %arg11[%dma_start3A_289, %dma_start3A_297, %dma_start3A_298] : memref<2x128x128xf32, #tpu.memory_space<vmem>> -> memref<1x128x128xf32, #tpu.memory_space<vmem>>
    %dma_start3A_300 = tpu.memref_squeeze %dma_start3A_299 : memref<1x128x128xf32, #tpu.memory_space<vmem>> -> memref<128x128xf32, #tpu.memory_space<vmem>>
    %dma_start3A_301 = arith.constant 0 : i32
    %dma_start3A_302 = arith.constant 0 : i32
    %dma_start3A_303 = tpu.memref_slice %arg2[%dma_start3A_301, %dma_start3A_302] : memref<10000x128xf32, #tpu.memory_space<hbm>> -> memref<128x128xf32, #tpu.memory_space<hbm>>
    tpu.enqueue_dma source(%dma_start3A_303 : memref<128x128xf32, #tpu.memory_space<hbm>>) target(%dma_start3A_300 : memref<128x128xf32, #tpu.memory_space<vmem>>) target_semaphore(%arg14 : memref<!tpu.dma_semaphore, #tpu.memory_space<semaphore_mem>>)
    %scan3A_304 = arith.constant 0 : i32
    %scan3A_305 = arith.constant 0 : i32
    %scan3A_306 = arith.constant 40 : i32
    %scan3A_307 = arith.addi %scan3A_305, %scan3A_306 : i32
    %scan3A_308 = arith.constant 1 : i32
    scf.for %scan3A_331 = %scan3A_305 to %scan3A_307 step %scan3A_308  : i32 {
      %mul3A_332 = arith.constant 2 : i32
      %mul3A_333 = arith.muli %mul3A_332, %scan3A_331 : i32
      %add3A_334 = arith.constant 0 : i32
      %add3A_335 = arith.addi %mul3A_333, %add3A_334 : i32
      %add3A_336 = arith.constant 1 : i32
      %add3A_337 = arith.addi %add3A_335, %add3A_336 : i32
      %lt3A = arith.constant 80 : i32
      %lt3A_338 = arith.cmpi slt, %add3A_337, %lt3A : i32
      %convert_element_type3A = arith.extui %lt3A_338 : i1 to i32
      %cond3A = arith.constant 0 : i32
      %cond3A_339 = arith.cmpi ne, %convert_element_type3A, %cond3A : i32
      scf.if %cond3A_339 {
        %ge3A = arith.constant 1 : i32
        %ge3A_433 = arith.cmpi sge, %add3A_335, %ge3A : i32
        %convert_element_type3A_434 = arith.extui %ge3A_433 : i1 to i32
        %cond3A_435 = arith.constant 0 : i32
        %cond3A_436 = arith.cmpi ne, %convert_element_type3A_434, %cond3A_435 : i32
        scf.if %cond3A_436 {
          %add3A_482 = arith.constant 1 : i32
          %add3A_483 = arith.addi %add3A_335, %add3A_482 : i32
          %dma_start3A_484 = arith.constant 1 : i32
          %dma_start3A_485 = arith.constant 0 : i32
          %dma_start3A_486 = tpu.memref_slice %arg9[%dma_start3A_484, %dma_start3A_485] : memref<2x128xi32, #tpu.memory_space<vmem>> -> memref<1x128xi32, #tpu.memory_space<vmem>>
          %dma_start3A_487 = tpu.memref_squeeze %dma_start3A_486 : memref<1x128xi32, #tpu.memory_space<vmem>> -> memref<128xi32, #tpu.memory_space<vmem>>
          %dma_start3A_488 = arith.constant 0 : i32
          %dma_start3A_489 = tpu.memref_slice %arg5[%add3A, %add3A_483, %dma_start3A_488] : memref<32x80x128xi32, #tpu.memory_space<hbm>> -> memref<1x1x128xi32, #tpu.memory_space<hbm>>
          %dma_start3A_490 = tpu.memref_squeeze %dma_start3A_489 : memref<1x1x128xi32, #tpu.memory_space<hbm>> -> memref<128xi32, #tpu.memory_space<hbm>>
          %dma_start3A_491 = arith.constant 0 : i32
          %dma_start3A_492 = tpu.memref_slice %arg9[%dma_start3A_484, %dma_start3A_491] : memref<2x128xi32, #tpu.memory_space<vmem>> -> memref<1x128xi32, #tpu.memory_space<vmem>>
          %dma_start3A_493 = tpu.memref_squeeze %dma_start3A_492 : memref<1x128xi32, #tpu.memory_space<vmem>> -> memref<128xi32, #tpu.memory_space<vmem>>
          %dma_start3A_494 = arith.constant 0 : i32
          %dma_start3A_495 = tpu.memref_slice %arg5[%add3A, %add3A_483, %dma_start3A_494] : memref<32x80x128xi32, #tpu.memory_space<hbm>> -> memref<1x1x128xi32, #tpu.memory_space<hbm>>
          %dma_start3A_496 = tpu.memref_squeeze %dma_start3A_495 : memref<1x1x128xi32, #tpu.memory_space<hbm>> -> memref<128xi32, #tpu.memory_space<hbm>>
          tpu.enqueue_dma source(%dma_start3A_496 : memref<128xi32, #tpu.memory_space<hbm>>) target(%dma_start3A_493 : memref<128xi32, #tpu.memory_space<vmem>>) target_semaphore(%arg19 : memref<!tpu.dma_semaphore, #tpu.memory_space<semaphore_mem>>)
        } else {
        }
        %add3A_437 = arith.constant 1 : i32
        %add3A_438 = arith.addi %add3A_335, %add3A_437 : i32
        %mul3A_439 = arith.constant 128 : i32
        %mul3A_440 = arith.muli %add3A_438, %mul3A_439 : i32
        %mul3A_441 = arith.constant 4 : i32
        %mul3A_442 = arith.muli %mul3A_440, %mul3A_441 : i32
        %dma_wait3A_443 = arith.constant 1 : i32
        %dma_wait3A_444 = arith.constant 0 : i32
        %dma_wait3A_445 = tpu.memref_slice %arg8[%dma_wait3A_443, %dma_wait3A_444] : memref<2x128xi32, #tpu.memory_space<vmem>> -> memref<1x128xi32, #tpu.memory_space<vmem>>
        %dma_wait3A_446 = tpu.memref_squeeze %dma_wait3A_445 : memref<1x128xi32, #tpu.memory_space<vmem>> -> memref<128xi32, #tpu.memory_space<vmem>>
        %dma_wait3A_447 = arith.constant 0 : i32
        %dma_wait3A_448 = tpu.memref_slice %arg4[%add3A, %add3A_438, %dma_wait3A_447] : memref<32x80x128xi32, #tpu.memory_space<hbm>> -> memref<1x1x128xi32, #tpu.memory_space<hbm>>
        %dma_wait3A_449 = tpu.memref_squeeze %dma_wait3A_448 : memref<1x1x128xi32, #tpu.memory_space<hbm>> -> memref<128xi32, #tpu.memory_space<hbm>>
        %dma_wait3A_450 = arith.constant 0 : i32
        %dma_wait3A_451 = tpu.memref_slice %arg8[%dma_wait3A_443, %dma_wait3A_450] : memref<2x128xi32, #tpu.memory_space<vmem>> -> memref<1x128xi32, #tpu.memory_space<vmem>>
        %dma_wait3A_452 = tpu.memref_squeeze %dma_wait3A_451 : memref<1x128xi32, #tpu.memory_space<vmem>> -> memref<128xi32, #tpu.memory_space<vmem>>
        %dma_wait3A_453 = arith.constant 0 : i32
        %dma_wait3A_454 = tpu.memref_slice %arg4[%add3A, %add3A_438, %dma_wait3A_453] : memref<32x80x128xi32, #tpu.memory_space<hbm>> -> memref<1x1x128xi32, #tpu.memory_space<hbm>>
        %dma_wait3A_455 = tpu.memref_squeeze %dma_wait3A_454 : memref<1x1x128xi32, #tpu.memory_space<hbm>> -> memref<128xi32, #tpu.memory_space<hbm>>
        tpu.wait_dma2 semaphore(%arg17 : memref<!tpu.dma_semaphore, #tpu.memory_space<semaphore_mem>>) src(%dma_wait3A_455 : memref<128xi32, #tpu.memory_space<hbm>>) dst(%dma_wait3A_452 : memref<128xi32, #tpu.memory_space<vmem>>)
        %dma_wait3A_456 = arith.constant 1 : i32
        %dma_wait3A_457 = arith.constant 0 : i32
        %dma_wait3A_458 = tpu.memref_slice %arg10[%dma_wait3A_456, %dma_wait3A_457] : memref<2x512xf32, #tpu.memory_space<vmem>> -> memref<1x512xf32, #tpu.memory_space<vmem>>
        %dma_wait3A_459 = tpu.memref_squeeze %dma_wait3A_458 : memref<1x512xf32, #tpu.memory_space<vmem>> -> memref<512xf32, #tpu.memory_space<vmem>>
        %dma_wait3A_460 = tpu.memref_slice %arg3[%add3A, %mul3A_442] : memref<32x40960xf32, #tpu.memory_space<hbm>> -> memref<1x512xf32, #tpu.memory_space<hbm>>
        %dma_wait3A_461 = tpu.memref_squeeze %dma_wait3A_460 : memref<1x512xf32, #tpu.memory_space<hbm>> -> memref<512xf32, #tpu.memory_space<hbm>>
        %dma_wait3A_462 = arith.constant 0 : i32
        %dma_wait3A_463 = tpu.memref_slice %arg10[%dma_wait3A_456, %dma_wait3A_462] : memref<2x512xf32, #tpu.memory_space<vmem>> -> memref<1x512xf32, #tpu.memory_space<vmem>>
        %dma_wait3A_464 = tpu.memref_squeeze %dma_wait3A_463 : memref<1x512xf32, #tpu.memory_space<vmem>> -> memref<512xf32, #tpu.memory_space<vmem>>
        %dma_wait3A_465 = tpu.memref_slice %arg3[%add3A, %mul3A_442] : memref<32x40960xf32, #tpu.memory_space<hbm>> -> memref<1x512xf32, #tpu.memory_space<hbm>>
        %dma_wait3A_466 = tpu.memref_squeeze %dma_wait3A_465 : memref<1x512xf32, #tpu.memory_space<hbm>> -> memref<512xf32, #tpu.memory_space<hbm>>
        tpu.wait_dma2 semaphore(%arg17 : memref<!tpu.dma_semaphore, #tpu.memory_space<semaphore_mem>>) src(%dma_wait3A_466 : memref<512xf32, #tpu.memory_space<hbm>>) dst(%dma_wait3A_464 : memref<512xf32, #tpu.memory_space<vmem>>)
        %dma_start3A_467 = arith.constant 1 : i32
        %dma_start3A_468 = arith.constant 0 : i32
        %dma_start3A_469 = arith.constant 0 : i32
        %dma_start3A_470 = tpu.memref_slice %arg11[%dma_start3A_467, %dma_start3A_468, %dma_start3A_469] : memref<2x128x128xf32, #tpu.memory_space<vmem>> -> memref<1x128x128xf32, #tpu.memory_space<vmem>>
        %dma_start3A_471 = tpu.memref_squeeze %dma_start3A_470 : memref<1x128x128xf32, #tpu.memory_space<vmem>> -> memref<128x128xf32, #tpu.memory_space<vmem>>
        %dma_start3A_472 = arith.constant 0 : i32
        %dma_start3A_473 = arith.constant 0 : i32
        %dma_start3A_474 = tpu.memref_slice %arg2[%dma_start3A_472, %dma_start3A_473] : memref<10000x128xf32, #tpu.memory_space<hbm>> -> memref<128x128xf32, #tpu.memory_space<hbm>>
        %dma_start3A_475 = arith.constant 0 : i32
        %dma_start3A_476 = arith.constant 0 : i32
        %dma_start3A_477 = tpu.memref_slice %arg11[%dma_start3A_467, %dma_start3A_475, %dma_start3A_476] : memref<2x128x128xf32, #tpu.memory_space<vmem>> -> memref<1x128x128xf32, #tpu.memory_space<vmem>>
        %dma_start3A_478 = tpu.memref_squeeze %dma_start3A_477 : memref<1x128x128xf32, #tpu.memory_space<vmem>> -> memref<128x128xf32, #tpu.memory_space<vmem>>
        %dma_start3A_479 = arith.constant 0 : i32
        %dma_start3A_480 = arith.constant 0 : i32
        %dma_start3A_481 = tpu.memref_slice %arg2[%dma_start3A_479, %dma_start3A_480] : memref<10000x128xf32, #tpu.memory_space<hbm>> -> memref<128x128xf32, #tpu.memory_space<hbm>>
        tpu.enqueue_dma source(%dma_start3A_481 : memref<128x128xf32, #tpu.memory_space<hbm>>) target(%dma_start3A_478 : memref<128x128xf32, #tpu.memory_space<vmem>>) target_semaphore(%arg15 : memref<!tpu.dma_semaphore, #tpu.memory_space<semaphore_mem>>)
      } else {
      }
      %dma_wait3A_340 = arith.constant 0 : i32
      %dma_wait3A_341 = arith.constant 0 : i32
      %dma_wait3A_342 = arith.constant 0 : i32
      %dma_wait3A_343 = tpu.memref_slice %arg11[%dma_wait3A_340, %dma_wait3A_341, %dma_wait3A_342] : memref<2x128x128xf32, #tpu.memory_space<vmem>> -> memref<1x128x128xf32, #tpu.memory_space<vmem>>
      %dma_wait3A_344 = tpu.memref_squeeze %dma_wait3A_343 : memref<1x128x128xf32, #tpu.memory_space<vmem>> -> memref<128x128xf32, #tpu.memory_space<vmem>>
      %dma_wait3A_345 = arith.constant 0 : i32
      %dma_wait3A_346 = arith.constant 0 : i32
      %dma_wait3A_347 = tpu.memref_slice %arg2[%dma_wait3A_345, %dma_wait3A_346] : memref<10000x128xf32, #tpu.memory_space<hbm>> -> memref<128x128xf32, #tpu.memory_space<hbm>>
      %dma_wait3A_348 = arith.constant 0 : i32
      %dma_wait3A_349 = arith.constant 0 : i32
      %dma_wait3A_350 = tpu.memref_slice %arg11[%dma_wait3A_340, %dma_wait3A_348, %dma_wait3A_349] : memref<2x128x128xf32, #tpu.memory_space<vmem>> -> memref<1x128x128xf32, #tpu.memory_space<vmem>>
      %dma_wait3A_351 = tpu.memref_squeeze %dma_wait3A_350 : memref<1x128x128xf32, #tpu.memory_space<vmem>> -> memref<128x128xf32, #tpu.memory_space<vmem>>
      %dma_wait3A_352 = arith.constant 0 : i32
      %dma_wait3A_353 = arith.constant 0 : i32
      %dma_wait3A_354 = tpu.memref_slice %arg2[%dma_wait3A_352, %dma_wait3A_353] : memref<10000x128xf32, #tpu.memory_space<hbm>> -> memref<128x128xf32, #tpu.memory_space<hbm>>
      tpu.wait_dma2 semaphore(%arg14 : memref<!tpu.dma_semaphore, #tpu.memory_space<semaphore_mem>>) src(%dma_wait3A_354 : memref<128x128xf32, #tpu.memory_space<hbm>>) dst(%dma_wait3A_351 : memref<128x128xf32, #tpu.memory_space<vmem>>)
      %scan3A_355 = arith.constant 0 : i32
      %scan3A_356 = arith.constant 0 : i32
      %scan3A_357 = arith.constant 32 : i32
      %scan3A_358 = arith.addi %scan3A_356, %scan3A_357 : i32
      %scan3A_359 = arith.constant 1 : i32
      scf.for %scan3A_433 = %scan3A_356 to %scan3A_358 step %scan3A_359  : i32 {
      }
      %scan3A_360 = arith.constant 32 : i32
      %dma_wait3A_361 = arith.constant 0 : i32
      %dma_wait3A_362 = arith.constant 0 : i32
      %dma_wait3A_363 = tpu.memref_slice %arg9[%dma_wait3A_361, %dma_wait3A_362] : memref<2x128xi32, #tpu.memory_space<vmem>> -> memref<1x128xi32, #tpu.memory_space<vmem>>
      %dma_wait3A_364 = tpu.memref_squeeze %dma_wait3A_363 : memref<1x128xi32, #tpu.memory_space<vmem>> -> memref<128xi32, #tpu.memory_space<vmem>>
      %dma_wait3A_365 = arith.constant 0 : i32
      %dma_wait3A_366 = tpu.memref_slice %arg5[%add3A, %add3A_335, %dma_wait3A_365] : memref<32x80x128xi32, #tpu.memory_space<hbm>> -> memref<1x1x128xi32, #tpu.memory_space<hbm>>
      %dma_wait3A_367 = tpu.memref_squeeze %dma_wait3A_366 : memref<1x1x128xi32, #tpu.memory_space<hbm>> -> memref<128xi32, #tpu.memory_space<hbm>>
      %dma_wait3A_368 = arith.constant 0 : i32
      %dma_wait3A_369 = tpu.memref_slice %arg9[%dma_wait3A_361, %dma_wait3A_368] : memref<2x128xi32, #tpu.memory_space<vmem>> -> memref<1x128xi32, #tpu.memory_space<vmem>>
      %dma_wait3A_370 = tpu.memref_squeeze %dma_wait3A_369 : memref<1x128xi32, #tpu.memory_space<vmem>> -> memref<128xi32, #tpu.memory_space<vmem>>
      %dma_wait3A_371 = arith.constant 0 : i32
      %dma_wait3A_372 = tpu.memref_slice %arg5[%add3A, %add3A_335, %dma_wait3A_371] : memref<32x80x128xi32, #tpu.memory_space<hbm>> -> memref<1x1x128xi32, #tpu.memory_space<hbm>>
      %dma_wait3A_373 = tpu.memref_squeeze %dma_wait3A_372 : memref<1x1x128xi32, #tpu.memory_space<hbm>> -> memref<128xi32, #tpu.memory_space<hbm>>
      tpu.wait_dma2 semaphore(%arg18 : memref<!tpu.dma_semaphore, #tpu.memory_space<semaphore_mem>>) src(%dma_wait3A_373 : memref<128xi32, #tpu.memory_space<hbm>>) dst(%dma_wait3A_370 : memref<128xi32, #tpu.memory_space<vmem>>)
      %add3A_374 = arith.constant 2 : i32
      %add3A_375 = arith.addi %add3A_335, %add3A_374 : i32
      %lt3A_376 = arith.constant 80 : i32
      %lt3A_377 = arith.cmpi slt, %add3A_375, %lt3A_376 : i32
      %convert_element_type3A_378 = arith.extui %lt3A_377 : i1 to i32
      %cond3A_379 = arith.constant 0 : i32
      %cond3A_380 = arith.cmpi ne, %convert_element_type3A_378, %cond3A_379 : i32
      scf.if %cond3A_380 {
        %add3A_433 = arith.constant 2 : i32
        %add3A_434 = arith.addi %add3A_335, %add3A_433 : i32
        %mul3A_435 = arith.constant 128 : i32
        %mul3A_436 = arith.muli %add3A_434, %mul3A_435 : i32
        %mul3A_437 = arith.constant 4 : i32
        %mul3A_438 = arith.muli %mul3A_436, %mul3A_437 : i32
        %dma_start3A_439 = arith.constant 0 : i32
        %dma_start3A_440 = arith.constant 0 : i32
        %dma_start3A_441 = tpu.memref_slice %arg8[%dma_start3A_439, %dma_start3A_440] : memref<2x128xi32, #tpu.memory_space<vmem>> -> memref<1x128xi32, #tpu.memory_space<vmem>>
        %dma_start3A_442 = tpu.memref_squeeze %dma_start3A_441 : memref<1x128xi32, #tpu.memory_space<vmem>> -> memref<128xi32, #tpu.memory_space<vmem>>
        %dma_start3A_443 = arith.constant 0 : i32
        %dma_start3A_444 = tpu.memref_slice %arg4[%add3A, %add3A_434, %dma_start3A_443] : memref<32x80x128xi32, #tpu.memory_space<hbm>> -> memref<1x1x128xi32, #tpu.memory_space<hbm>>
        %dma_start3A_445 = tpu.memref_squeeze %dma_start3A_444 : memref<1x1x128xi32, #tpu.memory_space<hbm>> -> memref<128xi32, #tpu.memory_space<hbm>>
        %dma_start3A_446 = arith.constant 0 : i32
        %dma_start3A_447 = tpu.memref_slice %arg8[%dma_start3A_439, %dma_start3A_446] : memref<2x128xi32, #tpu.memory_space<vmem>> -> memref<1x128xi32, #tpu.memory_space<vmem>>
        %dma_start3A_448 = tpu.memref_squeeze %dma_start3A_447 : memref<1x128xi32, #tpu.memory_space<vmem>> -> memref<128xi32, #tpu.memory_space<vmem>>
        %dma_start3A_449 = arith.constant 0 : i32
        %dma_start3A_450 = tpu.memref_slice %arg4[%add3A, %add3A_434, %dma_start3A_449] : memref<32x80x128xi32, #tpu.memory_space<hbm>> -> memref<1x1x128xi32, #tpu.memory_space<hbm>>
        %dma_start3A_451 = tpu.memref_squeeze %dma_start3A_450 : memref<1x1x128xi32, #tpu.memory_space<hbm>> -> memref<128xi32, #tpu.memory_space<hbm>>
        tpu.enqueue_dma source(%dma_start3A_451 : memref<128xi32, #tpu.memory_space<hbm>>) target(%dma_start3A_448 : memref<128xi32, #tpu.memory_space<vmem>>) target_semaphore(%arg16 : memref<!tpu.dma_semaphore, #tpu.memory_space<semaphore_mem>>)
        %dma_start3A_452 = arith.constant 0 : i32
        %dma_start3A_453 = arith.constant 0 : i32
        %dma_start3A_454 = tpu.memref_slice %arg10[%dma_start3A_452, %dma_start3A_453] : memref<2x512xf32, #tpu.memory_space<vmem>> -> memref<1x512xf32, #tpu.memory_space<vmem>>
        %dma_start3A_455 = tpu.memref_squeeze %dma_start3A_454 : memref<1x512xf32, #tpu.memory_space<vmem>> -> memref<512xf32, #tpu.memory_space<vmem>>
        %dma_start3A_456 = tpu.memref_slice %arg3[%add3A, %mul3A_438] : memref<32x40960xf32, #tpu.memory_space<hbm>> -> memref<1x512xf32, #tpu.memory_space<hbm>>
        %dma_start3A_457 = tpu.memref_squeeze %dma_start3A_456 : memref<1x512xf32, #tpu.memory_space<hbm>> -> memref<512xf32, #tpu.memory_space<hbm>>
        %dma_start3A_458 = arith.constant 0 : i32
        %dma_start3A_459 = tpu.memref_slice %arg10[%dma_start3A_452, %dma_start3A_458] : memref<2x512xf32, #tpu.memory_space<vmem>> -> memref<1x512xf32, #tpu.memory_space<vmem>>
        %dma_start3A_460 = tpu.memref_squeeze %dma_start3A_459 : memref<1x512xf32, #tpu.memory_space<vmem>> -> memref<512xf32, #tpu.memory_space<vmem>>
        %dma_start3A_461 = tpu.memref_slice %arg3[%add3A, %mul3A_438] : memref<32x40960xf32, #tpu.memory_space<hbm>> -> memref<1x512xf32, #tpu.memory_space<hbm>>
        %dma_start3A_462 = tpu.memref_squeeze %dma_start3A_461 : memref<1x512xf32, #tpu.memory_space<hbm>> -> memref<512xf32, #tpu.memory_space<hbm>>
        tpu.enqueue_dma source(%dma_start3A_462 : memref<512xf32, #tpu.memory_space<hbm>>) target(%dma_start3A_460 : memref<512xf32, #tpu.memory_space<vmem>>) target_semaphore(%arg16 : memref<!tpu.dma_semaphore, #tpu.memory_space<semaphore_mem>>)
      } else {
      }
      %mul3A_381 = arith.constant 2 : i32
      %mul3A_382 = arith.muli %mul3A_381, %scan3A_331 : i32
      %add3A_383 = arith.constant 1 : i32
      %add3A_384 = arith.addi %mul3A_382, %add3A_383 : i32
      %add3A_385 = arith.constant 1 : i32
      %add3A_386 = arith.addi %add3A_384, %add3A_385 : i32
      %lt3A_387 = arith.constant 80 : i32
      %lt3A_388 = arith.cmpi slt, %add3A_386, %lt3A_387 : i32
      %convert_element_type3A_389 = arith.extui %lt3A_388 : i1 to i32
      %cond3A_390 = arith.constant 0 : i32
      %cond3A_391 = arith.cmpi ne, %convert_element_type3A_389, %cond3A_390 : i32
      scf.if %cond3A_391 {
        %ge3A = arith.constant 1 : i32
        %ge3A_433 = arith.cmpi sge, %add3A_384, %ge3A : i32
        %convert_element_type3A_434 = arith.extui %ge3A_433 : i1 to i32
        %cond3A_435 = arith.constant 0 : i32
        %cond3A_436 = arith.cmpi ne, %convert_element_type3A_434, %cond3A_435 : i32
        scf.if %cond3A_436 {
          %add3A_482 = arith.constant 1 : i32
          %add3A_483 = arith.addi %add3A_384, %add3A_482 : i32
          %dma_start3A_484 = arith.constant 0 : i32
          %dma_start3A_485 = arith.constant 0 : i32
          %dma_start3A_486 = tpu.memref_slice %arg9[%dma_start3A_484, %dma_start3A_485] : memref<2x128xi32, #tpu.memory_space<vmem>> -> memref<1x128xi32, #tpu.memory_space<vmem>>
          %dma_start3A_487 = tpu.memref_squeeze %dma_start3A_486 : memref<1x128xi32, #tpu.memory_space<vmem>> -> memref<128xi32, #tpu.memory_space<vmem>>
          %dma_start3A_488 = arith.constant 0 : i32
          %dma_start3A_489 = tpu.memref_slice %arg5[%add3A, %add3A_483, %dma_start3A_488] : memref<32x80x128xi32, #tpu.memory_space<hbm>> -> memref<1x1x128xi32, #tpu.memory_space<hbm>>
          %dma_start3A_490 = tpu.memref_squeeze %dma_start3A_489 : memref<1x1x128xi32, #tpu.memory_space<hbm>> -> memref<128xi32, #tpu.memory_space<hbm>>
          %dma_start3A_491 = arith.constant 0 : i32
          %dma_start3A_492 = tpu.memref_slice %arg9[%dma_start3A_484, %dma_start3A_491] : memref<2x128xi32, #tpu.memory_space<vmem>> -> memref<1x128xi32, #tpu.memory_space<vmem>>
          %dma_start3A_493 = tpu.memref_squeeze %dma_start3A_492 : memref<1x128xi32, #tpu.memory_space<vmem>> -> memref<128xi32, #tpu.memory_space<vmem>>
          %dma_start3A_494 = arith.constant 0 : i32
          %dma_start3A_495 = tpu.memref_slice %arg5[%add3A, %add3A_483, %dma_start3A_494] : memref<32x80x128xi32, #tpu.memory_space<hbm>> -> memref<1x1x128xi32, #tpu.memory_space<hbm>>
          %dma_start3A_496 = tpu.memref_squeeze %dma_start3A_495 : memref<1x1x128xi32, #tpu.memory_space<hbm>> -> memref<128xi32, #tpu.memory_space<hbm>>
          tpu.enqueue_dma source(%dma_start3A_496 : memref<128xi32, #tpu.memory_space<hbm>>) target(%dma_start3A_493 : memref<128xi32, #tpu.memory_space<vmem>>) target_semaphore(%arg18 : memref<!tpu.dma_semaphore, #tpu.memory_space<semaphore_mem>>)
        } else {
        }
        %add3A_437 = arith.constant 1 : i32
        %add3A_438 = arith.addi %add3A_384, %add3A_437 : i32
        %mul3A_439 = arith.constant 128 : i32
        %mul3A_440 = arith.muli %add3A_438, %mul3A_439 : i32
        %mul3A_441 = arith.constant 4 : i32
        %mul3A_442 = arith.muli %mul3A_440, %mul3A_441 : i32
        %dma_wait3A_443 = arith.constant 0 : i32
        %dma_wait3A_444 = arith.constant 0 : i32
        %dma_wait3A_445 = tpu.memref_slice %arg8[%dma_wait3A_443, %dma_wait3A_444] : memref<2x128xi32, #tpu.memory_space<vmem>> -> memref<1x128xi32, #tpu.memory_space<vmem>>
        %dma_wait3A_446 = tpu.memref_squeeze %dma_wait3A_445 : memref<1x128xi32, #tpu.memory_space<vmem>> -> memref<128xi32, #tpu.memory_space<vmem>>
        %dma_wait3A_447 = arith.constant 0 : i32
        %dma_wait3A_448 = tpu.memref_slice %arg4[%add3A, %add3A_438, %dma_wait3A_447] : memref<32x80x128xi32, #tpu.memory_space<hbm>> -> memref<1x1x128xi32, #tpu.memory_space<hbm>>
        %dma_wait3A_449 = tpu.memref_squeeze %dma_wait3A_448 : memref<1x1x128xi32, #tpu.memory_space<hbm>> -> memref<128xi32, #tpu.memory_space<hbm>>
        %dma_wait3A_450 = arith.constant 0 : i32
        %dma_wait3A_451 = tpu.memref_slice %arg8[%dma_wait3A_443, %dma_wait3A_450] : memref<2x128xi32, #tpu.memory_space<vmem>> -> memref<1x128xi32, #tpu.memory_space<vmem>>
        %dma_wait3A_452 = tpu.memref_squeeze %dma_wait3A_451 : memref<1x128xi32, #tpu.memory_space<vmem>> -> memref<128xi32, #tpu.memory_space<vmem>>
        %dma_wait3A_453 = arith.constant 0 : i32
        %dma_wait3A_454 = tpu.memref_slice %arg4[%add3A, %add3A_438, %dma_wait3A_453] : memref<32x80x128xi32, #tpu.memory_space<hbm>> -> memref<1x1x128xi32, #tpu.memory_space<hbm>>
        %dma_wait3A_455 = tpu.memref_squeeze %dma_wait3A_454 : memref<1x1x128xi32, #tpu.memory_space<hbm>> -> memref<128xi32, #tpu.memory_space<hbm>>
        tpu.wait_dma2 semaphore(%arg16 : memref<!tpu.dma_semaphore, #tpu.memory_space<semaphore_mem>>) src(%dma_wait3A_455 : memref<128xi32, #tpu.memory_space<hbm>>) dst(%dma_wait3A_452 : memref<128xi32, #tpu.memory_space<vmem>>)
        %dma_wait3A_456 = arith.constant 0 : i32
        %dma_wait3A_457 = arith.constant 0 : i32
        %dma_wait3A_458 = tpu.memref_slice %arg10[%dma_wait3A_456, %dma_wait3A_457] : memref<2x512xf32, #tpu.memory_space<vmem>> -> memref<1x512xf32, #tpu.memory_space<vmem>>
        %dma_wait3A_459 = tpu.memref_squeeze %dma_wait3A_458 : memref<1x512xf32, #tpu.memory_space<vmem>> -> memref<512xf32, #tpu.memory_space<vmem>>
        %dma_wait3A_460 = tpu.memref_slice %arg3[%add3A, %mul3A_442] : memref<32x40960xf32, #tpu.memory_space<hbm>> -> memref<1x512xf32, #tpu.memory_space<hbm>>
        %dma_wait3A_461 = tpu.memref_squeeze %dma_wait3A_460 : memref<1x512xf32, #tpu.memory_space<hbm>> -> memref<512xf32, #tpu.memory_space<hbm>>
        %dma_wait3A_462 = arith.constant 0 : i32
        %dma_wait3A_463 = tpu.memref_slice %arg10[%dma_wait3A_456, %dma_wait3A_462] : memref<2x512xf32, #tpu.memory_space<vmem>> -> memref<1x512xf32, #tpu.memory_space<vmem>>
        %dma_wait3A_464 = tpu.memref_squeeze %dma_wait3A_463 : memref<1x512xf32, #tpu.memory_space<vmem>> -> memref<512xf32, #tpu.memory_space<vmem>>
        %dma_wait3A_465 = tpu.memref_slice %arg3[%add3A, %mul3A_442] : memref<32x40960xf32, #tpu.memory_space<hbm>> -> memref<1x512xf32, #tpu.memory_space<hbm>>
        %dma_wait3A_466 = tpu.memref_squeeze %dma_wait3A_465 : memref<1x512xf32, #tpu.memory_space<hbm>> -> memref<512xf32, #tpu.memory_space<hbm>>
        tpu.wait_dma2 semaphore(%arg16 : memref<!tpu.dma_semaphore, #tpu.memory_space<semaphore_mem>>) src(%dma_wait3A_466 : memref<512xf32, #tpu.memory_space<hbm>>) dst(%dma_wait3A_464 : memref<512xf32, #tpu.memory_space<vmem>>)
        %dma_start3A_467 = arith.constant 0 : i32
        %dma_start3A_468 = arith.constant 0 : i32
        %dma_start3A_469 = arith.constant 0 : i32
        %dma_start3A_470 = tpu.memref_slice %arg11[%dma_start3A_467, %dma_start3A_468, %dma_start3A_469] : memref<2x128x128xf32, #tpu.memory_space<vmem>> -> memref<1x128x128xf32, #tpu.memory_space<vmem>>
        %dma_start3A_471 = tpu.memref_squeeze %dma_start3A_470 : memref<1x128x128xf32, #tpu.memory_space<vmem>> -> memref<128x128xf32, #tpu.memory_space<vmem>>
        %dma_start3A_472 = arith.constant 0 : i32
        %dma_start3A_473 = arith.constant 0 : i32
        %dma_start3A_474 = tpu.memref_slice %arg2[%dma_start3A_472, %dma_start3A_473] : memref<10000x128xf32, #tpu.memory_space<hbm>> -> memref<128x128xf32, #tpu.memory_space<hbm>>
        %dma_start3A_475 = arith.constant 0 : i32
        %dma_start3A_476 = arith.constant 0 : i32
        %dma_start3A_477 = tpu.memref_slice %arg11[%dma_start3A_467, %dma_start3A_475, %dma_start3A_476] : memref<2x128x128xf32, #tpu.memory_space<vmem>> -> memref<1x128x128xf32, #tpu.memory_space<vmem>>
        %dma_start3A_478 = tpu.memref_squeeze %dma_start3A_477 : memref<1x128x128xf32, #tpu.memory_space<vmem>> -> memref<128x128xf32, #tpu.memory_space<vmem>>
        %dma_start3A_479 = arith.constant 0 : i32
        %dma_start3A_480 = arith.constant 0 : i32
        %dma_start3A_481 = tpu.memref_slice %arg2[%dma_start3A_479, %dma_start3A_480] : memref<10000x128xf32, #tpu.memory_space<hbm>> -> memref<128x128xf32, #tpu.memory_space<hbm>>
        tpu.enqueue_dma source(%dma_start3A_481 : memref<128x128xf32, #tpu.memory_space<hbm>>) target(%dma_start3A_478 : memref<128x128xf32, #tpu.memory_space<vmem>>) target_semaphore(%arg14 : memref<!tpu.dma_semaphore, #tpu.memory_space<semaphore_mem>>)
      } else {
      }
      %dma_wait3A_392 = arith.constant 1 : i32
      %dma_wait3A_393 = arith.constant 0 : i32
      %dma_wait3A_394 = arith.constant 0 : i32
      %dma_wait3A_395 = tpu.memref_slice %arg11[%dma_wait3A_392, %dma_wait3A_393, %dma_wait3A_394] : memref<2x128x128xf32, #tpu.memory_space<vmem>> -> memref<1x128x128xf32, #tpu.memory_space<vmem>>
      %dma_wait3A_396 = tpu.memref_squeeze %dma_wait3A_395 : memref<1x128x128xf32, #tpu.memory_space<vmem>> -> memref<128x128xf32, #tpu.memory_space<vmem>>
      %dma_wait3A_397 = arith.constant 0 : i32
      %dma_wait3A_398 = arith.constant 0 : i32
      %dma_wait3A_399 = tpu.memref_slice %arg2[%dma_wait3A_397, %dma_wait3A_398] : memref<10000x128xf32, #tpu.memory_space<hbm>> -> memref<128x128xf32, #tpu.memory_space<hbm>>
      %dma_wait3A_400 = arith.constant 0 : i32
      %dma_wait3A_401 = arith.constant 0 : i32
      %dma_wait3A_402 = tpu.memref_slice %arg11[%dma_wait3A_392, %dma_wait3A_400, %dma_wait3A_401] : memref<2x128x128xf32, #tpu.memory_space<vmem>> -> memref<1x128x128xf32, #tpu.memory_space<vmem>>
      %dma_wait3A_403 = tpu.memref_squeeze %dma_wait3A_402 : memref<1x128x128xf32, #tpu.memory_space<vmem>> -> memref<128x128xf32, #tpu.memory_space<vmem>>
      %dma_wait3A_404 = arith.constant 0 : i32
      %dma_wait3A_405 = arith.constant 0 : i32
      %dma_wait3A_406 = tpu.memref_slice %arg2[%dma_wait3A_404, %dma_wait3A_405] : memref<10000x128xf32, #tpu.memory_space<hbm>> -> memref<128x128xf32, #tpu.memory_space<hbm>>
      tpu.wait_dma2 semaphore(%arg15 : memref<!tpu.dma_semaphore, #tpu.memory_space<semaphore_mem>>) src(%dma_wait3A_406 : memref<128x128xf32, #tpu.memory_space<hbm>>) dst(%dma_wait3A_403 : memref<128x128xf32, #tpu.memory_space<vmem>>)
      %scan3A_407 = arith.constant 0 : i32
      %scan3A_408 = arith.constant 0 : i32
      %scan3A_409 = arith.constant 32 : i32
      %scan3A_410 = arith.addi %scan3A_408, %scan3A_409 : i32
      %scan3A_411 = arith.constant 1 : i32
      scf.for %scan3A_433 = %scan3A_408 to %scan3A_410 step %scan3A_411  : i32 {
      }
      %scan3A_412 = arith.constant 32 : i32
      %dma_wait3A_413 = arith.constant 1 : i32
      %dma_wait3A_414 = arith.constant 0 : i32
      %dma_wait3A_415 = tpu.memref_slice %arg9[%dma_wait3A_413, %dma_wait3A_414] : memref<2x128xi32, #tpu.memory_space<vmem>> -> memref<1x128xi32, #tpu.memory_space<vmem>>
      %dma_wait3A_416 = tpu.memref_squeeze %dma_wait3A_415 : memref<1x128xi32, #tpu.memory_space<vmem>> -> memref<128xi32, #tpu.memory_space<vmem>>
      %dma_wait3A_417 = arith.constant 0 : i32
      %dma_wait3A_418 = tpu.memref_slice %arg5[%add3A, %add3A_384, %dma_wait3A_417] : memref<32x80x128xi32, #tpu.memory_space<hbm>> -> memref<1x1x128xi32, #tpu.memory_space<hbm>>
      %dma_wait3A_419 = tpu.memref_squeeze %dma_wait3A_418 : memref<1x1x128xi32, #tpu.memory_space<hbm>> -> memref<128xi32, #tpu.memory_space<hbm>>
      %dma_wait3A_420 = arith.constant 0 : i32
      %dma_wait3A_421 = tpu.memref_slice %arg9[%dma_wait3A_413, %dma_wait3A_420] : memref<2x128xi32, #tpu.memory_space<vmem>> -> memref<1x128xi32, #tpu.memory_space<vmem>>
      %dma_wait3A_422 = tpu.memref_squeeze %dma_wait3A_421 : memref<1x128xi32, #tpu.memory_space<vmem>> -> memref<128xi32, #tpu.memory_space<vmem>>
      %dma_wait3A_423 = arith.constant 0 : i32
      %dma_wait3A_424 = tpu.memref_slice %arg5[%add3A, %add3A_384, %dma_wait3A_423] : memref<32x80x128xi32, #tpu.memory_space<hbm>> -> memref<1x1x128xi32, #tpu.memory_space<hbm>>
      %dma_wait3A_425 = tpu.memref_squeeze %dma_wait3A_424 : memref<1x1x128xi32, #tpu.memory_space<hbm>> -> memref<128xi32, #tpu.memory_space<hbm>>
      tpu.wait_dma2 semaphore(%arg19 : memref<!tpu.dma_semaphore, #tpu.memory_space<semaphore_mem>>) src(%dma_wait3A_425 : memref<128xi32, #tpu.memory_space<hbm>>) dst(%dma_wait3A_422 : memref<128xi32, #tpu.memory_space<vmem>>)
      %add3A_426 = arith.constant 2 : i32
      %add3A_427 = arith.addi %add3A_384, %add3A_426 : i32
      %lt3A_428 = arith.constant 80 : i32
      %lt3A_429 = arith.cmpi slt, %add3A_427, %lt3A_428 : i32
      %convert_element_type3A_430 = arith.extui %lt3A_429 : i1 to i32
      %cond3A_431 = arith.constant 0 : i32
      %cond3A_432 = arith.cmpi ne, %convert_element_type3A_430, %cond3A_431 : i32
      scf.if %cond3A_432 {
        %add3A_433 = arith.constant 2 : i32
        %add3A_434 = arith.addi %add3A_384, %add3A_433 : i32
        %mul3A_435 = arith.constant 128 : i32
        %mul3A_436 = arith.muli %add3A_434, %mul3A_435 : i32
        %mul3A_437 = arith.constant 4 : i32
        %mul3A_438 = arith.muli %mul3A_436, %mul3A_437 : i32
        %dma_start3A_439 = arith.constant 1 : i32
        %dma_start3A_440 = arith.constant 0 : i32
        %dma_start3A_441 = tpu.memref_slice %arg8[%dma_start3A_439, %dma_start3A_440] : memref<2x128xi32, #tpu.memory_space<vmem>> -> memref<1x128xi32, #tpu.memory_space<vmem>>
        %dma_start3A_442 = tpu.memref_squeeze %dma_start3A_441 : memref<1x128xi32, #tpu.memory_space<vmem>> -> memref<128xi32, #tpu.memory_space<vmem>>
        %dma_start3A_443 = arith.constant 0 : i32
        %dma_start3A_444 = tpu.memref_slice %arg4[%add3A, %add3A_434, %dma_start3A_443] : memref<32x80x128xi32, #tpu.memory_space<hbm>> -> memref<1x1x128xi32, #tpu.memory_space<hbm>>
        %dma_start3A_445 = tpu.memref_squeeze %dma_start3A_444 : memref<1x1x128xi32, #tpu.memory_space<hbm>> -> memref<128xi32, #tpu.memory_space<hbm>>
        %dma_start3A_446 = arith.constant 0 : i32
        %dma_start3A_447 = tpu.memref_slice %arg8[%dma_start3A_439, %dma_start3A_446] : memref<2x128xi32, #tpu.memory_space<vmem>> -> memref<1x128xi32, #tpu.memory_space<vmem>>
        %dma_start3A_448 = tpu.memref_squeeze %dma_start3A_447 : memref<1x128xi32, #tpu.memory_space<vmem>> -> memref<128xi32, #tpu.memory_space<vmem>>
        %dma_start3A_449 = arith.constant 0 : i32
        %dma_start3A_450 = tpu.memref_slice %arg4[%add3A, %add3A_434, %dma_start3A_449] : memref<32x80x128xi32, #tpu.memory_space<hbm>> -> memref<1x1x128xi32, #tpu.memory_space<hbm>>
        %dma_start3A_451 = tpu.memref_squeeze %dma_start3A_450 : memref<1x1x128xi32, #tpu.memory_space<hbm>> -> memref<128xi32, #tpu.memory_space<hbm>>
        tpu.enqueue_dma source(%dma_start3A_451 : memref<128xi32, #tpu.memory_space<hbm>>) target(%dma_start3A_448 : memref<128xi32, #tpu.memory_space<vmem>>) target_semaphore(%arg17 : memref<!tpu.dma_semaphore, #tpu.memory_space<semaphore_mem>>)
        %dma_start3A_452 = arith.constant 1 : i32
        %dma_start3A_453 = arith.constant 0 : i32
        %dma_start3A_454 = tpu.memref_slice %arg10[%dma_start3A_452, %dma_start3A_453] : memref<2x512xf32, #tpu.memory_space<vmem>> -> memref<1x512xf32, #tpu.memory_space<vmem>>
        %dma_start3A_455 = tpu.memref_squeeze %dma_start3A_454 : memref<1x512xf32, #tpu.memory_space<vmem>> -> memref<512xf32, #tpu.memory_space<vmem>>
        %dma_start3A_456 = tpu.memref_slice %arg3[%add3A, %mul3A_438] : memref<32x40960xf32, #tpu.memory_space<hbm>> -> memref<1x512xf32, #tpu.memory_space<hbm>>
        %dma_start3A_457 = tpu.memref_squeeze %dma_start3A_456 : memref<1x512xf32, #tpu.memory_space<hbm>> -> memref<512xf32, #tpu.memory_space<hbm>>
        %dma_start3A_458 = arith.constant 0 : i32
        %dma_start3A_459 = tpu.memref_slice %arg10[%dma_start3A_452, %dma_start3A_458] : memref<2x512xf32, #tpu.memory_space<vmem>> -> memref<1x512xf32, #tpu.memory_space<vmem>>
        %dma_start3A_460 = tpu.memref_squeeze %dma_start3A_459 : memref<1x512xf32, #tpu.memory_space<vmem>> -> memref<512xf32, #tpu.memory_space<vmem>>
        %dma_start3A_461 = tpu.memref_slice %arg3[%add3A, %mul3A_438] : memref<32x40960xf32, #tpu.memory_space<hbm>> -> memref<1x512xf32, #tpu.memory_space<hbm>>
        %dma_start3A_462 = tpu.memref_squeeze %dma_start3A_461 : memref<1x512xf32, #tpu.memory_space<hbm>> -> memref<512xf32, #tpu.memory_space<hbm>>
        tpu.enqueue_dma source(%dma_start3A_462 : memref<512xf32, #tpu.memory_space<hbm>>) target(%dma_start3A_460 : memref<512xf32, #tpu.memory_space<vmem>>) target_semaphore(%arg17 : memref<!tpu.dma_semaphore, #tpu.memory_space<semaphore_mem>>)
      } else {
      }
    }
    %scan3A_309 = arith.constant 40 : i32
    %barrier3A_310 = arith.constant 0 : index
    tpu.barrier barrier_id(%barrier3A_310)
    %add3A_311 = arith.constant 0 : i32
    %add3A_312 = arith.addi %mul3A_8, %add3A_311 : i32
    %add3A_313 = arith.constant 0 : i32
    %add3A_314 = arith.addi %mul3A_8, %add3A_313 : i32
    "tpu.region"() ({
      %run_scoped3A_331 = tpu.sem_alloc : memref<!tpu.dma_semaphore, #tpu.memory_space<semaphore_mem>>
      %dma_start3A_332 = arith.constant 0 : i32
      %dma_start3A_333 = tpu.memref_slice %arg7[%arg0, %add3A_314, %dma_start3A_332] : memref<2x10112x128xf32, #tpu.memory_space<hbm>> -> memref<1x128x128xf32, #tpu.memory_space<hbm>>
      %dma_start3A_334 = tpu.memref_squeeze %dma_start3A_333 : memref<1x128x128xf32, #tpu.memory_space<hbm>> -> memref<128x128xf32, #tpu.memory_space<hbm>>
      %dma_start3A_335 = arith.constant 0 : i32
      %dma_start3A_336 = tpu.memref_slice %arg13[%add3A_312, %dma_start3A_335] : memref<10112x128xf32, #tpu.memory_space<vmem_shared>> -> memref<128x128xf32, #tpu.memory_space<vmem_shared>>
      tpu.enqueue_dma source(%dma_start3A_336 : memref<128x128xf32, #tpu.memory_space<vmem_shared>>) target(%dma_start3A_334 : memref<128x128xf32, #tpu.memory_space<hbm>>) target_semaphore(%run_scoped3A_331 : memref<!tpu.dma_semaphore, #tpu.memory_space<semaphore_mem>>)
      %dma_wait3A_337 = arith.constant 0 : i32
      %dma_wait3A_338 = tpu.memref_slice %arg7[%arg0, %add3A_314, %dma_wait3A_337] : memref<2x10112x128xf32, #tpu.memory_space<hbm>> -> memref<1x128x128xf32, #tpu.memory_space<hbm>>
      %dma_wait3A_339 = tpu.memref_squeeze %dma_wait3A_338 : memref<1x128x128xf32, #tpu.memory_space<hbm>> -> memref<128x128xf32, #tpu.memory_space<hbm>>
      %dma_wait3A_340 = arith.constant 0 : i32
      %dma_wait3A_341 = tpu.memref_slice %arg13[%add3A_312, %dma_wait3A_340] : memref<10112x128xf32, #tpu.memory_space<vmem_shared>> -> memref<128x128xf32, #tpu.memory_space<vmem_shared>>
      tpu.wait_dma2 semaphore(%run_scoped3A_331 : memref<!tpu.dma_semaphore, #tpu.memory_space<semaphore_mem>>) src(%dma_wait3A_341 : memref<128x128xf32, #tpu.memory_space<vmem_shared>>) dst(%dma_wait3A_339 : memref<128x128xf32, #tpu.memory_space<hbm>>)
      tpu.yield
    }) : () -> ()
    %add3A_315 = arith.constant 128 : i32
    %add3A_316 = arith.addi %mul3A_8, %add3A_315 : i32
    %add3A_317 = arith.constant 128 : i32
    %add3A_318 = arith.addi %mul3A_8, %add3A_317 : i32
    "tpu.region"() ({
      %run_scoped3A_331 = tpu.sem_alloc : memref<!tpu.dma_semaphore, #tpu.memory_space<semaphore_mem>>
      %dma_start3A_332 = arith.constant 0 : i32
      %dma_start3A_333 = tpu.memref_slice %arg7[%arg0, %add3A_318, %dma_start3A_332] : memref<2x10112x128xf32, #tpu.memory_space<hbm>> -> memref<1x128x128xf32, #tpu.memory_space<hbm>>
      %dma_start3A_334 = tpu.memref_squeeze %dma_start3A_333 : memref<1x128x128xf32, #tpu.memory_space<hbm>> -> memref<128x128xf32, #tpu.memory_space<hbm>>
      %dma_start3A_335 = arith.constant 0 : i32
      %dma_start3A_336 = tpu.memref_slice %arg13[%add3A_316, %dma_start3A_335] : memref<10112x128xf32, #tpu.memory_space<vmem_shared>> -> memref<128x128xf32, #tpu.memory_space<vmem_shared>>
      tpu.enqueue_dma source(%dma_start3A_336 : memref<128x128xf32, #tpu.memory_space<vmem_shared>>) target(%dma_start3A_334 : memref<128x128xf32, #tpu.memory_space<hbm>>) target_semaphore(%run_scoped3A_331 : memref<!tpu.dma_semaphore, #tpu.memory_space<semaphore_mem>>)
      %dma_wait3A_337 = arith.constant 0 : i32
      %dma_wait3A_338 = tpu.memref_slice %arg7[%arg0, %add3A_318, %dma_wait3A_337] : memref<2x10112x128xf32, #tpu.memory_space<hbm>> -> memref<1x128x128xf32, #tpu.memory_space<hbm>>
      %dma_wait3A_339 = tpu.memref_squeeze %dma_wait3A_338 : memref<1x128x128xf32, #tpu.memory_space<hbm>> -> memref<128x128xf32, #tpu.memory_space<hbm>>
      %dma_wait3A_340 = arith.constant 0 : i32
      %dma_wait3A_341 = tpu.memref_slice %arg13[%add3A_316, %dma_wait3A_340] : memref<10112x128xf32, #tpu.memory_space<vmem_shared>> -> memref<128x128xf32, #tpu.memory_space<vmem_shared>>
      tpu.wait_dma2 semaphore(%run_scoped3A_331 : memref<!tpu.dma_semaphore, #tpu.memory_space<semaphore_mem>>) src(%dma_wait3A_341 : memref<128x128xf32, #tpu.memory_space<vmem_shared>>) dst(%dma_wait3A_339 : memref<128x128xf32, #tpu.memory_space<hbm>>)
      tpu.yield
    }) : () -> ()
    %add3A_319 = arith.constant 256 : i32
    %add3A_320 = arith.addi %mul3A_8, %add3A_319 : i32
    %add3A_321 = arith.constant 256 : i32
    %add3A_322 = arith.addi %mul3A_8, %add3A_321 : i32
    "tpu.region"() ({
      %run_scoped3A_331 = tpu.sem_alloc : memref<!tpu.dma_semaphore, #tpu.memory_space<semaphore_mem>>
      %dma_start3A_332 = arith.constant 0 : i32
      %dma_start3A_333 = tpu.memref_slice %arg7[%arg0, %add3A_322, %dma_start3A_332] : memref<2x10112x128xf32, #tpu.memory_space<hbm>> -> memref<1x128x128xf32, #tpu.memory_space<hbm>>
      %dma_start3A_334 = tpu.memref_squeeze %dma_start3A_333 : memref<1x128x128xf32, #tpu.memory_space<hbm>> -> memref<128x128xf32, #tpu.memory_space<hbm>>
      %dma_start3A_335 = arith.constant 0 : i32
      %dma_start3A_336 = tpu.memref_slice %arg13[%add3A_320, %dma_start3A_335] : memref<10112x128xf32, #tpu.memory_space<vmem_shared>> -> memref<128x128xf32, #tpu.memory_space<vmem_shared>>
      tpu.enqueue_dma source(%dma_start3A_336 : memref<128x128xf32, #tpu.memory_space<vmem_shared>>) target(%dma_start3A_334 : memref<128x128xf32, #tpu.memory_space<hbm>>) target_semaphore(%run_scoped3A_331 : memref<!tpu.dma_semaphore, #tpu.memory_space<semaphore_mem>>)
      %dma_wait3A_337 = arith.constant 0 : i32
      %dma_wait3A_338 = tpu.memref_slice %arg7[%arg0, %add3A_322, %dma_wait3A_337] : memref<2x10112x128xf32, #tpu.memory_space<hbm>> -> memref<1x128x128xf32, #tpu.memory_space<hbm>>
      %dma_wait3A_339 = tpu.memref_squeeze %dma_wait3A_338 : memref<1x128x128xf32, #tpu.memory_space<hbm>> -> memref<128x128xf32, #tpu.memory_space<hbm>>
      %dma_wait3A_340 = arith.constant 0 : i32
      %dma_wait3A_341 = tpu.memref_slice %arg13[%add3A_320, %dma_wait3A_340] : memref<10112x128xf32, #tpu.memory_space<vmem_shared>> -> memref<128x128xf32, #tpu.memory_space<vmem_shared>>
      tpu.wait_dma2 semaphore(%run_scoped3A_331 : memref<!tpu.dma_semaphore, #tpu.memory_space<semaphore_mem>>) src(%dma_wait3A_341 : memref<128x128xf32, #tpu.memory_space<vmem_shared>>) dst(%dma_wait3A_339 : memref<128x128xf32, #tpu.memory_space<hbm>>)
      tpu.yield
    }) : () -> ()
    %add3A_323 = arith.constant 384 : i32
    %add3A_324 = arith.addi %mul3A_8, %add3A_323 : i32
    %add3A_325 = arith.constant 384 : i32
    %add3A_326 = arith.addi %mul3A_8, %add3A_325 : i32
    "tpu.region"() ({
      %run_scoped3A_331 = tpu.sem_alloc : memref<!tpu.dma_semaphore, #tpu.memory_space<semaphore_mem>>
      %dma_start3A_332 = arith.constant 0 : i32
      %dma_start3A_333 = tpu.memref_slice %arg7[%arg0, %add3A_326, %dma_start3A_332] : memref<2x10112x128xf32, #tpu.memory_space<hbm>> -> memref<1x128x128xf32, #tpu.memory_space<hbm>>
      %dma_start3A_334 = tpu.memref_squeeze %dma_start3A_333 : memref<1x128x128xf32, #tpu.memory_space<hbm>> -> memref<128x128xf32, #tpu.memory_space<hbm>>
      %dma_start3A_335 = arith.constant 0 : i32
      %dma_start3A_336 = tpu.memref_slice %arg13[%add3A_324, %dma_start3A_335] : memref<10112x128xf32, #tpu.memory_space<vmem_shared>> -> memref<128x128xf32, #tpu.memory_space<vmem_shared>>
      tpu.enqueue_dma source(%dma_start3A_336 : memref<128x128xf32, #tpu.memory_space<vmem_shared>>) target(%dma_start3A_334 : memref<128x128xf32, #tpu.memory_space<hbm>>) target_semaphore(%run_scoped3A_331 : memref<!tpu.dma_semaphore, #tpu.memory_space<semaphore_mem>>)
      %dma_wait3A_337 = arith.constant 0 : i32
      %dma_wait3A_338 = tpu.memref_slice %arg7[%arg0, %add3A_326, %dma_wait3A_337] : memref<2x10112x128xf32, #tpu.memory_space<hbm>> -> memref<1x128x128xf32, #tpu.memory_space<hbm>>
      %dma_wait3A_339 = tpu.memref_squeeze %dma_wait3A_338 : memref<1x128x128xf32, #tpu.memory_space<hbm>> -> memref<128x128xf32, #tpu.memory_space<hbm>>
      %dma_wait3A_340 = arith.constant 0 : i32
      %dma_wait3A_341 = tpu.memref_slice %arg13[%add3A_324, %dma_wait3A_340] : memref<10112x128xf32, #tpu.memory_space<vmem_shared>> -> memref<128x128xf32, #tpu.memory_space<vmem_shared>>
      tpu.wait_dma2 semaphore(%run_scoped3A_331 : memref<!tpu.dma_semaphore, #tpu.memory_space<semaphore_mem>>) src(%dma_wait3A_341 : memref<128x128xf32, #tpu.memory_space<vmem_shared>>) dst(%dma_wait3A_339 : memref<128x128xf32, #tpu.memory_space<hbm>>)
      tpu.yield
    }) : () -> ()
    %add3A_327 = arith.constant 512 : i32
    %add3A_328 = arith.addi %mul3A_8, %add3A_327 : i32
    %add3A_329 = arith.constant 512 : i32
    %add3A_330 = arith.addi %mul3A_8, %add3A_329 : i32
    "tpu.region"() ({
      %run_scoped3A_331 = tpu.sem_alloc : memref<!tpu.dma_semaphore, #tpu.memory_space<semaphore_mem>>
      %dma_start3A_332 = arith.constant 0 : i32
      %dma_start3A_333 = tpu.memref_slice %arg7[%arg0, %add3A_330, %dma_start3A_332] : memref<2x10112x128xf32, #tpu.memory_space<hbm>> -> memref<1x120x128xf32, #tpu.memory_space<hbm>>
      %dma_start3A_334 = tpu.memref_squeeze %dma_start3A_333 : memref<1x120x128xf32, #tpu.memory_space<hbm>> -> memref<120x128xf32, #tpu.memory_space<hbm>>
      %dma_start3A_335 = arith.constant 0 : i32
      %dma_start3A_336 = tpu.memref_slice %arg13[%add3A_328, %dma_start3A_335] : memref<10112x128xf32, #tpu.memory_space<vmem_shared>> -> memref<120x128xf32, #tpu.memory_space<vmem_shared>>
      tpu.enqueue_dma source(%dma_start3A_336 : memref<120x128xf32, #tpu.memory_space<vmem_shared>>) target(%dma_start3A_334 : memref<120x128xf32, #tpu.memory_space<hbm>>) target_semaphore(%run_scoped3A_331 : memref<!tpu.dma_semaphore, #tpu.memory_space<semaphore_mem>>)
      %dma_wait3A_337 = arith.constant 0 : i32
      %dma_wait3A_338 = tpu.memref_slice %arg7[%arg0, %add3A_330, %dma_wait3A_337] : memref<2x10112x128xf32, #tpu.memory_space<hbm>> -> memref<1x120x128xf32, #tpu.memory_space<hbm>>
      %dma_wait3A_339 = tpu.memref_squeeze %dma_wait3A_338 : memref<1x120x128xf32, #tpu.memory_space<hbm>> -> memref<120x128xf32, #tpu.memory_space<hbm>>
      %dma_wait3A_340 = arith.constant 0 : i32
      %dma_wait3A_341 = tpu.memref_slice %arg13[%add3A_328, %dma_wait3A_340] : memref<10112x128xf32, #tpu.memory_space<vmem_shared>> -> memref<120x128xf32, #tpu.memory_space<vmem_shared>>
      tpu.wait_dma2 semaphore(%run_scoped3A_331 : memref<!tpu.dma_semaphore, #tpu.memory_space<semaphore_mem>>) src(%dma_wait3A_341 : memref<120x128xf32, #tpu.memory_space<vmem_shared>>) dst(%dma_wait3A_339 : memref<120x128xf32, #tpu.memory_space<hbm>>)
      tpu.yield
    }) : () -> ()
    return
  }
}

module attributes {stable_mosaic.version = 14 : i64} {
  func.func @_prep_body(%arg0: memref<3x128x128xf32, #tpu.memory_space<vmem>>, %arg1: memref<3x256x128xf32, #tpu.memory_space<vmem>>, %arg2: memref<3x1x128xf32, #tpu.memory_space<vmem>>, %arg3: memref<3x4x128xf32, #tpu.memory_space<vmem>>, %arg4: memref<3x1x128xf32, #tpu.memory_space<vmem>>, %arg5: memref<3x1x128xf32, #tpu.memory_space<vmem>>, %arg6: memref<3x128x128xf32, #tpu.memory_space<vmem>>, %arg7: memref<3x1x128xf32, #tpu.memory_space<vmem>>, %arg8: memref<3x4x128xf32, #tpu.memory_space<vmem>>) attributes {dimension_semantics = [], scalar_prefetch = 0 : i64, scratch_operands = 0 : i64, tpu.core_type = #tpu.core_type<tc>} {
    %get3A = arith.constant 0 : index
    %get3A_0 = arith.constant 0 : index
    %get3A_1 = arith.constant 0 : index
    %get3A_2 = vector.load %arg1[%get3A, %get3A_0, %get3A_1] : memref<3x256x128xf32, #tpu.memory_space<vmem>>, vector<1x128x128xf32>
    %get3A_3 = vector.shape_cast %get3A_2 : vector<1x128x128xf32> to vector<128x128xf32>
    %get3A_4 = arith.constant 0 : index
    %get3A_5 = arith.constant 128 : index
    %get3A_6 = arith.constant 0 : index
    %get3A_7 = vector.load %arg1[%get3A_4, %get3A_5, %get3A_6] : memref<3x256x128xf32, #tpu.memory_space<vmem>>, vector<1x128x128xf32>
    %get3A_8 = vector.shape_cast %get3A_7 : vector<1x128x128xf32> to vector<128x128xf32>
    %get3A_9 = arith.constant 0 : index
    %get3A_10 = arith.constant 0 : index
    %get3A_11 = arith.constant 0 : index
    %get3A_12 = vector.load %arg0[%get3A_9, %get3A_10, %get3A_11] : memref<3x128x128xf32, #tpu.memory_space<vmem>>, vector<1x128x128xf32>
    %get3A_13 = vector.shape_cast %get3A_12 : vector<1x128x128xf32> to vector<128x128xf32>
    %dot_general3A = arith.constant dense<0.000000e+00> : vector<128x128xf32>
    %dot_general3A_14 = tpu.matmul %get3A_13, %get3A_3, %dot_general3A {dimension_numbers = #tpu.dot_dimension_numbers<[1], [0], [0], [1], [0, 0, 1, 1], [], []>, transpose_lhs_hint = false} : vector<128x128xf32>, vector<128x128xf32>, vector<128x128xf32> -> vector<128x128xf32>
    %swap3A = arith.constant 0 : index
    %swap3A_15 = arith.constant 0 : index
    %swap3A_16 = arith.constant 0 : index
    %swap3A_17 = vector.load %arg6[%swap3A, %swap3A_15, %swap3A_16] : memref<3x128x128xf32, #tpu.memory_space<vmem>>, vector<1x128x128xf32>
    %swap3A_18 = vector.shape_cast %swap3A_17 : vector<1x128x128xf32> to vector<128x128xf32>
    %swap3A_19 = vector.shape_cast %dot_general3A_14 : vector<128x128xf32> to vector<1x128x128xf32>
    tpu.vector_store %arg6[%swap3A, %swap3A_15, %swap3A_16], %swap3A_19 {strides = array<i32>} : memref<3x128x128xf32, #tpu.memory_space<vmem>>, vector<1x128x128xf32>,
    %get3A_20 = arith.constant 0 : index
    %get3A_21 = arith.constant 0 : index
    %get3A_22 = arith.constant 0 : index
    %get3A_23 = vector.load %arg2[%get3A_20, %get3A_21, %get3A_22] : memref<3x1x128xf32, #tpu.memory_space<vmem>>, vector<1x1x128xf32>
    %get3A_24 = vector.shape_cast %get3A_23 : vector<1x1x128xf32> to vector<1x128xf32>
    %dot_general3A_25 = arith.constant dense<0.000000e+00> : vector<1x128xf32>
    %dot_general3A_26 = tpu.matmul %get3A_24, %get3A_3, %dot_general3A_25 {dimension_numbers = #tpu.dot_dimension_numbers<[1], [0], [0], [1], [0, 0, 1, 1], [], []>, transpose_lhs_hint = false} : vector<1x128xf32>, vector<128x128xf32>, vector<1x128xf32> -> vector<1x128xf32>
    %get3A_27 = arith.constant 0 : index
    %get3A_28 = arith.constant 0 : index
    %get3A_29 = arith.constant 0 : index
    %get3A_30 = vector.load %arg4[%get3A_27, %get3A_28, %get3A_29] : memref<3x1x128xf32, #tpu.memory_space<vmem>>, vector<1x1x128xf32>
    %get3A_31 = vector.shape_cast %get3A_30 : vector<1x1x128xf32> to vector<1x128xf32>
    %dot_general3A_32 = arith.constant dense<0.000000e+00> : vector<1x128xf32>
    %dot_general3A_33 = tpu.matmul %get3A_31, %get3A_8, %dot_general3A_32 {dimension_numbers = #tpu.dot_dimension_numbers<[1], [0], [0], [1], [0, 0, 1, 1], [], []>, transpose_lhs_hint = false} : vector<1x128xf32>, vector<128x128xf32>, vector<1x128xf32> -> vector<1x128xf32>
    %add3A = arith.addf %dot_general3A_26, %dot_general3A_33 : vector<1x128xf32>
    %get3A_34 = arith.constant 0 : index
    %get3A_35 = arith.constant 0 : index
    %get3A_36 = arith.constant 0 : index
    %get3A_37 = vector.load %arg5[%get3A_34, %get3A_35, %get3A_36] : memref<3x1x128xf32, #tpu.memory_space<vmem>>, vector<1x1x128xf32>
    %get3A_38 = vector.shape_cast %get3A_37 : vector<1x1x128xf32> to vector<1x128xf32>
    %add3A_39 = arith.addf %add3A, %get3A_38 : vector<1x128xf32>
    %swap3A_40 = arith.constant 0 : index
    %swap3A_41 = arith.constant 0 : index
    %swap3A_42 = arith.constant 0 : index
    %swap3A_43 = vector.load %arg7[%swap3A_40, %swap3A_41, %swap3A_42] : memref<3x1x128xf32, #tpu.memory_space<vmem>>, vector<1x1x128xf32>
    %swap3A_44 = vector.shape_cast %swap3A_43 : vector<1x1x128xf32> to vector<1x128xf32>
    %swap3A_45 = vector.shape_cast %add3A_39 : vector<1x128xf32> to vector<1x1x128xf32>
    tpu.vector_store %arg7[%swap3A_40, %swap3A_41, %swap3A_42], %swap3A_45 {strides = array<i32>} : memref<3x1x128xf32, #tpu.memory_space<vmem>>, vector<1x1x128xf32>,
    %get3A_46 = arith.constant 0 : index
    %get3A_47 = arith.constant 0 : index
    %get3A_48 = arith.constant 0 : index
    %get3A_49 = vector.load %arg3[%get3A_46, %get3A_47, %get3A_48] : memref<3x4x128xf32, #tpu.memory_space<vmem>>, vector<1x4x128xf32>
    %get3A_50 = vector.shape_cast %get3A_49 : vector<1x4x128xf32> to vector<4x128xf32>
    %dot_general3A_51 = arith.constant dense<0.000000e+00> : vector<4x128xf32>
    %dot_general3A_52 = tpu.matmul %get3A_50, %get3A_8, %dot_general3A_51 {dimension_numbers = #tpu.dot_dimension_numbers<[1], [0], [0], [1], [0, 0, 1, 1], [], []>, transpose_lhs_hint = false} : vector<4x128xf32>, vector<128x128xf32>, vector<4x128xf32> -> vector<4x128xf32>
    %swap3A_53 = arith.constant 0 : index
    %swap3A_54 = arith.constant 0 : index
    %swap3A_55 = arith.constant 0 : index
    %swap3A_56 = vector.load %arg8[%swap3A_53, %swap3A_54, %swap3A_55] : memref<3x4x128xf32, #tpu.memory_space<vmem>>, vector<1x4x128xf32>
    %swap3A_57 = vector.shape_cast %swap3A_56 : vector<1x4x128xf32> to vector<4x128xf32>
    %swap3A_58 = vector.shape_cast %dot_general3A_52 : vector<4x128xf32> to vector<1x4x128xf32>
    tpu.vector_store %arg8[%swap3A_53, %swap3A_54, %swap3A_55], %swap3A_58 {strides = array<i32>} : memref<3x4x128xf32, #tpu.memory_space<vmem>>, vector<1x4x128xf32>,
    %get3A_59 = arith.constant 1 : index
    %get3A_60 = arith.constant 0 : index
    %get3A_61 = arith.constant 0 : index
    %get3A_62 = vector.load %arg1[%get3A_59, %get3A_60, %get3A_61] : memref<3x256x128xf32, #tpu.memory_space<vmem>>, vector<1x128x128xf32>
    %get3A_63 = vector.shape_cast %get3A_62 : vector<1x128x128xf32> to vector<128x128xf32>
    %get3A_64 = arith.constant 1 : index
    %get3A_65 = arith.constant 128 : index
    %get3A_66 = arith.constant 0 : index
    %get3A_67 = vector.load %arg1[%get3A_64, %get3A_65, %get3A_66] : memref<3x256x128xf32, #tpu.memory_space<vmem>>, vector<1x128x128xf32>
    %get3A_68 = vector.shape_cast %get3A_67 : vector<1x128x128xf32> to vector<128x128xf32>
    %get3A_69 = arith.constant 1 : index
    %get3A_70 = arith.constant 0 : index
    %get3A_71 = arith.constant 0 : index
    %get3A_72 = vector.load %arg0[%get3A_69, %get3A_70, %get3A_71] : memref<3x128x128xf32, #tpu.memory_space<vmem>>, vector<1x128x128xf32>
    %get3A_73 = vector.shape_cast %get3A_72 : vector<1x128x128xf32> to vector<128x128xf32>
    %dot_general3A_74 = arith.constant dense<0.000000e+00> : vector<128x128xf32>
    %dot_general3A_75 = tpu.matmul %get3A_73, %get3A_63, %dot_general3A_74 {dimension_numbers = #tpu.dot_dimension_numbers<[1], [0], [0], [1], [0, 0, 1, 1], [], []>, transpose_lhs_hint = false} : vector<128x128xf32>, vector<128x128xf32>, vector<128x128xf32> -> vector<128x128xf32>
    %swap3A_76 = arith.constant 1 : index
    %swap3A_77 = arith.constant 0 : index
    %swap3A_78 = arith.constant 0 : index
    %swap3A_79 = vector.load %arg6[%swap3A_76, %swap3A_77, %swap3A_78] : memref<3x128x128xf32, #tpu.memory_space<vmem>>, vector<1x128x128xf32>
    %swap3A_80 = vector.shape_cast %swap3A_79 : vector<1x128x128xf32> to vector<128x128xf32>
    %swap3A_81 = vector.shape_cast %dot_general3A_75 : vector<128x128xf32> to vector<1x128x128xf32>
    tpu.vector_store %arg6[%swap3A_76, %swap3A_77, %swap3A_78], %swap3A_81 {strides = array<i32>} : memref<3x128x128xf32, #tpu.memory_space<vmem>>, vector<1x128x128xf32>,
    %get3A_82 = arith.constant 1 : index
    %get3A_83 = arith.constant 0 : index
    %get3A_84 = arith.constant 0 : index
    %get3A_85 = vector.load %arg2[%get3A_82, %get3A_83, %get3A_84] : memref<3x1x128xf32, #tpu.memory_space<vmem>>, vector<1x1x128xf32>
    %get3A_86 = vector.shape_cast %get3A_85 : vector<1x1x128xf32> to vector<1x128xf32>
    %dot_general3A_87 = arith.constant dense<0.000000e+00> : vector<1x128xf32>
    %dot_general3A_88 = tpu.matmul %get3A_86, %get3A_63, %dot_general3A_87 {dimension_numbers = #tpu.dot_dimension_numbers<[1], [0], [0], [1], [0, 0, 1, 1], [], []>, transpose_lhs_hint = false} : vector<1x128xf32>, vector<128x128xf32>, vector<1x128xf32> -> vector<1x128xf32>
    %get3A_89 = arith.constant 1 : index
    %get3A_90 = arith.constant 0 : index
    %get3A_91 = arith.constant 0 : index
    %get3A_92 = vector.load %arg4[%get3A_89, %get3A_90, %get3A_91] : memref<3x1x128xf32, #tpu.memory_space<vmem>>, vector<1x1x128xf32>
    %get3A_93 = vector.shape_cast %get3A_92 : vector<1x1x128xf32> to vector<1x128xf32>
    %dot_general3A_94 = arith.constant dense<0.000000e+00> : vector<1x128xf32>
    %dot_general3A_95 = tpu.matmul %get3A_93, %get3A_68, %dot_general3A_94 {dimension_numbers = #tpu.dot_dimension_numbers<[1], [0], [0], [1], [0, 0, 1, 1], [], []>, transpose_lhs_hint = false} : vector<1x128xf32>, vector<128x128xf32>, vector<1x128xf32> -> vector<1x128xf32>
    %add3A_96 = arith.addf %dot_general3A_88, %dot_general3A_95 : vector<1x128xf32>
    %get3A_97 = arith.constant 1 : index
    %get3A_98 = arith.constant 0 : index
    %get3A_99 = arith.constant 0 : index
    %get3A_100 = vector.load %arg5[%get3A_97, %get3A_98, %get3A_99] : memref<3x1x128xf32, #tpu.memory_space<vmem>>, vector<1x1x128xf32>
    %get3A_101 = vector.shape_cast %get3A_100 : vector<1x1x128xf32> to vector<1x128xf32>
    %add3A_102 = arith.addf %add3A_96, %get3A_101 : vector<1x128xf32>
    %swap3A_103 = arith.constant 1 : index
    %swap3A_104 = arith.constant 0 : index
    %swap3A_105 = arith.constant 0 : index
    %swap3A_106 = vector.load %arg7[%swap3A_103, %swap3A_104, %swap3A_105] : memref<3x1x128xf32, #tpu.memory_space<vmem>>, vector<1x1x128xf32>
    %swap3A_107 = vector.shape_cast %swap3A_106 : vector<1x1x128xf32> to vector<1x128xf32>
    %swap3A_108 = vector.shape_cast %add3A_102 : vector<1x128xf32> to vector<1x1x128xf32>
    tpu.vector_store %arg7[%swap3A_103, %swap3A_104, %swap3A_105], %swap3A_108 {strides = array<i32>} : memref<3x1x128xf32, #tpu.memory_space<vmem>>, vector<1x1x128xf32>,
    %get3A_109 = arith.constant 1 : index
    %get3A_110 = arith.constant 0 : index
    %get3A_111 = arith.constant 0 : index
    %get3A_112 = vector.load %arg3[%get3A_109, %get3A_110, %get3A_111] : memref<3x4x128xf32, #tpu.memory_space<vmem>>, vector<1x4x128xf32>
    %get3A_113 = vector.shape_cast %get3A_112 : vector<1x4x128xf32> to vector<4x128xf32>
    %dot_general3A_114 = arith.constant dense<0.000000e+00> : vector<4x128xf32>
    %dot_general3A_115 = tpu.matmul %get3A_113, %get3A_68, %dot_general3A_114 {dimension_numbers = #tpu.dot_dimension_numbers<[1], [0], [0], [1], [0, 0, 1, 1], [], []>, transpose_lhs_hint = false} : vector<4x128xf32>, vector<128x128xf32>, vector<4x128xf32> -> vector<4x128xf32>
    %swap3A_116 = arith.constant 1 : index
    %swap3A_117 = arith.constant 0 : index
    %swap3A_118 = arith.constant 0 : index
    %swap3A_119 = vector.load %arg8[%swap3A_116, %swap3A_117, %swap3A_118] : memref<3x4x128xf32, #tpu.memory_space<vmem>>, vector<1x4x128xf32>
    %swap3A_120 = vector.shape_cast %swap3A_119 : vector<1x4x128xf32> to vector<4x128xf32>
    %swap3A_121 = vector.shape_cast %dot_general3A_115 : vector<4x128xf32> to vector<1x4x128xf32>
    tpu.vector_store %arg8[%swap3A_116, %swap3A_117, %swap3A_118], %swap3A_121 {strides = array<i32>} : memref<3x4x128xf32, #tpu.memory_space<vmem>>, vector<1x4x128xf32>,
    %get3A_122 = arith.constant 2 : index
    %get3A_123 = arith.constant 0 : index
    %get3A_124 = arith.constant 0 : index
    %get3A_125 = vector.load %arg1[%get3A_122, %get3A_123, %get3A_124] : memref<3x256x128xf32, #tpu.memory_space<vmem>>, vector<1x128x128xf32>
    %get3A_126 = vector.shape_cast %get3A_125 : vector<1x128x128xf32> to vector<128x128xf32>
    %get3A_127 = arith.constant 2 : index
    %get3A_128 = arith.constant 128 : index
    %get3A_129 = arith.constant 0 : index
    %get3A_130 = vector.load %arg1[%get3A_127, %get3A_128, %get3A_129] : memref<3x256x128xf32, #tpu.memory_space<vmem>>, vector<1x128x128xf32>
    %get3A_131 = vector.shape_cast %get3A_130 : vector<1x128x128xf32> to vector<128x128xf32>
    %get3A_132 = arith.constant 2 : index
    %get3A_133 = arith.constant 0 : index
    %get3A_134 = arith.constant 0 : index
    %get3A_135 = vector.load %arg0[%get3A_132, %get3A_133, %get3A_134] : memref<3x128x128xf32, #tpu.memory_space<vmem>>, vector<1x128x128xf32>
    %get3A_136 = vector.shape_cast %get3A_135 : vector<1x128x128xf32> to vector<128x128xf32>
    %dot_general3A_137 = arith.constant dense<0.000000e+00> : vector<128x128xf32>
    %dot_general3A_138 = tpu.matmul %get3A_136, %get3A_126, %dot_general3A_137 {dimension_numbers = #tpu.dot_dimension_numbers<[1], [0], [0], [1], [0, 0, 1, 1], [], []>, transpose_lhs_hint = false} : vector<128x128xf32>, vector<128x128xf32>, vector<128x128xf32> -> vector<128x128xf32>
    %swap3A_139 = arith.constant 2 : index
    %swap3A_140 = arith.constant 0 : index
    %swap3A_141 = arith.constant 0 : index
    %swap3A_142 = vector.load %arg6[%swap3A_139, %swap3A_140, %swap3A_141] : memref<3x128x128xf32, #tpu.memory_space<vmem>>, vector<1x128x128xf32>
    %swap3A_143 = vector.shape_cast %swap3A_142 : vector<1x128x128xf32> to vector<128x128xf32>
    %swap3A_144 = vector.shape_cast %dot_general3A_138 : vector<128x128xf32> to vector<1x128x128xf32>
    tpu.vector_store %arg6[%swap3A_139, %swap3A_140, %swap3A_141], %swap3A_144 {strides = array<i32>} : memref<3x128x128xf32, #tpu.memory_space<vmem>>, vector<1x128x128xf32>,
    %get3A_145 = arith.constant 2 : index
    %get3A_146 = arith.constant 0 : index
    %get3A_147 = arith.constant 0 : index
    %get3A_148 = vector.load %arg2[%get3A_145, %get3A_146, %get3A_147] : memref<3x1x128xf32, #tpu.memory_space<vmem>>, vector<1x1x128xf32>
    %get3A_149 = vector.shape_cast %get3A_148 : vector<1x1x128xf32> to vector<1x128xf32>
    %dot_general3A_150 = arith.constant dense<0.000000e+00> : vector<1x128xf32>
    %dot_general3A_151 = tpu.matmul %get3A_149, %get3A_126, %dot_general3A_150 {dimension_numbers = #tpu.dot_dimension_numbers<[1], [0], [0], [1], [0, 0, 1, 1], [], []>, transpose_lhs_hint = false} : vector<1x128xf32>, vector<128x128xf32>, vector<1x128xf32> -> vector<1x128xf32>
    %get3A_152 = arith.constant 2 : index
    %get3A_153 = arith.constant 0 : index
    %get3A_154 = arith.constant 0 : index
    %get3A_155 = vector.load %arg4[%get3A_152, %get3A_153, %get3A_154] : memref<3x1x128xf32, #tpu.memory_space<vmem>>, vector<1x1x128xf32>
    %get3A_156 = vector.shape_cast %get3A_155 : vector<1x1x128xf32> to vector<1x128xf32>
    %dot_general3A_157 = arith.constant dense<0.000000e+00> : vector<1x128xf32>
    %dot_general3A_158 = tpu.matmul %get3A_156, %get3A_131, %dot_general3A_157 {dimension_numbers = #tpu.dot_dimension_numbers<[1], [0], [0], [1], [0, 0, 1, 1], [], []>, transpose_lhs_hint = false} : vector<1x128xf32>, vector<128x128xf32>, vector<1x128xf32> -> vector<1x128xf32>
    %add3A_159 = arith.addf %dot_general3A_151, %dot_general3A_158 : vector<1x128xf32>
    %get3A_160 = arith.constant 2 : index
    %get3A_161 = arith.constant 0 : index
    %get3A_162 = arith.constant 0 : index
    %get3A_163 = vector.load %arg5[%get3A_160, %get3A_161, %get3A_162] : memref<3x1x128xf32, #tpu.memory_space<vmem>>, vector<1x1x128xf32>
    %get3A_164 = vector.shape_cast %get3A_163 : vector<1x1x128xf32> to vector<1x128xf32>
    %add3A_165 = arith.addf %add3A_159, %get3A_164 : vector<1x128xf32>
    %swap3A_166 = arith.constant 2 : index
    %swap3A_167 = arith.constant 0 : index
    %swap3A_168 = arith.constant 0 : index
    %swap3A_169 = vector.load %arg7[%swap3A_166, %swap3A_167, %swap3A_168] : memref<3x1x128xf32, #tpu.memory_space<vmem>>, vector<1x1x128xf32>
    %swap3A_170 = vector.shape_cast %swap3A_169 : vector<1x1x128xf32> to vector<1x128xf32>
    %swap3A_171 = vector.shape_cast %add3A_165 : vector<1x128xf32> to vector<1x1x128xf32>
    tpu.vector_store %arg7[%swap3A_166, %swap3A_167, %swap3A_168], %swap3A_171 {strides = array<i32>} : memref<3x1x128xf32, #tpu.memory_space<vmem>>, vector<1x1x128xf32>,
    %get3A_172 = arith.constant 2 : index
    %get3A_173 = arith.constant 0 : index
    %get3A_174 = arith.constant 0 : index
    %get3A_175 = vector.load %arg3[%get3A_172, %get3A_173, %get3A_174] : memref<3x4x128xf32, #tpu.memory_space<vmem>>, vector<1x4x128xf32>
    %get3A_176 = vector.shape_cast %get3A_175 : vector<1x4x128xf32> to vector<4x128xf32>
    %dot_general3A_177 = arith.constant dense<0.000000e+00> : vector<4x128xf32>
    %dot_general3A_178 = tpu.matmul %get3A_176, %get3A_131, %dot_general3A_177 {dimension_numbers = #tpu.dot_dimension_numbers<[1], [0], [0], [1], [0, 0, 1, 1], [], []>, transpose_lhs_hint = false} : vector<4x128xf32>, vector<128x128xf32>, vector<4x128xf32> -> vector<4x128xf32>
    %swap3A_179 = arith.constant 2 : index
    %swap3A_180 = arith.constant 0 : index
    %swap3A_181 = arith.constant 0 : index
    %swap3A_182 = vector.load %arg8[%swap3A_179, %swap3A_180, %swap3A_181] : memref<3x4x128xf32, #tpu.memory_space<vmem>>, vector<1x4x128xf32>
    %swap3A_183 = vector.shape_cast %swap3A_182 : vector<1x4x128xf32> to vector<4x128xf32>
    %swap3A_184 = vector.shape_cast %dot_general3A_178 : vector<4x128xf32> to vector<1x4x128xf32>
    tpu.vector_store %arg8[%swap3A_179, %swap3A_180, %swap3A_181], %swap3A_184 {strides = array<i32>} : memref<3x4x128xf32, #tpu.memory_space<vmem>>, vector<1x4x128xf32>,
    return
  }
}

module attributes {stable_mosaic.version = 14 : i64} {
  func.func @_init_body(%arg0: i32, %arg1: memref<1000x128xf32, #tpu.memory_space<vmem>>, %arg2: memref<128x128xf32, #tpu.memory_space<vmem>>, %arg3: memref<1x128xf32, #tpu.memory_space<vmem>>, %arg4: memref<128x128xf32, #tpu.memory_space<vmem>>, %arg5: memref<1x128xf32, #tpu.memory_space<vmem>>, %arg6: memref<1000x128xf32, #tpu.memory_space<vmem>>, %arg7: memref<1000x128xf32, #tpu.memory_space<vmem>>) attributes {dimension_semantics = [#tpu.dimension_semantics<arbitrary>], iteration_bounds = array<i64: 10>, scalar_prefetch = 0 : i64, scratch_operands = 0 : i64, tpu.core_type = #tpu.core_type<tc>, window_params = [{transform_indices = @transform_0, window_bounds = array<i64: 1000, 128>}, {pipeline_mode = #tpu.pipeline_mode<synchronous>, transform_indices = @transform_1, window_bounds = array<i64: 128, 128>}, {pipeline_mode = #tpu.pipeline_mode<synchronous>, transform_indices = @transform_2, window_bounds = array<i64: 1, 128>}, {pipeline_mode = #tpu.pipeline_mode<synchronous>, transform_indices = @transform_3, window_bounds = array<i64: 128, 128>}, {pipeline_mode = #tpu.pipeline_mode<synchronous>, transform_indices = @transform_4, window_bounds = array<i64: 1, 128>}, {transform_indices = @transform_5, window_bounds = array<i64: 1000, 128>}, {transform_indices = @transform_6, window_bounds = array<i64: 1000, 128>}]} {
    %get3A = arith.constant 0 : index
    %get3A_0 = arith.constant 0 : index
    %get3A_1 = vector.load %arg1[%get3A, %get3A_0] : memref<1000x128xf32, #tpu.memory_space<vmem>>, vector<1000x128xf32>
    %get3A_2 = arith.constant 0 : index
    %get3A_3 = arith.constant 0 : index
    %get3A_4 = vector.load %arg2[%get3A_2, %get3A_3] : memref<128x128xf32, #tpu.memory_space<vmem>>, vector<128x128xf32>
    %dot_general3A = arith.constant dense<0.000000e+00> : vector<1000x128xf32>
    %dot_general3A_5 = tpu.matmul %get3A_1, %get3A_4, %dot_general3A {dimension_numbers = #tpu.dot_dimension_numbers<[1], [0], [0], [1], [0, 0, 1, 1], [], []>, transpose_lhs_hint = false} : vector<1000x128xf32>, vector<128x128xf32>, vector<1000x128xf32> -> vector<1000x128xf32>
    %get3A_6 = arith.constant 0 : index
    %get3A_7 = arith.constant 0 : index
    %get3A_8 = vector.load %arg3[%get3A_6, %get3A_7] : memref<1x128xf32, #tpu.memory_space<vmem>>, vector<1x128xf32>
    %add3A = vector.broadcast %get3A_8 : vector<1x128xf32> to vector<1000x128xf32>
    %add3A_9 = arith.addf %dot_general3A_5, %add3A : vector<1000x128xf32>
    %swap3A = arith.constant 0 : index
    %swap3A_10 = arith.constant 0 : index
    %swap3A_11 = vector.load %arg6[%swap3A, %swap3A_10] : memref<1000x128xf32, #tpu.memory_space<vmem>>, vector<1000x128xf32>
    tpu.vector_store %arg6[%swap3A, %swap3A_10], %add3A_9 {strides = array<i32>} : memref<1000x128xf32, #tpu.memory_space<vmem>>, vector<1000x128xf32>,
    %get3A_12 = arith.constant 0 : index
    %get3A_13 = arith.constant 0 : index
    %get3A_14 = vector.load %arg4[%get3A_12, %get3A_13] : memref<128x128xf32, #tpu.memory_space<vmem>>, vector<128x128xf32>
    %dot_general3A_15 = arith.constant dense<0.000000e+00> : vector<1000x128xf32>
    %dot_general3A_16 = tpu.matmul %add3A_9, %get3A_14, %dot_general3A_15 {dimension_numbers = #tpu.dot_dimension_numbers<[1], [0], [0], [1], [0, 0, 1, 1], [], []>, transpose_lhs_hint = false} : vector<1000x128xf32>, vector<128x128xf32>, vector<1000x128xf32> -> vector<1000x128xf32>
    %get3A_17 = arith.constant 0 : index
    %get3A_18 = arith.constant 0 : index
    %get3A_19 = vector.load %arg5[%get3A_17, %get3A_18] : memref<1x128xf32, #tpu.memory_space<vmem>>, vector<1x128xf32>
    %add3A_20 = vector.broadcast %get3A_19 : vector<1x128xf32> to vector<1000x128xf32>
    %add3A_21 = arith.addf %dot_general3A_16, %add3A_20 : vector<1000x128xf32>
    %swap3A_22 = arith.constant 0 : index
    %swap3A_23 = arith.constant 0 : index
    %swap3A_24 = vector.load %arg7[%swap3A_22, %swap3A_23] : memref<1000x128xf32, #tpu.memory_space<vmem>>, vector<1000x128xf32>
    tpu.vector_store %arg7[%swap3A_22, %swap3A_23], %add3A_21 {strides = array<i32>} : memref<1000x128xf32, #tpu.memory_space<vmem>>, vector<1000x128xf32>,
    return
  }
  func.func @transform_0(%arg0: i32) -> (i32, i32) {
    %c0_i32 = arith.constant 0 : i32
    %c0_i32_0 = arith.constant 0 : i32
    return %arg0, %c0_i32 : i32, i32
  }
  func.func @transform_1(%arg0: i32) -> (i32, i32) {
    %c0_i32 = arith.constant 0 : i32
    %c0_i32_0 = arith.constant 0 : i32
    %c0_i32_1 = arith.constant 0 : i32
    return %c0_i32, %c0_i32_0 : i32, i32
  }
  func.func @transform_2(%arg0: i32) -> (i32, i32) {
    %c0_i32 = arith.constant 0 : i32
    %c0_i32_0 = arith.constant 0 : i32
    %c0_i32_1 = arith.constant 0 : i32
    return %c0_i32, %c0_i32_0 : i32, i32
  }
  func.func @transform_3(%arg0: i32) -> (i32, i32) {
    %c0_i32 = arith.constant 0 : i32
    %c0_i32_0 = arith.constant 0 : i32
    %c0_i32_1 = arith.constant 0 : i32
    return %c0_i32, %c0_i32_0 : i32, i32
  }
  func.func @transform_4(%arg0: i32) -> (i32, i32) {
    %c0_i32 = arith.constant 0 : i32
    %c0_i32_0 = arith.constant 0 : i32
    %c0_i32_1 = arith.constant 0 : i32
    return %c0_i32, %c0_i32_0 : i32, i32
  }
  func.func @transform_5(%arg0: i32) -> (i32, i32) {
    %c0_i32 = arith.constant 0 : i32
    %c0_i32_0 = arith.constant 0 : i32
    return %arg0, %c0_i32 : i32, i32
  }
  func.func @transform_6(%arg0: i32) -> (i32, i32) {
    %c0_i32 = arith.constant 0 : i32
    %c0_i32_0 = arith.constant 0 : i32
    return %arg0, %c0_i32 : i32, i32
  }
}

module attributes {stable_mosaic.version = 14 : i64} {
  func.func @_lnmm_body(%arg0: i32, %arg1: memref<1000x128xf32, #tpu.memory_space<vmem>>, %arg2: memref<1000x128xf32, #tpu.memory_space<vmem>>, %arg3: memref<1000x128xf32, #tpu.memory_space<vmem>>, %arg4: memref<1x128xf32, #tpu.memory_space<vmem>>, %arg5: memref<1x128xf32, #tpu.memory_space<vmem>>, %arg6: memref<128x128xf32, #tpu.memory_space<vmem>>, %arg7: memref<1x128xf32, #tpu.memory_space<vmem>>, %arg8: memref<1000x128xf32, #tpu.memory_space<vmem>>, %arg9: memref<1000x128xf32, #tpu.memory_space<vmem>>) attributes {dimension_semantics = [#tpu.dimension_semantics<arbitrary>], iteration_bounds = array<i64: 10>, scalar_prefetch = 0 : i64, scratch_operands = 0 : i64, tpu.core_type = #tpu.core_type<tc>, window_params = [{transform_indices = @transform_0, window_bounds = array<i64: 1000, 128>}, {transform_indices = @transform_1, window_bounds = array<i64: 1000, 128>}, {transform_indices = @transform_2, window_bounds = array<i64: 1000, 128>}, {pipeline_mode = #tpu.pipeline_mode<synchronous>, transform_indices = @transform_3, window_bounds = array<i64: 1, 128>}, {pipeline_mode = #tpu.pipeline_mode<synchronous>, transform_indices = @transform_4, window_bounds = array<i64: 1, 128>}, {pipeline_mode = #tpu.pipeline_mode<synchronous>, transform_indices = @transform_5, window_bounds = array<i64: 128, 128>}, {pipeline_mode = #tpu.pipeline_mode<synchronous>, transform_indices = @transform_6, window_bounds = array<i64: 1, 128>}, {transform_indices = @transform_7, window_bounds = array<i64: 1000, 128>}, {transform_indices = @transform_8, window_bounds = array<i64: 1000, 128>}]} {
    %get3A = arith.constant 0 : index
    %get3A_0 = arith.constant 0 : index
    %get3A_1 = vector.load %arg1[%get3A, %get3A_0] : memref<1000x128xf32, #tpu.memory_space<vmem>>, vector<1000x128xf32>
    %get3A_2 = arith.constant 0 : index
    %get3A_3 = arith.constant 0 : index
    %get3A_4 = vector.load %arg2[%get3A_2, %get3A_3] : memref<1000x128xf32, #tpu.memory_space<vmem>>, vector<1000x128xf32>
    %add3A = arith.addf %get3A_1, %get3A_4 : vector<1000x128xf32>
    %get3A_5 = arith.constant 0 : index
    %get3A_6 = arith.constant 0 : index
    %get3A_7 = vector.load %arg3[%get3A_5, %get3A_6] : memref<1000x128xf32, #tpu.memory_space<vmem>>, vector<1000x128xf32>
    %add3A_8 = arith.addf %add3A, %get3A_7 : vector<1000x128xf32>
    %reduce_sum3A = arith.constant dense<0.000000e+00> : vector<1000xf32>
    %reduce_sum3A_9 = vector.multi_reduction <add>, %add3A_8, %reduce_sum3A [1] : vector<1000x128xf32> to vector<1000xf32>
    %broadcast_in_dim3A = vector.shape_cast %reduce_sum3A_9 : vector<1000xf32> to vector<1000x1xf32>
    %div3A = arith.constant 1.280000e+02 : f32
    %div3A_10 = vector.broadcast %div3A : f32 to vector<1000x1xf32>
    %div3A_11 = arith.divf %broadcast_in_dim3A, %div3A_10 : vector<1000x1xf32>
    %sub3A = vector.broadcast %div3A_11 : vector<1000x1xf32> to vector<1000x128xf32>
    %sub3A_12 = arith.subf %add3A_8, %sub3A : vector<1000x128xf32>
    %mul3A = arith.mulf %sub3A_12, %sub3A_12 : vector<1000x128xf32>
    %reduce_sum3A_13 = arith.constant dense<0.000000e+00> : vector<1000xf32>
    %reduce_sum3A_14 = vector.multi_reduction <add>, %mul3A, %reduce_sum3A_13 [1] : vector<1000x128xf32> to vector<1000xf32>
    %broadcast_in_dim3A_15 = vector.shape_cast %reduce_sum3A_14 : vector<1000xf32> to vector<1000x1xf32>
    %div3A_16 = arith.constant 1.280000e+02 : f32
    %div3A_17 = vector.broadcast %div3A_16 : f32 to vector<1000x1xf32>
    %div3A_18 = arith.divf %broadcast_in_dim3A_15, %div3A_17 : vector<1000x1xf32>
    %add3A_19 = arith.constant 9.99999974E-6 : f32
    %add3A_20 = vector.broadcast %add3A_19 : f32 to vector<1000x1xf32>
    %add3A_21 = arith.addf %div3A_18, %add3A_20 : vector<1000x1xf32>
    %rsqrt3A = math.rsqrt %add3A_21 : vector<1000x1xf32>
    %mul3A_22 = vector.broadcast %rsqrt3A : vector<1000x1xf32> to vector<1000x128xf32>
    %mul3A_23 = arith.mulf %sub3A_12, %mul3A_22 : vector<1000x128xf32>
    %get3A_24 = arith.constant 0 : index
    %get3A_25 = arith.constant 0 : index
    %get3A_26 = vector.load %arg4[%get3A_24, %get3A_25] : memref<1x128xf32, #tpu.memory_space<vmem>>, vector<1x128xf32>
    %mul3A_27 = vector.broadcast %get3A_26 : vector<1x128xf32> to vector<1000x128xf32>
    %mul3A_28 = arith.mulf %mul3A_23, %mul3A_27 : vector<1000x128xf32>
    %get3A_29 = arith.constant 0 : index
    %get3A_30 = arith.constant 0 : index
    %get3A_31 = vector.load %arg5[%get3A_29, %get3A_30] : memref<1x128xf32, #tpu.memory_space<vmem>>, vector<1x128xf32>
    %add3A_32 = vector.broadcast %get3A_31 : vector<1x128xf32> to vector<1000x128xf32>
    %add3A_33 = arith.addf %mul3A_28, %add3A_32 : vector<1000x128xf32>
    %swap3A = arith.constant 0 : index
    %swap3A_34 = arith.constant 0 : index
    %swap3A_35 = vector.load %arg8[%swap3A, %swap3A_34] : memref<1000x128xf32, #tpu.memory_space<vmem>>, vector<1000x128xf32>
    tpu.vector_store %arg8[%swap3A, %swap3A_34], %add3A_33 {strides = array<i32>} : memref<1000x128xf32, #tpu.memory_space<vmem>>, vector<1000x128xf32>,
    %get3A_36 = arith.constant 0 : index
    %get3A_37 = arith.constant 0 : index
    %get3A_38 = vector.load %arg6[%get3A_36, %get3A_37] : memref<128x128xf32, #tpu.memory_space<vmem>>, vector<128x128xf32>
    %dot_general3A = arith.constant dense<0.000000e+00> : vector<1000x128xf32>
    %dot_general3A_39 = tpu.matmul %add3A_33, %get3A_38, %dot_general3A {dimension_numbers = #tpu.dot_dimension_numbers<[1], [0], [0], [1], [0, 0, 1, 1], [], []>, transpose_lhs_hint = false} : vector<1000x128xf32>, vector<128x128xf32>, vector<1000x128xf32> -> vector<1000x128xf32>
    %get3A_40 = arith.constant 0 : index
    %get3A_41 = arith.constant 0 : index
    %get3A_42 = vector.load %arg7[%get3A_40, %get3A_41] : memref<1x128xf32, #tpu.memory_space<vmem>>, vector<1x128xf32>
    %add3A_43 = vector.broadcast %get3A_42 : vector<1x128xf32> to vector<1000x128xf32>
    %add3A_44 = arith.addf %dot_general3A_39, %add3A_43 : vector<1000x128xf32>
    %swap3A_45 = arith.constant 0 : index
    %swap3A_46 = arith.constant 0 : index
    %swap3A_47 = vector.load %arg9[%swap3A_45, %swap3A_46] : memref<1000x128xf32, #tpu.memory_space<vmem>>, vector<1000x128xf32>
    tpu.vector_store %arg9[%swap3A_45, %swap3A_46], %add3A_44 {strides = array<i32>} : memref<1000x128xf32, #tpu.memory_space<vmem>>, vector<1000x128xf32>,
    return
  }
  func.func @transform_0(%arg0: i32) -> (i32, i32) {
    %c0_i32 = arith.constant 0 : i32
    %c0_i32_0 = arith.constant 0 : i32
    return %arg0, %c0_i32 : i32, i32
  }
  func.func @transform_1(%arg0: i32) -> (i32, i32) {
    %c0_i32 = arith.constant 0 : i32
    %c0_i32_0 = arith.constant 0 : i32
    return %arg0, %c0_i32 : i32, i32
  }
  func.func @transform_2(%arg0: i32) -> (i32, i32) {
    %c0_i32 = arith.constant 0 : i32
    %c0_i32_0 = arith.constant 0 : i32
    return %arg0, %c0_i32 : i32, i32
  }
  func.func @transform_3(%arg0: i32) -> (i32, i32) {
    %c0_i32 = arith.constant 0 : i32
    %c0_i32_0 = arith.constant 0 : i32
    %c0_i32_1 = arith.constant 0 : i32
    return %c0_i32, %c0_i32_0 : i32, i32
  }
  func.func @transform_4(%arg0: i32) -> (i32, i32) {
    %c0_i32 = arith.constant 0 : i32
    %c0_i32_0 = arith.constant 0 : i32
    %c0_i32_1 = arith.constant 0 : i32
    return %c0_i32, %c0_i32_0 : i32, i32
  }
  func.func @transform_5(%arg0: i32) -> (i32, i32) {
    %c0_i32 = arith.constant 0 : i32
    %c0_i32_0 = arith.constant 0 : i32
    %c0_i32_1 = arith.constant 0 : i32
    return %c0_i32, %c0_i32_0 : i32, i32
  }
  func.func @transform_6(%arg0: i32) -> (i32, i32) {
    %c0_i32 = arith.constant 0 : i32
    %c0_i32_0 = arith.constant 0 : i32
    %c0_i32_1 = arith.constant 0 : i32
    return %c0_i32, %c0_i32_0 : i32, i32
  }
  func.func @transform_7(%arg0: i32) -> (i32, i32) {
    %c0_i32 = arith.constant 0 : i32
    %c0_i32_0 = arith.constant 0 : i32
    return %arg0, %c0_i32 : i32, i32
  }
  func.func @transform_8(%arg0: i32) -> (i32, i32) {
    %c0_i32 = arith.constant 0 : i32
    %c0_i32_0 = arith.constant 0 : i32
    return %arg0, %c0_i32 : i32, i32
  }
}

module attributes {stable_mosaic.version = 14 : i64} {
  func.func @_lnmm_body(%arg0: i32, %arg1: memref<1000x128xf32, #tpu.memory_space<vmem>>, %arg2: memref<1000x128xf32, #tpu.memory_space<vmem>>, %arg3: memref<1000x128xf32, #tpu.memory_space<vmem>>, %arg4: memref<1x128xf32, #tpu.memory_space<vmem>>, %arg5: memref<1x128xf32, #tpu.memory_space<vmem>>, %arg6: memref<128x128xf32, #tpu.memory_space<vmem>>, %arg7: memref<1x128xf32, #tpu.memory_space<vmem>>, %arg8: memref<1000x128xf32, #tpu.memory_space<vmem>>, %arg9: memref<1000x128xf32, #tpu.memory_space<vmem>>) attributes {dimension_semantics = [#tpu.dimension_semantics<arbitrary>], iteration_bounds = array<i64: 10>, scalar_prefetch = 0 : i64, scratch_operands = 0 : i64, tpu.core_type = #tpu.core_type<tc>, window_params = [{transform_indices = @transform_0, window_bounds = array<i64: 1000, 128>}, {transform_indices = @transform_1, window_bounds = array<i64: 1000, 128>}, {transform_indices = @transform_2, window_bounds = array<i64: 1000, 128>}, {pipeline_mode = #tpu.pipeline_mode<synchronous>, transform_indices = @transform_3, window_bounds = array<i64: 1, 128>}, {pipeline_mode = #tpu.pipeline_mode<synchronous>, transform_indices = @transform_4, window_bounds = array<i64: 1, 128>}, {pipeline_mode = #tpu.pipeline_mode<synchronous>, transform_indices = @transform_5, window_bounds = array<i64: 128, 128>}, {pipeline_mode = #tpu.pipeline_mode<synchronous>, transform_indices = @transform_6, window_bounds = array<i64: 1, 128>}, {transform_indices = @transform_7, window_bounds = array<i64: 1000, 128>}, {transform_indices = @transform_8, window_bounds = array<i64: 1000, 128>}]} {
    %get3A = arith.constant 0 : index
    %get3A_0 = arith.constant 0 : index
    %get3A_1 = vector.load %arg1[%get3A, %get3A_0] : memref<1000x128xf32, #tpu.memory_space<vmem>>, vector<1000x128xf32>
    %get3A_2 = arith.constant 0 : index
    %get3A_3 = arith.constant 0 : index
    %get3A_4 = vector.load %arg2[%get3A_2, %get3A_3] : memref<1000x128xf32, #tpu.memory_space<vmem>>, vector<1000x128xf32>
    %add3A = arith.addf %get3A_1, %get3A_4 : vector<1000x128xf32>
    %get3A_5 = arith.constant 0 : index
    %get3A_6 = arith.constant 0 : index
    %get3A_7 = vector.load %arg3[%get3A_5, %get3A_6] : memref<1000x128xf32, #tpu.memory_space<vmem>>, vector<1000x128xf32>
    %add3A_8 = arith.addf %add3A, %get3A_7 : vector<1000x128xf32>
    %reduce_sum3A = arith.constant dense<0.000000e+00> : vector<1000xf32>
    %reduce_sum3A_9 = vector.multi_reduction <add>, %add3A_8, %reduce_sum3A [1] : vector<1000x128xf32> to vector<1000xf32>
    %broadcast_in_dim3A = vector.shape_cast %reduce_sum3A_9 : vector<1000xf32> to vector<1000x1xf32>
    %div3A = arith.constant 1.280000e+02 : f32
    %div3A_10 = vector.broadcast %div3A : f32 to vector<1000x1xf32>
    %div3A_11 = arith.divf %broadcast_in_dim3A, %div3A_10 : vector<1000x1xf32>
    %sub3A = vector.broadcast %div3A_11 : vector<1000x1xf32> to vector<1000x128xf32>
    %sub3A_12 = arith.subf %add3A_8, %sub3A : vector<1000x128xf32>
    %mul3A = arith.mulf %sub3A_12, %sub3A_12 : vector<1000x128xf32>
    %reduce_sum3A_13 = arith.constant dense<0.000000e+00> : vector<1000xf32>
    %reduce_sum3A_14 = vector.multi_reduction <add>, %mul3A, %reduce_sum3A_13 [1] : vector<1000x128xf32> to vector<1000xf32>
    %broadcast_in_dim3A_15 = vector.shape_cast %reduce_sum3A_14 : vector<1000xf32> to vector<1000x1xf32>
    %div3A_16 = arith.constant 1.280000e+02 : f32
    %div3A_17 = vector.broadcast %div3A_16 : f32 to vector<1000x1xf32>
    %div3A_18 = arith.divf %broadcast_in_dim3A_15, %div3A_17 : vector<1000x1xf32>
    %add3A_19 = arith.constant 9.99999974E-6 : f32
    %add3A_20 = vector.broadcast %add3A_19 : f32 to vector<1000x1xf32>
    %add3A_21 = arith.addf %div3A_18, %add3A_20 : vector<1000x1xf32>
    %rsqrt3A = math.rsqrt %add3A_21 : vector<1000x1xf32>
    %mul3A_22 = vector.broadcast %rsqrt3A : vector<1000x1xf32> to vector<1000x128xf32>
    %mul3A_23 = arith.mulf %sub3A_12, %mul3A_22 : vector<1000x128xf32>
    %get3A_24 = arith.constant 0 : index
    %get3A_25 = arith.constant 0 : index
    %get3A_26 = vector.load %arg4[%get3A_24, %get3A_25] : memref<1x128xf32, #tpu.memory_space<vmem>>, vector<1x128xf32>
    %mul3A_27 = vector.broadcast %get3A_26 : vector<1x128xf32> to vector<1000x128xf32>
    %mul3A_28 = arith.mulf %mul3A_23, %mul3A_27 : vector<1000x128xf32>
    %get3A_29 = arith.constant 0 : index
    %get3A_30 = arith.constant 0 : index
    %get3A_31 = vector.load %arg5[%get3A_29, %get3A_30] : memref<1x128xf32, #tpu.memory_space<vmem>>, vector<1x128xf32>
    %add3A_32 = vector.broadcast %get3A_31 : vector<1x128xf32> to vector<1000x128xf32>
    %add3A_33 = arith.addf %mul3A_28, %add3A_32 : vector<1000x128xf32>
    %swap3A = arith.constant 0 : index
    %swap3A_34 = arith.constant 0 : index
    %swap3A_35 = vector.load %arg8[%swap3A, %swap3A_34] : memref<1000x128xf32, #tpu.memory_space<vmem>>, vector<1000x128xf32>
    tpu.vector_store %arg8[%swap3A, %swap3A_34], %add3A_33 {strides = array<i32>} : memref<1000x128xf32, #tpu.memory_space<vmem>>, vector<1000x128xf32>,
    %get3A_36 = arith.constant 0 : index
    %get3A_37 = arith.constant 0 : index
    %get3A_38 = vector.load %arg6[%get3A_36, %get3A_37] : memref<128x128xf32, #tpu.memory_space<vmem>>, vector<128x128xf32>
    %dot_general3A = arith.constant dense<0.000000e+00> : vector<1000x128xf32>
    %dot_general3A_39 = tpu.matmul %add3A_33, %get3A_38, %dot_general3A {dimension_numbers = #tpu.dot_dimension_numbers<[1], [0], [0], [1], [0, 0, 1, 1], [], []>, transpose_lhs_hint = false} : vector<1000x128xf32>, vector<128x128xf32>, vector<1000x128xf32> -> vector<1000x128xf32>
    %get3A_40 = arith.constant 0 : index
    %get3A_41 = arith.constant 0 : index
    %get3A_42 = vector.load %arg7[%get3A_40, %get3A_41] : memref<1x128xf32, #tpu.memory_space<vmem>>, vector<1x128xf32>
    %add3A_43 = vector.broadcast %get3A_42 : vector<1x128xf32> to vector<1000x128xf32>
    %add3A_44 = arith.addf %dot_general3A_39, %add3A_43 : vector<1000x128xf32>
    %swap3A_45 = arith.constant 0 : index
    %swap3A_46 = arith.constant 0 : index
    %swap3A_47 = vector.load %arg9[%swap3A_45, %swap3A_46] : memref<1000x128xf32, #tpu.memory_space<vmem>>, vector<1000x128xf32>
    tpu.vector_store %arg9[%swap3A_45, %swap3A_46], %add3A_44 {strides = array<i32>} : memref<1000x128xf32, #tpu.memory_space<vmem>>, vector<1000x128xf32>,
    return
  }
  func.func @transform_0(%arg0: i32) -> (i32, i32) {
    %c0_i32 = arith.constant 0 : i32
    %c0_i32_0 = arith.constant 0 : i32
    return %arg0, %c0_i32 : i32, i32
  }
  func.func @transform_1(%arg0: i32) -> (i32, i32) {
    %c0_i32 = arith.constant 0 : i32
    %c0_i32_0 = arith.constant 0 : i32
    return %arg0, %c0_i32 : i32, i32
  }
  func.func @transform_2(%arg0: i32) -> (i32, i32) {
    %c0_i32 = arith.constant 0 : i32
    %c0_i32_0 = arith.constant 0 : i32
    return %arg0, %c0_i32 : i32, i32
  }
  func.func @transform_3(%arg0: i32) -> (i32, i32) {
    %c0_i32 = arith.constant 0 : i32
    %c0_i32_0 = arith.constant 0 : i32
    %c0_i32_1 = arith.constant 0 : i32
    return %c0_i32, %c0_i32_0 : i32, i32
  }
  func.func @transform_4(%arg0: i32) -> (i32, i32) {
    %c0_i32 = arith.constant 0 : i32
    %c0_i32_0 = arith.constant 0 : i32
    %c0_i32_1 = arith.constant 0 : i32
    return %c0_i32, %c0_i32_0 : i32, i32
  }
  func.func @transform_5(%arg0: i32) -> (i32, i32) {
    %c0_i32 = arith.constant 0 : i32
    %c0_i32_0 = arith.constant 0 : i32
    %c0_i32_1 = arith.constant 0 : i32
    return %c0_i32, %c0_i32_0 : i32, i32
  }
  func.func @transform_6(%arg0: i32) -> (i32, i32) {
    %c0_i32 = arith.constant 0 : i32
    %c0_i32_0 = arith.constant 0 : i32
    %c0_i32_1 = arith.constant 0 : i32
    return %c0_i32, %c0_i32_0 : i32, i32
  }
  func.func @transform_7(%arg0: i32) -> (i32, i32) {
    %c0_i32 = arith.constant 0 : i32
    %c0_i32_0 = arith.constant 0 : i32
    return %arg0, %c0_i32 : i32, i32
  }
  func.func @transform_8(%arg0: i32) -> (i32, i32) {
    %c0_i32 = arith.constant 0 : i32
    %c0_i32_0 = arith.constant 0 : i32
    return %arg0, %c0_i32 : i32, i32
  }
}

</mosaic_0001>

<sc_bundles>
// kernel: kernel.10.cloned.1.call-start
scs
__scs_entry_jumppad:
0x0: {  	(pc) =	sbr.rel $0x88, $3  }
0x1: {  	(tag) =	ssettag $0x0;
	lr =	simm.s32 $0x1  }
0x2: {  	[smem:$0x3F94] =	sst lr;
	_ =	strace $0xD0000000  }
0x3: {  	_ = 	snop  }
0x4: {  	_ = 	snop  }
0x5: {  	_ = 	snop  }
0x6: {  	_ = 	snop  }
0x7: {  	_ = 	snop  }
__scs_overlays_trampoline_lowered:
0x8: {  	[smem:$0x3FA3] =	sst s0  }
0x9: {  	[smem:$0x3FA4] =	sst s1  }
0xa: {  	[smem:$0x3FA5] =	sst s2  }
0xb: {  	[smem:$0x3FA6] =	sst s3  }
0xc: {  	[smem:$0x3FA7] =	sst s4  }
0xd: {  	[smem:$0x3FA8] =	sst s5  }
0xe: {  	[smem:$0x3FA9] =	sst s6  }
0xf: {  	[smem:$0x3FAA] =	sst s7  }
0x10: {  	[smem:$0x3FAB] =	sst s8  }
0x11: {  	[smem:$0x3FAC] =	sst s9;
	s0 =	simm.s32 @!p0 $0x0  }
0x12: {  	s1 =	sld [smem:$0x3F92];
	s0 =	simm.s32 @p0 $0x1  }
0x13: {  	[smem:$0x3FAD] =	sst s0;
	s0 =	simm.s32 @!p1 $0x0  }
0x14: {  	s2 =	sld [smem:$0x3F91];
	s0 =	simm.s32 @p1 $0x1  }
0x15: {  	[smem:$0x3FAE] =	sst s0;
	s0 =	simm.s32 @!p2 $0x0  }
0x16: {  	s3 =	sld [smem:$0x3FDB];
	s0 =	simm.s32 @p2 $0x1  }
0x17: {  	s4 =	simm.s32 $0x1BF5;
	[smem:$0x3FB0] =	sst s0  }
0x18: {  	s0 =	sld [smem:$0x3F93];
	_ =	swait.ge [sflag:s4], $0x0  }
0x19: {  	s7 =	sld [smem:$0x3F94]  }
0x1a: {  	s8 =	sadd.s32 $0xFFFFE003, lr  }
0x1b: {  	s9 =	sadd.s32 $0xFFFFFEF7, lr;
	s5 =	simm.s32 $0xFFFFFFFF;
	p2 =	slt.u32 s8, $0xFFFFF086  }
0x1c: {  	p1 =	slt.u32 s9, $0xF7A;
	s5 =	simm.s32 @!p2 $0x0  }
0x1d: {  	s5 =	simm.s32 @p1 $0x1;
	p0 =	seq.s32 s7, s2  }
0x1e: {  	s7 =	smul.u32 @!p0 $0xF7A, s2;
	p2 =	seq.s32 @!p0 s5, $0x0  }
0x1f: {  	s9 =	smul.u32 $0xF7A, s1;
	s8 =	simm.s32 @!p0 $0x1BF5;
	p2 =	por !p2, p0  }
0x20: {  	[sflag:s8] =	ssyncset.s32 @!p0 $0xFFFFF086;
	s6 =	sadd.s32 @!p0 s3, s7;
	s7 =	simm.s32 @!p0 $0x108  }
0x21: {  	s3 =	sadd.s32 s3, s9;
	s6 =	sadd.s32 @!p0 $0x88, s6;
	s7 =	simm.s32 @p2 $0x1082  }
0x22: {  	[simem:s7], [sflag:s8] =	dma.local @!p0 [hbm:s6], $0xF7A  }
0x23: {  	s9 =	sor.u32 $0xD0000000, s2;
	s6 =	simm.s32 $0x108;
	_ =	swait.ge @!p0 [sflag:s8], $0x0  }
0x24: {  	s3 =	sadd.s32 $0x88, s3;
	s6 =	simm.s32 @!p1 $0x1082;
	[sflag:s4] =	ssyncset.s32 $0xFFFFF086  }
0x25: {  	[simem:s6], [sflag:s4] =	dma.local [hbm:s3], $0xF7A  }
0x26: {  	[smem:$0x3F94] =	sst s1;
	(tag) =	ssettag s2;
	_ =	strace s9  }
0x27: {  	s1 =	sld [smem:$0x3FA4]  }
0x28: {  	s2 =	sld [smem:$0x3FA5]  }
0x29: {  	s4 =	sld [smem:$0x3FA7]  }
0x2a: {  	p0 =	seq.s32 s5, $0x0;
	s5 =	sld [smem:$0x3FA8]  }
0x2b: {  	s6 =	sld [smem:$0x3FA9]  }
0x2c: {  	s7 =	sld [smem:$0x3FAA]  }
0x2d: {  	s3 =	simm.s32 $0x108;
	s8 =	sld [smem:$0x3FAB]  }
0x2e: {  	s3 =	simm.s32 @!p0 $0x1082;
	s9 =	sld [smem:$0x3FAC]  }
0x2f: {  	lr =	sadd.s32 s0, s3;
	s0 =	sld [smem:$0x3FA3]  }
0x30: {  	s3 =	sld [smem:$0x3FA6]  }
0x31: {  	[smem:$0x3FAF] =	sst s10  }
0x32: {  	s10 =	sld [smem:$0x3FAD];
	_ =	sdelay $0x3  }
0x33: {  	p0 =	seq.s32 s10, $0x1;
	s10 =	sld [smem:$0x3FAF];
	_ =	sdelay $0x3  }
0x34: {  	[smem:$0x3FAF] =	sst s10  }
0x35: {  	s10 =	sld [smem:$0x3FAE];
	_ =	sdelay $0x3  }
0x36: {  	p1 =	seq.s32 s10, $0x1;
	s10 =	sld [smem:$0x3FAF];
	_ =	sdelay $0x3  }
0x37: {  	[smem:$0x3FAF] =	sst s10  }
0x38: {  	s10 =	sld [smem:$0x3FB0]  }
0x39: {  	_ = 	snop;
	(pc) =	sbr.ind lr, $3  }
0x3a: {  	_ = 	snop  }
0x3b: {  	_ = 	snop  }
0x3c: {  	p2 =	seq.s32 s10, $0x1;
	s10 =	sld [smem:$0x3FAF]  }
0x3d: {  	_ =	shalt  }
0x3e: {  	_ =	shalt  }
0x3f: {  	_ =	shalt  }
0x40: {  	_ =	shalt  }
0x41: {  	_ =	shalt  }
0x42: {  	_ =	shalt  }
0x43: {  	_ =	shalt  }
0x44: {  	_ =	shalt  }
0x45: {  	_ =	shalt  }
0x46: {  	_ =	shalt  }
0x47: {  	_ =	shalt  }
0x48: {  	_ =	shalt  }
0x49: {  	_ =	shalt  }
0x4a: {  	_ =	shalt  }
0x4b: {  	_ =	shalt  }
0x4c: {  	_ =	shalt  }
0x4d: {  	_ =	shalt  }
0x4e: {  	_ =	shalt  }
0x4f: {  	_ =	shalt  }
0x50: {  	_ =	shalt  }
0x51: {  	_ =	shalt  }
0x52: {  	_ =	shalt  }
0x53: {  	_ =	shalt  }
0x54: {  	_ =	shalt  }
0x55: {  	_ =	shalt  }
0x56: {  	_ =	shalt  }
0x57: {  	_ =	shalt  }
0x58: {  	_ =	shalt  }
0x59: {  	_ =	shalt  }
0x5a: {  	_ =	shalt  }
0x5b: {  	_ =	shalt  }
0x5c: {  	_ =	shalt  }
0x5d: {  	_ =	shalt  }
0x5e: {  	_ =	shalt  }
0x5f: {  	_ =	shalt  }
0x60: {  	_ =	shalt  }
0x61: {  	_ =	shalt  }
0x62: {  	_ =	shalt  }
0x63: {  	_ =	shalt  }
0x64: {  	_ =	shalt  }
0x65: {  	_ =	shalt  }
0x66: {  	_ =	shalt  }
0x67: {  	_ =	shalt  }
0x68: {  	_ =	shalt  }
0x69: {  	_ =	shalt  }
0x6a: {  	_ =	shalt  }
0x6b: {  	_ =	shalt  }
0x6c: {  	_ =	shalt  }
0x6d: {  	_ =	shalt  }
0x6e: {  	_ =	shalt  }
0x6f: {  	_ =	shalt  }
0x70: {  	_ =	shalt  }
0x71: {  	_ =	shalt  }
0x72: {  	_ =	shalt  }
0x73: {  	_ =	shalt  }
0x74: {  	_ =	shalt  }
0x75: {  	_ =	shalt  }
0x76: {  	_ =	shalt  }
0x77: {  	_ =	shalt  }
0x78: {  	_ =	shalt  }
0x79: {  	_ =	shalt  }
0x7a: {  	_ =	shalt  }
0x7b: {  	_ =	shalt  }
0x7c: {  	_ =	shalt  }
0x7d: {  	_ =	shalt  }
0x7e: {  	_ =	shalt  }
0x7f: {  	_ =	shalt  }
0x80: {  	_ =	shalt  }
0x81: {  	_ =	shalt  }
0x82: {  	_ =	shalt  }
0x83: {  	_ =	shalt  }
0x84: {  	_ =	shalt  }
0x85: {  	_ =	shalt  }
0x86: {  	_ =	shalt  }
0x87: {  	_ =	shalt  }
.Lfunc_end0:
.L_simem_size_0:
called_computation_lowered:
.L_overlay_start_0:
0x88: {  	s2 =	sld [smem:$0x3FD9]  }
0x89: {  	s3 =	sld [smem:$0x3FFE];
	_ =	sdelay $0x1  }
0x8a: {  	s1 =	srdreg.scid  }
0x8b: {  	s0 =	sand.u32 $0x1, s1  }
0x8c: {  	s17 =	sshll.u32 s0, $0xA;
	s2 =	sadd.s32 s3, s2  }
0x8d: {  	s2 =	sadd.s32 s2, s17  }
0x8e: {  	[smem:$0x3FBB] =	sst s2  }
0x8f: {  	_ = 	snop  }
0x90: {  	s2 =	sld [smem:$0x3FD0];
	(tm) =	ssettm $0x1  }
0x91: {  	s18 =	sld [smem:$0x3FFB];
	_ =	sdelay $0x3  }
0x92: {  	_ =	strace s18  }
0x93: {  	s3 =	sld [smem:$0x3FFC];
	_ =	sdelay $0x3  }
0x94: {  	_ =	strace s3  }
0x95: {  	s3 =	sld [smem:$0x3FFD];
	_ =	sdelay $0x3  }
0x96: {  	_ =	strace s3  }
0x97: {  	_ =	strace $0x8FFFFFFF  }
0x98: {  	s19 =	sld [smem:$0x3FDB];
	_ =	sdelay $0x1  }
0x99: {  	s4 =	simm.s32 $_scs_section_size  }
0x9a: {  	s5 =	simm.s32 $_size__tile_overlayer_lowered;
	s6 =	simm.s32 $_tile_overlayer_lowered  }
0x9b: {  	s22 =	simm.s32 $0x1BFF;
	s21 =	sshll.u32 s6, $0x1;
	s3 =	sadd.s32 s4, s19  }
0x9c: {  	s7 =	simm.s32 $0x0;
	s20 =	sshll.u32 s5, $0x1;
	s5 =	sadd.s32 s21, s3  }
0x9d: {  	[timem:s7], [sflag:s22] =	dma.local [hbm:s5], s20  }
0x9e: {  	_ =	swait.ge [sflag:s22], s20  }
0x9f: {  	s4 =	ssub.s32 $0x0, s20;
	[sflag:s22] =	ssyncset.done $0x0  }
0xa0: {  	[sflag:s22] =	ssyncadd.s32 s4;
	_ =	sdelay $0x1  }
0xa1: {  	s23 =	simm.s32 $0x1B8B  }
0xa2: {  	_ =	swait.ge [sflag:s23], $0x1  }
0xa3: {  	[sflag:s23] =	ssyncset.done $0x0  }
0xa4: {  	s25 =	simm.s32 $0x1B8E;
	s24 =	sld [smem:$0x3FFE];
	[sflag:s23] =	ssyncadd.s32 $0xFFFFFFFF  }
0xa5: {  	s26 =	simm.s32 $execute0_lowered;
	[smem:$0x3FD2] =	sst s25  }
0xa6: {  	s5 =	sshll.u32 s26, $0x1;
	_ =	strace $0x80000046;
	[dreg:$0x1] =	wrdreg $0xFFFFFFFF  }
0xa7: {  	s28 =	simm.s32 $_size_execute0_lowered;
	s3 =	sadd.s32 s3, s5;
	[dreg:$0x0] =	wrdreg $0x0  }
0xa8: {  	s5 =	sshll.u32 s28, $0x1;
	[dreg:$0x2] =	wrdreg s3  }
0xa9: {  	[dreg:$0x3] =	wrdreg s5  }
0xaa: {  	[dreg:$0x4] =	wrdreg $0xC0  }
0xab: {  	_ =	task [dreg:s7], $0x5FFFF  }
0xac: {  	[dreg:$0x1] =	wrdreg $0xFFFFFFFF  }
0xad: {  	[dreg:$0x0] =	wrdreg $0x60  }
0xae: {  	[dreg:$0x2] =	wrdreg s2  }
0xaf: {  	[dreg:$0x3] =	wrdreg s24  }
0xb0: {  	[dreg:$0x4] =	wrdreg $0x88000  }
0xb1: {  	[dreg:$0x5] =	wrdreg $0x9  }
0xb2: {  	_ =	task.clear_ibuf [dreg:s7], $0x6FFFF;
	_ =	strace $0x90000046  }
0xb3: {  	s29 =	simm.s32 $0x9;
	_ =	strace $0x80000048  }
0xb4: {  	_ =	swait.ge [sflag:s29], $0x1  }
0xb5: {  	[sflag:s29] =	ssyncadd.s32 $0xFFFFFFFF  }
0xb6: {  	_ =	strace $0x90000048  }
0xb7: {  	_ =	sfence  }
0xb8: {  	s30 =	sld [smem:$0x0];
	_ =	sdelay $0x2  }
0xb9: {  	s31 =	sshll.u32 s1, $0xD;
	s1 =	sshrl.u32 s1, $0x2  }
0xba: {  	s3 =	sand.u32 $0x4000, s31;
	s1 =	sadd.s32 s1, s30  }
0xbb: {  	s0 =	sor.u32 s3, s0;
	s1 =	sshll.u32 s1, $0x11  }
0xbc: {  	s0 =	sor.u32 s1, s0  }
0xbd: {  	s0 =	sadd.s32 $0x8F2B, s0  }
0xbe: {  	[sflag:s0] =	ssyncadd.remote.s32 $0x1  }
0xbf: {  	_ =	sfence.sel $0xFFFF  }
0xc0: {  	[dreg:$0x0] =	wrdreg $0xFFFFFFFF;
	(pc) =	sbr.abs _section_cstart, $3  }
0xc1: {  	[dreg:$0x1] =	wrdreg $0xFFFFFFFF  }
0xc2: {  	_ =	task.clear_ibuf [dreg:s7], $0x2FFFF;
	_ =	strace $0x9FFFFFFF  }
0xc3: {  	(tm) =	ssettm $0x7FFFFFFF  }
tec
execute0_lowered:
.L_overlay_start_1:
0x0: {  	(tag) =	ssettag $0x1  }
0x1: {  	s1 =	rddreg [dreg:$0x0]  }
0x2: {  	s0 =	rddreg [dreg:$0x1]  }
0x3: {  	s3 =	rddreg [dreg:$0x2];
	s2 =	simm.s32 $0x0;
	s6 =	srdreg.scid  }
0x4: {  	s15 =	stileid.u32;
	s30 =	simm.s32 $0x7;
	s31 =	simm.s32 $0x600  }
0x5: {  	s29 =	simm.s32 $0x300;
	[smem:$0x7FF] =	sst s2;
	s4 =	sadd.s32 $0x6200, s0  }
0x6: {  	s5 =	sadd.s32 $0x2E600, s0;
	s7 =	sand.u32 $0x1, s6;
	s9 =	smul.u32 $0x4F000, s15  }
0x7: {  	s6 =	sadd.s32 $0x38600, s0;
	s10 =	sadd.s32 $0x4A00, s0;
	s12 =	smul.u32 $0x13C00, s15  }
0x8: {  	s0 =	sadd.s32 $0x42600, s0;
	_ =	strace $0x80000047;
	s8 =	ssub.s32 $0x2, s7  }
0x9: {  	[dreg:$0x4] =	wrdreg s10;
	s24 =	sshll.u32 s7, $0x4;
	s7 =	smul.u32 $0x13C000, s7  }
0xa: {  	s23 =	sshrl.u32 s8, $0x1;
	s10 =	sor.u32 s15, s24;
	s9 =	sshrl.u32 s9, $0x2  }
0xb: {  	s13 =	sadd.s32 $0x4000, s12;
	s26 =	sadd.s32 $0x8000, s12;
	s14 =	sadd.s32 $0xC000, s12  }
0xc: {  	s15 =	sshll.u32 s15, $0x7;
	s19 =	sadd.s32 $0x10000, s12;
	s8 =	ssub.s32 s8, s23  }
0xd: {  	s28 =	sadd.s32 s9, s3;
	s25 =	sadd.s32 s13, s3;
	s11 =	sadd.s32 s26, s3  }
0xe: {  	s16 =	sadd.s32 s14, s3;
	s15 =	sand.u32 $0x380, s15;
	s22 =	sadd.s32 s12, s7  }
0xf: {  	s23 =	sadd.s32 s7, s13;
	s9 =	sadd.s32 s7, s26;
	s24 =	sadd.s32 s7, s14  }
0x10: {  	s7 =	sadd.s32 s7, s19;
	s14 =	simm.s32 $0x500;
	[dreg:$0x6] =	wrdreg s25  }
0x11: {  	[dreg:$0x7] =	wrdreg s11;
	s11 =	smul.u32 $0x2800, s10;
	s10 =	sshrl.u32 s10, $0x3  }
0x12: {  	[dreg:$0x8] =	wrdreg s16;
	s12 =	sshrl.u32 s23, $0x3;
	s7 =	sshrl.u32 s7, $0x3  }
0x13: {  	[dreg:$0x5] =	wrdreg s28;
	s10 =	smul.u32 $0x50000, s10;
	s16 =	sadd.s32 s0, s12  }
0x14: {  	s17 =	sshrl.u32 s11, $0x3;
	[dreg:$0xe] =	wrdreg s16;
	s16 =	simm.s32 $0x100  }
0x15: {  	s10 =	sor.u32 s15, s10;
	s15 =	sadd.s32 s19, s3;
	s20 =	sadd.s32 s5, s17  }
0x16: {  	s25 =	sadd.s32 s6, s17;
	s3 =	sshrl.u32 s22, $0x3;
	s26 =	sor.u32 $0x10, s17  }
0x17: {  	s17 =	sshrl.u32 s9, $0x3;
	s19 =	sshrl.u32 s24, $0x3;
	[dreg:$0xa] =	wrdreg s20  }
0x18: {  	s24 =	smax.u32 s8, $0x1;
	s8 =	simm.s32 $0x6;
	[dreg:$0xc] =	wrdreg s25  }
0x19: {  	s9 =	simm.s32 $0x0;
	s21 =	sshrl.u32 s10, $0x3;
	[dreg:$0x14] =	wrdreg s24  }
0x1a: {  	s3 =	sadd.s32 s0, s3;
	s20 =	sadd.s32 s0, s19;
	[dreg:$0x9] =	wrdreg s15  }
0x1b: {  	s22 =	sadd.s32 s6, s26;
	s23 =	sor.u32 $0x3000, s10;
	[dreg:$0xd] =	wrdreg s3  }
0x1c: {  	s25 =	sor.u32 $0x2000, s10;
	s19 =	simm.s32 $0x380;
	[dreg:$0x10] =	wrdreg s20  }
0x1d: {  	s24 =	simm.s32 $0x1;
	s18 =	sadd.s32 s4, s21;
	[dreg:$0x13] =	wrdreg s22  }
0x1e: {  	s3 =	sadd.s32 s0, s17;
	s0 =	sadd.s32 s0, s7;
	[dreg:$0x15] =	wrdreg s25  }
0x1f: {  	s21 =	sadd.s32 s5, s26;
	s7 =	simm.s32 $0x400;
	[dreg:$0xf] =	wrdreg s3  }
0x20: {  	s17 =	simm.s32 $0x80;
	s20 =	simm.s32 $0x480;
	[dreg:$0x11] =	wrdreg s0  }
.Ltmp0:
0x21: {  	s22 =	simm.s32 $0x4;
	[dreg:$0x12] =	wrdreg s21;
	(pc) =	sbr.rel .LBB2_1-.Ltmp0, $4  }
0x22: {  	s25 =	simm.s32 $0x5;
	s0 =	sshrl.u32 s23, $0x3;
	[dreg:$0xb] =	wrdreg s18  }
0x23: {  	s26 =	sadd.s32 $0x200, s18;
	s18 =	simm.s32 $0x280;
	s21 =	simm.s32 $0x580  }
0x24: {  	s23 =	simm.s32 $0x4600;
	s0 =	sadd.s32 s0, s4;
	[dreg:$0x17] =	wrdreg s26  }
0x25: {  	v0 =	vimm.f32 $0.0e+00;
	s26 =	simm.s32 $0x2;
	[dreg:$0x16] =	wrdreg s0;
	s0 =	simm.s32 $0x3  }
.LBB2_6:
0x26: {  	_ =	swait.ge [sflag:s26], $0x4000  }
0x27: {  	[sflag:s26] =	ssyncset.done $0x0  }
0x28: {  	[sflag:s26] =	ssyncadd.s32 $0xFFFFC000  }
0x29: {  	_ =	swait.ge [sflag:s8], $0x80  }
0x2a: {  	[sflag:s8] =	ssyncset.done $0x0  }
0x2b: {  	[sflag:s8] =	ssyncadd.s32 $0xFFFFFF80  }
0x2c: {  	s3 =	stileid.u32;
	[bflag:$0x0] =	sbarrier.arrive $0xFFFF  }
0x2d: {  	s3 =	sshll.u32 s3, $0x6;
	s28 =	rddreg [dreg:$0x5]  }
0x2e: {  	s3 =	sor.u32 $0x1C07, s3;
	s10 =	rddreg [dreg:$0xd];
	s9 =	sshrl.u32 s28, $0x3  }
0x2f: {  	[hbm:s10], [sflag:s3] =	dma.local [spmem:s9], $0x800  }
0x30: {  	_ =	swait.ge [sflag:s30], $0x800  }
0x31: {  	[sflag:s30] =	ssyncset.done $0x0;
	s13 =	rddreg [dreg:$0x6]  }
0x32: {  	s15 =	rddreg [dreg:$0xe];
	[sflag:s30] =	ssyncadd.s32 $0xFFFFF800;
	s9 =	sshrl.u32 s13, $0x3  }
0x33: {  	[hbm:s15], [sflag:s3] =	dma.local [spmem:s9], $0x800  }
0x34: {  	_ =	swait.ge [sflag:s30], $0x800  }
0x35: {  	[sflag:s30] =	ssyncset.done $0x0;
	s10 =	rddreg [dreg:$0x7]  }
0x36: {  	s12 =	rddreg [dreg:$0xf];
	[sflag:s30] =	ssyncadd.s32 $0xFFFFF800;
	s9 =	sshrl.u32 s10, $0x3  }
0x37: {  	[hbm:s12], [sflag:s3] =	dma.local [spmem:s9], $0x800  }
0x38: {  	_ =	swait.ge [sflag:s30], $0x800  }
0x39: {  	[sflag:s30] =	ssyncset.done $0x0;
	s13 =	rddreg [dreg:$0x8]  }
0x3a: {  	s15 =	rddreg [dreg:$0x10];
	[sflag:s30] =	ssyncadd.s32 $0xFFFFF800;
	s9 =	sshrl.u32 s13, $0x3  }
0x3b: {  	[hbm:s15], [sflag:s3] =	dma.local [spmem:s9], $0x800  }
0x3c: {  	_ =	swait.ge [sflag:s30], $0x800  }
0x3d: {  	[sflag:s30] =	ssyncset.done $0x0;
	s15 =	rddreg [dreg:$0x9]  }
0x3e: {  	s13 =	rddreg [dreg:$0x11];
	[sflag:s30] =	ssyncadd.s32 $0xFFFFF800;
	s12 =	sshrl.u32 s15, $0x3  }
0x3f: {  	[hbm:s13], [sflag:s3] =	dma.local [spmem:s12], $0x780  }
0x40: {  	_ =	swait.ge [sflag:s30], $0x780  }
0x41: {  	s12 =	rddreg [dreg:$0x18]  }
0x42: {  	s13 =	rddreg [dreg:$0x14];
	s9 =	sadd.s32 $0x1, s12  }
0x43: {  	p0 =	sne.s32 s9, s13  }
.Ltmp1:
0x44: {  	_ = 	snop;
	(pc) =	sbr.rel @!p0 .LBB2_7-.Ltmp1, $3  }
0x45: {  	_ =	sdelay $0x1  }
0x46: {  	[sflag:s30] =	ssyncset.done $0x0  }
0x47: {  	[sflag:s30] =	ssyncadd.s32 $0xFFFFF880  }
.LBB2_1:
0x48: {  	[dreg:$0x18] =	wrdreg s9  }
0x49: {  	s3 =	rddreg [dreg:$0x4];
	s13 =	simm.s32 $0x8600  }
0x4a: {  	[tilespmem:s13], [sflag:$0x7] =	stream.linear.gather [hbm4b:s3+s2], $0x200, $0x38;
	[tilespmem:$0x1C400] =	vst v63  }
0x4b: {  	_ =	swait.ge [sflag:s30], $0x200  }
0x4c: {  	[sflag:s30] =	ssyncset.done $0x0  }
0x4d: {  	s10 =	simm.s32 $0x0;
	s12 =	simm.s32 $0x200;
	[sflag:s30] =	ssyncadd.s32 $0xFFFFFE00  }
.LBB2_2:
0x4e: {  	p0 =	sne.s32 s12, $0xFE00;
	[tilespmem:s10+$0x670] =	vst v0  }
0x4f: {  	[tilespmem:s10+$0x600] =	vst v0  }
0x50: {  	[tilespmem:s10+$0x610] =	vst v0  }
.Ltmp2:
0x51: {  	[tilespmem:s10+$0x620] =	vst v0;
	(pc) =	sbr.rel @p0 .LBB2_2-.Ltmp2, $4  }
0x52: {  	[tilespmem:s10+$0x630] =	vst v0  }
0x53: {  	[tilespmem:s10+$0x640] =	vst v0  }
0x54: {  	[tilespmem:s10+$0x650] =	vst v0  }
0x55: {  	[tilespmem:s10+$0x660] =	vst v0;
	s10 =	sshra.s32 s12, $0x2;
	s12 =	sadd.s32 $0x200, s12  }
0x56: {  	[tilespmem:s10+$0x670] =	vst v0  }
0x57: {  	[tilespmem:s10+$0x600] =	vst v0  }
0x58: {  	[tilespmem:s10+$0x610] =	vst v0  }
0x59: {  	[tilespmem:s10+$0x620] =	vst v0  }
0x5a: {  	[tilespmem:s10+$0x630] =	vst v0  }
0x5b: {  	[tilespmem:s10+$0x640] =	vst v0  }
0x5c: {  	[tilespmem:s10+$0x650] =	vst v0  }
0x5d: {  	[tilespmem:s10+$0x660] =	vst v0  }
0x5e: {  	[spmem:s28] =	stream.linear.scatter [tilespmem:s31], [sflag:$0x7], $0x4000, $0x38;
	[tilespmem:$0x1C400] =	vst v63  }
0x5f: {  	_ =	swait.ge [sflag:s30], $0x4000  }
0x60: {  	[sflag:s30] =	ssyncset.done $0x0  }
0x61: {  	s3 =	rddreg [dreg:$0x6];
	[sflag:s30] =	ssyncadd.s32 $0xFFFFC000  }
0x62: {  	[spmem:s3] =	stream.linear.scatter [tilespmem:s31], [sflag:$0x7], $0x4000, $0x38;
	[tilespmem:$0x1C400] =	vst v63  }
0x63: {  	_ =	swait.ge [sflag:s30], $0x4000  }
0x64: {  	[sflag:s30] =	ssyncset.done $0x0  }
0x65: {  	s10 =	rddreg [dreg:$0x7];
	[sflag:s30] =	ssyncadd.s32 $0xFFFFC000  }
0x66: {  	[spmem:s10] =	stream.linear.scatter [tilespmem:s31], [sflag:$0x7], $0x4000, $0x38;
	[tilespmem:$0x1C400] =	vst v63  }
0x67: {  	_ =	swait.ge [sflag:s30], $0x4000  }
0x68: {  	[sflag:s30] =	ssyncset.done $0x0  }
0x69: {  	s12 =	rddreg [dreg:$0x8];
	[sflag:s30] =	ssyncadd.s32 $0xFFFFC000  }
0x6a: {  	[spmem:s12] =	stream.linear.scatter [tilespmem:s31], [sflag:$0x7], $0x4000, $0x38;
	[tilespmem:$0x1C400] =	vst v63  }
0x6b: {  	_ =	swait.ge [sflag:s30], $0x4000  }
0x6c: {  	[sflag:s30] =	ssyncset.done $0x0  }
0x6d: {  	[sflag:s30] =	ssyncadd.s32 $0xFFFFC000  }
0x6e: {  	[spmem:s15] =	stream.linear.scatter [tilespmem:s31], [sflag:$0x7], $0x3C00, $0x38;
	[tilespmem:$0x1C400] =	vst v63  }
0x6f: {  	_ =	swait.ge [sflag:s30], $0x3C00  }
0x70: {  	[sflag:s30] =	ssyncset.done $0x0  }
0x71: {  	[sflag:s30] =	ssyncadd.s32 $0xFFFFC400  }
0x72: {  	[bflag:$0x0] =	sbarrier.arrive $0xFFFF  }
0x73: {  	s10 =	simm.s32 $0x0;
	s13 =	rddreg [dreg:$0xa]  }
0x74: {  	[tilespmem:s10], [sflag:$0x3] =	stream.linear.gather [hbm4b:s13+s10], $0x80, $0x38;
	[tilespmem:$0x1C400] =	vst v63  }
0x75: {  	_ =	swait.ge [sflag:s0], $0x80  }
0x76: {  	[sflag:s0] =	ssyncset.done $0x0  }
0x77: {  	s9 =	simm.s32 $0x200;
	s15 =	rddreg [dreg:$0xb];
	[sflag:s0] =	ssyncadd.s32 $0xFFFFFF80  }
0x78: {  	[tilespmem:s9], [sflag:$0x3] =	stream.linear.gather [hbm4b:s15+s10], $0x80, $0x38;
	[tilespmem:$0x1C400] =	vst v63  }
0x79: {  	s12 =	sadd.s32 $0x80, s15  }
0x7a: {  	[tilespmem:s29], [sflag:$0x3] =	stream.linear.gather [hbm4b:s12+s10], $0x80, $0x38;
	[tilespmem:$0x1C400] =	vst v63  }
0x7b: {  	s28 =	sadd.s32 $0x100, s15  }
0x7c: {  	[tilespmem:s7], [sflag:$0x3] =	stream.linear.gather [hbm4b:s28+s10], $0x80, $0x38;
	[tilespmem:$0x1C400] =	vst v63  }
0x7d: {  	s9 =	sadd.s32 $0x180, s15  }
0x7e: {  	[tilespmem:s14], [sflag:$0x3] =	stream.linear.gather [hbm4b:s9+s10], $0x80, $0x38;
	[tilespmem:$0x1C400] =	vst v63  }
0x7f: {  	_ =	swait.ge [sflag:s0], $0x200  }
0x80: {  	[sflag:s0] =	ssyncset.done $0x0  }
0x81: {  	s12 =	rddreg [dreg:$0xc];
	[sflag:s0] =	ssyncadd.s32 $0xFFFFFE00  }
0x82: {  	[tilespmem:s16], [sflag:$0x5] =	stream.linear.gather [hbm4b:s12+s10], $0x80, $0x38;
	[tilespmem:$0x1C400] =	vst v63  }
0x83: {  	s13 =	rddreg [dreg:$0x12]  }
0x84: {  	[tilespmem:s17], [sflag:$0x4] =	stream.linear.gather [hbm4b:s13+s10], $0x80, $0x38;
	[tilespmem:$0x1C400] =	vst v63  }
0x85: {  	s15 =	rddreg [dreg:$0x17]  }
0x86: {  	[tilespmem:s18], [sflag:$0x4] =	stream.linear.gather [hbm4b:s15+s10], $0x80, $0x38;
	[tilespmem:$0x1C400] =	vst v63  }
0x87: {  	s28 =	sadd.s32 $0x80, s15  }
0x88: {  	[tilespmem:s19], [sflag:$0x4] =	stream.linear.gather [hbm4b:s28+s10], $0x80, $0x38;
	[tilespmem:$0x1C400] =	vst v63  }
0x89: {  	s9 =	sadd.s32 $0x100, s15  }
0x8a: {  	[tilespmem:s20], [sflag:$0x4] =	stream.linear.gather [hbm4b:s9+s10], $0x80, $0x38;
	[tilespmem:$0x1C400] =	vst v63  }
0x8b: {  	s12 =	rddreg [dreg:$0x16];
	s13 =	sadd.s32 $0x180, s15  }
0x8c: {  	[tilespmem:s21], [sflag:$0x4] =	stream.linear.gather [hbm4b:s13+s10], $0x80, $0x38;
	[tilespmem:$0x1C400] =	vst v63  }
0x8d: {  	s15 =	rddreg [dreg:$0x13];
	s28 =	simm.s32 $0x180  }
0x8e: {  	[tilespmem:s28], [sflag:$0x6] =	stream.linear.gather [hbm4b:s15+s10], $0x80, $0x38;
	[tilespmem:$0x1C400] =	vst v63  }
0x8f: {  	s13 =	rddreg [dreg:$0x15]  }
0x90: {  	[tilespmem:s31], [sflag:$0x1] =	stream.linear.gather [hbm4b:s1+s10], $0x4000, $0x38;
	[tilespmem:$0x1C400] =	vst v63  }
.LBB2_4:
0x91: {  	p0 =	seq.s32 s10, $0x0  }
0x92: {  	s15 =	sand.u32 @!p0 $0x3C00, s10  }
0x93: {  	s28 =	sand.u32 @!p0 $0x300, s10;
	s15 =	sadd.s32 @!p0 s11, s15  }
0x94: {  	s15 =	sor.u32 @!p0 s15, s28  }
0x95: {  	s15 =	sor.u32 @!p0 $0x80, s15  }
0x96: {  	s15 =	sshrl.u32 @!p0 s15, $0x3  }
0x97: {  	s9 =	simm.s32 @!p0 $0x180;
	s28 =	simm.s32 @!p0 $0x0;
	s15 =	sadd.s32 @!p0 s6, s15  }
0x98: {  	[tilespmem:s9], [sflag:$0x6] =	stream.linear.gather @!p0 [hbm4b:s15+s28], $0x80, $0x38;
	[tilespmem:$0x1C400] =	vst v63  }
0x99: {  	_ =	swait.ge [sflag:s22], $0x80  }
0x9a: {  	[sflag:s22] =	ssyncset.done $0x0  }
0x9b: {  	[sflag:s22] =	ssyncadd.s32 $0xFFFFFF80  }
0x9c: {  	_ =	swait.ge [sflag:s22], $0x200  }
0x9d: {  	[sflag:s22] =	ssyncset.done $0x0  }
0x9e: {  	[sflag:s22] =	ssyncadd.s32 $0xFFFFFE00  }
0x9f: {  	[tilespmem:s23], [sflag:$0x2] =	stream.linear.gather [hbm4b:s1+s2], $0x4000, $0x38;
	[tilespmem:$0x1C400] =	vst v63  }
0xa0: {  	p0 =	seq.s32 s10, $0x2700;
	_ =	swait.ge [sflag:s24], $0x4000  }
.Ltmp3:
0xa1: {  	[sflag:s24] =	ssyncset.done $0x0;
	(pc) =	sbr.rel @p0 .LBB2_6-.Ltmp3, $4  }
0xa2: {  	[sflag:s24] =	ssyncadd.s32 $0xFFFFC000  }
0xa3: {  	_ =	swait.ge [sflag:s25], $0x80  }
0xa4: {  	[sflag:s25] =	ssyncset.done $0x0  }
0xa5: {  	[sflag:s25] =	ssyncadd.s32 $0xFFFFFF80  }
0xa6: {  	s9 =	sadd.s32 $0x100, s10  }
0xa7: {  	s15 =	sand.u32 $0x7C00, s9  }
0xa8: {  	s28 =	sand.u32 $0x300, s9;
	s15 =	sadd.s32 s11, s15  }
0xa9: {  	s15 =	sor.u32 s28, s15  }
0xaa: {  	s15 =	sshrl.u32 s15, $0x3  }
0xab: {  	s3 =	sadd.s32 s5, s15  }
0xac: {  	[tilespmem:s2], [sflag:$0x3] =	stream.linear.gather [hbm4b:s3+s2], $0x80, $0x38;
	[tilespmem:$0x1C400] =	vst v63  }
0xad: {  	s3 =	sshrl.u32 s13, $0x3  }
0xae: {  	s28 =	sadd.s32 s4, s3;
	s3 =	simm.s32 $0x200  }
0xaf: {  	[tilespmem:s3], [sflag:$0x3] =	stream.linear.gather [hbm4b:s28+s2], $0x80, $0x38;
	[tilespmem:$0x1C400] =	vst v63  }
0xb0: {  	s3 =	sadd.s32 $0x80, s28  }
0xb1: {  	[tilespmem:s29], [sflag:$0x3] =	stream.linear.gather [hbm4b:s3+s2], $0x80, $0x38;
	[tilespmem:$0x1C400] =	vst v63  }
0xb2: {  	s3 =	sadd.s32 $0x100, s28  }
0xb3: {  	[tilespmem:s7], [sflag:$0x3] =	stream.linear.gather [hbm4b:s3+s2], $0x80, $0x38;
	[tilespmem:$0x1C400] =	vst v63  }
0xb4: {  	s28 =	sadd.s32 $0x180, s28  }
0xb5: {  	[tilespmem:s14], [sflag:$0x3] =	stream.linear.gather [hbm4b:s28+s2], $0x80, $0x38;
	[tilespmem:$0x1C400] =	vst v63  }
0xb6: {  	s15 =	sadd.s32 s6, s15  }
0xb7: {  	[tilespmem:s16], [sflag:$0x5] =	stream.linear.gather [hbm4b:s15+s2], $0x80, $0x38;
	[tilespmem:$0x1C400] =	vst v63  }
0xb8: {  	_ =	swait.ge [sflag:s0], $0x80  }
0xb9: {  	[sflag:s0] =	ssyncset.done $0x0  }
0xba: {  	[sflag:s0] =	ssyncadd.s32 $0xFFFFFF80  }
0xbb: {  	_ =	swait.ge [sflag:s0], $0x200  }
0xbc: {  	[sflag:s0] =	ssyncset.done $0x0  }
0xbd: {  	[sflag:s0] =	ssyncadd.s32 $0xFFFFFE00  }
0xbe: {  	[tilespmem:s31], [sflag:$0x1] =	stream.linear.gather [hbm4b:s1+s2], $0x4000, $0x38;
	[tilespmem:$0x1C400] =	vst v63  }
0xbf: {  	s28 =	sadd.s32 $0x180, s10;
	_ =	swait.ge [sflag:s26], $0x4000  }
0xc0: {  	s10 =	sand.u32 $0x7C00, s28;
	[sflag:s26] =	ssyncset.done $0x0  }
0xc1: {  	s3 =	sand.u32 $0x380, s28;
	s10 =	sadd.s32 s11, s10;
	[sflag:s26] =	ssyncadd.s32 $0xFFFFC000  }
0xc2: {  	s3 =	sor.u32 s3, s10;
	_ =	swait.ge [sflag:s8], $0x80  }
0xc3: {  	s3 =	sshrl.u32 s3, $0x3;
	[sflag:s8] =	ssyncset.done $0x0  }
0xc4: {  	s3 =	sadd.s32 s5, s3;
	[sflag:s8] =	ssyncadd.s32 $0xFFFFFF80  }
0xc5: {  	[tilespmem:s17], [sflag:$0x4] =	stream.linear.gather [hbm4b:s3+s2], $0x80, $0x38;
	[tilespmem:$0x1C400] =	vst v63  }
0xc6: {  	_ = 	snop  }
0xc7: {  	[tilespmem:s18], [sflag:$0x4] =	stream.linear.gather [hbm4b:s12+s2], $0x80, $0x38;
	[tilespmem:$0x1C400] =	vst v63  }
0xc8: {  	s10 =	sadd.s32 $0x80, s12  }
0xc9: {  	[tilespmem:s19], [sflag:$0x4] =	stream.linear.gather [hbm4b:s10+s2], $0x80, $0x38;
	[tilespmem:$0x1C400] =	vst v63  }
.Ltmp4:
0xca: {  	_ = 	snop;
	(pc) =	sbr.rel .LBB2_4-.Ltmp4, $4  }
0xcb: {  	s13 =	sadd.s32 $0x2000, s13;
	s15 =	sadd.s32 $0x100, s12  }
0xcc: {  	[tilespmem:s20], [sflag:$0x4] =	stream.linear.gather [hbm4b:s15+s2], $0x80, $0x38;
	[tilespmem:$0x1C400] =	vst v63  }
0xcd: {  	s28 =	sadd.s32 $0x180, s12;
	s12 =	sadd.s32 $0x400, s12;
	s10 =	smov.u32 s9  }
0xce: {  	[tilespmem:s21], [sflag:$0x4] =	stream.linear.gather [hbm4b:s28+s2], $0x80, $0x38;
	[tilespmem:$0x1C400] =	vst v63  }
.LBB2_7:
0xcf: {  	_ =	sfence.sel $0x180000  }
0xd0: {  	[bflag:$0x0] =	sbarrier.arrive $0xFFFF  }
0xd1: {  	_ =	strace $0x90000047  }
0xd2: {  	s0 =	stileid.u32;
	[bflag:$0x2] =	sbarrier.arrive $0xFFFF  }
0xd3: {  	p0 =	sne.s32 s0, $0x0;
	s0 =	rddreg [dreg:$0x3]  }
0xd4: {  	s0 =	sadd.s32 @!p0 $0x100000, s0  }
0xd5: {  	[sflag:s0] =	ssyncadd.tile.s32 @!p0 $0x1;
	_ =	shalt  }
.Lfunc_end2:
_tile_overlayer_lowered:
.L_overlay_start_2:
0xd6: {  	(tag) =	ssettag $0x2  }
0xd7: {  	s0 =	rddreg [dreg:$0x0];
	s2 =	stileid.u32  }
0xd8: {  	s1 =	rddreg [dreg:$0x1];
	p0 =	sne.s32 s2, $0x0  }
0xd9: {  	s3 =	rddreg [dreg:$0x2];
	[bflag:$0x3] =	sbarrier.arrive $0xFFFF;
	s2 =	simm.s32 @!p0 $0x1C07  }
0xda: {  	[timem:s3], [sflag:s2] =	dma.local @!p0 [hbm:s0], s1  }
0xdb: {  	s0 =	simm.s32 @!p0 $0x7  }
0xdc: {  	_ =	swait.ge @!p0 [sflag:s0], s1  }
0xdd: {  	s1 =	ssub.s32 @!p0 $0x0, s1;
	[sflag:s0] =	ssyncset.done @!p0 $0x0  }
0xde: {  	[sflag:s0] =	ssyncadd.s32 @!p0 s1  }
0xdf: {  	[bflag:$0x3] =	sbarrier.arrive $0xFFFF  }
0xe0: {  	_ =	shalt  }

// kernel: kernel.13.cloned.1.call-start
scs
__scs_entry_jumppad:
0x0: {  	(pc) =	sbr.rel $0x88, $3  }
0x1: {  	(tag) =	ssettag $0x0;
	lr =	simm.s32 $0x1  }
0x2: {  	[smem:$0x3F94] =	sst lr;
	_ =	strace $0xD0000000  }
0x3: {  	_ = 	snop  }
0x4: {  	_ = 	snop  }
0x5: {  	_ = 	snop  }
0x6: {  	_ = 	snop  }
0x7: {  	_ = 	snop  }
__scs_overlays_trampoline_lowered:
0x8: {  	[smem:$0x3FA3] =	sst s0  }
0x9: {  	[smem:$0x3FA4] =	sst s1  }
0xa: {  	[smem:$0x3FA5] =	sst s2  }
0xb: {  	[smem:$0x3FA6] =	sst s3  }
0xc: {  	[smem:$0x3FA7] =	sst s4  }
0xd: {  	[smem:$0x3FA8] =	sst s5  }
0xe: {  	[smem:$0x3FA9] =	sst s6  }
0xf: {  	[smem:$0x3FAA] =	sst s7  }
0x10: {  	[smem:$0x3FAB] =	sst s8  }
0x11: {  	[smem:$0x3FAC] =	sst s9;
	s0 =	simm.s32 @!p0 $0x0  }
0x12: {  	s1 =	sld [smem:$0x3F92];
	s0 =	simm.s32 @p0 $0x1  }
0x13: {  	[smem:$0x3FAD] =	sst s0;
	s0 =	simm.s32 @!p1 $0x0  }
0x14: {  	s2 =	sld [smem:$0x3F91];
	s0 =	simm.s32 @p1 $0x1  }
0x15: {  	[smem:$0x3FAE] =	sst s0;
	s0 =	simm.s32 @!p2 $0x0  }
0x16: {  	s3 =	sld [smem:$0x3FDB];
	s0 =	simm.s32 @p2 $0x1  }
0x17: {  	s4 =	simm.s32 $0x1BF5;
	[smem:$0x3FB0] =	sst s0  }
0x18: {  	s0 =	sld [smem:$0x3F93];
	_ =	swait.ge [sflag:s4], $0x0  }
0x19: {  	s7 =	sld [smem:$0x3F94]  }
0x1a: {  	s8 =	sadd.s32 $0xFFFFE003, lr  }
0x1b: {  	s9 =	sadd.s32 $0xFFFFFEF7, lr;
	s5 =	simm.s32 $0xFFFFFFFF;
	p2 =	slt.u32 s8, $0xFFFFF086  }
0x1c: {  	p1 =	slt.u32 s9, $0xF7A;
	s5 =	simm.s32 @!p2 $0x0  }
0x1d: {  	s5 =	simm.s32 @p1 $0x1;
	p0 =	seq.s32 s7, s2  }
0x1e: {  	s7 =	smul.u32 @!p0 $0xF7A, s2;
	p2 =	seq.s32 @!p0 s5, $0x0  }
0x1f: {  	s9 =	smul.u32 $0xF7A, s1;
	s8 =	simm.s32 @!p0 $0x1BF5;
	p2 =	por !p2, p0  }
0x20: {  	[sflag:s8] =	ssyncset.s32 @!p0 $0xFFFFF086;
	s6 =	sadd.s32 @!p0 s3, s7;
	s7 =	simm.s32 @!p0 $0x108  }
0x21: {  	s3 =	sadd.s32 s3, s9;
	s6 =	sadd.s32 @!p0 $0x88, s6;
	s7 =	simm.s32 @p2 $0x1082  }
0x22: {  	[simem:s7], [sflag:s8] =	dma.local @!p0 [hbm:s6], $0xF7A  }
0x23: {  	s9 =	sor.u32 $0xD0000000, s2;
	s6 =	simm.s32 $0x108;
	_ =	swait.ge @!p0 [sflag:s8], $0x0  }
0x24: {  	s3 =	sadd.s32 $0x88, s3;
	s6 =	simm.s32 @!p1 $0x1082;
	[sflag:s4] =	ssyncset.s32 $0xFFFFF086  }
0x25: {  	[simem:s6], [sflag:s4] =	dma.local [hbm:s3], $0xF7A  }
0x26: {  	[smem:$0x3F94] =	sst s1;
	(tag) =	ssettag s2;
	_ =	strace s9  }
0x27: {  	s1 =	sld [smem:$0x3FA4]  }
0x28: {  	s2 =	sld [smem:$0x3FA5]  }
0x29: {  	s4 =	sld [smem:$0x3FA7]  }
0x2a: {  	p0 =	seq.s32 s5, $0x0;
	s5 =	sld [smem:$0x3FA8]  }
0x2b: {  	s6 =	sld [smem:$0x3FA9]  }
0x2c: {  	s7 =	sld [smem:$0x3FAA]  }
0x2d: {  	s3 =	simm.s32 $0x108;
	s8 =	sld [smem:$0x3FAB]  }
0x2e: {  	s3 =	simm.s32 @!p0 $0x1082;
	s9 =	sld [smem:$0x3FAC]  }
0x2f: {  	lr =	sadd.s32 s0, s3;
	s0 =	sld [smem:$0x3FA3]  }
0x30: {  	s3 =	sld [smem:$0x3FA6]  }
0x31: {  	[smem:$0x3FAF] =	sst s10  }
0x32: {  	s10 =	sld [smem:$0x3FAD];
	_ =	sdelay $0x3  }
0x33: {  	p0 =	seq.s32 s10, $0x1;
	s10 =	sld [smem:$0x3FAF];
	_ =	sdelay $0x3  }
0x34: {  	[smem:$0x3FAF] =	sst s10  }
0x35: {  	s10 =	sld [smem:$0x3FAE];
	_ =	sdelay $0x3  }
0x36: {  	p1 =	seq.s32 s10, $0x1;
	s10 =	sld [smem:$0x3FAF];
	_ =	sdelay $0x3  }
0x37: {  	[smem:$0x3FAF] =	sst s10  }
0x38: {  	s10 =	sld [smem:$0x3FB0]  }
0x39: {  	_ = 	snop;
	(pc) =	sbr.ind lr, $3  }
0x3a: {  	_ = 	snop  }
0x3b: {  	_ = 	snop  }
0x3c: {  	p2 =	seq.s32 s10, $0x1;
	s10 =	sld [smem:$0x3FAF]  }
0x3d: {  	_ =	shalt  }
0x3e: {  	_ =	shalt  }
0x3f: {  	_ =	shalt  }
0x40: {  	_ =	shalt  }
0x41: {  	_ =	shalt  }
0x42: {  	_ =	shalt  }
0x43: {  	_ =	shalt  }
0x44: {  	_ =	shalt  }
0x45: {  	_ =	shalt  }
0x46: {  	_ =	shalt  }
0x47: {  	_ =	shalt  }
0x48: {  	_ =	shalt  }
0x49: {  	_ =	shalt  }
0x4a: {  	_ =	shalt  }
0x4b: {  	_ =	shalt  }
0x4c: {  	_ =	shalt  }
0x4d: {  	_ =	shalt  }
0x4e: {  	_ =	shalt  }
0x4f: {  	_ =	shalt  }
0x50: {  	_ =	shalt  }
0x51: {  	_ =	shalt  }
0x52: {  	_ =	shalt  }
0x53: {  	_ =	shalt  }
0x54: {  	_ =	shalt  }
0x55: {  	_ =	shalt  }
0x56: {  	_ =	shalt  }
0x57: {  	_ =	shalt  }
0x58: {  	_ =	shalt  }
0x59: {  	_ =	shalt  }
0x5a: {  	_ =	shalt  }
0x5b: {  	_ =	shalt  }
0x5c: {  	_ =	shalt  }
0x5d: {  	_ =	shalt  }
0x5e: {  	_ =	shalt  }
0x5f: {  	_ =	shalt  }
0x60: {  	_ =	shalt  }
0x61: {  	_ =	shalt  }
0x62: {  	_ =	shalt  }
0x63: {  	_ =	shalt  }
0x64: {  	_ =	shalt  }
0x65: {  	_ =	shalt  }
0x66: {  	_ =	shalt  }
0x67: {  	_ =	shalt  }
0x68: {  	_ =	shalt  }
0x69: {  	_ =	shalt  }
0x6a: {  	_ =	shalt  }
0x6b: {  	_ =	shalt  }
0x6c: {  	_ =	shalt  }
0x6d: {  	_ =	shalt  }
0x6e: {  	_ =	shalt  }
0x6f: {  	_ =	shalt  }
0x70: {  	_ =	shalt  }
0x71: {  	_ =	shalt  }
0x72: {  	_ =	shalt  }
0x73: {  	_ =	shalt  }
0x74: {  	_ =	shalt  }
0x75: {  	_ =	shalt  }
0x76: {  	_ =	shalt  }
0x77: {  	_ =	shalt  }
0x78: {  	_ =	shalt  }
0x79: {  	_ =	shalt  }
0x7a: {  	_ =	shalt  }
0x7b: {  	_ =	shalt  }
0x7c: {  	_ =	shalt  }
0x7d: {  	_ =	shalt  }
0x7e: {  	_ =	shalt  }
0x7f: {  	_ =	shalt  }
0x80: {  	_ =	shalt  }
0x81: {  	_ =	shalt  }
0x82: {  	_ =	shalt  }
0x83: {  	_ =	shalt  }
0x84: {  	_ =	shalt  }
0x85: {  	_ =	shalt  }
0x86: {  	_ =	shalt  }
0x87: {  	_ =	shalt  }
.Lfunc_end0:
.L_simem_size_0:
called_computation.1_lowered:
.L_overlay_start_0:
0x88: {  	s2 =	sld [smem:$0x3FD9]  }
0x89: {  	s3 =	sld [smem:$0x3FFE];
	_ =	sdelay $0x1  }
0x8a: {  	s1 =	srdreg.scid  }
0x8b: {  	s0 =	sand.u32 $0x1, s1  }
0x8c: {  	s17 =	sshll.u32 s0, $0xA;
	s2 =	sadd.s32 s3, s2  }
0x8d: {  	s2 =	sadd.s32 s2, s17  }
0x8e: {  	[smem:$0x3FBB] =	sst s2  }
0x8f: {  	_ = 	snop  }
0x90: {  	s2 =	sld [smem:$0x3FD0];
	(tm) =	ssettm $0x1  }
0x91: {  	s18 =	sld [smem:$0x3FFB];
	_ =	sdelay $0x3  }
0x92: {  	_ =	strace s18  }
0x93: {  	s3 =	sld [smem:$0x3FFC];
	_ =	sdelay $0x3  }
0x94: {  	_ =	strace s3  }
0x95: {  	s3 =	sld [smem:$0x3FFD];
	_ =	sdelay $0x3  }
0x96: {  	_ =	strace s3  }
0x97: {  	_ =	strace $0x8FFFFFFF  }
0x98: {  	s19 =	sld [smem:$0x3FDB];
	_ =	sdelay $0x1  }
0x99: {  	s4 =	simm.s32 $_scs_section_size  }
0x9a: {  	s5 =	simm.s32 $_size__tile_overlayer_lowered;
	s6 =	simm.s32 $_tile_overlayer_lowered  }
0x9b: {  	s22 =	simm.s32 $0x1BFF;
	s21 =	sshll.u32 s6, $0x1;
	s3 =	sadd.s32 s4, s19  }
0x9c: {  	s7 =	simm.s32 $0x0;
	s20 =	sshll.u32 s5, $0x1;
	s5 =	sadd.s32 s21, s3  }
0x9d: {  	[timem:s7], [sflag:s22] =	dma.local [hbm:s5], s20  }
0x9e: {  	_ =	swait.ge [sflag:s22], s20  }
0x9f: {  	s4 =	ssub.s32 $0x0, s20;
	[sflag:s22] =	ssyncset.done $0x0  }
0xa0: {  	[sflag:s22] =	ssyncadd.s32 s4;
	_ =	sdelay $0x1  }
0xa1: {  	s23 =	simm.s32 $0x1B8B  }
0xa2: {  	_ =	swait.ge [sflag:s23], $0x1  }
0xa3: {  	[sflag:s23] =	ssyncset.done $0x0  }
0xa4: {  	s25 =	simm.s32 $0x1B8E;
	s24 =	sld [smem:$0x3FFE];
	[sflag:s23] =	ssyncadd.s32 $0xFFFFFFFF  }
0xa5: {  	s26 =	simm.s32 $execute0_lowered;
	[smem:$0x3FD2] =	sst s25  }
0xa6: {  	s5 =	sshll.u32 s26, $0x1;
	_ =	strace $0x80000049;
	[dreg:$0x1] =	wrdreg $0xFFFFFFFF  }
0xa7: {  	s28 =	simm.s32 $_size_execute0_lowered;
	s3 =	sadd.s32 s3, s5;
	[dreg:$0x0] =	wrdreg $0x0  }
0xa8: {  	s5 =	sshll.u32 s28, $0x1;
	[dreg:$0x2] =	wrdreg s3  }
0xa9: {  	[dreg:$0x3] =	wrdreg s5  }
0xaa: {  	[dreg:$0x4] =	wrdreg $0xC0  }
0xab: {  	_ =	task [dreg:s7], $0x5FFFF  }
0xac: {  	[dreg:$0x1] =	wrdreg $0xFFFFFFFF  }
0xad: {  	[dreg:$0x0] =	wrdreg $0x60  }
0xae: {  	[dreg:$0x2] =	wrdreg s2  }
0xaf: {  	[dreg:$0x3] =	wrdreg s24  }
0xb0: {  	[dreg:$0x4] =	wrdreg $0x88000  }
0xb1: {  	[dreg:$0x5] =	wrdreg $0x9  }
0xb2: {  	_ =	task.clear_ibuf [dreg:s7], $0x6FFFF;
	_ =	strace $0x90000049  }
0xb3: {  	s29 =	simm.s32 $0x9;
	_ =	strace $0x8000004B  }
0xb4: {  	_ =	swait.ge [sflag:s29], $0x1  }
0xb5: {  	[sflag:s29] =	ssyncadd.s32 $0xFFFFFFFF  }
0xb6: {  	_ =	strace $0x9000004B  }
0xb7: {  	_ =	sfence  }
0xb8: {  	s30 =	sld [smem:$0x0];
	_ =	sdelay $0x2  }
0xb9: {  	s31 =	sshll.u32 s1, $0xD;
	s1 =	sshrl.u32 s1, $0x2  }
0xba: {  	s3 =	sand.u32 $0x4000, s31;
	s1 =	sadd.s32 s1, s30  }
0xbb: {  	s0 =	sor.u32 s3, s0;
	s1 =	sshll.u32 s1, $0x11  }
0xbc: {  	s0 =	sor.u32 s1, s0  }
0xbd: {  	s0 =	sadd.s32 $0x8F2B, s0  }
0xbe: {  	[sflag:s0] =	ssyncadd.remote.s32 $0x1  }
0xbf: {  	_ =	sfence.sel $0xFFFF  }
0xc0: {  	[dreg:$0x0] =	wrdreg $0xFFFFFFFF;
	(pc) =	sbr.abs _section_cstart, $3  }
0xc1: {  	[dreg:$0x1] =	wrdreg $0xFFFFFFFF  }
0xc2: {  	_ =	task.clear_ibuf [dreg:s7], $0x2FFFF;
	_ =	strace $0x9FFFFFFF  }
0xc3: {  	(tm) =	ssettm $0x7FFFFFFF  }
tec
execute0_lowered:
.L_overlay_start_1:
0x0: {  	(tag) =	ssettag $0x1  }
0x1: {  	s1 =	rddreg [dreg:$0x0]  }
0x2: {  	s0 =	rddreg [dreg:$0x1]  }
0x3: {  	s3 =	rddreg [dreg:$0x2];
	s2 =	simm.s32 $0x0;
	s6 =	srdreg.scid  }
0x4: {  	s15 =	stileid.u32;
	s30 =	simm.s32 $0x7;
	s31 =	simm.s32 $0x600  }
0x5: {  	s29 =	simm.s32 $0x300;
	[smem:$0x7FF] =	sst s2;
	s4 =	sadd.s32 $0x6200, s0  }
0x6: {  	s5 =	sadd.s32 $0x2E600, s0;
	s7 =	sand.u32 $0x1, s6;
	s9 =	smul.u32 $0x4F000, s15  }
0x7: {  	s6 =	sadd.s32 $0x38600, s0;
	s10 =	sadd.s32 $0x2E200, s0;
	s12 =	smul.u32 $0x13C00, s15  }
0x8: {  	s0 =	sadd.s32 $0x42600, s0;
	_ =	strace $0x8000004A;
	s8 =	ssub.s32 $0x2, s7  }
0x9: {  	[dreg:$0x4] =	wrdreg s10;
	s24 =	sshll.u32 s7, $0x4;
	s7 =	smul.u32 $0x13C000, s7  }
0xa: {  	s23 =	sshrl.u32 s8, $0x1;
	s10 =	sor.u32 s15, s24;
	s9 =	sshrl.u32 s9, $0x2  }
0xb: {  	s13 =	sadd.s32 $0x4000, s12;
	s26 =	sadd.s32 $0x8000, s12;
	s14 =	sadd.s32 $0xC000, s12  }
0xc: {  	s15 =	sshll.u32 s15, $0x7;
	s19 =	sadd.s32 $0x10000, s12;
	s8 =	ssub.s32 s8, s23  }
0xd: {  	s28 =	sadd.s32 s9, s3;
	s25 =	sadd.s32 s13, s3;
	s11 =	sadd.s32 s26, s3  }
0xe: {  	s16 =	sadd.s32 s14, s3;
	s15 =	sand.u32 $0x380, s15;
	s22 =	sadd.s32 s12, s7  }
0xf: {  	s23 =	sadd.s32 s7, s13;
	s9 =	sadd.s32 s7, s26;
	s24 =	sadd.s32 s7, s14  }
0x10: {  	s7 =	sadd.s32 s7, s19;
	s14 =	simm.s32 $0x500;
	[dreg:$0x6] =	wrdreg s25  }
0x11: {  	[dreg:$0x7] =	wrdreg s11;
	s11 =	smul.u32 $0x2800, s10;
	s10 =	sshrl.u32 s10, $0x3  }
0x12: {  	[dreg:$0x8] =	wrdreg s16;
	s12 =	sshrl.u32 s23, $0x3;
	s7 =	sshrl.u32 s7, $0x3  }
0x13: {  	[dreg:$0x5] =	wrdreg s28;
	s10 =	smul.u32 $0x50000, s10;
	s16 =	sadd.s32 s0, s12  }
0x14: {  	s17 =	sshrl.u32 s11, $0x3;
	[dreg:$0xe] =	wrdreg s16;
	s16 =	simm.s32 $0x100  }
0x15: {  	s10 =	sor.u32 s15, s10;
	s15 =	sadd.s32 s19, s3;
	s20 =	sadd.s32 s5, s17  }
0x16: {  	s25 =	sadd.s32 s6, s17;
	s3 =	sshrl.u32 s22, $0x3;
	s26 =	sor.u32 $0x10, s17  }
0x17: {  	s17 =	sshrl.u32 s9, $0x3;
	s19 =	sshrl.u32 s24, $0x3;
	[dreg:$0xa] =	wrdreg s20  }
0x18: {  	s24 =	smax.u32 s8, $0x1;
	s8 =	simm.s32 $0x6;
	[dreg:$0xc] =	wrdreg s25  }
0x19: {  	s9 =	simm.s32 $0x0;
	s21 =	sshrl.u32 s10, $0x3;
	[dreg:$0x14] =	wrdreg s24  }
0x1a: {  	s3 =	sadd.s32 s0, s3;
	s20 =	sadd.s32 s0, s19;
	[dreg:$0x9] =	wrdreg s15  }
0x1b: {  	s22 =	sadd.s32 s6, s26;
	s23 =	sor.u32 $0x3000, s10;
	[dreg:$0xd] =	wrdreg s3  }
0x1c: {  	s25 =	sor.u32 $0x2000, s10;
	s19 =	simm.s32 $0x380;
	[dreg:$0x10] =	wrdreg s20  }
0x1d: {  	s24 =	simm.s32 $0x1;
	s18 =	sadd.s32 s4, s21;
	[dreg:$0x13] =	wrdreg s22  }
0x1e: {  	s3 =	sadd.s32 s0, s17;
	s0 =	sadd.s32 s0, s7;
	[dreg:$0x15] =	wrdreg s25  }
0x1f: {  	s21 =	sadd.s32 s5, s26;
	s7 =	simm.s32 $0x400;
	[dreg:$0xf] =	wrdreg s3  }
0x20: {  	s17 =	simm.s32 $0x80;
	s20 =	simm.s32 $0x480;
	[dreg:$0x11] =	wrdreg s0  }
.Ltmp0:
0x21: {  	s22 =	simm.s32 $0x4;
	[dreg:$0x12] =	wrdreg s21;
	(pc) =	sbr.rel .LBB2_1-.Ltmp0, $4  }
0x22: {  	s25 =	simm.s32 $0x5;
	s0 =	sshrl.u32 s23, $0x3;
	[dreg:$0xb] =	wrdreg s18  }
0x23: {  	s26 =	sadd.s32 $0x200, s18;
	s18 =	simm.s32 $0x280;
	s21 =	simm.s32 $0x580  }
0x24: {  	s23 =	simm.s32 $0x4600;
	s0 =	sadd.s32 s0, s4;
	[dreg:$0x17] =	wrdreg s26  }
0x25: {  	v0 =	vimm.f32 $0.0e+00;
	s26 =	simm.s32 $0x2;
	[dreg:$0x16] =	wrdreg s0;
	s0 =	simm.s32 $0x3  }
.LBB2_6:
0x26: {  	_ =	swait.ge [sflag:s26], $0x4000  }
0x27: {  	[sflag:s26] =	ssyncset.done $0x0  }
0x28: {  	[sflag:s26] =	ssyncadd.s32 $0xFFFFC000  }
0x29: {  	_ =	swait.ge [sflag:s8], $0x80  }
0x2a: {  	[sflag:s8] =	ssyncset.done $0x0  }
0x2b: {  	[sflag:s8] =	ssyncadd.s32 $0xFFFFFF80  }
0x2c: {  	s3 =	stileid.u32;
	[bflag:$0x0] =	sbarrier.arrive $0xFFFF  }
0x2d: {  	s3 =	sshll.u32 s3, $0x6;
	s28 =	rddreg [dreg:$0x5]  }
0x2e: {  	s3 =	sor.u32 $0x1C07, s3;
	s10 =	rddreg [dreg:$0xd];
	s9 =	sshrl.u32 s28, $0x3  }
0x2f: {  	[hbm:s10], [sflag:s3] =	dma.local [spmem:s9], $0x800  }
0x30: {  	_ =	swait.ge [sflag:s30], $0x800  }
0x31: {  	[sflag:s30] =	ssyncset.done $0x0;
	s13 =	rddreg [dreg:$0x6]  }
0x32: {  	s15 =	rddreg [dreg:$0xe];
	[sflag:s30] =	ssyncadd.s32 $0xFFFFF800;
	s9 =	sshrl.u32 s13, $0x3  }
0x33: {  	[hbm:s15], [sflag:s3] =	dma.local [spmem:s9], $0x800  }
0x34: {  	_ =	swait.ge [sflag:s30], $0x800  }
0x35: {  	[sflag:s30] =	ssyncset.done $0x0;
	s10 =	rddreg [dreg:$0x7]  }
0x36: {  	s12 =	rddreg [dreg:$0xf];
	[sflag:s30] =	ssyncadd.s32 $0xFFFFF800;
	s9 =	sshrl.u32 s10, $0x3  }
0x37: {  	[hbm:s12], [sflag:s3] =	dma.local [spmem:s9], $0x800  }
0x38: {  	_ =	swait.ge [sflag:s30], $0x800  }
0x39: {  	[sflag:s30] =	ssyncset.done $0x0;
	s13 =	rddreg [dreg:$0x8]  }
0x3a: {  	s15 =	rddreg [dreg:$0x10];
	[sflag:s30] =	ssyncadd.s32 $0xFFFFF800;
	s9 =	sshrl.u32 s13, $0x3  }
0x3b: {  	[hbm:s15], [sflag:s3] =	dma.local [spmem:s9], $0x800  }
0x3c: {  	_ =	swait.ge [sflag:s30], $0x800  }
0x3d: {  	[sflag:s30] =	ssyncset.done $0x0;
	s15 =	rddreg [dreg:$0x9]  }
0x3e: {  	s13 =	rddreg [dreg:$0x11];
	[sflag:s30] =	ssyncadd.s32 $0xFFFFF800;
	s12 =	sshrl.u32 s15, $0x3  }
0x3f: {  	[hbm:s13], [sflag:s3] =	dma.local [spmem:s12], $0x780  }
0x40: {  	_ =	swait.ge [sflag:s30], $0x780  }
0x41: {  	s12 =	rddreg [dreg:$0x18]  }
0x42: {  	s13 =	rddreg [dreg:$0x14];
	s9 =	sadd.s32 $0x1, s12  }
0x43: {  	p0 =	sne.s32 s9, s13  }
.Ltmp1:
0x44: {  	_ = 	snop;
	(pc) =	sbr.rel @!p0 .LBB2_7-.Ltmp1, $3  }
0x45: {  	_ =	sdelay $0x1  }
0x46: {  	[sflag:s30] =	ssyncset.done $0x0  }
0x47: {  	[sflag:s30] =	ssyncadd.s32 $0xFFFFF880  }
.LBB2_1:
0x48: {  	[dreg:$0x18] =	wrdreg s9  }
0x49: {  	s3 =	rddreg [dreg:$0x4];
	s13 =	simm.s32 $0x8600  }
0x4a: {  	[tilespmem:s13], [sflag:$0x7] =	stream.linear.gather [hbm4b:s3+s2], $0x200, $0x38;
	[tilespmem:$0x1C400] =	vst v63  }
0x4b: {  	_ =	swait.ge [sflag:s30], $0x200  }
0x4c: {  	[sflag:s30] =	ssyncset.done $0x0  }
0x4d: {  	s10 =	simm.s32 $0x0;
	s12 =	simm.s32 $0x200;
	[sflag:s30] =	ssyncadd.s32 $0xFFFFFE00  }
.LBB2_2:
0x4e: {  	p0 =	sne.s32 s12, $0xFE00;
	[tilespmem:s10+$0x670] =	vst v0  }
0x4f: {  	[tilespmem:s10+$0x600] =	vst v0  }
0x50: {  	[tilespmem:s10+$0x610] =	vst v0  }
.Ltmp2:
0x51: {  	[tilespmem:s10+$0x620] =	vst v0;
	(pc) =	sbr.rel @p0 .LBB2_2-.Ltmp2, $4  }
0x52: {  	[tilespmem:s10+$0x630] =	vst v0  }
0x53: {  	[tilespmem:s10+$0x640] =	vst v0  }
0x54: {  	[tilespmem:s10+$0x650] =	vst v0  }
0x55: {  	[tilespmem:s10+$0x660] =	vst v0;
	s10 =	sshra.s32 s12, $0x2;
	s12 =	sadd.s32 $0x200, s12  }
0x56: {  	[tilespmem:s10+$0x670] =	vst v0  }
0x57: {  	[tilespmem:s10+$0x600] =	vst v0  }
0x58: {  	[tilespmem:s10+$0x610] =	vst v0  }
0x59: {  	[tilespmem:s10+$0x620] =	vst v0  }
0x5a: {  	[tilespmem:s10+$0x630] =	vst v0  }
0x5b: {  	[tilespmem:s10+$0x640] =	vst v0  }
0x5c: {  	[tilespmem:s10+$0x650] =	vst v0  }
0x5d: {  	[tilespmem:s10+$0x660] =	vst v0  }
0x5e: {  	[spmem:s28] =	stream.linear.scatter [tilespmem:s31], [sflag:$0x7], $0x4000, $0x38;
	[tilespmem:$0x1C400] =	vst v63  }
0x5f: {  	_ =	swait.ge [sflag:s30], $0x4000  }
0x60: {  	[sflag:s30] =	ssyncset.done $0x0  }
0x61: {  	s3 =	rddreg [dreg:$0x6];
	[sflag:s30] =	ssyncadd.s32 $0xFFFFC000  }
0x62: {  	[spmem:s3] =	stream.linear.scatter [tilespmem:s31], [sflag:$0x7], $0x4000, $0x38;
	[tilespmem:$0x1C400] =	vst v63  }
0x63: {  	_ =	swait.ge [sflag:s30], $0x4000  }
0x64: {  	[sflag:s30] =	ssyncset.done $0x0  }
0x65: {  	s10 =	rddreg [dreg:$0x7];
	[sflag:s30] =	ssyncadd.s32 $0xFFFFC000  }
0x66: {  	[spmem:s10] =	stream.linear.scatter [tilespmem:s31], [sflag:$0x7], $0x4000, $0x38;
	[tilespmem:$0x1C400] =	vst v63  }
0x67: {  	_ =	swait.ge [sflag:s30], $0x4000  }
0x68: {  	[sflag:s30] =	ssyncset.done $0x0  }
0x69: {  	s12 =	rddreg [dreg:$0x8];
	[sflag:s30] =	ssyncadd.s32 $0xFFFFC000  }
0x6a: {  	[spmem:s12] =	stream.linear.scatter [tilespmem:s31], [sflag:$0x7], $0x4000, $0x38;
	[tilespmem:$0x1C400] =	vst v63  }
0x6b: {  	_ =	swait.ge [sflag:s30], $0x4000  }
0x6c: {  	[sflag:s30] =	ssyncset.done $0x0  }
0x6d: {  	[sflag:s30] =	ssyncadd.s32 $0xFFFFC000  }
0x6e: {  	[spmem:s15] =	stream.linear.scatter [tilespmem:s31], [sflag:$0x7], $0x3C00, $0x38;
	[tilespmem:$0x1C400] =	vst v63  }
0x6f: {  	_ =	swait.ge [sflag:s30], $0x3C00  }
0x70: {  	[sflag:s30] =	ssyncset.done $0x0  }
0x71: {  	[sflag:s30] =	ssyncadd.s32 $0xFFFFC400  }
0x72: {  	[bflag:$0x0] =	sbarrier.arrive $0xFFFF  }
0x73: {  	s10 =	simm.s32 $0x0;
	s13 =	rddreg [dreg:$0xa]  }
0x74: {  	[tilespmem:s10], [sflag:$0x3] =	stream.linear.gather [hbm4b:s13+s10], $0x80, $0x38;
	[tilespmem:$0x1C400] =	vst v63  }
0x75: {  	_ =	swait.ge [sflag:s0], $0x80  }
0x76: {  	[sflag:s0] =	ssyncset.done $0x0  }
0x77: {  	s9 =	simm.s32 $0x200;
	s15 =	rddreg [dreg:$0xb];
	[sflag:s0] =	ssyncadd.s32 $0xFFFFFF80  }
0x78: {  	[tilespmem:s9], [sflag:$0x3] =	stream.linear.gather [hbm4b:s15+s10], $0x80, $0x38;
	[tilespmem:$0x1C400] =	vst v63  }
0x79: {  	s12 =	sadd.s32 $0x80, s15  }
0x7a: {  	[tilespmem:s29], [sflag:$0x3] =	stream.linear.gather [hbm4b:s12+s10], $0x80, $0x38;
	[tilespmem:$0x1C400] =	vst v63  }
0x7b: {  	s28 =	sadd.s32 $0x100, s15  }
0x7c: {  	[tilespmem:s7], [sflag:$0x3] =	stream.linear.gather [hbm4b:s28+s10], $0x80, $0x38;
	[tilespmem:$0x1C400] =	vst v63  }
0x7d: {  	s9 =	sadd.s32 $0x180, s15  }
0x7e: {  	[tilespmem:s14], [sflag:$0x3] =	stream.linear.gather [hbm4b:s9+s10], $0x80, $0x38;
	[tilespmem:$0x1C400] =	vst v63  }
0x7f: {  	_ =	swait.ge [sflag:s0], $0x200  }
0x80: {  	[sflag:s0] =	ssyncset.done $0x0  }
0x81: {  	s12 =	rddreg [dreg:$0xc];
	[sflag:s0] =	ssyncadd.s32 $0xFFFFFE00  }
0x82: {  	[tilespmem:s16], [sflag:$0x5] =	stream.linear.gather [hbm4b:s12+s10], $0x80, $0x38;
	[tilespmem:$0x1C400] =	vst v63  }
0x83: {  	s13 =	rddreg [dreg:$0x12]  }
0x84: {  	[tilespmem:s17], [sflag:$0x4] =	stream.linear.gather [hbm4b:s13+s10], $0x80, $0x38;
	[tilespmem:$0x1C400] =	vst v63  }
0x85: {  	s15 =	rddreg [dreg:$0x17]  }
0x86: {  	[tilespmem:s18], [sflag:$0x4] =	stream.linear.gather [hbm4b:s15+s10], $0x80, $0x38;
	[tilespmem:$0x1C400] =	vst v63  }
0x87: {  	s28 =	sadd.s32 $0x80, s15  }
0x88: {  	[tilespmem:s19], [sflag:$0x4] =	stream.linear.gather [hbm4b:s28+s10], $0x80, $0x38;
	[tilespmem:$0x1C400] =	vst v63  }
0x89: {  	s9 =	sadd.s32 $0x100, s15  }
0x8a: {  	[tilespmem:s20], [sflag:$0x4] =	stream.linear.gather [hbm4b:s9+s10], $0x80, $0x38;
	[tilespmem:$0x1C400] =	vst v63  }
0x8b: {  	s12 =	rddreg [dreg:$0x16];
	s13 =	sadd.s32 $0x180, s15  }
0x8c: {  	[tilespmem:s21], [sflag:$0x4] =	stream.linear.gather [hbm4b:s13+s10], $0x80, $0x38;
	[tilespmem:$0x1C400] =	vst v63  }
0x8d: {  	s15 =	rddreg [dreg:$0x13];
	s28 =	simm.s32 $0x180  }
0x8e: {  	[tilespmem:s28], [sflag:$0x6] =	stream.linear.gather [hbm4b:s15+s10], $0x80, $0x38;
	[tilespmem:$0x1C400] =	vst v63  }
0x8f: {  	s13 =	rddreg [dreg:$0x15]  }
0x90: {  	[tilespmem:s31], [sflag:$0x1] =	stream.linear.gather [hbm4b:s1+s10], $0x4000, $0x38;
	[tilespmem:$0x1C400] =	vst v63  }
.LBB2_4:
0x91: {  	p0 =	seq.s32 s10, $0x0  }
0x92: {  	s15 =	sand.u32 @!p0 $0x3C00, s10  }
0x93: {  	s28 =	sand.u32 @!p0 $0x300, s10;
	s15 =	sadd.s32 @!p0 s11, s15  }
0x94: {  	s15 =	sor.u32 @!p0 s15, s28  }
0x95: {  	s15 =	sor.u32 @!p0 $0x80, s15  }
0x96: {  	s15 =	sshrl.u32 @!p0 s15, $0x3  }
0x97: {  	s9 =	simm.s32 @!p0 $0x180;
	s28 =	simm.s32 @!p0 $0x0;
	s15 =	sadd.s32 @!p0 s6, s15  }
0x98: {  	[tilespmem:s9], [sflag:$0x6] =	stream.linear.gather @!p0 [hbm4b:s15+s28], $0x80, $0x38;
	[tilespmem:$0x1C400] =	vst v63  }
0x99: {  	_ =	swait.ge [sflag:s22], $0x80  }
0x9a: {  	[sflag:s22] =	ssyncset.done $0x0  }
0x9b: {  	[sflag:s22] =	ssyncadd.s32 $0xFFFFFF80  }
0x9c: {  	_ =	swait.ge [sflag:s22], $0x200  }
0x9d: {  	[sflag:s22] =	ssyncset.done $0x0  }
0x9e: {  	[sflag:s22] =	ssyncadd.s32 $0xFFFFFE00  }
0x9f: {  	[tilespmem:s23], [sflag:$0x2] =	stream.linear.gather [hbm4b:s1+s2], $0x4000, $0x38;
	[tilespmem:$0x1C400] =	vst v63  }
0xa0: {  	p0 =	seq.s32 s10, $0x2700;
	_ =	swait.ge [sflag:s24], $0x4000  }
.Ltmp3:
0xa1: {  	[sflag:s24] =	ssyncset.done $0x0;
	(pc) =	sbr.rel @p0 .LBB2_6-.Ltmp3, $4  }
0xa2: {  	[sflag:s24] =	ssyncadd.s32 $0xFFFFC000  }
0xa3: {  	_ =	swait.ge [sflag:s25], $0x80  }
0xa4: {  	[sflag:s25] =	ssyncset.done $0x0  }
0xa5: {  	[sflag:s25] =	ssyncadd.s32 $0xFFFFFF80  }
0xa6: {  	s9 =	sadd.s32 $0x100, s10  }
0xa7: {  	s15 =	sand.u32 $0x7C00, s9  }
0xa8: {  	s28 =	sand.u32 $0x300, s9;
	s15 =	sadd.s32 s11, s15  }
0xa9: {  	s15 =	sor.u32 s28, s15  }
0xaa: {  	s15 =	sshrl.u32 s15, $0x3  }
0xab: {  	s3 =	sadd.s32 s5, s15  }
0xac: {  	[tilespmem:s2], [sflag:$0x3] =	stream.linear.gather [hbm4b:s3+s2], $0x80, $0x38;
	[tilespmem:$0x1C400] =	vst v63  }
0xad: {  	s3 =	sshrl.u32 s13, $0x3  }
0xae: {  	s28 =	sadd.s32 s4, s3;
	s3 =	simm.s32 $0x200  }
0xaf: {  	[tilespmem:s3], [sflag:$0x3] =	stream.linear.gather [hbm4b:s28+s2], $0x80, $0x38;
	[tilespmem:$0x1C400] =	vst v63  }
0xb0: {  	s3 =	sadd.s32 $0x80, s28  }
0xb1: {  	[tilespmem:s29], [sflag:$0x3] =	stream.linear.gather [hbm4b:s3+s2], $0x80, $0x38;
	[tilespmem:$0x1C400] =	vst v63  }
0xb2: {  	s3 =	sadd.s32 $0x100, s28  }
0xb3: {  	[tilespmem:s7], [sflag:$0x3] =	stream.linear.gather [hbm4b:s3+s2], $0x80, $0x38;
	[tilespmem:$0x1C400] =	vst v63  }
0xb4: {  	s28 =	sadd.s32 $0x180, s28  }
0xb5: {  	[tilespmem:s14], [sflag:$0x3] =	stream.linear.gather [hbm4b:s28+s2], $0x80, $0x38;
	[tilespmem:$0x1C400] =	vst v63  }
0xb6: {  	s15 =	sadd.s32 s6, s15  }
0xb7: {  	[tilespmem:s16], [sflag:$0x5] =	stream.linear.gather [hbm4b:s15+s2], $0x80, $0x38;
	[tilespmem:$0x1C400] =	vst v63  }
0xb8: {  	_ =	swait.ge [sflag:s0], $0x80  }
0xb9: {  	[sflag:s0] =	ssyncset.done $0x0  }
0xba: {  	[sflag:s0] =	ssyncadd.s32 $0xFFFFFF80  }
0xbb: {  	_ =	swait.ge [sflag:s0], $0x200  }
0xbc: {  	[sflag:s0] =	ssyncset.done $0x0  }
0xbd: {  	[sflag:s0] =	ssyncadd.s32 $0xFFFFFE00  }
0xbe: {  	[tilespmem:s31], [sflag:$0x1] =	stream.linear.gather [hbm4b:s1+s2], $0x4000, $0x38;
	[tilespmem:$0x1C400] =	vst v63  }
0xbf: {  	s28 =	sadd.s32 $0x180, s10;
	_ =	swait.ge [sflag:s26], $0x4000  }
0xc0: {  	s10 =	sand.u32 $0x7C00, s28;
	[sflag:s26] =	ssyncset.done $0x0  }
0xc1: {  	s3 =	sand.u32 $0x380, s28;
	s10 =	sadd.s32 s11, s10;
	[sflag:s26] =	ssyncadd.s32 $0xFFFFC000  }
0xc2: {  	s3 =	sor.u32 s3, s10;
	_ =	swait.ge [sflag:s8], $0x80  }
0xc3: {  	s3 =	sshrl.u32 s3, $0x3;
	[sflag:s8] =	ssyncset.done $0x0  }
0xc4: {  	s3 =	sadd.s32 s5, s3;
	[sflag:s8] =	ssyncadd.s32 $0xFFFFFF80  }
0xc5: {  	[tilespmem:s17], [sflag:$0x4] =	stream.linear.gather [hbm4b:s3+s2], $0x80, $0x38;
	[tilespmem:$0x1C400] =	vst v63  }
0xc6: {  	_ = 	snop  }
0xc7: {  	[tilespmem:s18], [sflag:$0x4] =	stream.linear.gather [hbm4b:s12+s2], $0x80, $0x38;
	[tilespmem:$0x1C400] =	vst v63  }
0xc8: {  	s10 =	sadd.s32 $0x80, s12  }
0xc9: {  	[tilespmem:s19], [sflag:$0x4] =	stream.linear.gather [hbm4b:s10+s2], $0x80, $0x38;
	[tilespmem:$0x1C400] =	vst v63  }
.Ltmp4:
0xca: {  	_ = 	snop;
	(pc) =	sbr.rel .LBB2_4-.Ltmp4, $4  }
0xcb: {  	s13 =	sadd.s32 $0x2000, s13;
	s15 =	sadd.s32 $0x100, s12  }
0xcc: {  	[tilespmem:s20], [sflag:$0x4] =	stream.linear.gather [hbm4b:s15+s2], $0x80, $0x38;
	[tilespmem:$0x1C400] =	vst v63  }
0xcd: {  	s28 =	sadd.s32 $0x180, s12;
	s12 =	sadd.s32 $0x400, s12;
	s10 =	smov.u32 s9  }
0xce: {  	[tilespmem:s21], [sflag:$0x4] =	stream.linear.gather [hbm4b:s28+s2], $0x80, $0x38;
	[tilespmem:$0x1C400] =	vst v63  }
.LBB2_7:
0xcf: {  	_ =	sfence.sel $0x180000  }
0xd0: {  	[bflag:$0x0] =	sbarrier.arrive $0xFFFF  }
0xd1: {  	_ =	strace $0x9000004A  }
0xd2: {  	s0 =	stileid.u32;
	[bflag:$0x2] =	sbarrier.arrive $0xFFFF  }
0xd3: {  	p0 =	sne.s32 s0, $0x0;
	s0 =	rddreg [dreg:$0x3]  }
0xd4: {  	s0 =	sadd.s32 @!p0 $0x100000, s0  }
0xd5: {  	[sflag:s0] =	ssyncadd.tile.s32 @!p0 $0x1;
	_ =	shalt  }
.Lfunc_end2:
_tile_overlayer_lowered:
.L_overlay_start_2:
0xd6: {  	(tag) =	ssettag $0x2  }
0xd7: {  	s0 =	rddreg [dreg:$0x0];
	s2 =	stileid.u32  }
0xd8: {  	s1 =	rddreg [dreg:$0x1];
	p0 =	sne.s32 s2, $0x0  }
0xd9: {  	s3 =	rddreg [dreg:$0x2];
	[bflag:$0x3] =	sbarrier.arrive $0xFFFF;
	s2 =	simm.s32 @!p0 $0x1C07  }
0xda: {  	[timem:s3], [sflag:s2] =	dma.local @!p0 [hbm:s0], s1  }
0xdb: {  	s0 =	simm.s32 @!p0 $0x7  }
0xdc: {  	_ =	swait.ge @!p0 [sflag:s0], s1  }
0xdd: {  	s1 =	ssub.s32 @!p0 $0x0, s1;
	[sflag:s0] =	ssyncset.done @!p0 $0x0  }
0xde: {  	[sflag:s0] =	ssyncadd.s32 @!p0 s1  }
0xdf: {  	[bflag:$0x3] =	sbarrier.arrive $0xFFFF  }
0xe0: {  	_ =	shalt  }

// kernel: kernel.16.cloned.1.call-start
scs
__scs_entry_jumppad:
0x0: {  	(pc) =	sbr.rel $0x88, $3  }
0x1: {  	(tag) =	ssettag $0x0;
	lr =	simm.s32 $0x1  }
0x2: {  	[smem:$0x3F94] =	sst lr;
	_ =	strace $0xD0000000  }
0x3: {  	_ = 	snop  }
0x4: {  	_ = 	snop  }
0x5: {  	_ = 	snop  }
0x6: {  	_ = 	snop  }
0x7: {  	_ = 	snop  }
__scs_overlays_trampoline_lowered:
0x8: {  	[smem:$0x3FA3] =	sst s0  }
0x9: {  	[smem:$0x3FA4] =	sst s1  }
0xa: {  	[smem:$0x3FA5] =	sst s2  }
0xb: {  	[smem:$0x3FA6] =	sst s3  }
0xc: {  	[smem:$0x3FA7] =	sst s4  }
0xd: {  	[smem:$0x3FA8] =	sst s5  }
0xe: {  	[smem:$0x3FA9] =	sst s6  }
0xf: {  	[smem:$0x3FAA] =	sst s7  }
0x10: {  	[smem:$0x3FAB] =	sst s8  }
0x11: {  	[smem:$0x3FAC] =	sst s9;
	s0 =	simm.s32 @!p0 $0x0  }
0x12: {  	s1 =	sld [smem:$0x3F92];
	s0 =	simm.s32 @p0 $0x1  }
0x13: {  	[smem:$0x3FAD] =	sst s0;
	s0 =	simm.s32 @!p1 $0x0  }
0x14: {  	s2 =	sld [smem:$0x3F91];
	s0 =	simm.s32 @p1 $0x1  }
0x15: {  	[smem:$0x3FAE] =	sst s0;
	s0 =	simm.s32 @!p2 $0x0  }
0x16: {  	s3 =	sld [smem:$0x3FDB];
	s0 =	simm.s32 @p2 $0x1  }
0x17: {  	s4 =	simm.s32 $0x1BF5;
	[smem:$0x3FB0] =	sst s0  }
0x18: {  	s0 =	sld [smem:$0x3F93];
	_ =	swait.ge [sflag:s4], $0x0  }
0x19: {  	s7 =	sld [smem:$0x3F94]  }
0x1a: {  	s8 =	sadd.s32 $0xFFFFE003, lr  }
0x1b: {  	s9 =	sadd.s32 $0xFFFFFEF7, lr;
	s5 =	simm.s32 $0xFFFFFFFF;
	p2 =	slt.u32 s8, $0xFFFFF086  }
0x1c: {  	p1 =	slt.u32 s9, $0xF7A;
	s5 =	simm.s32 @!p2 $0x0  }
0x1d: {  	s5 =	simm.s32 @p1 $0x1;
	p0 =	seq.s32 s7, s2  }
0x1e: {  	s7 =	smul.u32 @!p0 $0xF7A, s2;
	p2 =	seq.s32 @!p0 s5, $0x0  }
0x1f: {  	s9 =	smul.u32 $0xF7A, s1;
	s8 =	simm.s32 @!p0 $0x1BF5;
	p2 =	por !p2, p0  }
0x20: {  	[sflag:s8] =	ssyncset.s32 @!p0 $0xFFFFF086;
	s6 =	sadd.s32 @!p0 s3, s7;
	s7 =	simm.s32 @!p0 $0x108  }
0x21: {  	s3 =	sadd.s32 s3, s9;
	s6 =	sadd.s32 @!p0 $0x88, s6;
	s7 =	simm.s32 @p2 $0x1082  }
0x22: {  	[simem:s7], [sflag:s8] =	dma.local @!p0 [hbm:s6], $0xF7A  }
0x23: {  	s9 =	sor.u32 $0xD0000000, s2;
	s6 =	simm.s32 $0x108;
	_ =	swait.ge @!p0 [sflag:s8], $0x0  }
0x24: {  	s3 =	sadd.s32 $0x88, s3;
	s6 =	simm.s32 @!p1 $0x1082;
	[sflag:s4] =	ssyncset.s32 $0xFFFFF086  }
0x25: {  	[simem:s6], [sflag:s4] =	dma.local [hbm:s3], $0xF7A  }
0x26: {  	[smem:$0x3F94] =	sst s1;
	(tag) =	ssettag s2;
	_ =	strace s9  }
0x27: {  	s1 =	sld [smem:$0x3FA4]  }
0x28: {  	s2 =	sld [smem:$0x3FA5]  }
0x29: {  	s4 =	sld [smem:$0x3FA7]  }
0x2a: {  	p0 =	seq.s32 s5, $0x0;
	s5 =	sld [smem:$0x3FA8]  }
0x2b: {  	s6 =	sld [smem:$0x3FA9]  }
0x2c: {  	s7 =	sld [smem:$0x3FAA]  }
0x2d: {  	s3 =	simm.s32 $0x108;
	s8 =	sld [smem:$0x3FAB]  }
0x2e: {  	s3 =	simm.s32 @!p0 $0x1082;
	s9 =	sld [smem:$0x3FAC]  }
0x2f: {  	lr =	sadd.s32 s0, s3;
	s0 =	sld [smem:$0x3FA3]  }
0x30: {  	s3 =	sld [smem:$0x3FA6]  }
0x31: {  	[smem:$0x3FAF] =	sst s10  }
0x32: {  	s10 =	sld [smem:$0x3FAD];
	_ =	sdelay $0x3  }
0x33: {  	p0 =	seq.s32 s10, $0x1;
	s10 =	sld [smem:$0x3FAF];
	_ =	sdelay $0x3  }
0x34: {  	[smem:$0x3FAF] =	sst s10  }
0x35: {  	s10 =	sld [smem:$0x3FAE];
	_ =	sdelay $0x3  }
0x36: {  	p1 =	seq.s32 s10, $0x1;
	s10 =	sld [smem:$0x3FAF];
	_ =	sdelay $0x3  }
0x37: {  	[smem:$0x3FAF] =	sst s10  }
0x38: {  	s10 =	sld [smem:$0x3FB0]  }
0x39: {  	_ = 	snop;
	(pc) =	sbr.ind lr, $3  }
0x3a: {  	_ = 	snop  }
0x3b: {  	_ = 	snop  }
0x3c: {  	p2 =	seq.s32 s10, $0x1;
	s10 =	sld [smem:$0x3FAF]  }
0x3d: {  	_ =	shalt  }
0x3e: {  	_ =	shalt  }
0x3f: {  	_ =	shalt  }
0x40: {  	_ =	shalt  }
0x41: {  	_ =	shalt  }
0x42: {  	_ =	shalt  }
0x43: {  	_ =	shalt  }
0x44: {  	_ =	shalt  }
0x45: {  	_ =	shalt  }
0x46: {  	_ =	shalt  }
0x47: {  	_ =	shalt  }
0x48: {  	_ =	shalt  }
0x49: {  	_ =	shalt  }
0x4a: {  	_ =	shalt  }
0x4b: {  	_ =	shalt  }
0x4c: {  	_ =	shalt  }
0x4d: {  	_ =	shalt  }
0x4e: {  	_ =	shalt  }
0x4f: {  	_ =	shalt  }
0x50: {  	_ =	shalt  }
0x51: {  	_ =	shalt  }
0x52: {  	_ =	shalt  }
0x53: {  	_ =	shalt  }
0x54: {  	_ =	shalt  }
0x55: {  	_ =	shalt  }
0x56: {  	_ =	shalt  }
0x57: {  	_ =	shalt  }
0x58: {  	_ =	shalt  }
0x59: {  	_ =	shalt  }
0x5a: {  	_ =	shalt  }
0x5b: {  	_ =	shalt  }
0x5c: {  	_ =	shalt  }
0x5d: {  	_ =	shalt  }
0x5e: {  	_ =	shalt  }
0x5f: {  	_ =	shalt  }
0x60: {  	_ =	shalt  }
0x61: {  	_ =	shalt  }
0x62: {  	_ =	shalt  }
0x63: {  	_ =	shalt  }
0x64: {  	_ =	shalt  }
0x65: {  	_ =	shalt  }
0x66: {  	_ =	shalt  }
0x67: {  	_ =	shalt  }
0x68: {  	_ =	shalt  }
0x69: {  	_ =	shalt  }
0x6a: {  	_ =	shalt  }
0x6b: {  	_ =	shalt  }
0x6c: {  	_ =	shalt  }
0x6d: {  	_ =	shalt  }
0x6e: {  	_ =	shalt  }
0x6f: {  	_ =	shalt  }
0x70: {  	_ =	shalt  }
0x71: {  	_ =	shalt  }
0x72: {  	_ =	shalt  }
0x73: {  	_ =	shalt  }
0x74: {  	_ =	shalt  }
0x75: {  	_ =	shalt  }
0x76: {  	_ =	shalt  }
0x77: {  	_ =	shalt  }
0x78: {  	_ =	shalt  }
0x79: {  	_ =	shalt  }
0x7a: {  	_ =	shalt  }
0x7b: {  	_ =	shalt  }
0x7c: {  	_ =	shalt  }
0x7d: {  	_ =	shalt  }
0x7e: {  	_ =	shalt  }
0x7f: {  	_ =	shalt  }
0x80: {  	_ =	shalt  }
0x81: {  	_ =	shalt  }
0x82: {  	_ =	shalt  }
0x83: {  	_ =	shalt  }
0x84: {  	_ =	shalt  }
0x85: {  	_ =	shalt  }
0x86: {  	_ =	shalt  }
0x87: {  	_ =	shalt  }
.Lfunc_end0:
.L_simem_size_0:
called_computation.2_lowered:
.L_overlay_start_0:
0x88: {  	s2 =	sld [smem:$0x3FD9]  }
0x89: {  	s3 =	sld [smem:$0x3FFE];
	_ =	sdelay $0x1  }
0x8a: {  	s1 =	srdreg.scid  }
0x8b: {  	s0 =	sand.u32 $0x1, s1  }
0x8c: {  	s17 =	sshll.u32 s0, $0xA;
	s2 =	sadd.s32 s3, s2  }
0x8d: {  	s2 =	sadd.s32 s2, s17  }
0x8e: {  	[smem:$0x3FBB] =	sst s2  }
0x8f: {  	_ = 	snop  }
0x90: {  	s2 =	sld [smem:$0x3FD0];
	(tm) =	ssettm $0x1  }
0x91: {  	s18 =	sld [smem:$0x3FFB];
	_ =	sdelay $0x3  }
0x92: {  	_ =	strace s18  }
0x93: {  	s3 =	sld [smem:$0x3FFC];
	_ =	sdelay $0x3  }
0x94: {  	_ =	strace s3  }
0x95: {  	s3 =	sld [smem:$0x3FFD];
	_ =	sdelay $0x3  }
0x96: {  	_ =	strace s3  }
0x97: {  	_ =	strace $0x8FFFFFFF  }
0x98: {  	s19 =	sld [smem:$0x3FDB];
	_ =	sdelay $0x1  }
0x99: {  	s4 =	simm.s32 $_scs_section_size  }
0x9a: {  	s5 =	simm.s32 $_size__tile_overlayer_lowered;
	s6 =	simm.s32 $_tile_overlayer_lowered  }
0x9b: {  	s22 =	simm.s32 $0x1BFF;
	s21 =	sshll.u32 s6, $0x1;
	s3 =	sadd.s32 s4, s19  }
0x9c: {  	s7 =	simm.s32 $0x0;
	s20 =	sshll.u32 s5, $0x1;
	s5 =	sadd.s32 s21, s3  }
0x9d: {  	[timem:s7], [sflag:s22] =	dma.local [hbm:s5], s20  }
0x9e: {  	_ =	swait.ge [sflag:s22], s20  }
0x9f: {  	s4 =	ssub.s32 $0x0, s20;
	[sflag:s22] =	ssyncset.done $0x0  }
0xa0: {  	[sflag:s22] =	ssyncadd.s32 s4;
	_ =	sdelay $0x1  }
0xa1: {  	s23 =	simm.s32 $0x1B8B  }
0xa2: {  	_ =	swait.ge [sflag:s23], $0x1  }
0xa3: {  	[sflag:s23] =	ssyncset.done $0x0  }
0xa4: {  	s25 =	simm.s32 $0x1B8E;
	s24 =	sld [smem:$0x3FFE];
	[sflag:s23] =	ssyncadd.s32 $0xFFFFFFFF  }
0xa5: {  	s26 =	simm.s32 $execute0_lowered;
	[smem:$0x3FD2] =	sst s25  }
0xa6: {  	s5 =	sshll.u32 s26, $0x1;
	_ =	strace $0x8000004C;
	[dreg:$0x1] =	wrdreg $0xFFFFFFFF  }
0xa7: {  	s28 =	simm.s32 $_size_execute0_lowered;
	s3 =	sadd.s32 s3, s5;
	[dreg:$0x0] =	wrdreg $0x0  }
0xa8: {  	s5 =	sshll.u32 s28, $0x1;
	[dreg:$0x2] =	wrdreg s3  }
0xa9: {  	[dreg:$0x3] =	wrdreg s5  }
0xaa: {  	[dreg:$0x4] =	wrdreg $0xC0  }
0xab: {  	_ =	task [dreg:s7], $0x5FFFF  }
0xac: {  	[dreg:$0x1] =	wrdreg $0xFFFFFFFF  }
0xad: {  	[dreg:$0x0] =	wrdreg $0x60  }
0xae: {  	[dreg:$0x2] =	wrdreg s2  }
0xaf: {  	[dreg:$0x3] =	wrdreg s24  }
0xb0: {  	[dreg:$0x4] =	wrdreg $0x88000  }
0xb1: {  	[dreg:$0x5] =	wrdreg $0x9  }
0xb2: {  	_ =	task.clear_ibuf [dreg:s7], $0x6FFFF;
	_ =	strace $0x9000004C  }
0xb3: {  	s29 =	simm.s32 $0x9;
	_ =	strace $0x8000004E  }
0xb4: {  	_ =	swait.ge [sflag:s29], $0x1  }
0xb5: {  	[sflag:s29] =	ssyncadd.s32 $0xFFFFFFFF  }
0xb6: {  	_ =	strace $0x9000004E  }
0xb7: {  	_ =	sfence  }
0xb8: {  	s30 =	sld [smem:$0x0];
	_ =	sdelay $0x2  }
0xb9: {  	s31 =	sshll.u32 s1, $0xD;
	s1 =	sshrl.u32 s1, $0x2  }
0xba: {  	s3 =	sand.u32 $0x4000, s31;
	s1 =	sadd.s32 s1, s30  }
0xbb: {  	s0 =	sor.u32 s3, s0;
	s1 =	sshll.u32 s1, $0x11  }
0xbc: {  	s0 =	sor.u32 s1, s0  }
0xbd: {  	s0 =	sadd.s32 $0x8F2B, s0  }
0xbe: {  	[sflag:s0] =	ssyncadd.remote.s32 $0x1  }
0xbf: {  	_ =	sfence.sel $0xFFFF  }
0xc0: {  	[dreg:$0x0] =	wrdreg $0xFFFFFFFF;
	(pc) =	sbr.abs _section_cstart, $3  }
0xc1: {  	[dreg:$0x1] =	wrdreg $0xFFFFFFFF  }
0xc2: {  	_ =	task.clear_ibuf [dreg:s7], $0x2FFFF;
	_ =	strace $0x9FFFFFFF  }
0xc3: {  	(tm) =	ssettm $0x7FFFFFFF  }
tec
execute0_lowered:
.L_overlay_start_1:
0x0: {  	(tag) =	ssettag $0x1  }
0x1: {  	s1 =	rddreg [dreg:$0x0]  }
0x2: {  	s0 =	rddreg [dreg:$0x1]  }
0x3: {  	s3 =	rddreg [dreg:$0x2];
	s2 =	simm.s32 $0x0;
	s6 =	srdreg.scid  }
0x4: {  	s15 =	stileid.u32;
	s30 =	simm.s32 $0x7;
	s31 =	simm.s32 $0x600  }
0x5: {  	s29 =	simm.s32 $0x300;
	[smem:$0x7FF] =	sst s2;
	s4 =	sadd.s32 $0x6200, s0  }
0x6: {  	s5 =	sadd.s32 $0x2E600, s0;
	s7 =	sand.u32 $0x1, s6;
	s9 =	smul.u32 $0x4F000, s15  }
0x7: {  	s6 =	sadd.s32 $0x38600, s0;
	s10 =	sadd.s32 $0x2E400, s0;
	s12 =	smul.u32 $0x13C00, s15  }
0x8: {  	s0 =	sadd.s32 $0x42600, s0;
	_ =	strace $0x8000004D;
	s8 =	ssub.s32 $0x2, s7  }
0x9: {  	[dreg:$0x4] =	wrdreg s10;
	s24 =	sshll.u32 s7, $0x4;
	s7 =	smul.u32 $0x13C000, s7  }
0xa: {  	s23 =	sshrl.u32 s8, $0x1;
	s10 =	sor.u32 s15, s24;
	s9 =	sshrl.u32 s9, $0x2  }
0xb: {  	s13 =	sadd.s32 $0x4000, s12;
	s26 =	sadd.s32 $0x8000, s12;
	s14 =	sadd.s32 $0xC000, s12  }
0xc: {  	s15 =	sshll.u32 s15, $0x7;
	s19 =	sadd.s32 $0x10000, s12;
	s8 =	ssub.s32 s8, s23  }
0xd: {  	s28 =	sadd.s32 s9, s3;
	s25 =	sadd.s32 s13, s3;
	s11 =	sadd.s32 s26, s3  }
0xe: {  	s16 =	sadd.s32 s14, s3;
	s15 =	sand.u32 $0x380, s15;
	s22 =	sadd.s32 s12, s7  }
0xf: {  	s23 =	sadd.s32 s7, s13;
	s9 =	sadd.s32 s7, s26;
	s24 =	sadd.s32 s7, s14  }
0x10: {  	s7 =	sadd.s32 s7, s19;
	s14 =	simm.s32 $0x500;
	[dreg:$0x6] =	wrdreg s25  }
0x11: {  	[dreg:$0x7] =	wrdreg s11;
	s11 =	smul.u32 $0x2800, s10;
	s10 =	sshrl.u32 s10, $0x3  }
0x12: {  	[dreg:$0x8] =	wrdreg s16;
	s12 =	sshrl.u32 s23, $0x3;
	s7 =	sshrl.u32 s7, $0x3  }
0x13: {  	[dreg:$0x5] =	wrdreg s28;
	s10 =	smul.u32 $0x50000, s10;
	s16 =	sadd.s32 s0, s12  }
0x14: {  	s17 =	sshrl.u32 s11, $0x3;
	[dreg:$0xe] =	wrdreg s16;
	s16 =	simm.s32 $0x100  }
0x15: {  	s10 =	sor.u32 s15, s10;
	s15 =	sadd.s32 s19, s3;
	s20 =	sadd.s32 s5, s17  }
0x16: {  	s25 =	sadd.s32 s6, s17;
	s3 =	sshrl.u32 s22, $0x3;
	s26 =	sor.u32 $0x10, s17  }
0x17: {  	s17 =	sshrl.u32 s9, $0x3;
	s19 =	sshrl.u32 s24, $0x3;
	[dreg:$0xa] =	wrdreg s20  }
0x18: {  	s24 =	smax.u32 s8, $0x1;
	s8 =	simm.s32 $0x6;
	[dreg:$0xc] =	wrdreg s25  }
0x19: {  	s9 =	simm.s32 $0x0;
	s21 =	sshrl.u32 s10, $0x3;
	[dreg:$0x14] =	wrdreg s24  }
0x1a: {  	s3 =	sadd.s32 s0, s3;
	s20 =	sadd.s32 s0, s19;
	[dreg:$0x9] =	wrdreg s15  }
0x1b: {  	s22 =	sadd.s32 s6, s26;
	s23 =	sor.u32 $0x3000, s10;
	[dreg:$0xd] =	wrdreg s3  }
0x1c: {  	s25 =	sor.u32 $0x2000, s10;
	s19 =	simm.s32 $0x380;
	[dreg:$0x10] =	wrdreg s20  }
0x1d: {  	s24 =	simm.s32 $0x1;
	s18 =	sadd.s32 s4, s21;
	[dreg:$0x13] =	wrdreg s22  }
0x1e: {  	s3 =	sadd.s32 s0, s17;
	s0 =	sadd.s32 s0, s7;
	[dreg:$0x15] =	wrdreg s25  }
0x1f: {  	s21 =	sadd.s32 s5, s26;
	s7 =	simm.s32 $0x400;
	[dreg:$0xf] =	wrdreg s3  }
0x20: {  	s17 =	simm.s32 $0x80;
	s20 =	simm.s32 $0x480;
	[dreg:$0x11] =	wrdreg s0  }
.Ltmp0:
0x21: {  	s22 =	simm.s32 $0x4;
	[dreg:$0x12] =	wrdreg s21;
	(pc) =	sbr.rel .LBB2_1-.Ltmp0, $4  }
0x22: {  	s25 =	simm.s32 $0x5;
	s0 =	sshrl.u32 s23, $0x3;
	[dreg:$0xb] =	wrdreg s18  }
0x23: {  	s26 =	sadd.s32 $0x200, s18;
	s18 =	simm.s32 $0x280;
	s21 =	simm.s32 $0x580  }
0x24: {  	s23 =	simm.s32 $0x4600;
	s0 =	sadd.s32 s0, s4;
	[dreg:$0x17] =	wrdreg s26  }
0x25: {  	v0 =	vimm.f32 $0.0e+00;
	s26 =	simm.s32 $0x2;
	[dreg:$0x16] =	wrdreg s0;
	s0 =	simm.s32 $0x3  }
.LBB2_6:
0x26: {  	_ =	swait.ge [sflag:s26], $0x4000  }
0x27: {  	[sflag:s26] =	ssyncset.done $0x0  }
0x28: {  	[sflag:s26] =	ssyncadd.s32 $0xFFFFC000  }
0x29: {  	_ =	swait.ge [sflag:s8], $0x80  }
0x2a: {  	[sflag:s8] =	ssyncset.done $0x0  }
0x2b: {  	[sflag:s8] =	ssyncadd.s32 $0xFFFFFF80  }
0x2c: {  	s3 =	stileid.u32;
	[bflag:$0x0] =	sbarrier.arrive $0xFFFF  }
0x2d: {  	s3 =	sshll.u32 s3, $0x6;
	s28 =	rddreg [dreg:$0x5]  }
0x2e: {  	s3 =	sor.u32 $0x1C07, s3;
	s10 =	rddreg [dreg:$0xd];
	s9 =	sshrl.u32 s28, $0x3  }
0x2f: {  	[hbm:s10], [sflag:s3] =	dma.local [spmem:s9], $0x800  }
0x30: {  	_ =	swait.ge [sflag:s30], $0x800  }
0x31: {  	[sflag:s30] =	ssyncset.done $0x0;
	s13 =	rddreg [dreg:$0x6]  }
0x32: {  	s15 =	rddreg [dreg:$0xe];
	[sflag:s30] =	ssyncadd.s32 $0xFFFFF800;
	s9 =	sshrl.u32 s13, $0x3  }
0x33: {  	[hbm:s15], [sflag:s3] =	dma.local [spmem:s9], $0x800  }
0x34: {  	_ =	swait.ge [sflag:s30], $0x800  }
0x35: {  	[sflag:s30] =	ssyncset.done $0x0;
	s10 =	rddreg [dreg:$0x7]  }
0x36: {  	s12 =	rddreg [dreg:$0xf];
	[sflag:s30] =	ssyncadd.s32 $0xFFFFF800;
	s9 =	sshrl.u32 s10, $0x3  }
0x37: {  	[hbm:s12], [sflag:s3] =	dma.local [spmem:s9], $0x800  }
0x38: {  	_ =	swait.ge [sflag:s30], $0x800  }
0x39: {  	[sflag:s30] =	ssyncset.done $0x0;
	s13 =	rddreg [dreg:$0x8]  }
0x3a: {  	s15 =	rddreg [dreg:$0x10];
	[sflag:s30] =	ssyncadd.s32 $0xFFFFF800;
	s9 =	sshrl.u32 s13, $0x3  }
0x3b: {  	[hbm:s15], [sflag:s3] =	dma.local [spmem:s9], $0x800  }
0x3c: {  	_ =	swait.ge [sflag:s30], $0x800  }
0x3d: {  	[sflag:s30] =	ssyncset.done $0x0;
	s15 =	rddreg [dreg:$0x9]  }
0x3e: {  	s13 =	rddreg [dreg:$0x11];
	[sflag:s30] =	ssyncadd.s32 $0xFFFFF800;
	s12 =	sshrl.u32 s15, $0x3  }
0x3f: {  	[hbm:s13], [sflag:s3] =	dma.local [spmem:s12], $0x780  }
0x40: {  	_ =	swait.ge [sflag:s30], $0x780  }
0x41: {  	s12 =	rddreg [dreg:$0x18]  }
0x42: {  	s13 =	rddreg [dreg:$0x14];
	s9 =	sadd.s32 $0x1, s12  }
0x43: {  	p0 =	sne.s32 s9, s13  }
.Ltmp1:
0x44: {  	_ = 	snop;
	(pc) =	sbr.rel @!p0 .LBB2_7-.Ltmp1, $3  }
0x45: {  	_ =	sdelay $0x1  }
0x46: {  	[sflag:s30] =	ssyncset.done $0x0  }
0x47: {  	[sflag:s30] =	ssyncadd.s32 $0xFFFFF880  }
.LBB2_1:
0x48: {  	[dreg:$0x18] =	wrdreg s9  }
0x49: {  	s3 =	rddreg [dreg:$0x4];
	s13 =	simm.s32 $0x8600  }
0x4a: {  	[tilespmem:s13], [sflag:$0x7] =	stream.linear.gather [hbm4b:s3+s2], $0x200, $0x38;
	[tilespmem:$0x1C400] =	vst v63  }
0x4b: {  	_ =	swait.ge [sflag:s30], $0x200  }
0x4c: {  	[sflag:s30] =	ssyncset.done $0x0  }
0x4d: {  	s10 =	simm.s32 $0x0;
	s12 =	simm.s32 $0x200;
	[sflag:s30] =	ssyncadd.s32 $0xFFFFFE00  }
.LBB2_2:
0x4e: {  	p0 =	sne.s32 s12, $0xFE00;
	[tilespmem:s10+$0x670] =	vst v0  }
0x4f: {  	[tilespmem:s10+$0x600] =	vst v0  }
0x50: {  	[tilespmem:s10+$0x610] =	vst v0  }
.Ltmp2:
0x51: {  	[tilespmem:s10+$0x620] =	vst v0;
	(pc) =	sbr.rel @p0 .LBB2_2-.Ltmp2, $4  }
0x52: {  	[tilespmem:s10+$0x630] =	vst v0  }
0x53: {  	[tilespmem:s10+$0x640] =	vst v0  }
0x54: {  	[tilespmem:s10+$0x650] =	vst v0  }
0x55: {  	[tilespmem:s10+$0x660] =	vst v0;
	s10 =	sshra.s32 s12, $0x2;
	s12 =	sadd.s32 $0x200, s12  }
0x56: {  	[tilespmem:s10+$0x670] =	vst v0  }
0x57: {  	[tilespmem:s10+$0x600] =	vst v0  }
0x58: {  	[tilespmem:s10+$0x610] =	vst v0  }
0x59: {  	[tilespmem:s10+$0x620] =	vst v0  }
0x5a: {  	[tilespmem:s10+$0x630] =	vst v0  }
0x5b: {  	[tilespmem:s10+$0x640] =	vst v0  }
0x5c: {  	[tilespmem:s10+$0x650] =	vst v0  }
0x5d: {  	[tilespmem:s10+$0x660] =	vst v0  }
0x5e: {  	[spmem:s28] =	stream.linear.scatter [tilespmem:s31], [sflag:$0x7], $0x4000, $0x38;
	[tilespmem:$0x1C400] =	vst v63  }
0x5f: {  	_ =	swait.ge [sflag:s30], $0x4000  }
0x60: {  	[sflag:s30] =	ssyncset.done $0x0  }
0x61: {  	s3 =	rddreg [dreg:$0x6];
	[sflag:s30] =	ssyncadd.s32 $0xFFFFC000  }
0x62: {  	[spmem:s3] =	stream.linear.scatter [tilespmem:s31], [sflag:$0x7], $0x4000, $0x38;
	[tilespmem:$0x1C400] =	vst v63  }
0x63: {  	_ =	swait.ge [sflag:s30], $0x4000  }
0x64: {  	[sflag:s30] =	ssyncset.done $0x0  }
0x65: {  	s10 =	rddreg [dreg:$0x7];
	[sflag:s30] =	ssyncadd.s32 $0xFFFFC000  }
0x66: {  	[spmem:s10] =	stream.linear.scatter [tilespmem:s31], [sflag:$0x7], $0x4000, $0x38;
	[tilespmem:$0x1C400] =	vst v63  }
0x67: {  	_ =	swait.ge [sflag:s30], $0x4000  }
0x68: {  	[sflag:s30] =	ssyncset.done $0x0  }
0x69: {  	s12 =	rddreg [dreg:$0x8];
	[sflag:s30] =	ssyncadd.s32 $0xFFFFC000  }
0x6a: {  	[spmem:s12] =	stream.linear.scatter [tilespmem:s31], [sflag:$0x7], $0x4000, $0x38;
	[tilespmem:$0x1C400] =	vst v63  }
0x6b: {  	_ =	swait.ge [sflag:s30], $0x4000  }
0x6c: {  	[sflag:s30] =	ssyncset.done $0x0  }
0x6d: {  	[sflag:s30] =	ssyncadd.s32 $0xFFFFC000  }
0x6e: {  	[spmem:s15] =	stream.linear.scatter [tilespmem:s31], [sflag:$0x7], $0x3C00, $0x38;
	[tilespmem:$0x1C400] =	vst v63  }
0x6f: {  	_ =	swait.ge [sflag:s30], $0x3C00  }
0x70: {  	[sflag:s30] =	ssyncset.done $0x0  }
0x71: {  	[sflag:s30] =	ssyncadd.s32 $0xFFFFC400  }
0x72: {  	[bflag:$0x0] =	sbarrier.arrive $0xFFFF  }
0x73: {  	s10 =	simm.s32 $0x0;
	s13 =	rddreg [dreg:$0xa]  }
0x74: {  	[tilespmem:s10], [sflag:$0x3] =	stream.linear.gather [hbm4b:s13+s10], $0x80, $0x38;
	[tilespmem:$0x1C400] =	vst v63  }
0x75: {  	_ =	swait.ge [sflag:s0], $0x80  }
0x76: {  	[sflag:s0] =	ssyncset.done $0x0  }
0x77: {  	s9 =	simm.s32 $0x200;
	s15 =	rddreg [dreg:$0xb];
	[sflag:s0] =	ssyncadd.s32 $0xFFFFFF80  }
0x78: {  	[tilespmem:s9], [sflag:$0x3] =	stream.linear.gather [hbm4b:s15+s10], $0x80, $0x38;
	[tilespmem:$0x1C400] =	vst v63  }
0x79: {  	s12 =	sadd.s32 $0x80, s15  }
0x7a: {  	[tilespmem:s29], [sflag:$0x3] =	stream.linear.gather [hbm4b:s12+s10], $0x80, $0x38;
	[tilespmem:$0x1C400] =	vst v63  }
0x7b: {  	s28 =	sadd.s32 $0x100, s15  }
0x7c: {  	[tilespmem:s7], [sflag:$0x3] =	stream.linear.gather [hbm4b:s28+s10], $0x80, $0x38;
	[tilespmem:$0x1C400] =	vst v63  }
0x7d: {  	s9 =	sadd.s32 $0x180, s15  }
0x7e: {  	[tilespmem:s14], [sflag:$0x3] =	stream.linear.gather [hbm4b:s9+s10], $0x80, $0x38;
	[tilespmem:$0x1C400] =	vst v63  }
0x7f: {  	_ =	swait.ge [sflag:s0], $0x200  }
0x80: {  	[sflag:s0] =	ssyncset.done $0x0  }
0x81: {  	s12 =	rddreg [dreg:$0xc];
	[sflag:s0] =	ssyncadd.s32 $0xFFFFFE00  }
0x82: {  	[tilespmem:s16], [sflag:$0x5] =	stream.linear.gather [hbm4b:s12+s10], $0x80, $0x38;
	[tilespmem:$0x1C400] =	vst v63  }
0x83: {  	s13 =	rddreg [dreg:$0x12]  }
0x84: {  	[tilespmem:s17], [sflag:$0x4] =	stream.linear.gather [hbm4b:s13+s10], $0x80, $0x38;
	[tilespmem:$0x1C400] =	vst v63  }
0x85: {  	s15 =	rddreg [dreg:$0x17]  }
0x86: {  	[tilespmem:s18], [sflag:$0x4] =	stream.linear.gather [hbm4b:s15+s10], $0x80, $0x38;
	[tilespmem:$0x1C400] =	vst v63  }
0x87: {  	s28 =	sadd.s32 $0x80, s15  }
0x88: {  	[tilespmem:s19], [sflag:$0x4] =	stream.linear.gather [hbm4b:s28+s10], $0x80, $0x38;
	[tilespmem:$0x1C400] =	vst v63  }
0x89: {  	s9 =	sadd.s32 $0x100, s15  }
0x8a: {  	[tilespmem:s20], [sflag:$0x4] =	stream.linear.gather [hbm4b:s9+s10], $0x80, $0x38;
	[tilespmem:$0x1C400] =	vst v63  }
0x8b: {  	s12 =	rddreg [dreg:$0x16];
	s13 =	sadd.s32 $0x180, s15  }
0x8c: {  	[tilespmem:s21], [sflag:$0x4] =	stream.linear.gather [hbm4b:s13+s10], $0x80, $0x38;
	[tilespmem:$0x1C400] =	vst v63  }
0x8d: {  	s15 =	rddreg [dreg:$0x13];
	s28 =	simm.s32 $0x180  }
0x8e: {  	[tilespmem:s28], [sflag:$0x6] =	stream.linear.gather [hbm4b:s15+s10], $0x80, $0x38;
	[tilespmem:$0x1C400] =	vst v63  }
0x8f: {  	s13 =	rddreg [dreg:$0x15]  }
0x90: {  	[tilespmem:s31], [sflag:$0x1] =	stream.linear.gather [hbm4b:s1+s10], $0x4000, $0x38;
	[tilespmem:$0x1C400] =	vst v63  }
.LBB2_4:
0x91: {  	p0 =	seq.s32 s10, $0x0  }
0x92: {  	s15 =	sand.u32 @!p0 $0x3C00, s10  }
0x93: {  	s28 =	sand.u32 @!p0 $0x300, s10;
	s15 =	sadd.s32 @!p0 s11, s15  }
0x94: {  	s15 =	sor.u32 @!p0 s15, s28  }
0x95: {  	s15 =	sor.u32 @!p0 $0x80, s15  }
0x96: {  	s15 =	sshrl.u32 @!p0 s15, $0x3  }
0x97: {  	s9 =	simm.s32 @!p0 $0x180;
	s28 =	simm.s32 @!p0 $0x0;
	s15 =	sadd.s32 @!p0 s6, s15  }
0x98: {  	[tilespmem:s9], [sflag:$0x6] =	stream.linear.gather @!p0 [hbm4b:s15+s28], $0x80, $0x38;
	[tilespmem:$0x1C400] =	vst v63  }
0x99: {  	_ =	swait.ge [sflag:s22], $0x80  }
0x9a: {  	[sflag:s22] =	ssyncset.done $0x0  }
0x9b: {  	[sflag:s22] =	ssyncadd.s32 $0xFFFFFF80  }
0x9c: {  	_ =	swait.ge [sflag:s22], $0x200  }
0x9d: {  	[sflag:s22] =	ssyncset.done $0x0  }
0x9e: {  	[sflag:s22] =	ssyncadd.s32 $0xFFFFFE00  }
0x9f: {  	[tilespmem:s23], [sflag:$0x2] =	stream.linear.gather [hbm4b:s1+s2], $0x4000, $0x38;
	[tilespmem:$0x1C400] =	vst v63  }
0xa0: {  	p0 =	seq.s32 s10, $0x2700;
	_ =	swait.ge [sflag:s24], $0x4000  }
.Ltmp3:
0xa1: {  	[sflag:s24] =	ssyncset.done $0x0;
	(pc) =	sbr.rel @p0 .LBB2_6-.Ltmp3, $4  }
0xa2: {  	[sflag:s24] =	ssyncadd.s32 $0xFFFFC000  }
0xa3: {  	_ =	swait.ge [sflag:s25], $0x80  }
0xa4: {  	[sflag:s25] =	ssyncset.done $0x0  }
0xa5: {  	[sflag:s25] =	ssyncadd.s32 $0xFFFFFF80  }
0xa6: {  	s9 =	sadd.s32 $0x100, s10  }
0xa7: {  	s15 =	sand.u32 $0x7C00, s9  }
0xa8: {  	s28 =	sand.u32 $0x300, s9;
	s15 =	sadd.s32 s11, s15  }
0xa9: {  	s15 =	sor.u32 s28, s15  }
0xaa: {  	s15 =	sshrl.u32 s15, $0x3  }
0xab: {  	s3 =	sadd.s32 s5, s15  }
0xac: {  	[tilespmem:s2], [sflag:$0x3] =	stream.linear.gather [hbm4b:s3+s2], $0x80, $0x38;
	[tilespmem:$0x1C400] =	vst v63  }
0xad: {  	s3 =	sshrl.u32 s13, $0x3  }
0xae: {  	s28 =	sadd.s32 s4, s3;
	s3 =	simm.s32 $0x200  }
0xaf: {  	[tilespmem:s3], [sflag:$0x3] =	stream.linear.gather [hbm4b:s28+s2], $0x80, $0x38;
	[tilespmem:$0x1C400] =	vst v63  }
0xb0: {  	s3 =	sadd.s32 $0x80, s28  }
0xb1: {  	[tilespmem:s29], [sflag:$0x3] =	stream.linear.gather [hbm4b:s3+s2], $0x80, $0x38;
	[tilespmem:$0x1C400] =	vst v63  }
0xb2: {  	s3 =	sadd.s32 $0x100, s28  }
0xb3: {  	[tilespmem:s7], [sflag:$0x3] =	stream.linear.gather [hbm4b:s3+s2], $0x80, $0x38;
	[tilespmem:$0x1C400] =	vst v63  }
0xb4: {  	s28 =	sadd.s32 $0x180, s28  }
0xb5: {  	[tilespmem:s14], [sflag:$0x3] =	stream.linear.gather [hbm4b:s28+s2], $0x80, $0x38;
	[tilespmem:$0x1C400] =	vst v63  }
0xb6: {  	s15 =	sadd.s32 s6, s15  }
0xb7: {  	[tilespmem:s16], [sflag:$0x5] =	stream.linear.gather [hbm4b:s15+s2], $0x80, $0x38;
	[tilespmem:$0x1C400] =	vst v63  }
0xb8: {  	_ =	swait.ge [sflag:s0], $0x80  }
0xb9: {  	[sflag:s0] =	ssyncset.done $0x0  }
0xba: {  	[sflag:s0] =	ssyncadd.s32 $0xFFFFFF80  }
0xbb: {  	_ =	swait.ge [sflag:s0], $0x200  }
0xbc: {  	[sflag:s0] =	ssyncset.done $0x0  }
0xbd: {  	[sflag:s0] =	ssyncadd.s32 $0xFFFFFE00  }
0xbe: {  	[tilespmem:s31], [sflag:$0x1] =	stream.linear.gather [hbm4b:s1+s2], $0x4000, $0x38;
	[tilespmem:$0x1C400] =	vst v63  }
0xbf: {  	s28 =	sadd.s32 $0x180, s10;
	_ =	swait.ge [sflag:s26], $0x4000  }
0xc0: {  	s10 =	sand.u32 $0x7C00, s28;
	[sflag:s26] =	ssyncset.done $0x0  }
0xc1: {  	s3 =	sand.u32 $0x380, s28;
	s10 =	sadd.s32 s11, s10;
	[sflag:s26] =	ssyncadd.s32 $0xFFFFC000  }
0xc2: {  	s3 =	sor.u32 s3, s10;
	_ =	swait.ge [sflag:s8], $0x80  }
0xc3: {  	s3 =	sshrl.u32 s3, $0x3;
	[sflag:s8] =	ssyncset.done $0x0  }
0xc4: {  	s3 =	sadd.s32 s5, s3;
	[sflag:s8] =	ssyncadd.s32 $0xFFFFFF80  }
0xc5: {  	[tilespmem:s17], [sflag:$0x4] =	stream.linear.gather [hbm4b:s3+s2], $0x80, $0x38;
	[tilespmem:$0x1C400] =	vst v63  }
0xc6: {  	_ = 	snop  }
0xc7: {  	[tilespmem:s18], [sflag:$0x4] =	stream.linear.gather [hbm4b:s12+s2], $0x80, $0x38;
	[tilespmem:$0x1C400] =	vst v63  }
0xc8: {  	s10 =	sadd.s32 $0x80, s12  }
0xc9: {  	[tilespmem:s19], [sflag:$0x4] =	stream.linear.gather [hbm4b:s10+s2], $0x80, $0x38;
	[tilespmem:$0x1C400] =	vst v63  }
.Ltmp4:
0xca: {  	_ = 	snop;
	(pc) =	sbr.rel .LBB2_4-.Ltmp4, $4  }
0xcb: {  	s13 =	sadd.s32 $0x2000, s13;
	s15 =	sadd.s32 $0x100, s12  }
0xcc: {  	[tilespmem:s20], [sflag:$0x4] =	stream.linear.gather [hbm4b:s15+s2], $0x80, $0x38;
	[tilespmem:$0x1C400] =	vst v63  }
0xcd: {  	s28 =	sadd.s32 $0x180, s12;
	s12 =	sadd.s32 $0x400, s12;
	s10 =	smov.u32 s9  }
0xce: {  	[tilespmem:s21], [sflag:$0x4] =	stream.linear.gather [hbm4b:s28+s2], $0x80, $0x38;
	[tilespmem:$0x1C400] =	vst v63  }
.LBB2_7:
0xcf: {  	_ =	sfence.sel $0x180000  }
0xd0: {  	[bflag:$0x0] =	sbarrier.arrive $0xFFFF  }
0xd1: {  	_ =	strace $0x9000004D  }
0xd2: {  	s0 =	stileid.u32;
	[bflag:$0x2] =	sbarrier.arrive $0xFFFF  }
0xd3: {  	p0 =	sne.s32 s0, $0x0;
	s0 =	rddreg [dreg:$0x3]  }
0xd4: {  	s0 =	sadd.s32 @!p0 $0x100000, s0  }
0xd5: {  	[sflag:s0] =	ssyncadd.tile.s32 @!p0 $0x1;
	_ =	shalt  }
.Lfunc_end2:
_tile_overlayer_lowered:
.L_overlay_start_2:
0xd6: {  	(tag) =	ssettag $0x2  }
0xd7: {  	s0 =	rddreg [dreg:$0x0];
	s2 =	stileid.u32  }
0xd8: {  	s1 =	rddreg [dreg:$0x1];
	p0 =	sne.s32 s2, $0x0  }
0xd9: {  	s3 =	rddreg [dreg:$0x2];
	[bflag:$0x3] =	sbarrier.arrive $0xFFFF;
	s2 =	simm.s32 @!p0 $0x1C07  }
0xda: {  	[timem:s3], [sflag:s2] =	dma.local @!p0 [hbm:s0], s1  }
0xdb: {  	s0 =	simm.s32 @!p0 $0x7  }
0xdc: {  	_ =	swait.ge @!p0 [sflag:s0], s1  }
0xdd: {  	s1 =	ssub.s32 @!p0 $0x0, s1;
	[sflag:s0] =	ssyncset.done @!p0 $0x0  }
0xde: {  	[sflag:s0] =	ssyncadd.s32 @!p0 s1  }
0xdf: {  	[bflag:$0x3] =	sbarrier.arrive $0xFFFF  }
0xe0: {  	_ =	shalt  }

</sc_bundles>
